<compile_context>
chip_gen: v7x
topology: tpu7x:2x2x1
jax: 0.10.2.dev20260603
libtpu: 0.0.44.dev20260713+nightly
codegen_flags: <defaults>
</compile_context>

<pallas_src>
import jax
import jax.numpy as jnp
from jax import lax
from jax.experimental import pallas as pl
from jax.experimental.pallas import tpu as pltpu
from jax.experimental.pallas import tpu_sc as plsc

_SCALES = (1.0, 2.0, 4.0)
_PADS = (3, 6, 12)
_INV2S2 = tuple(1.0 / (2.0 * s * s) for s in _SCALES)
_NUM_KP = 15
_B = 8
_H = 384
_W = 384
_ZROWS = 24
_NC = 2
_NS = 16
_PLANES = _B * _NUM_KP
_PPC = _PLANES // _NC
_PROWS = 32


def _sc_body(kp_hbm, w_hbm, out_hbm, kp_v, w_v, zero_v, patch_v, sem):
    core = lax.axis_index("c")
    sub = lax.axis_index("s")
    lane = lax.broadcasted_iota(jnp.int32, (16,), 0)
    zvec = jnp.zeros((16,), jnp.float32)

    def zrow(r, c):
        for h in range(_W // 16):
            zero_v[r, pl.ds(h * 16, 16)] = zvec
        return c

    lax.fori_loop(0, _ZROWS, zrow, 0)

    def fire0(seg, c):
        p0 = core * _PPC + sub
        b0, k0 = p0 // _NUM_KP, p0 % _NUM_KP
        dst = out_hbm.at[b0, k0, pl.ds(seg * _ZROWS, _ZROWS), :]
        pltpu.async_copy(zero_v, dst, sem)
        return c

    lax.fori_loop(0, _H // _ZROWS, fire0, 0)

    pltpu.sync_copy(kp_hbm, kp_v.at[pl.ds(0, 240)])
    pltpu.sync_copy(w_hbm, w_v.at[pl.ds(0, 8)])

    wvf = w_v[...]
    wpos = [jnp.maximum(wvf[s], 0.0) for s in range(3)]

    def _zero_cols(xa):
        def body(r, c):
            for h in range(3):
                patch_v[r, pl.ds(xa + 16 * h, 16)] = zvec
            return c

        lax.fori_loop(0, _PROWS, body, 0)

    for j in range(4):
        idx = sub + _NS * j

        @pl.when(idx < _PPC)
        def _():
            p = core * _PPC + idx
            b, k = p // _NUM_KP, p % _NUM_KP

            if j > 0:
                def fire(seg, c):
                    dst = out_hbm.at[b, k, pl.ds(seg * _ZROWS, _ZROWS), :]
                    pltpu.async_copy(zero_v, dst, sem)
                    return c

                lax.fori_loop(0, _H // _ZROWS, fire, 0)

            if j == 0:
                def pzero(r, c):
                    for h in range(_W // 16):
                        patch_v[r, pl.ds(h * 16, 16)] = zvec
                    return c

                lax.fori_loop(0, _PROWS, pzero, 0)

            va = kp_v[pl.ds(2 * p, 16)]
            x = va[0]
            y = va[1]
            xs = jnp.clip(x - 12, 0, _W - 25)
            ys = jnp.clip(y - 12, 0, _H - 25)
            xa = (xs // 16) * 16
            ya = (ys // 8) * 8

            a = []
            for s in range(3):
                pad = _PADS[s]
                ok = ((x >= pad) & (x < _W - pad)
                      & (y >= pad) & (y < _H - pad))
                a.append(wpos[s] * ok.astype(jnp.float32))

            fx = []
            cy = []
            for s in range(3):
                pad = _PADS[s]
                inv = _INV2S2[s]
                fxs = []
                for h in range(3):
                    dxv = xa + 16 * h + lane - x
                    dx2 = (dxv * dxv).astype(jnp.float32)
                    fxs.append(jnp.where(jnp.abs(dxv) <= pad,
                                         jnp.exp(-dx2 * inv), 0.0))
                fx.append(fxs)
                cys = []
                for h in range(2):
                    dyv = ya + 16 * h + lane - y
                    dy2 = (dyv * dyv).astype(jnp.float32)
                    cys.append(jnp.where(jnp.abs(dyv) <= pad,
                                         jnp.exp(-dy2 * inv), 0.0) * a[s])
                cy.append(cys)

            def row_body(r, carry):
                ln = jnp.full((16,), r % 16, jnp.int32)
                lo = r < 16
                cv = [jnp.where(lo, cy[s][0], cy[s][1])
                      .at[ln].get(mode="promise_in_bounds")
                      for s in range(3)]
                for h in range(3):
                    v = jnp.maximum(
                        jnp.maximum(cv[0] * fx[0][h], cv[1] * fx[1][h]),
                        cv[2] * fx[2][h])
                    patch_v[r, pl.ds(xa + 16 * h, 16)] = v
                return carry

            lax.fori_loop(0, _PROWS, row_body, 0)

            def drain(seg, c):
                dst = out_hbm.at[b, k, pl.ds(seg * _ZROWS, _ZROWS), :]
                pltpu.make_async_copy(zero_v, dst, sem).wait()
                return c

            lax.fori_loop(0, _H // _ZROWS, drain, 0)

            pltpu.sync_copy(patch_v, out_hbm.at[b, k, pl.ds(ya, _PROWS), :])
            if j < 3:
                _zero_cols(xa)


def kernel(image_tensor, keypoints, scale_weights):
    B, _, H, W = image_tensor.shape
    kp_flat = keypoints.astype(jnp.int32).reshape(-1)
    w8 = jnp.pad(scale_weights.astype(jnp.float32), (0, 5))
    mesh = plsc.VectorSubcoreMesh(
        core_axis_name="c", subcore_axis_name="s",
        num_cores=_NC, num_subcores=_NS)
    f = pl.kernel(
        _sc_body,
        out_type=jax.ShapeDtypeStruct((B, _NUM_KP, H, W), jnp.float32),
        mesh=mesh,
        scratch_types=[
            pltpu.VMEM((256,), jnp.int32),
            pltpu.VMEM((16,), jnp.float32),
            pltpu.VMEM((_ZROWS, _W), jnp.float32),
            pltpu.VMEM((_PROWS, _W), jnp.float32),
            pltpu.SemaphoreType.DMA,
        ],
        compiler_params=pltpu.CompilerParams(use_tc_tiling_on_sc=True),
    )
    return f(kp_flat, w8)

# --- scband reference (transcript-rebuilt; emitter-appended) ---
"""Pipeline reference for scband-multi-scale-heatmap-generator-57458072486269 (READ-ONLY COPY).

The authoritative reference and input builder live on the scoring server;
editing this copy changes nothing except your own understanding.
"""

import jax, jax.numpy as jnp
import numpy as np

SCALES = [1.0, 2.0, 4.0]
NUM_KP = 15


def _gauss(size, sigma):
    ax = np.linspace(-(size // 2), size // 2, size)
    xx, yy = np.meshgrid(ax, ax, indexing='xy')
    k = np.exp(-(xx ** 2 + yy ** 2) / (2.0 * sigma ** 2))
    return jnp.asarray(k / k.max(), dtype=jnp.float32)


def _kernels():
    ks = []
    for s in SCALES:
        size = int(6 * s) + 1
        size = size + 1 if size % 2 == 0 else size
        ks.append(_gauss(size, s))
    return ks


def setup_inputs(seed: int = 0) -> dict:
    key = jax.random.key(seed)
    k1, k2 = jax.random.split(key)
    image_tensor = jax.random.normal(k1, (8, 3, 384, 384), dtype=jnp.float32)
    keypoints = jax.random.randint(k2, (8, NUM_KP, 2), 0, 384)
    scale_weights = jnp.ones((len(SCALES),), dtype=jnp.float32)
    return {"image_tensor": image_tensor, "keypoints": keypoints, "scale_weights": scale_weights}


def reference(image_tensor, keypoints, scale_weights):
    B, C, H, W = image_tensor.shape
    K = NUM_KP
    heat = jnp.zeros((B, K, H, W), dtype=jnp.float32)
    x = keypoints[:, :, 0]
    y = keypoints[:, :, 1]
    bI = jnp.arange(B)[:, None, None, None]
    kI = jnp.arange(K)[None, :, None, None]
    for i, kern in enumerate(_kernels()):
        size = kern.shape[0]
        pad = size // 2
        valid = (x - pad >= 0) & (y - pad >= 0) & (x + pad < W) & (y + pad < H)
        d = jnp.arange(size) - pad
        rows = jnp.clip(y[:, :, None] + d, 0, H - 1)
        cols = jnp.clip(x[:, :, None] + d, 0, W - 1)
        vals = (kern[None, None, :, :] * scale_weights[i]) * valid[:, :, None, None].astype(jnp.float32)
        heat = heat.at[bI, kI, rows[:, :, :, None], cols[:, :, None, :]].max(vals)
    return heat

if __name__ == "__main__":
    import jax
    _d = setup_inputs()
    print(jax.jit(kernel)(*tuple(_d.values())))

</pallas_src>

<mosaic_0001>
#map = affine_map<(d0, d1) -> (0)>
#map1 = affine_map<(d0, d1) -> (0, 0, 0, 0)>
module attributes {stable_mosaic.version = 14 : i64} {
  func.func @_sc_body(%arg0: i32, %arg1: i32, %arg2: memref<240xi32, #tpu.memory_space<hbm>>, %arg3: memref<8xf32, #tpu.memory_space<hbm>>, %arg4: memref<8x15x384x384xf32, #tpu.memory_space<hbm>>, %arg5: memref<256xi32, #tpu.memory_space<vmem>>, %arg6: memref<16xf32, #tpu.memory_space<vmem>>, %arg7: memref<24x384xf32, #tpu.memory_space<vmem>>, %arg8: memref<32x384xf32, #tpu.memory_space<vmem>>, %arg9: memref<!tpu.dma_semaphore, #tpu.memory_space<semaphore_mem>>) attributes {dimension_semantics = [#tpu.dimension_semantics<core_parallel>, #tpu.dimension_semantics<subcore_parallel>], iteration_bounds = array<i64: 2, 16>, scalar_prefetch = 0 : i64, scratch_operands = 5 : i64, tpu.core_type = #tpu.core_type<sc_vector_subcore>, window_params = [{transform_indices = #map}, {transform_indices = #map}, {transform_indices = #map1}]} {
    %iota3A = tpu.iota {dimensions = array<i32: 0>} : vector<16xi32>
    %broadcast_in_dim3A = arith.constant 0.000000e+00 : f32
    %broadcast_in_dim3A_0 = vector.broadcast %broadcast_in_dim3A : f32 to vector<16xf32>
    %scan3A = arith.constant 0 : i32
    %scan3A_1 = arith.constant 0 : i32
    %scan3A_2 = arith.constant 24 : i32
    %scan3A_3 = arith.addi %scan3A_1, %scan3A_2 : i32
    %scan3A_4 = arith.constant 1 : i32
    scf.for %scan3A_47 = %scan3A_1 to %scan3A_3 step %scan3A_4  : i32 {
      %swap3A = arith.index_cast %scan3A_47 : i32 to index
      %swap3A_48 = arith.constant 0 : index
      %swap3A_49 = tpu.vector_load %arg7[%swap3A, %swap3A_48] {strides = array<i32>} : memref<24x384xf32, #tpu.memory_space<vmem>>, vector<1x16xf32>,
      %swap3A_50 = vector.shape_cast %swap3A_49 : vector<1x16xf32> to vector<16xf32>
      %swap3A_51 = vector.shape_cast %broadcast_in_dim3A_0 : vector<16xf32> to vector<1x16xf32>
      tpu.vector_store %arg7[%swap3A, %swap3A_48], %swap3A_51 {strides = array<i32>} : memref<24x384xf32, #tpu.memory_space<vmem>>, vector<1x16xf32>,
      %swap3A_52 = arith.index_cast %scan3A_47 : i32 to index
      %swap3A_53 = arith.constant 16 : index
      %swap3A_54 = tpu.vector_load %arg7[%swap3A_52, %swap3A_53] {strides = array<i32>} : memref<24x384xf32, #tpu.memory_space<vmem>>, vector<1x16xf32>,
      %swap3A_55 = vector.shape_cast %swap3A_54 : vector<1x16xf32> to vector<16xf32>
      %swap3A_56 = vector.shape_cast %broadcast_in_dim3A_0 : vector<16xf32> to vector<1x16xf32>
      tpu.vector_store %arg7[%swap3A_52, %swap3A_53], %swap3A_56 {strides = array<i32>} : memref<24x384xf32, #tpu.memory_space<vmem>>, vector<1x16xf32>,
      %swap3A_57 = arith.index_cast %scan3A_47 : i32 to index
      %swap3A_58 = arith.constant 32 : index
      %swap3A_59 = tpu.vector_load %arg7[%swap3A_57, %swap3A_58] {strides = array<i32>} : memref<24x384xf32, #tpu.memory_space<vmem>>, vector<1x16xf32>,
      %swap3A_60 = vector.shape_cast %swap3A_59 : vector<1x16xf32> to vector<16xf32>
      %swap3A_61 = vector.shape_cast %broadcast_in_dim3A_0 : vector<16xf32> to vector<1x16xf32>
      tpu.vector_store %arg7[%swap3A_57, %swap3A_58], %swap3A_61 {strides = array<i32>} : memref<24x384xf32, #tpu.memory_space<vmem>>, vector<1x16xf32>,
      %swap3A_62 = arith.index_cast %scan3A_47 : i32 to index
      %swap3A_63 = arith.constant 48 : index
      %swap3A_64 = tpu.vector_load %arg7[%swap3A_62, %swap3A_63] {strides = array<i32>} : memref<24x384xf32, #tpu.memory_space<vmem>>, vector<1x16xf32>,
      %swap3A_65 = vector.shape_cast %swap3A_64 : vector<1x16xf32> to vector<16xf32>
      %swap3A_66 = vector.shape_cast %broadcast_in_dim3A_0 : vector<16xf32> to vector<1x16xf32>
      tpu.vector_store %arg7[%swap3A_62, %swap3A_63], %swap3A_66 {strides = array<i32>} : memref<24x384xf32, #tpu.memory_space<vmem>>, vector<1x16xf32>,
      %swap3A_67 = arith.index_cast %scan3A_47 : i32 to index
      %swap3A_68 = arith.constant 64 : index
      %swap3A_69 = tpu.vector_load %arg7[%swap3A_67, %swap3A_68] {strides = array<i32>} : memref<24x384xf32, #tpu.memory_space<vmem>>, vector<1x16xf32>,
      %swap3A_70 = vector.shape_cast %swap3A_69 : vector<1x16xf32> to vector<16xf32>
      %swap3A_71 = vector.shape_cast %broadcast_in_dim3A_0 : vector<16xf32> to vector<1x16xf32>
      tpu.vector_store %arg7[%swap3A_67, %swap3A_68], %swap3A_71 {strides = array<i32>} : memref<24x384xf32, #tpu.memory_space<vmem>>, vector<1x16xf32>,
      %swap3A_72 = arith.index_cast %scan3A_47 : i32 to index
      %swap3A_73 = arith.constant 80 : index
      %swap3A_74 = tpu.vector_load %arg7[%swap3A_72, %swap3A_73] {strides = array<i32>} : memref<24x384xf32, #tpu.memory_space<vmem>>, vector<1x16xf32>,
      %swap3A_75 = vector.shape_cast %swap3A_74 : vector<1x16xf32> to vector<16xf32>
      %swap3A_76 = vector.shape_cast %broadcast_in_dim3A_0 : vector<16xf32> to vector<1x16xf32>
      tpu.vector_store %arg7[%swap3A_72, %swap3A_73], %swap3A_76 {strides = array<i32>} : memref<24x384xf32, #tpu.memory_space<vmem>>, vector<1x16xf32>,
      %swap3A_77 = arith.index_cast %scan3A_47 : i32 to index
      %swap3A_78 = arith.constant 96 : index
      %swap3A_79 = tpu.vector_load %arg7[%swap3A_77, %swap3A_78] {strides = array<i32>} : memref<24x384xf32, #tpu.memory_space<vmem>>, vector<1x16xf32>,
      %swap3A_80 = vector.shape_cast %swap3A_79 : vector<1x16xf32> to vector<16xf32>
      %swap3A_81 = vector.shape_cast %broadcast_in_dim3A_0 : vector<16xf32> to vector<1x16xf32>
      tpu.vector_store %arg7[%swap3A_77, %swap3A_78], %swap3A_81 {strides = array<i32>} : memref<24x384xf32, #tpu.memory_space<vmem>>, vector<1x16xf32>,
      %swap3A_82 = arith.index_cast %scan3A_47 : i32 to index
      %swap3A_83 = arith.constant 112 : index
      %swap3A_84 = tpu.vector_load %arg7[%swap3A_82, %swap3A_83] {strides = array<i32>} : memref<24x384xf32, #tpu.memory_space<vmem>>, vector<1x16xf32>,
      %swap3A_85 = vector.shape_cast %swap3A_84 : vector<1x16xf32> to vector<16xf32>
      %swap3A_86 = vector.shape_cast %broadcast_in_dim3A_0 : vector<16xf32> to vector<1x16xf32>
      tpu.vector_store %arg7[%swap3A_82, %swap3A_83], %swap3A_86 {strides = array<i32>} : memref<24x384xf32, #tpu.memory_space<vmem>>, vector<1x16xf32>,
      %swap3A_87 = arith.index_cast %scan3A_47 : i32 to index
      %swap3A_88 = arith.constant 128 : index
      %swap3A_89 = tpu.vector_load %arg7[%swap3A_87, %swap3A_88] {strides = array<i32>} : memref<24x384xf32, #tpu.memory_space<vmem>>, vector<1x16xf32>,
      %swap3A_90 = vector.shape_cast %swap3A_89 : vector<1x16xf32> to vector<16xf32>
      %swap3A_91 = vector.shape_cast %broadcast_in_dim3A_0 : vector<16xf32> to vector<1x16xf32>
      tpu.vector_store %arg7[%swap3A_87, %swap3A_88], %swap3A_91 {strides = array<i32>} : memref<24x384xf32, #tpu.memory_space<vmem>>, vector<1x16xf32>,
      %swap3A_92 = arith.index_cast %scan3A_47 : i32 to index
      %swap3A_93 = arith.constant 144 : index
      %swap3A_94 = tpu.vector_load %arg7[%swap3A_92, %swap3A_93] {strides = array<i32>} : memref<24x384xf32, #tpu.memory_space<vmem>>, vector<1x16xf32>,
      %swap3A_95 = vector.shape_cast %swap3A_94 : vector<1x16xf32> to vector<16xf32>
      %swap3A_96 = vector.shape_cast %broadcast_in_dim3A_0 : vector<16xf32> to vector<1x16xf32>
      tpu.vector_store %arg7[%swap3A_92, %swap3A_93], %swap3A_96 {strides = array<i32>} : memref<24x384xf32, #tpu.memory_space<vmem>>, vector<1x16xf32>,
      %swap3A_97 = arith.index_cast %scan3A_47 : i32 to index
      %swap3A_98 = arith.constant 160 : index
      %swap3A_99 = tpu.vector_load %arg7[%swap3A_97, %swap3A_98] {strides = array<i32>} : memref<24x384xf32, #tpu.memory_space<vmem>>, vector<1x16xf32>,
      %swap3A_100 = vector.shape_cast %swap3A_99 : vector<1x16xf32> to vector<16xf32>
      %swap3A_101 = vector.shape_cast %broadcast_in_dim3A_0 : vector<16xf32> to vector<1x16xf32>
      tpu.vector_store %arg7[%swap3A_97, %swap3A_98], %swap3A_101 {strides = array<i32>} : memref<24x384xf32, #tpu.memory_space<vmem>>, vector<1x16xf32>,
      %swap3A_102 = arith.index_cast %scan3A_47 : i32 to index
      %swap3A_103 = arith.constant 176 : index
      %swap3A_104 = tpu.vector_load %arg7[%swap3A_102, %swap3A_103] {strides = array<i32>} : memref<24x384xf32, #tpu.memory_space<vmem>>, vector<1x16xf32>,
      %swap3A_105 = vector.shape_cast %swap3A_104 : vector<1x16xf32> to vector<16xf32>
      %swap3A_106 = vector.shape_cast %broadcast_in_dim3A_0 : vector<16xf32> to vector<1x16xf32>
      tpu.vector_store %arg7[%swap3A_102, %swap3A_103], %swap3A_106 {strides = array<i32>} : memref<24x384xf32, #tpu.memory_space<vmem>>, vector<1x16xf32>,
      %swap3A_107 = arith.index_cast %scan3A_47 : i32 to index
      %swap3A_108 = arith.constant 192 : index
      %swap3A_109 = tpu.vector_load %arg7[%swap3A_107, %swap3A_108] {strides = array<i32>} : memref<24x384xf32, #tpu.memory_space<vmem>>, vector<1x16xf32>,
      %swap3A_110 = vector.shape_cast %swap3A_109 : vector<1x16xf32> to vector<16xf32>
      %swap3A_111 = vector.shape_cast %broadcast_in_dim3A_0 : vector<16xf32> to vector<1x16xf32>
      tpu.vector_store %arg7[%swap3A_107, %swap3A_108], %swap3A_111 {strides = array<i32>} : memref<24x384xf32, #tpu.memory_space<vmem>>, vector<1x16xf32>,
      %swap3A_112 = arith.index_cast %scan3A_47 : i32 to index
      %swap3A_113 = arith.constant 208 : index
      %swap3A_114 = tpu.vector_load %arg7[%swap3A_112, %swap3A_113] {strides = array<i32>} : memref<24x384xf32, #tpu.memory_space<vmem>>, vector<1x16xf32>,
      %swap3A_115 = vector.shape_cast %swap3A_114 : vector<1x16xf32> to vector<16xf32>
      %swap3A_116 = vector.shape_cast %broadcast_in_dim3A_0 : vector<16xf32> to vector<1x16xf32>
      tpu.vector_store %arg7[%swap3A_112, %swap3A_113], %swap3A_116 {strides = array<i32>} : memref<24x384xf32, #tpu.memory_space<vmem>>, vector<1x16xf32>,
      %swap3A_117 = arith.index_cast %scan3A_47 : i32 to index
      %swap3A_118 = arith.constant 224 : index
      %swap3A_119 = tpu.vector_load %arg7[%swap3A_117, %swap3A_118] {strides = array<i32>} : memref<24x384xf32, #tpu.memory_space<vmem>>, vector<1x16xf32>,
      %swap3A_120 = vector.shape_cast %swap3A_119 : vector<1x16xf32> to vector<16xf32>
      %swap3A_121 = vector.shape_cast %broadcast_in_dim3A_0 : vector<16xf32> to vector<1x16xf32>
      tpu.vector_store %arg7[%swap3A_117, %swap3A_118], %swap3A_121 {strides = array<i32>} : memref<24x384xf32, #tpu.memory_space<vmem>>, vector<1x16xf32>,
      %swap3A_122 = arith.index_cast %scan3A_47 : i32 to index
      %swap3A_123 = arith.constant 240 : index
      %swap3A_124 = tpu.vector_load %arg7[%swap3A_122, %swap3A_123] {strides = array<i32>} : memref<24x384xf32, #tpu.memory_space<vmem>>, vector<1x16xf32>,
      %swap3A_125 = vector.shape_cast %swap3A_124 : vector<1x16xf32> to vector<16xf32>
      %swap3A_126 = vector.shape_cast %broadcast_in_dim3A_0 : vector<16xf32> to vector<1x16xf32>
      tpu.vector_store %arg7[%swap3A_122, %swap3A_123], %swap3A_126 {strides = array<i32>} : memref<24x384xf32, #tpu.memory_space<vmem>>, vector<1x16xf32>,
      %swap3A_127 = arith.index_cast %scan3A_47 : i32 to index
      %swap3A_128 = arith.constant 256 : index
      %swap3A_129 = tpu.vector_load %arg7[%swap3A_127, %swap3A_128] {strides = array<i32>} : memref<24x384xf32, #tpu.memory_space<vmem>>, vector<1x16xf32>,
      %swap3A_130 = vector.shape_cast %swap3A_129 : vector<1x16xf32> to vector<16xf32>
      %swap3A_131 = vector.shape_cast %broadcast_in_dim3A_0 : vector<16xf32> to vector<1x16xf32>
      tpu.vector_store %arg7[%swap3A_127, %swap3A_128], %swap3A_131 {strides = array<i32>} : memref<24x384xf32, #tpu.memory_space<vmem>>, vector<1x16xf32>,
      %swap3A_132 = arith.index_cast %scan3A_47 : i32 to index
      %swap3A_133 = arith.constant 272 : index
      %swap3A_134 = tpu.vector_load %arg7[%swap3A_132, %swap3A_133] {strides = array<i32>} : memref<24x384xf32, #tpu.memory_space<vmem>>, vector<1x16xf32>,
      %swap3A_135 = vector.shape_cast %swap3A_134 : vector<1x16xf32> to vector<16xf32>
      %swap3A_136 = vector.shape_cast %broadcast_in_dim3A_0 : vector<16xf32> to vector<1x16xf32>
      tpu.vector_store %arg7[%swap3A_132, %swap3A_133], %swap3A_136 {strides = array<i32>} : memref<24x384xf32, #tpu.memory_space<vmem>>, vector<1x16xf32>,
      %swap3A_137 = arith.index_cast %scan3A_47 : i32 to index
      %swap3A_138 = arith.constant 288 : index
      %swap3A_139 = tpu.vector_load %arg7[%swap3A_137, %swap3A_138] {strides = array<i32>} : memref<24x384xf32, #tpu.memory_space<vmem>>, vector<1x16xf32>,
      %swap3A_140 = vector.shape_cast %swap3A_139 : vector<1x16xf32> to vector<16xf32>
      %swap3A_141 = vector.shape_cast %broadcast_in_dim3A_0 : vector<16xf32> to vector<1x16xf32>
      tpu.vector_store %arg7[%swap3A_137, %swap3A_138], %swap3A_141 {strides = array<i32>} : memref<24x384xf32, #tpu.memory_space<vmem>>, vector<1x16xf32>,
      %swap3A_142 = arith.index_cast %scan3A_47 : i32 to index
      %swap3A_143 = arith.constant 304 : index
      %swap3A_144 = tpu.vector_load %arg7[%swap3A_142, %swap3A_143] {strides = array<i32>} : memref<24x384xf32, #tpu.memory_space<vmem>>, vector<1x16xf32>,
      %swap3A_145 = vector.shape_cast %swap3A_144 : vector<1x16xf32> to vector<16xf32>
      %swap3A_146 = vector.shape_cast %broadcast_in_dim3A_0 : vector<16xf32> to vector<1x16xf32>
      tpu.vector_store %arg7[%swap3A_142, %swap3A_143], %swap3A_146 {strides = array<i32>} : memref<24x384xf32, #tpu.memory_space<vmem>>, vector<1x16xf32>,
      %swap3A_147 = arith.index_cast %scan3A_47 : i32 to index
      %swap3A_148 = arith.constant 320 : index
      %swap3A_149 = tpu.vector_load %arg7[%swap3A_147, %swap3A_148] {strides = array<i32>} : memref<24x384xf32, #tpu.memory_space<vmem>>, vector<1x16xf32>,
      %swap3A_150 = vector.shape_cast %swap3A_149 : vector<1x16xf32> to vector<16xf32>
      %swap3A_151 = vector.shape_cast %broadcast_in_dim3A_0 : vector<16xf32> to vector<1x16xf32>
      tpu.vector_store %arg7[%swap3A_147, %swap3A_148], %swap3A_151 {strides = array<i32>} : memref<24x384xf32, #tpu.memory_space<vmem>>, vector<1x16xf32>,
      %swap3A_152 = arith.index_cast %scan3A_47 : i32 to index
      %swap3A_153 = arith.constant 336 : index
      %swap3A_154 = tpu.vector_load %arg7[%swap3A_152, %swap3A_153] {strides = array<i32>} : memref<24x384xf32, #tpu.memory_space<vmem>>, vector<1x16xf32>,
      %swap3A_155 = vector.shape_cast %swap3A_154 : vector<1x16xf32> to vector<16xf32>
      %swap3A_156 = vector.shape_cast %broadcast_in_dim3A_0 : vector<16xf32> to vector<1x16xf32>
      tpu.vector_store %arg7[%swap3A_152, %swap3A_153], %swap3A_156 {strides = array<i32>} : memref<24x384xf32, #tpu.memory_space<vmem>>, vector<1x16xf32>,
      %swap3A_157 = arith.index_cast %scan3A_47 : i32 to index
      %swap3A_158 = arith.constant 352 : index
      %swap3A_159 = tpu.vector_load %arg7[%swap3A_157, %swap3A_158] {strides = array<i32>} : memref<24x384xf32, #tpu.memory_space<vmem>>, vector<1x16xf32>,
      %swap3A_160 = vector.shape_cast %swap3A_159 : vector<1x16xf32> to vector<16xf32>
      %swap3A_161 = vector.shape_cast %broadcast_in_dim3A_0 : vector<16xf32> to vector<1x16xf32>
      tpu.vector_store %arg7[%swap3A_157, %swap3A_158], %swap3A_161 {strides = array<i32>} : memref<24x384xf32, #tpu.memory_space<vmem>>, vector<1x16xf32>,
      %swap3A_162 = arith.index_cast %scan3A_47 : i32 to index
      %swap3A_163 = arith.constant 368 : index
      %swap3A_164 = tpu.vector_load %arg7[%swap3A_162, %swap3A_163] {strides = array<i32>} : memref<24x384xf32, #tpu.memory_space<vmem>>, vector<1x16xf32>,
      %swap3A_165 = vector.shape_cast %swap3A_164 : vector<1x16xf32> to vector<16xf32>
      %swap3A_166 = vector.shape_cast %broadcast_in_dim3A_0 : vector<16xf32> to vector<1x16xf32>
      tpu.vector_store %arg7[%swap3A_162, %swap3A_163], %swap3A_166 {strides = array<i32>} : memref<24x384xf32, #tpu.memory_space<vmem>>, vector<1x16xf32>,
    }
    %scan3A_5 = arith.constant 24 : i32
    %scan3A_6 = arith.constant 0 : i32
    %scan3A_7 = arith.constant 0 : i32
    %scan3A_8 = arith.constant 16 : i32
    %scan3A_9 = arith.addi %scan3A_7, %scan3A_8 : i32
    %scan3A_10 = arith.constant 1 : i32
    scf.for %scan3A_47 = %scan3A_7 to %scan3A_9 step %scan3A_10  : i32 {
      %mul3A = arith.constant 60 : i32
      %mul3A_48 = arith.muli %arg0, %mul3A : i32
      %add3A_49 = arith.addi %mul3A_48, %arg1 : i32
      %jit3A = arith.constant 15 : i32
      %div3A = arith.divsi %add3A_49, %jit3A : i32
      %sign3A = arith.constant 0 : i32
      %sign3A_50 = arith.cmpi sgt, %add3A_49, %sign3A : i32
      %sign3A_51 = arith.extui %sign3A_50 : i1 to i32
      %sign3A_52 = arith.constant 0 : i32
      %sign3A_53 = arith.cmpi slt, %add3A_49, %sign3A_52 : i32
      %sign3A_54 = arith.extui %sign3A_53 : i1 to i32
      %sign3A_55 = arith.subi %sign3A_51, %sign3A_54 : i32
      %sign3A_56 = arith.constant 0 : i32
      %sign3A_57 = arith.cmpi sgt, %jit3A, %sign3A_56 : i32
      %sign3A_58 = arith.extui %sign3A_57 : i1 to i32
      %sign3A_59 = arith.constant 0 : i32
      %sign3A_60 = arith.cmpi slt, %jit3A, %sign3A_59 : i32
      %sign3A_61 = arith.extui %sign3A_60 : i1 to i32
      %sign3A_62 = arith.subi %sign3A_58, %sign3A_61 : i32
      %ne3A = arith.cmpi ne, %sign3A_55, %sign3A_62 : i32
      %rem3A = arith.remsi %add3A_49, %jit3A : i32
      %ne3A_63 = arith.constant 0 : i32
      %ne3A_64 = arith.cmpi ne, %rem3A, %ne3A_63 : i32
      %and3A = arith.andi %ne3A, %ne3A_64 : i1
      %sub3A = arith.constant 1 : i32
      %sub3A_65 = arith.subi %div3A, %sub3A : i32
      %select_n3A = arith.select %and3A, %sub3A_65, %div3A : i32
      %jit3A_66 = arith.constant 15 : i32
      %eq3A = arith.constant 0 : i32
      %eq3A_67 = arith.cmpi eq, %jit3A_66, %eq3A : i32
      %jit3A_68 = arith.constant 1 : i32
      %select_n3A_69 = arith.select %eq3A_67, %jit3A_68, %jit3A_66 : i32
      %rem3A_70 = arith.remsi %add3A_49, %select_n3A_69 : i32
      %ne3A_71 = arith.constant 0 : i32
      %ne3A_72 = arith.cmpi ne, %rem3A_70, %ne3A_71 : i32
      %lt3A_73 = arith.constant 0 : i32
      %lt3A_74 = arith.cmpi slt, %rem3A_70, %lt3A_73 : i32
      %lt3A_75 = arith.constant 0 : i32
      %lt3A_76 = arith.cmpi slt, %select_n3A_69, %lt3A_75 : i32
      %ne3A_77 = arith.xori %lt3A_74, %lt3A_76 : i1
      %and3A_78 = arith.andi %ne3A_77, %ne3A_72 : i1
      %add3A_79 = arith.addi %rem3A_70, %select_n3A_69 : i32
      %select_n3A_80 = arith.select %and3A_78, %add3A_79, %rem3A_70 : i32
      %mul3A_81 = arith.constant 24 : i32
      %mul3A_82 = arith.muli %scan3A_47, %mul3A_81 : i32
      %dma_start3A = arith.constant 0 : i32
      %dma_start3A_83 = tpu.memref_slice %arg4[%select_n3A, %select_n3A_80, %mul3A_82, %dma_start3A] : memref<8x15x384x384xf32, #tpu.memory_space<hbm>> -> memref<1x1x24x384xf32, #tpu.memory_space<hbm>>
      %dma_start3A_84 = tpu.memref_squeeze %dma_start3A_83 : memref<1x1x24x384xf32, #tpu.memory_space<hbm>> -> memref<24x384xf32, #tpu.memory_space<hbm>>
      %dma_start3A_85 = arith.constant 0 : i32
      %dma_start3A_86 = tpu.memref_slice %arg4[%select_n3A, %select_n3A_80, %mul3A_82, %dma_start3A_85] : memref<8x15x384x384xf32, #tpu.memory_space<hbm>> -> memref<1x1x24x384xf32, #tpu.memory_space<hbm>>
      %dma_start3A_87 = tpu.memref_squeeze %dma_start3A_86 : memref<1x1x24x384xf32, #tpu.memory_space<hbm>> -> memref<24x384xf32, #tpu.memory_space<hbm>>
      tpu.enqueue_dma source(%arg7 : memref<24x384xf32, #tpu.memory_space<vmem>>) target(%dma_start3A_87 : memref<24x384xf32, #tpu.memory_space<hbm>>) target_semaphore(%arg9 : memref<!tpu.dma_semaphore, #tpu.memory_space<semaphore_mem>>)
    }
    %scan3A_11 = arith.constant 16 : i32
    "tpu.region"() ({
      %run_scoped3A = tpu.sem_alloc : memref<!tpu.dma_semaphore, #tpu.memory_space<semaphore_mem>>
      %dma_start3A = arith.constant 0 : i32
      %dma_start3A_47 = tpu.memref_slice %arg5[%dma_start3A] : memref<256xi32, #tpu.memory_space<vmem>> -> memref<240xi32, #tpu.memory_space<vmem>>
      %dma_start3A_48 = arith.constant 0 : i32
      %dma_start3A_49 = tpu.memref_slice %arg5[%dma_start3A_48] : memref<256xi32, #tpu.memory_space<vmem>> -> memref<240xi32, #tpu.memory_space<vmem>>
      tpu.enqueue_dma source(%arg2 : memref<240xi32, #tpu.memory_space<hbm>>) target(%dma_start3A_49 : memref<240xi32, #tpu.memory_space<vmem>>) target_semaphore(%run_scoped3A : memref<!tpu.dma_semaphore, #tpu.memory_space<semaphore_mem>>)
      %dma_wait3A = arith.constant 0 : i32
      %dma_wait3A_50 = tpu.memref_slice %arg5[%dma_wait3A] : memref<256xi32, #tpu.memory_space<vmem>> -> memref<240xi32, #tpu.memory_space<vmem>>
      %dma_wait3A_51 = arith.constant 0 : i32
      %dma_wait3A_52 = tpu.memref_slice %arg5[%dma_wait3A_51] : memref<256xi32, #tpu.memory_space<vmem>> -> memref<240xi32, #tpu.memory_space<vmem>>
      tpu.wait_dma2 semaphore(%run_scoped3A : memref<!tpu.dma_semaphore, #tpu.memory_space<semaphore_mem>>) src(%arg2 : memref<240xi32, #tpu.memory_space<hbm>>) dst(%dma_wait3A_52 : memref<240xi32, #tpu.memory_space<vmem>>)
      tpu.yield
    }) : () -> ()
    "tpu.region"() ({
      %run_scoped3A = tpu.sem_alloc : memref<!tpu.dma_semaphore, #tpu.memory_space<semaphore_mem>>
      %dma_start3A = arith.constant 0 : i32
      %dma_start3A_47 = tpu.memref_slice %arg6[%dma_start3A] : memref<16xf32, #tpu.memory_space<vmem>> -> memref<8xf32, #tpu.memory_space<vmem>>
      %dma_start3A_48 = arith.constant 0 : i32
      %dma_start3A_49 = tpu.memref_slice %arg6[%dma_start3A_48] : memref<16xf32, #tpu.memory_space<vmem>> -> memref<8xf32, #tpu.memory_space<vmem>>
      tpu.enqueue_dma source(%arg3 : memref<8xf32, #tpu.memory_space<hbm>>) target(%dma_start3A_49 : memref<8xf32, #tpu.memory_space<vmem>>) target_semaphore(%run_scoped3A : memref<!tpu.dma_semaphore, #tpu.memory_space<semaphore_mem>>)
      %dma_wait3A = arith.constant 0 : i32
      %dma_wait3A_50 = tpu.memref_slice %arg6[%dma_wait3A] : memref<16xf32, #tpu.memory_space<vmem>> -> memref<8xf32, #tpu.memory_space<vmem>>
      %dma_wait3A_51 = arith.constant 0 : i32
      %dma_wait3A_52 = tpu.memref_slice %arg6[%dma_wait3A_51] : memref<16xf32, #tpu.memory_space<vmem>> -> memref<8xf32, #tpu.memory_space<vmem>>
      tpu.wait_dma2 semaphore(%run_scoped3A : memref<!tpu.dma_semaphore, #tpu.memory_space<semaphore_mem>>) src(%arg3 : memref<8xf32, #tpu.memory_space<hbm>>) dst(%dma_wait3A_52 : memref<8xf32, #tpu.memory_space<vmem>>)
      tpu.yield
    }) : () -> ()
    %get3A = arith.constant 0 : index
    %get3A_12 = tpu.vector_load %arg6[%get3A] {strides = array<i32>} : memref<16xf32, #tpu.memory_space<vmem>>, vector<16xf32>,
    %get3A_13 = vector.shape_cast %get3A_12 : vector<16xf32> to vector<16xf32>
    %slice3A = vector.extract_strided_slice %get3A_13 {offsets = [0], sizes = [1], strides = [1]} : vector<16xf32> to vector<1xf32>
    %squeeze3A = vector.extract %slice3A[0] : f32 from vector<1xf32>
    %max3A = arith.constant 0.000000e+00 : f32
    %max3A_14 = arith.maximumf %squeeze3A, %max3A : f32
    %slice3A_15 = vector.extract_strided_slice %get3A_13 {offsets = [1], sizes = [1], strides = [1]} : vector<16xf32> to vector<1xf32>
    %squeeze3A_16 = vector.extract %slice3A_15[0] : f32 from vector<1xf32>
    %max3A_17 = arith.constant 0.000000e+00 : f32
    %max3A_18 = arith.maximumf %squeeze3A_16, %max3A_17 : f32
    %slice3A_19 = vector.extract_strided_slice %get3A_13 {offsets = [2], sizes = [1], strides = [1]} : vector<16xf32> to vector<1xf32>
    %squeeze3A_20 = vector.extract %slice3A_19[0] : f32 from vector<1xf32>
    %max3A_21 = arith.constant 0.000000e+00 : f32
    %max3A_22 = arith.maximumf %squeeze3A_20, %max3A_21 : f32
    %add3A = arith.constant 0 : i32
    %add3A_23 = arith.addi %arg1, %add3A : i32
    %lt3A = arith.constant 60 : i32
    %lt3A_24 = arith.cmpi slt, %add3A_23, %lt3A : i32
    %convert_element_type3A = arith.extui %lt3A_24 : i1 to i32
    %cond3A = arith.constant 0 : i32
    %cond3A_25 = arith.cmpi ne, %convert_element_type3A, %cond3A : i32
    scf.if %cond3A_25 {
      %mul3A = arith.constant 60 : i32
      %mul3A_47 = arith.muli %arg0, %mul3A : i32
      %add3A_48 = arith.addi %mul3A_47, %add3A_23 : i32
      %jit3A = arith.constant 15 : i32
      %div3A = arith.divsi %add3A_48, %jit3A : i32
      %sign3A = arith.constant 0 : i32
      %sign3A_49 = arith.cmpi sgt, %add3A_48, %sign3A : i32
      %sign3A_50 = arith.extui %sign3A_49 : i1 to i32
      %sign3A_51 = arith.constant 0 : i32
      %sign3A_52 = arith.cmpi slt, %add3A_48, %sign3A_51 : i32
      %sign3A_53 = arith.extui %sign3A_52 : i1 to i32
      %sign3A_54 = arith.subi %sign3A_50, %sign3A_53 : i32
      %sign3A_55 = arith.constant 0 : i32
      %sign3A_56 = arith.cmpi sgt, %jit3A, %sign3A_55 : i32
      %sign3A_57 = arith.extui %sign3A_56 : i1 to i32
      %sign3A_58 = arith.constant 0 : i32
      %sign3A_59 = arith.cmpi slt, %jit3A, %sign3A_58 : i32
      %sign3A_60 = arith.extui %sign3A_59 : i1 to i32
      %sign3A_61 = arith.subi %sign3A_57, %sign3A_60 : i32
      %ne3A = arith.cmpi ne, %sign3A_54, %sign3A_61 : i32
      %rem3A = arith.remsi %add3A_48, %jit3A : i32
      %ne3A_62 = arith.constant 0 : i32
      %ne3A_63 = arith.cmpi ne, %rem3A, %ne3A_62 : i32
      %and3A = arith.andi %ne3A, %ne3A_63 : i1
      %sub3A = arith.constant 1 : i32
      %sub3A_64 = arith.subi %div3A, %sub3A : i32
      %select_n3A = arith.select %and3A, %sub3A_64, %div3A : i32
      %jit3A_65 = arith.constant 15 : i32
      %eq3A = arith.constant 0 : i32
      %eq3A_66 = arith.cmpi eq, %jit3A_65, %eq3A : i32
      %jit3A_67 = arith.constant 1 : i32
      %select_n3A_68 = arith.select %eq3A_66, %jit3A_67, %jit3A_65 : i32
      %rem3A_69 = arith.remsi %add3A_48, %select_n3A_68 : i32
      %ne3A_70 = arith.constant 0 : i32
      %ne3A_71 = arith.cmpi ne, %rem3A_69, %ne3A_70 : i32
      %lt3A_72 = arith.constant 0 : i32
      %lt3A_73 = arith.cmpi slt, %rem3A_69, %lt3A_72 : i32
      %lt3A_74 = arith.constant 0 : i32
      %lt3A_75 = arith.cmpi slt, %select_n3A_68, %lt3A_74 : i32
      %ne3A_76 = arith.xori %lt3A_73, %lt3A_75 : i1
      %and3A_77 = arith.andi %ne3A_76, %ne3A_71 : i1
      %add3A_78 = arith.addi %rem3A_69, %select_n3A_68 : i32
      %select_n3A_79 = arith.select %and3A_77, %add3A_78, %rem3A_69 : i32
      %scan3A_80 = arith.constant 0 : i32
      %scan3A_81 = arith.constant 0 : i32
      %scan3A_82 = arith.constant 32 : i32
      %scan3A_83 = arith.addi %scan3A_81, %scan3A_82 : i32
      %scan3A_84 = arith.constant 1 : i32
      scf.for %scan3A_555 = %scan3A_81 to %scan3A_83 step %scan3A_84  : i32 {
        %swap3A = arith.index_cast %scan3A_555 : i32 to index
        %swap3A_556 = arith.constant 0 : index
        %swap3A_557 = tpu.vector_load %arg8[%swap3A, %swap3A_556] {strides = array<i32>} : memref<32x384xf32, #tpu.memory_space<vmem>>, vector<1x16xf32>,
        %swap3A_558 = vector.shape_cast %swap3A_557 : vector<1x16xf32> to vector<16xf32>
        %swap3A_559 = vector.shape_cast %broadcast_in_dim3A_0 : vector<16xf32> to vector<1x16xf32>
        tpu.vector_store %arg8[%swap3A, %swap3A_556], %swap3A_559 {strides = array<i32>} : memref<32x384xf32, #tpu.memory_space<vmem>>, vector<1x16xf32>,
        %swap3A_560 = arith.index_cast %scan3A_555 : i32 to index
        %swap3A_561 = arith.constant 16 : index
        %swap3A_562 = tpu.vector_load %arg8[%swap3A_560, %swap3A_561] {strides = array<i32>} : memref<32x384xf32, #tpu.memory_space<vmem>>, vector<1x16xf32>,
        %swap3A_563 = vector.shape_cast %swap3A_562 : vector<1x16xf32> to vector<16xf32>
        %swap3A_564 = vector.shape_cast %broadcast_in_dim3A_0 : vector<16xf32> to vector<1x16xf32>
        tpu.vector_store %arg8[%swap3A_560, %swap3A_561], %swap3A_564 {strides = array<i32>} : memref<32x384xf32, #tpu.memory_space<vmem>>, vector<1x16xf32>,
        %swap3A_565 = arith.index_cast %scan3A_555 : i32 to index
        %swap3A_566 = arith.constant 32 : index
        %swap3A_567 = tpu.vector_load %arg8[%swap3A_565, %swap3A_566] {strides = array<i32>} : memref<32x384xf32, #tpu.memory_space<vmem>>, vector<1x16xf32>,
        %swap3A_568 = vector.shape_cast %swap3A_567 : vector<1x16xf32> to vector<16xf32>
        %swap3A_569 = vector.shape_cast %broadcast_in_dim3A_0 : vector<16xf32> to vector<1x16xf32>
        tpu.vector_store %arg8[%swap3A_565, %swap3A_566], %swap3A_569 {strides = array<i32>} : memref<32x384xf32, #tpu.memory_space<vmem>>, vector<1x16xf32>,
        %swap3A_570 = arith.index_cast %scan3A_555 : i32 to index
        %swap3A_571 = arith.constant 48 : index
        %swap3A_572 = tpu.vector_load %arg8[%swap3A_570, %swap3A_571] {strides = array<i32>} : memref<32x384xf32, #tpu.memory_space<vmem>>, vector<1x16xf32>,
        %swap3A_573 = vector.shape_cast %swap3A_572 : vector<1x16xf32> to vector<16xf32>
        %swap3A_574 = vector.shape_cast %broadcast_in_dim3A_0 : vector<16xf32> to vector<1x16xf32>
        tpu.vector_store %arg8[%swap3A_570, %swap3A_571], %swap3A_574 {strides = array<i32>} : memref<32x384xf32, #tpu.memory_space<vmem>>, vector<1x16xf32>,
        %swap3A_575 = arith.index_cast %scan3A_555 : i32 to index
        %swap3A_576 = arith.constant 64 : index
        %swap3A_577 = tpu.vector_load %arg8[%swap3A_575, %swap3A_576] {strides = array<i32>} : memref<32x384xf32, #tpu.memory_space<vmem>>, vector<1x16xf32>,
        %swap3A_578 = vector.shape_cast %swap3A_577 : vector<1x16xf32> to vector<16xf32>
        %swap3A_579 = vector.shape_cast %broadcast_in_dim3A_0 : vector<16xf32> to vector<1x16xf32>
        tpu.vector_store %arg8[%swap3A_575, %swap3A_576], %swap3A_579 {strides = array<i32>} : memref<32x384xf32, #tpu.memory_space<vmem>>, vector<1x16xf32>,
        %swap3A_580 = arith.index_cast %scan3A_555 : i32 to index
        %swap3A_581 = arith.constant 80 : index
        %swap3A_582 = tpu.vector_load %arg8[%swap3A_580, %swap3A_581] {strides = array<i32>} : memref<32x384xf32, #tpu.memory_space<vmem>>, vector<1x16xf32>,
        %swap3A_583 = vector.shape_cast %swap3A_582 : vector<1x16xf32> to vector<16xf32>
        %swap3A_584 = vector.shape_cast %broadcast_in_dim3A_0 : vector<16xf32> to vector<1x16xf32>
        tpu.vector_store %arg8[%swap3A_580, %swap3A_581], %swap3A_584 {strides = array<i32>} : memref<32x384xf32, #tpu.memory_space<vmem>>, vector<1x16xf32>,
        %swap3A_585 = arith.index_cast %scan3A_555 : i32 to index
        %swap3A_586 = arith.constant 96 : index
        %swap3A_587 = tpu.vector_load %arg8[%swap3A_585, %swap3A_586] {strides = array<i32>} : memref<32x384xf32, #tpu.memory_space<vmem>>, vector<1x16xf32>,
        %swap3A_588 = vector.shape_cast %swap3A_587 : vector<1x16xf32> to vector<16xf32>
        %swap3A_589 = vector.shape_cast %broadcast_in_dim3A_0 : vector<16xf32> to vector<1x16xf32>
        tpu.vector_store %arg8[%swap3A_585, %swap3A_586], %swap3A_589 {strides = array<i32>} : memref<32x384xf32, #tpu.memory_space<vmem>>, vector<1x16xf32>,
        %swap3A_590 = arith.index_cast %scan3A_555 : i32 to index
        %swap3A_591 = arith.constant 112 : index
        %swap3A_592 = tpu.vector_load %arg8[%swap3A_590, %swap3A_591] {strides = array<i32>} : memref<32x384xf32, #tpu.memory_space<vmem>>, vector<1x16xf32>,
        %swap3A_593 = vector.shape_cast %swap3A_592 : vector<1x16xf32> to vector<16xf32>
        %swap3A_594 = vector.shape_cast %broadcast_in_dim3A_0 : vector<16xf32> to vector<1x16xf32>
        tpu.vector_store %arg8[%swap3A_590, %swap3A_591], %swap3A_594 {strides = array<i32>} : memref<32x384xf32, #tpu.memory_space<vmem>>, vector<1x16xf32>,
        %swap3A_595 = arith.index_cast %scan3A_555 : i32 to index
        %swap3A_596 = arith.constant 128 : index
        %swap3A_597 = tpu.vector_load %arg8[%swap3A_595, %swap3A_596] {strides = array<i32>} : memref<32x384xf32, #tpu.memory_space<vmem>>, vector<1x16xf32>,
        %swap3A_598 = vector.shape_cast %swap3A_597 : vector<1x16xf32> to vector<16xf32>
        %swap3A_599 = vector.shape_cast %broadcast_in_dim3A_0 : vector<16xf32> to vector<1x16xf32>
        tpu.vector_store %arg8[%swap3A_595, %swap3A_596], %swap3A_599 {strides = array<i32>} : memref<32x384xf32, #tpu.memory_space<vmem>>, vector<1x16xf32>,
        %swap3A_600 = arith.index_cast %scan3A_555 : i32 to index
        %swap3A_601 = arith.constant 144 : index
        %swap3A_602 = tpu.vector_load %arg8[%swap3A_600, %swap3A_601] {strides = array<i32>} : memref<32x384xf32, #tpu.memory_space<vmem>>, vector<1x16xf32>,
        %swap3A_603 = vector.shape_cast %swap3A_602 : vector<1x16xf32> to vector<16xf32>
        %swap3A_604 = vector.shape_cast %broadcast_in_dim3A_0 : vector<16xf32> to vector<1x16xf32>
        tpu.vector_store %arg8[%swap3A_600, %swap3A_601], %swap3A_604 {strides = array<i32>} : memref<32x384xf32, #tpu.memory_space<vmem>>, vector<1x16xf32>,
        %swap3A_605 = arith.index_cast %scan3A_555 : i32 to index
        %swap3A_606 = arith.constant 160 : index
        %swap3A_607 = tpu.vector_load %arg8[%swap3A_605, %swap3A_606] {strides = array<i32>} : memref<32x384xf32, #tpu.memory_space<vmem>>, vector<1x16xf32>,
        %swap3A_608 = vector.shape_cast %swap3A_607 : vector<1x16xf32> to vector<16xf32>
        %swap3A_609 = vector.shape_cast %broadcast_in_dim3A_0 : vector<16xf32> to vector<1x16xf32>
        tpu.vector_store %arg8[%swap3A_605, %swap3A_606], %swap3A_609 {strides = array<i32>} : memref<32x384xf32, #tpu.memory_space<vmem>>, vector<1x16xf32>,
        %swap3A_610 = arith.index_cast %scan3A_555 : i32 to index
        %swap3A_611 = arith.constant 176 : index
        %swap3A_612 = tpu.vector_load %arg8[%swap3A_610, %swap3A_611] {strides = array<i32>} : memref<32x384xf32, #tpu.memory_space<vmem>>, vector<1x16xf32>,
        %swap3A_613 = vector.shape_cast %swap3A_612 : vector<1x16xf32> to vector<16xf32>
        %swap3A_614 = vector.shape_cast %broadcast_in_dim3A_0 : vector<16xf32> to vector<1x16xf32>
        tpu.vector_store %arg8[%swap3A_610, %swap3A_611], %swap3A_614 {strides = array<i32>} : memref<32x384xf32, #tpu.memory_space<vmem>>, vector<1x16xf32>,
        %swap3A_615 = arith.index_cast %scan3A_555 : i32 to index
        %swap3A_616 = arith.constant 192 : index
        %swap3A_617 = tpu.vector_load %arg8[%swap3A_615, %swap3A_616] {strides = array<i32>} : memref<32x384xf32, #tpu.memory_space<vmem>>, vector<1x16xf32>,
        %swap3A_618 = vector.shape_cast %swap3A_617 : vector<1x16xf32> to vector<16xf32>
        %swap3A_619 = vector.shape_cast %broadcast_in_dim3A_0 : vector<16xf32> to vector<1x16xf32>
        tpu.vector_store %arg8[%swap3A_615, %swap3A_616], %swap3A_619 {strides = array<i32>} : memref<32x384xf32, #tpu.memory_space<vmem>>, vector<1x16xf32>,
        %swap3A_620 = arith.index_cast %scan3A_555 : i32 to index
        %swap3A_621 = arith.constant 208 : index
        %swap3A_622 = tpu.vector_load %arg8[%swap3A_620, %swap3A_621] {strides = array<i32>} : memref<32x384xf32, #tpu.memory_space<vmem>>, vector<1x16xf32>,
        %swap3A_623 = vector.shape_cast %swap3A_622 : vector<1x16xf32> to vector<16xf32>
        %swap3A_624 = vector.shape_cast %broadcast_in_dim3A_0 : vector<16xf32> to vector<1x16xf32>
        tpu.vector_store %arg8[%swap3A_620, %swap3A_621], %swap3A_624 {strides = array<i32>} : memref<32x384xf32, #tpu.memory_space<vmem>>, vector<1x16xf32>,
        %swap3A_625 = arith.index_cast %scan3A_555 : i32 to index
        %swap3A_626 = arith.constant 224 : index
        %swap3A_627 = tpu.vector_load %arg8[%swap3A_625, %swap3A_626] {strides = array<i32>} : memref<32x384xf32, #tpu.memory_space<vmem>>, vector<1x16xf32>,
        %swap3A_628 = vector.shape_cast %swap3A_627 : vector<1x16xf32> to vector<16xf32>
        %swap3A_629 = vector.shape_cast %broadcast_in_dim3A_0 : vector<16xf32> to vector<1x16xf32>
        tpu.vector_store %arg8[%swap3A_625, %swap3A_626], %swap3A_629 {strides = array<i32>} : memref<32x384xf32, #tpu.memory_space<vmem>>, vector<1x16xf32>,
        %swap3A_630 = arith.index_cast %scan3A_555 : i32 to index
        %swap3A_631 = arith.constant 240 : index
        %swap3A_632 = tpu.vector_load %arg8[%swap3A_630, %swap3A_631] {strides = array<i32>} : memref<32x384xf32, #tpu.memory_space<vmem>>, vector<1x16xf32>,
        %swap3A_633 = vector.shape_cast %swap3A_632 : vector<1x16xf32> to vector<16xf32>
        %swap3A_634 = vector.shape_cast %broadcast_in_dim3A_0 : vector<16xf32> to vector<1x16xf32>
        tpu.vector_store %arg8[%swap3A_630, %swap3A_631], %swap3A_634 {strides = array<i32>} : memref<32x384xf32, #tpu.memory_space<vmem>>, vector<1x16xf32>,
        %swap3A_635 = arith.index_cast %scan3A_555 : i32 to index
        %swap3A_636 = arith.constant 256 : index
        %swap3A_637 = tpu.vector_load %arg8[%swap3A_635, %swap3A_636] {strides = array<i32>} : memref<32x384xf32, #tpu.memory_space<vmem>>, vector<1x16xf32>,
        %swap3A_638 = vector.shape_cast %swap3A_637 : vector<1x16xf32> to vector<16xf32>
        %swap3A_639 = vector.shape_cast %broadcast_in_dim3A_0 : vector<16xf32> to vector<1x16xf32>
        tpu.vector_store %arg8[%swap3A_635, %swap3A_636], %swap3A_639 {strides = array<i32>} : memref<32x384xf32, #tpu.memory_space<vmem>>, vector<1x16xf32>,
        %swap3A_640 = arith.index_cast %scan3A_555 : i32 to index
        %swap3A_641 = arith.constant 272 : index
        %swap3A_642 = tpu.vector_load %arg8[%swap3A_640, %swap3A_641] {strides = array<i32>} : memref<32x384xf32, #tpu.memory_space<vmem>>, vector<1x16xf32>,
        %swap3A_643 = vector.shape_cast %swap3A_642 : vector<1x16xf32> to vector<16xf32>
        %swap3A_644 = vector.shape_cast %broadcast_in_dim3A_0 : vector<16xf32> to vector<1x16xf32>
        tpu.vector_store %arg8[%swap3A_640, %swap3A_641], %swap3A_644 {strides = array<i32>} : memref<32x384xf32, #tpu.memory_space<vmem>>, vector<1x16xf32>,
        %swap3A_645 = arith.index_cast %scan3A_555 : i32 to index
        %swap3A_646 = arith.constant 288 : index
        %swap3A_647 = tpu.vector_load %arg8[%swap3A_645, %swap3A_646] {strides = array<i32>} : memref<32x384xf32, #tpu.memory_space<vmem>>, vector<1x16xf32>,
        %swap3A_648 = vector.shape_cast %swap3A_647 : vector<1x16xf32> to vector<16xf32>
        %swap3A_649 = vector.shape_cast %broadcast_in_dim3A_0 : vector<16xf32> to vector<1x16xf32>
        tpu.vector_store %arg8[%swap3A_645, %swap3A_646], %swap3A_649 {strides = array<i32>} : memref<32x384xf32, #tpu.memory_space<vmem>>, vector<1x16xf32>,
        %swap3A_650 = arith.index_cast %scan3A_555 : i32 to index
        %swap3A_651 = arith.constant 304 : index
        %swap3A_652 = tpu.vector_load %arg8[%swap3A_650, %swap3A_651] {strides = array<i32>} : memref<32x384xf32, #tpu.memory_space<vmem>>, vector<1x16xf32>,
        %swap3A_653 = vector.shape_cast %swap3A_652 : vector<1x16xf32> to vector<16xf32>
        %swap3A_654 = vector.shape_cast %broadcast_in_dim3A_0 : vector<16xf32> to vector<1x16xf32>
        tpu.vector_store %arg8[%swap3A_650, %swap3A_651], %swap3A_654 {strides = array<i32>} : memref<32x384xf32, #tpu.memory_space<vmem>>, vector<1x16xf32>,
        %swap3A_655 = arith.index_cast %scan3A_555 : i32 to index
        %swap3A_656 = arith.constant 320 : index
        %swap3A_657 = tpu.vector_load %arg8[%swap3A_655, %swap3A_656] {strides = array<i32>} : memref<32x384xf32, #tpu.memory_space<vmem>>, vector<1x16xf32>,
        %swap3A_658 = vector.shape_cast %swap3A_657 : vector<1x16xf32> to vector<16xf32>
        %swap3A_659 = vector.shape_cast %broadcast_in_dim3A_0 : vector<16xf32> to vector<1x16xf32>
        tpu.vector_store %arg8[%swap3A_655, %swap3A_656], %swap3A_659 {strides = array<i32>} : memref<32x384xf32, #tpu.memory_space<vmem>>, vector<1x16xf32>,
        %swap3A_660 = arith.index_cast %scan3A_555 : i32 to index
        %swap3A_661 = arith.constant 336 : index
        %swap3A_662 = tpu.vector_load %arg8[%swap3A_660, %swap3A_661] {strides = array<i32>} : memref<32x384xf32, #tpu.memory_space<vmem>>, vector<1x16xf32>,
        %swap3A_663 = vector.shape_cast %swap3A_662 : vector<1x16xf32> to vector<16xf32>
        %swap3A_664 = vector.shape_cast %broadcast_in_dim3A_0 : vector<16xf32> to vector<1x16xf32>
        tpu.vector_store %arg8[%swap3A_660, %swap3A_661], %swap3A_664 {strides = array<i32>} : memref<32x384xf32, #tpu.memory_space<vmem>>, vector<1x16xf32>,
        %swap3A_665 = arith.index_cast %scan3A_555 : i32 to index
        %swap3A_666 = arith.constant 352 : index
        %swap3A_667 = tpu.vector_load %arg8[%swap3A_665, %swap3A_666] {strides = array<i32>} : memref<32x384xf32, #tpu.memory_space<vmem>>, vector<1x16xf32>,
        %swap3A_668 = vector.shape_cast %swap3A_667 : vector<1x16xf32> to vector<16xf32>
        %swap3A_669 = vector.shape_cast %broadcast_in_dim3A_0 : vector<16xf32> to vector<1x16xf32>
        tpu.vector_store %arg8[%swap3A_665, %swap3A_666], %swap3A_669 {strides = array<i32>} : memref<32x384xf32, #tpu.memory_space<vmem>>, vector<1x16xf32>,
        %swap3A_670 = arith.index_cast %scan3A_555 : i32 to index
        %swap3A_671 = arith.constant 368 : index
        %swap3A_672 = tpu.vector_load %arg8[%swap3A_670, %swap3A_671] {strides = array<i32>} : memref<32x384xf32, #tpu.memory_space<vmem>>, vector<1x16xf32>,
        %swap3A_673 = vector.shape_cast %swap3A_672 : vector<1x16xf32> to vector<16xf32>
        %swap3A_674 = vector.shape_cast %broadcast_in_dim3A_0 : vector<16xf32> to vector<1x16xf32>
        tpu.vector_store %arg8[%swap3A_670, %swap3A_671], %swap3A_674 {strides = array<i32>} : memref<32x384xf32, #tpu.memory_space<vmem>>, vector<1x16xf32>,
      }
      %scan3A_85 = arith.constant 32 : i32
      %mul3A_86 = arith.constant 2 : i32
      %mul3A_87 = arith.muli %mul3A_86, %add3A_48 : i32
      %get3A_88 = arith.index_cast %mul3A_87 : i32 to index
      %get3A_89 = tpu.vector_load %arg5[%get3A_88] {strides = array<i32>} : memref<256xi32, #tpu.memory_space<vmem>>, vector<16xi32>,
      %get3A_90 = vector.shape_cast %get3A_89 : vector<16xi32> to vector<16xi32>
      %slice3A_91 = vector.extract_strided_slice %get3A_90 {offsets = [0], sizes = [1], strides = [1]} : vector<16xi32> to vector<1xi32>
      %squeeze3A_92 = vector.extract %slice3A_91[0] : i32 from vector<1xi32>
      %slice3A_93 = vector.extract_strided_slice %get3A_90 {offsets = [1], sizes = [1], strides = [1]} : vector<16xi32> to vector<1xi32>
      %squeeze3A_94 = vector.extract %slice3A_93[0] : i32 from vector<1xi32>
      %sub3A_95 = arith.constant 12 : i32
      %sub3A_96 = arith.subi %squeeze3A_92, %sub3A_95 : i32
      %jit3A_97 = arith.constant 0 : i32
      %jit3A_98 = arith.constant 359 : i32
      %max3A_99 = arith.maxsi %jit3A_97, %sub3A_96 : i32
      %min3A = arith.minsi %jit3A_98, %max3A_99 : i32
      %sub3A_100 = arith.constant 12 : i32
      %sub3A_101 = arith.subi %squeeze3A_94, %sub3A_100 : i32
      %jit3A_102 = arith.constant 0 : i32
      %jit3A_103 = arith.constant 359 : i32
      %max3A_104 = arith.maxsi %jit3A_102, %sub3A_101 : i32
      %min3A_105 = arith.minsi %jit3A_103, %max3A_104 : i32
      %jit3A_106 = arith.constant 16 : i32
      %div3A_107 = arith.divsi %min3A, %jit3A_106 : i32
      %sign3A_108 = arith.constant 0 : i32
      %sign3A_109 = arith.cmpi sgt, %min3A, %sign3A_108 : i32
      %sign3A_110 = arith.extui %sign3A_109 : i1 to i32
      %sign3A_111 = arith.constant 0 : i32
      %sign3A_112 = arith.cmpi slt, %min3A, %sign3A_111 : i32
      %sign3A_113 = arith.extui %sign3A_112 : i1 to i32
      %sign3A_114 = arith.subi %sign3A_110, %sign3A_113 : i32
      %sign3A_115 = arith.constant 0 : i32
      %sign3A_116 = arith.cmpi sgt, %jit3A_106, %sign3A_115 : i32
      %sign3A_117 = arith.extui %sign3A_116 : i1 to i32
      %sign3A_118 = arith.constant 0 : i32
      %sign3A_119 = arith.cmpi slt, %jit3A_106, %sign3A_118 : i32
      %sign3A_120 = arith.extui %sign3A_119 : i1 to i32
      %sign3A_121 = arith.subi %sign3A_117, %sign3A_120 : i32
      %ne3A_122 = arith.cmpi ne, %sign3A_114, %sign3A_121 : i32
      %rem3A_123 = arith.remsi %min3A, %jit3A_106 : i32
      %ne3A_124 = arith.constant 0 : i32
      %ne3A_125 = arith.cmpi ne, %rem3A_123, %ne3A_124 : i32
      %and3A_126 = arith.andi %ne3A_122, %ne3A_125 : i1
      %sub3A_127 = arith.constant 1 : i32
      %sub3A_128 = arith.subi %div3A_107, %sub3A_127 : i32
      %select_n3A_129 = arith.select %and3A_126, %sub3A_128, %div3A_107 : i32
      %mul3A_130 = arith.constant 16 : i32
      %mul3A_131 = arith.muli %select_n3A_129, %mul3A_130 : i32
      %jit3A_132 = arith.constant 8 : i32
      %div3A_133 = arith.divsi %min3A_105, %jit3A_132 : i32
      %sign3A_134 = arith.constant 0 : i32
      %sign3A_135 = arith.cmpi sgt, %min3A_105, %sign3A_134 : i32
      %sign3A_136 = arith.extui %sign3A_135 : i1 to i32
      %sign3A_137 = arith.constant 0 : i32
      %sign3A_138 = arith.cmpi slt, %min3A_105, %sign3A_137 : i32
      %sign3A_139 = arith.extui %sign3A_138 : i1 to i32
      %sign3A_140 = arith.subi %sign3A_136, %sign3A_139 : i32
      %sign3A_141 = arith.constant 0 : i32
      %sign3A_142 = arith.cmpi sgt, %jit3A_132, %sign3A_141 : i32
      %sign3A_143 = arith.extui %sign3A_142 : i1 to i32
      %sign3A_144 = arith.constant 0 : i32
      %sign3A_145 = arith.cmpi slt, %jit3A_132, %sign3A_144 : i32
      %sign3A_146 = arith.extui %sign3A_145 : i1 to i32
      %sign3A_147 = arith.subi %sign3A_143, %sign3A_146 : i32
      %ne3A_148 = arith.cmpi ne, %sign3A_140, %sign3A_147 : i32
      %rem3A_149 = arith.remsi %min3A_105, %jit3A_132 : i32
      %ne3A_150 = arith.constant 0 : i32
      %ne3A_151 = arith.cmpi ne, %rem3A_149, %ne3A_150 : i32
      %and3A_152 = arith.andi %ne3A_148, %ne3A_151 : i1
      %sub3A_153 = arith.constant 1 : i32
      %sub3A_154 = arith.subi %div3A_133, %sub3A_153 : i32
      %select_n3A_155 = arith.select %and3A_152, %sub3A_154, %div3A_133 : i32
      %mul3A_156 = arith.constant 8 : i32
      %mul3A_157 = arith.muli %select_n3A_155, %mul3A_156 : i32
      %ge3A = arith.constant 3 : i32
      %ge3A_158 = arith.cmpi sge, %squeeze3A_92, %ge3A : i32
      %lt3A_159 = arith.constant 381 : i32
      %lt3A_160 = arith.cmpi slt, %squeeze3A_92, %lt3A_159 : i32
      %and3A_161 = arith.andi %ge3A_158, %lt3A_160 : i1
      %ge3A_162 = arith.constant 3 : i32
      %ge3A_163 = arith.cmpi sge, %squeeze3A_94, %ge3A_162 : i32
      %and3A_164 = arith.andi %and3A_161, %ge3A_163 : i1
      %lt3A_165 = arith.constant 381 : i32
      %lt3A_166 = arith.cmpi slt, %squeeze3A_94, %lt3A_165 : i32
      %and3A_167 = arith.andi %and3A_164, %lt3A_166 : i1
      %convert_element_type3A_168 = arith.extui %and3A_167 : i1 to i32
      %convert_element_type3A_169 = arith.sitofp %convert_element_type3A_168 : i32 to f32
      %mul3A_170 = arith.mulf %max3A_14, %convert_element_type3A_169 : f32
      %ge3A_171 = arith.constant 6 : i32
      %ge3A_172 = arith.cmpi sge, %squeeze3A_92, %ge3A_171 : i32
      %lt3A_173 = arith.constant 378 : i32
      %lt3A_174 = arith.cmpi slt, %squeeze3A_92, %lt3A_173 : i32
      %and3A_175 = arith.andi %ge3A_172, %lt3A_174 : i1
      %ge3A_176 = arith.constant 6 : i32
      %ge3A_177 = arith.cmpi sge, %squeeze3A_94, %ge3A_176 : i32
      %and3A_178 = arith.andi %and3A_175, %ge3A_177 : i1
      %lt3A_179 = arith.constant 378 : i32
      %lt3A_180 = arith.cmpi slt, %squeeze3A_94, %lt3A_179 : i32
      %and3A_181 = arith.andi %and3A_178, %lt3A_180 : i1
      %convert_element_type3A_182 = arith.extui %and3A_181 : i1 to i32
      %convert_element_type3A_183 = arith.sitofp %convert_element_type3A_182 : i32 to f32
      %mul3A_184 = arith.mulf %max3A_18, %convert_element_type3A_183 : f32
      %ge3A_185 = arith.constant 12 : i32
      %ge3A_186 = arith.cmpi sge, %squeeze3A_92, %ge3A_185 : i32
      %lt3A_187 = arith.constant 372 : i32
      %lt3A_188 = arith.cmpi slt, %squeeze3A_92, %lt3A_187 : i32
      %and3A_189 = arith.andi %ge3A_186, %lt3A_188 : i1
      %ge3A_190 = arith.constant 12 : i32
      %ge3A_191 = arith.cmpi sge, %squeeze3A_94, %ge3A_190 : i32
      %and3A_192 = arith.andi %and3A_189, %ge3A_191 : i1
      %lt3A_193 = arith.constant 372 : i32
      %lt3A_194 = arith.cmpi slt, %squeeze3A_94, %lt3A_193 : i32
      %and3A_195 = arith.andi %and3A_192, %lt3A_194 : i1
      %convert_element_type3A_196 = arith.extui %and3A_195 : i1 to i32
      %convert_element_type3A_197 = arith.sitofp %convert_element_type3A_196 : i32 to f32
      %mul3A_198 = arith.mulf %max3A_22, %convert_element_type3A_197 : f32
      %add3A_199 = arith.constant 0 : i32
      %add3A_200 = arith.addi %mul3A_131, %add3A_199 : i32
      %add3A_201 = vector.broadcast %add3A_200 : i32 to vector<16xi32>
      %add3A_202 = arith.addi %add3A_201, %iota3A : vector<16xi32>
      %sub3A_203 = vector.broadcast %squeeze3A_92 : i32 to vector<16xi32>
      %sub3A_204 = arith.subi %add3A_202, %sub3A_203 : vector<16xi32>
      %mul3A_205 = arith.muli %sub3A_204, %sub3A_204 : vector<16xi32>
      %convert_element_type3A_206 = arith.sitofp %mul3A_205 : vector<16xi32> to vector<16xf32>
      %abs3A = math.absi %sub3A_204 : vector<16xi32>
      %le3A = arith.constant 3 : i32
      %le3A_207 = vector.broadcast %le3A : i32 to vector<16xi32>
      %le3A_208 = arith.cmpi sle, %abs3A, %le3A_207 : vector<16xi32>
      %neg3A = arith.constant 0.000000e+00 : f32
      %neg3A_209 = vector.broadcast %neg3A : f32 to vector<16xf32>
      %neg3A_210 = arith.subf %neg3A_209, %convert_element_type3A_206 : vector<16xf32>
      %mul3A_211 = arith.constant 5.000000e-01 : f32
      %mul3A_212 = vector.broadcast %mul3A_211 : f32 to vector<16xf32>
      %mul3A_213 = arith.mulf %neg3A_210, %mul3A_212 : vector<16xf32>
      %exp3A = math.exp %mul3A_213 : vector<16xf32>
      %jit3A_214 = arith.constant 0.000000e+00 : f32
      %broadcast_in_dim3A_215 = vector.broadcast %jit3A_214 : f32 to vector<16xf32>
      %select_n3A_216 = arith.select %le3A_208, %exp3A, %broadcast_in_dim3A_215 : vector<16xi1>, vector<16xf32>
      %add3A_217 = arith.constant 16 : i32
      %add3A_218 = arith.addi %mul3A_131, %add3A_217 : i32
      %add3A_219 = vector.broadcast %add3A_218 : i32 to vector<16xi32>
      %add3A_220 = arith.addi %add3A_219, %iota3A : vector<16xi32>
      %sub3A_221 = vector.broadcast %squeeze3A_92 : i32 to vector<16xi32>
      %sub3A_222 = arith.subi %add3A_220, %sub3A_221 : vector<16xi32>
      %mul3A_223 = arith.muli %sub3A_222, %sub3A_222 : vector<16xi32>
      %convert_element_type3A_224 = arith.sitofp %mul3A_223 : vector<16xi32> to vector<16xf32>
      %abs3A_225 = math.absi %sub3A_222 : vector<16xi32>
      %le3A_226 = arith.constant 3 : i32
      %le3A_227 = vector.broadcast %le3A_226 : i32 to vector<16xi32>
      %le3A_228 = arith.cmpi sle, %abs3A_225, %le3A_227 : vector<16xi32>
      %neg3A_229 = arith.constant 0.000000e+00 : f32
      %neg3A_230 = vector.broadcast %neg3A_229 : f32 to vector<16xf32>
      %neg3A_231 = arith.subf %neg3A_230, %convert_element_type3A_224 : vector<16xf32>
      %mul3A_232 = arith.constant 5.000000e-01 : f32
      %mul3A_233 = vector.broadcast %mul3A_232 : f32 to vector<16xf32>
      %mul3A_234 = arith.mulf %neg3A_231, %mul3A_233 : vector<16xf32>
      %exp3A_235 = math.exp %mul3A_234 : vector<16xf32>
      %jit3A_236 = arith.constant 0.000000e+00 : f32
      %broadcast_in_dim3A_237 = vector.broadcast %jit3A_236 : f32 to vector<16xf32>
      %select_n3A_238 = arith.select %le3A_228, %exp3A_235, %broadcast_in_dim3A_237 : vector<16xi1>, vector<16xf32>
      %add3A_239 = arith.constant 32 : i32
      %add3A_240 = arith.addi %mul3A_131, %add3A_239 : i32
      %add3A_241 = vector.broadcast %add3A_240 : i32 to vector<16xi32>
      %add3A_242 = arith.addi %add3A_241, %iota3A : vector<16xi32>
      %sub3A_243 = vector.broadcast %squeeze3A_92 : i32 to vector<16xi32>
      %sub3A_244 = arith.subi %add3A_242, %sub3A_243 : vector<16xi32>
      %mul3A_245 = arith.muli %sub3A_244, %sub3A_244 : vector<16xi32>
      %convert_element_type3A_246 = arith.sitofp %mul3A_245 : vector<16xi32> to vector<16xf32>
      %abs3A_247 = math.absi %sub3A_244 : vector<16xi32>
      %le3A_248 = arith.constant 3 : i32
      %le3A_249 = vector.broadcast %le3A_248 : i32 to vector<16xi32>
      %le3A_250 = arith.cmpi sle, %abs3A_247, %le3A_249 : vector<16xi32>
      %neg3A_251 = arith.constant 0.000000e+00 : f32
      %neg3A_252 = vector.broadcast %neg3A_251 : f32 to vector<16xf32>
      %neg3A_253 = arith.subf %neg3A_252, %convert_element_type3A_246 : vector<16xf32>
      %mul3A_254 = arith.constant 5.000000e-01 : f32
      %mul3A_255 = vector.broadcast %mul3A_254 : f32 to vector<16xf32>
      %mul3A_256 = arith.mulf %neg3A_253, %mul3A_255 : vector<16xf32>
      %exp3A_257 = math.exp %mul3A_256 : vector<16xf32>
      %jit3A_258 = arith.constant 0.000000e+00 : f32
      %broadcast_in_dim3A_259 = vector.broadcast %jit3A_258 : f32 to vector<16xf32>
      %select_n3A_260 = arith.select %le3A_250, %exp3A_257, %broadcast_in_dim3A_259 : vector<16xi1>, vector<16xf32>
      %add3A_261 = arith.constant 0 : i32
      %add3A_262 = arith.addi %mul3A_157, %add3A_261 : i32
      %add3A_263 = vector.broadcast %add3A_262 : i32 to vector<16xi32>
      %add3A_264 = arith.addi %add3A_263, %iota3A : vector<16xi32>
      %sub3A_265 = vector.broadcast %squeeze3A_94 : i32 to vector<16xi32>
      %sub3A_266 = arith.subi %add3A_264, %sub3A_265 : vector<16xi32>
      %mul3A_267 = arith.muli %sub3A_266, %sub3A_266 : vector<16xi32>
      %convert_element_type3A_268 = arith.sitofp %mul3A_267 : vector<16xi32> to vector<16xf32>
      %abs3A_269 = math.absi %sub3A_266 : vector<16xi32>
      %le3A_270 = arith.constant 3 : i32
      %le3A_271 = vector.broadcast %le3A_270 : i32 to vector<16xi32>
      %le3A_272 = arith.cmpi sle, %abs3A_269, %le3A_271 : vector<16xi32>
      %neg3A_273 = arith.constant 0.000000e+00 : f32
      %neg3A_274 = vector.broadcast %neg3A_273 : f32 to vector<16xf32>
      %neg3A_275 = arith.subf %neg3A_274, %convert_element_type3A_268 : vector<16xf32>
      %mul3A_276 = arith.constant 5.000000e-01 : f32
      %mul3A_277 = vector.broadcast %mul3A_276 : f32 to vector<16xf32>
      %mul3A_278 = arith.mulf %neg3A_275, %mul3A_277 : vector<16xf32>
      %exp3A_279 = math.exp %mul3A_278 : vector<16xf32>
      %jit3A_280 = arith.constant 0.000000e+00 : f32
      %broadcast_in_dim3A_281 = vector.broadcast %jit3A_280 : f32 to vector<16xf32>
      %select_n3A_282 = arith.select %le3A_272, %exp3A_279, %broadcast_in_dim3A_281 : vector<16xi1>, vector<16xf32>
      %mul3A_283 = vector.broadcast %mul3A_170 : f32 to vector<16xf32>
      %mul3A_284 = arith.mulf %select_n3A_282, %mul3A_283 : vector<16xf32>
      %add3A_285 = arith.constant 16 : i32
      %add3A_286 = arith.addi %mul3A_157, %add3A_285 : i32
      %add3A_287 = vector.broadcast %add3A_286 : i32 to vector<16xi32>
      %add3A_288 = arith.addi %add3A_287, %iota3A : vector<16xi32>
      %sub3A_289 = vector.broadcast %squeeze3A_94 : i32 to vector<16xi32>
      %sub3A_290 = arith.subi %add3A_288, %sub3A_289 : vector<16xi32>
      %mul3A_291 = arith.muli %sub3A_290, %sub3A_290 : vector<16xi32>
      %convert_element_type3A_292 = arith.sitofp %mul3A_291 : vector<16xi32> to vector<16xf32>
      %abs3A_293 = math.absi %sub3A_290 : vector<16xi32>
      %le3A_294 = arith.constant 3 : i32
      %le3A_295 = vector.broadcast %le3A_294 : i32 to vector<16xi32>
      %le3A_296 = arith.cmpi sle, %abs3A_293, %le3A_295 : vector<16xi32>
      %neg3A_297 = arith.constant 0.000000e+00 : f32
      %neg3A_298 = vector.broadcast %neg3A_297 : f32 to vector<16xf32>
      %neg3A_299 = arith.subf %neg3A_298, %convert_element_type3A_292 : vector<16xf32>
      %mul3A_300 = arith.constant 5.000000e-01 : f32
      %mul3A_301 = vector.broadcast %mul3A_300 : f32 to vector<16xf32>
      %mul3A_302 = arith.mulf %neg3A_299, %mul3A_301 : vector<16xf32>
      %exp3A_303 = math.exp %mul3A_302 : vector<16xf32>
      %jit3A_304 = arith.constant 0.000000e+00 : f32
      %broadcast_in_dim3A_305 = vector.broadcast %jit3A_304 : f32 to vector<16xf32>
      %select_n3A_306 = arith.select %le3A_296, %exp3A_303, %broadcast_in_dim3A_305 : vector<16xi1>, vector<16xf32>
      %mul3A_307 = vector.broadcast %mul3A_170 : f32 to vector<16xf32>
      %mul3A_308 = arith.mulf %select_n3A_306, %mul3A_307 : vector<16xf32>
      %add3A_309 = arith.constant 0 : i32
      %add3A_310 = arith.addi %mul3A_131, %add3A_309 : i32
      %add3A_311 = vector.broadcast %add3A_310 : i32 to vector<16xi32>
      %add3A_312 = arith.addi %add3A_311, %iota3A : vector<16xi32>
      %sub3A_313 = vector.broadcast %squeeze3A_92 : i32 to vector<16xi32>
      %sub3A_314 = arith.subi %add3A_312, %sub3A_313 : vector<16xi32>
      %mul3A_315 = arith.muli %sub3A_314, %sub3A_314 : vector<16xi32>
      %convert_element_type3A_316 = arith.sitofp %mul3A_315 : vector<16xi32> to vector<16xf32>
      %abs3A_317 = math.absi %sub3A_314 : vector<16xi32>
      %le3A_318 = arith.constant 6 : i32
      %le3A_319 = vector.broadcast %le3A_318 : i32 to vector<16xi32>
      %le3A_320 = arith.cmpi sle, %abs3A_317, %le3A_319 : vector<16xi32>
      %neg3A_321 = arith.constant 0.000000e+00 : f32
      %neg3A_322 = vector.broadcast %neg3A_321 : f32 to vector<16xf32>
      %neg3A_323 = arith.subf %neg3A_322, %convert_element_type3A_316 : vector<16xf32>
      %mul3A_324 = arith.constant 1.250000e-01 : f32
      %mul3A_325 = vector.broadcast %mul3A_324 : f32 to vector<16xf32>
      %mul3A_326 = arith.mulf %neg3A_323, %mul3A_325 : vector<16xf32>
      %exp3A_327 = math.exp %mul3A_326 : vector<16xf32>
      %jit3A_328 = arith.constant 0.000000e+00 : f32
      %broadcast_in_dim3A_329 = vector.broadcast %jit3A_328 : f32 to vector<16xf32>
      %select_n3A_330 = arith.select %le3A_320, %exp3A_327, %broadcast_in_dim3A_329 : vector<16xi1>, vector<16xf32>
      %add3A_331 = arith.constant 16 : i32
      %add3A_332 = arith.addi %mul3A_131, %add3A_331 : i32
      %add3A_333 = vector.broadcast %add3A_332 : i32 to vector<16xi32>
      %add3A_334 = arith.addi %add3A_333, %iota3A : vector<16xi32>
      %sub3A_335 = vector.broadcast %squeeze3A_92 : i32 to vector<16xi32>
      %sub3A_336 = arith.subi %add3A_334, %sub3A_335 : vector<16xi32>
      %mul3A_337 = arith.muli %sub3A_336, %sub3A_336 : vector<16xi32>
      %convert_element_type3A_338 = arith.sitofp %mul3A_337 : vector<16xi32> to vector<16xf32>
      %abs3A_339 = math.absi %sub3A_336 : vector<16xi32>
      %le3A_340 = arith.constant 6 : i32
      %le3A_341 = vector.broadcast %le3A_340 : i32 to vector<16xi32>
      %le3A_342 = arith.cmpi sle, %abs3A_339, %le3A_341 : vector<16xi32>
      %neg3A_343 = arith.constant 0.000000e+00 : f32
      %neg3A_344 = vector.broadcast %neg3A_343 : f32 to vector<16xf32>
      %neg3A_345 = arith.subf %neg3A_344, %convert_element_type3A_338 : vector<16xf32>
      %mul3A_346 = arith.constant 1.250000e-01 : f32
      %mul3A_347 = vector.broadcast %mul3A_346 : f32 to vector<16xf32>
      %mul3A_348 = arith.mulf %neg3A_345, %mul3A_347 : vector<16xf32>
      %exp3A_349 = math.exp %mul3A_348 : vector<16xf32>
      %jit3A_350 = arith.constant 0.000000e+00 : f32
      %broadcast_in_dim3A_351 = vector.broadcast %jit3A_350 : f32 to vector<16xf32>
      %select_n3A_352 = arith.select %le3A_342, %exp3A_349, %broadcast_in_dim3A_351 : vector<16xi1>, vector<16xf32>
      %add3A_353 = arith.constant 32 : i32
      %add3A_354 = arith.addi %mul3A_131, %add3A_353 : i32
      %add3A_355 = vector.broadcast %add3A_354 : i32 to vector<16xi32>
      %add3A_356 = arith.addi %add3A_355, %iota3A : vector<16xi32>
      %sub3A_357 = vector.broadcast %squeeze3A_92 : i32 to vector<16xi32>
      %sub3A_358 = arith.subi %add3A_356, %sub3A_357 : vector<16xi32>
      %mul3A_359 = arith.muli %sub3A_358, %sub3A_358 : vector<16xi32>
      %convert_element_type3A_360 = arith.sitofp %mul3A_359 : vector<16xi32> to vector<16xf32>
      %abs3A_361 = math.absi %sub3A_358 : vector<16xi32>
      %le3A_362 = arith.constant 6 : i32
      %le3A_363 = vector.broadcast %le3A_362 : i32 to vector<16xi32>
      %le3A_364 = arith.cmpi sle, %abs3A_361, %le3A_363 : vector<16xi32>
      %neg3A_365 = arith.constant 0.000000e+00 : f32
      %neg3A_366 = vector.broadcast %neg3A_365 : f32 to vector<16xf32>
      %neg3A_367 = arith.subf %neg3A_366, %convert_element_type3A_360 : vector<16xf32>
      %mul3A_368 = arith.constant 1.250000e-01 : f32
      %mul3A_369 = vector.broadcast %mul3A_368 : f32 to vector<16xf32>
      %mul3A_370 = arith.mulf %neg3A_367, %mul3A_369 : vector<16xf32>
      %exp3A_371 = math.exp %mul3A_370 : vector<16xf32>
      %jit3A_372 = arith.constant 0.000000e+00 : f32
      %broadcast_in_dim3A_373 = vector.broadcast %jit3A_372 : f32 to vector<16xf32>
      %select_n3A_374 = arith.select %le3A_364, %exp3A_371, %broadcast_in_dim3A_373 : vector<16xi1>, vector<16xf32>
      %add3A_375 = arith.constant 0 : i32
      %add3A_376 = arith.addi %mul3A_157, %add3A_375 : i32
      %add3A_377 = vector.broadcast %add3A_376 : i32 to vector<16xi32>
      %add3A_378 = arith.addi %add3A_377, %iota3A : vector<16xi32>
      %sub3A_379 = vector.broadcast %squeeze3A_94 : i32 to vector<16xi32>
      %sub3A_380 = arith.subi %add3A_378, %sub3A_379 : vector<16xi32>
      %mul3A_381 = arith.muli %sub3A_380, %sub3A_380 : vector<16xi32>
      %convert_element_type3A_382 = arith.sitofp %mul3A_381 : vector<16xi32> to vector<16xf32>
      %abs3A_383 = math.absi %sub3A_380 : vector<16xi32>
      %le3A_384 = arith.constant 6 : i32
      %le3A_385 = vector.broadcast %le3A_384 : i32 to vector<16xi32>
      %le3A_386 = arith.cmpi sle, %abs3A_383, %le3A_385 : vector<16xi32>
      %neg3A_387 = arith.constant 0.000000e+00 : f32
      %neg3A_388 = vector.broadcast %neg3A_387 : f32 to vector<16xf32>
      %neg3A_389 = arith.subf %neg3A_388, %convert_element_type3A_382 : vector<16xf32>
      %mul3A_390 = arith.constant 1.250000e-01 : f32
      %mul3A_391 = vector.broadcast %mul3A_390 : f32 to vector<16xf32>
      %mul3A_392 = arith.mulf %neg3A_389, %mul3A_391 : vector<16xf32>
      %exp3A_393 = math.exp %mul3A_392 : vector<16xf32>
      %jit3A_394 = arith.constant 0.000000e+00 : f32
      %broadcast_in_dim3A_395 = vector.broadcast %jit3A_394 : f32 to vector<16xf32>
      %select_n3A_396 = arith.select %le3A_386, %exp3A_393, %broadcast_in_dim3A_395 : vector<16xi1>, vector<16xf32>
      %mul3A_397 = vector.broadcast %mul3A_184 : f32 to vector<16xf32>
      %mul3A_398 = arith.mulf %select_n3A_396, %mul3A_397 : vector<16xf32>
      %add3A_399 = arith.constant 16 : i32
      %add3A_400 = arith.addi %mul3A_157, %add3A_399 : i32
      %add3A_401 = vector.broadcast %add3A_400 : i32 to vector<16xi32>
      %add3A_402 = arith.addi %add3A_401, %iota3A : vector<16xi32>
      %sub3A_403 = vector.broadcast %squeeze3A_94 : i32 to vector<16xi32>
      %sub3A_404 = arith.subi %add3A_402, %sub3A_403 : vector<16xi32>
      %mul3A_405 = arith.muli %sub3A_404, %sub3A_404 : vector<16xi32>
      %convert_element_type3A_406 = arith.sitofp %mul3A_405 : vector<16xi32> to vector<16xf32>
      %abs3A_407 = math.absi %sub3A_404 : vector<16xi32>
      %le3A_408 = arith.constant 6 : i32
      %le3A_409 = vector.broadcast %le3A_408 : i32 to vector<16xi32>
      %le3A_410 = arith.cmpi sle, %abs3A_407, %le3A_409 : vector<16xi32>
      %neg3A_411 = arith.constant 0.000000e+00 : f32
      %neg3A_412 = vector.broadcast %neg3A_411 : f32 to vector<16xf32>
      %neg3A_413 = arith.subf %neg3A_412, %convert_element_type3A_406 : vector<16xf32>
      %mul3A_414 = arith.constant 1.250000e-01 : f32
      %mul3A_415 = vector.broadcast %mul3A_414 : f32 to vector<16xf32>
      %mul3A_416 = arith.mulf %neg3A_413, %mul3A_415 : vector<16xf32>
      %exp3A_417 = math.exp %mul3A_416 : vector<16xf32>
      %jit3A_418 = arith.constant 0.000000e+00 : f32
      %broadcast_in_dim3A_419 = vector.broadcast %jit3A_418 : f32 to vector<16xf32>
      %select_n3A_420 = arith.select %le3A_410, %exp3A_417, %broadcast_in_dim3A_419 : vector<16xi1>, vector<16xf32>
      %mul3A_421 = vector.broadcast %mul3A_184 : f32 to vector<16xf32>
      %mul3A_422 = arith.mulf %select_n3A_420, %mul3A_421 : vector<16xf32>
      %add3A_423 = arith.constant 0 : i32
      %add3A_424 = arith.addi %mul3A_131, %add3A_423 : i32
      %add3A_425 = vector.broadcast %add3A_424 : i32 to vector<16xi32>
      %add3A_426 = arith.addi %add3A_425, %iota3A : vector<16xi32>
      %sub3A_427 = vector.broadcast %squeeze3A_92 : i32 to vector<16xi32>
      %sub3A_428 = arith.subi %add3A_426, %sub3A_427 : vector<16xi32>
      %mul3A_429 = arith.muli %sub3A_428, %sub3A_428 : vector<16xi32>
      %convert_element_type3A_430 = arith.sitofp %mul3A_429 : vector<16xi32> to vector<16xf32>
      %abs3A_431 = math.absi %sub3A_428 : vector<16xi32>
      %le3A_432 = arith.constant 12 : i32
      %le3A_433 = vector.broadcast %le3A_432 : i32 to vector<16xi32>
      %le3A_434 = arith.cmpi sle, %abs3A_431, %le3A_433 : vector<16xi32>
      %neg3A_435 = arith.constant 0.000000e+00 : f32
      %neg3A_436 = vector.broadcast %neg3A_435 : f32 to vector<16xf32>
      %neg3A_437 = arith.subf %neg3A_436, %convert_element_type3A_430 : vector<16xf32>
      %mul3A_438 = arith.constant 3.125000e-02 : f32
      %mul3A_439 = vector.broadcast %mul3A_438 : f32 to vector<16xf32>
      %mul3A_440 = arith.mulf %neg3A_437, %mul3A_439 : vector<16xf32>
      %exp3A_441 = math.exp %mul3A_440 : vector<16xf32>
      %jit3A_442 = arith.constant 0.000000e+00 : f32
      %broadcast_in_dim3A_443 = vector.broadcast %jit3A_442 : f32 to vector<16xf32>
      %select_n3A_444 = arith.select %le3A_434, %exp3A_441, %broadcast_in_dim3A_443 : vector<16xi1>, vector<16xf32>
      %add3A_445 = arith.constant 16 : i32
      %add3A_446 = arith.addi %mul3A_131, %add3A_445 : i32
      %add3A_447 = vector.broadcast %add3A_446 : i32 to vector<16xi32>
      %add3A_448 = arith.addi %add3A_447, %iota3A : vector<16xi32>
      %sub3A_449 = vector.broadcast %squeeze3A_92 : i32 to vector<16xi32>
      %sub3A_450 = arith.subi %add3A_448, %sub3A_449 : vector<16xi32>
      %mul3A_451 = arith.muli %sub3A_450, %sub3A_450 : vector<16xi32>
      %convert_element_type3A_452 = arith.sitofp %mul3A_451 : vector<16xi32> to vector<16xf32>
      %abs3A_453 = math.absi %sub3A_450 : vector<16xi32>
      %le3A_454 = arith.constant 12 : i32
      %le3A_455 = vector.broadcast %le3A_454 : i32 to vector<16xi32>
      %le3A_456 = arith.cmpi sle, %abs3A_453, %le3A_455 : vector<16xi32>
      %neg3A_457 = arith.constant 0.000000e+00 : f32
      %neg3A_458 = vector.broadcast %neg3A_457 : f32 to vector<16xf32>
      %neg3A_459 = arith.subf %neg3A_458, %convert_element_type3A_452 : vector<16xf32>
      %mul3A_460 = arith.constant 3.125000e-02 : f32
      %mul3A_461 = vector.broadcast %mul3A_460 : f32 to vector<16xf32>
      %mul3A_462 = arith.mulf %neg3A_459, %mul3A_461 : vector<16xf32>
      %exp3A_463 = math.exp %mul3A_462 : vector<16xf32>
      %jit3A_464 = arith.constant 0.000000e+00 : f32
      %broadcast_in_dim3A_465 = vector.broadcast %jit3A_464 : f32 to vector<16xf32>
      %select_n3A_466 = arith.select %le3A_456, %exp3A_463, %broadcast_in_dim3A_465 : vector<16xi1>, vector<16xf32>
      %add3A_467 = arith.constant 32 : i32
      %add3A_468 = arith.addi %mul3A_131, %add3A_467 : i32
      %add3A_469 = vector.broadcast %add3A_468 : i32 to vector<16xi32>
      %add3A_470 = arith.addi %add3A_469, %iota3A : vector<16xi32>
      %sub3A_471 = vector.broadcast %squeeze3A_92 : i32 to vector<16xi32>
      %sub3A_472 = arith.subi %add3A_470, %sub3A_471 : vector<16xi32>
      %mul3A_473 = arith.muli %sub3A_472, %sub3A_472 : vector<16xi32>
      %convert_element_type3A_474 = arith.sitofp %mul3A_473 : vector<16xi32> to vector<16xf32>
      %abs3A_475 = math.absi %sub3A_472 : vector<16xi32>
      %le3A_476 = arith.constant 12 : i32
      %le3A_477 = vector.broadcast %le3A_476 : i32 to vector<16xi32>
      %le3A_478 = arith.cmpi sle, %abs3A_475, %le3A_477 : vector<16xi32>
      %neg3A_479 = arith.constant 0.000000e+00 : f32
      %neg3A_480 = vector.broadcast %neg3A_479 : f32 to vector<16xf32>
      %neg3A_481 = arith.subf %neg3A_480, %convert_element_type3A_474 : vector<16xf32>
      %mul3A_482 = arith.constant 3.125000e-02 : f32
      %mul3A_483 = vector.broadcast %mul3A_482 : f32 to vector<16xf32>
      %mul3A_484 = arith.mulf %neg3A_481, %mul3A_483 : vector<16xf32>
      %exp3A_485 = math.exp %mul3A_484 : vector<16xf32>
      %jit3A_486 = arith.constant 0.000000e+00 : f32
      %broadcast_in_dim3A_487 = vector.broadcast %jit3A_486 : f32 to vector<16xf32>
      %select_n3A_488 = arith.select %le3A_478, %exp3A_485, %broadcast_in_dim3A_487 : vector<16xi1>, vector<16xf32>
      %add3A_489 = arith.constant 0 : i32
      %add3A_490 = arith.addi %mul3A_157, %add3A_489 : i32
      %add3A_491 = vector.broadcast %add3A_490 : i32 to vector<16xi32>
      %add3A_492 = arith.addi %add3A_491, %iota3A : vector<16xi32>
      %sub3A_493 = vector.broadcast %squeeze3A_94 : i32 to vector<16xi32>
      %sub3A_494 = arith.subi %add3A_492, %sub3A_493 : vector<16xi32>
      %mul3A_495 = arith.muli %sub3A_494, %sub3A_494 : vector<16xi32>
      %convert_element_type3A_496 = arith.sitofp %mul3A_495 : vector<16xi32> to vector<16xf32>
      %abs3A_497 = math.absi %sub3A_494 : vector<16xi32>
      %le3A_498 = arith.constant 12 : i32
      %le3A_499 = vector.broadcast %le3A_498 : i32 to vector<16xi32>
      %le3A_500 = arith.cmpi sle, %abs3A_497, %le3A_499 : vector<16xi32>
      %neg3A_501 = arith.constant 0.000000e+00 : f32
      %neg3A_502 = vector.broadcast %neg3A_501 : f32 to vector<16xf32>
      %neg3A_503 = arith.subf %neg3A_502, %convert_element_type3A_496 : vector<16xf32>
      %mul3A_504 = arith.constant 3.125000e-02 : f32
      %mul3A_505 = vector.broadcast %mul3A_504 : f32 to vector<16xf32>
      %mul3A_506 = arith.mulf %neg3A_503, %mul3A_505 : vector<16xf32>
      %exp3A_507 = math.exp %mul3A_506 : vector<16xf32>
      %jit3A_508 = arith.constant 0.000000e+00 : f32
      %broadcast_in_dim3A_509 = vector.broadcast %jit3A_508 : f32 to vector<16xf32>
      %select_n3A_510 = arith.select %le3A_500, %exp3A_507, %broadcast_in_dim3A_509 : vector<16xi1>, vector<16xf32>
      %mul3A_511 = vector.broadcast %mul3A_198 : f32 to vector<16xf32>
      %mul3A_512 = arith.mulf %select_n3A_510, %mul3A_511 : vector<16xf32>
      %add3A_513 = arith.constant 16 : i32
      %add3A_514 = arith.addi %mul3A_157, %add3A_513 : i32
      %add3A_515 = vector.broadcast %add3A_514 : i32 to vector<16xi32>
      %add3A_516 = arith.addi %add3A_515, %iota3A : vector<16xi32>
      %sub3A_517 = vector.broadcast %squeeze3A_94 : i32 to vector<16xi32>
      %sub3A_518 = arith.subi %add3A_516, %sub3A_517 : vector<16xi32>
      %mul3A_519 = arith.muli %sub3A_518, %sub3A_518 : vector<16xi32>
      %convert_element_type3A_520 = arith.sitofp %mul3A_519 : vector<16xi32> to vector<16xf32>
      %abs3A_521 = math.absi %sub3A_518 : vector<16xi32>
      %le3A_522 = arith.constant 12 : i32
      %le3A_523 = vector.broadcast %le3A_522 : i32 to vector<16xi32>
      %le3A_524 = arith.cmpi sle, %abs3A_521, %le3A_523 : vector<16xi32>
      %neg3A_525 = arith.constant 0.000000e+00 : f32
      %neg3A_526 = vector.broadcast %neg3A_525 : f32 to vector<16xf32>
      %neg3A_527 = arith.subf %neg3A_526, %convert_element_type3A_520 : vector<16xf32>
      %mul3A_528 = arith.constant 3.125000e-02 : f32
      %mul3A_529 = vector.broadcast %mul3A_528 : f32 to vector<16xf32>
      %mul3A_530 = arith.mulf %neg3A_527, %mul3A_529 : vector<16xf32>
      %exp3A_531 = math.exp %mul3A_530 : vector<16xf32>
      %jit3A_532 = arith.constant 0.000000e+00 : f32
      %broadcast_in_dim3A_533 = vector.broadcast %jit3A_532 : f32 to vector<16xf32>
      %select_n3A_534 = arith.select %le3A_524, %exp3A_531, %broadcast_in_dim3A_533 : vector<16xi1>, vector<16xf32>
      %mul3A_535 = vector.broadcast %mul3A_198 : f32 to vector<16xf32>
      %mul3A_536 = arith.mulf %select_n3A_534, %mul3A_535 : vector<16xf32>
      %scan3A_537 = arith.constant 0 : i32
      %scan3A_538 = arith.constant 0 : i32
      %scan3A_539 = arith.constant 32 : i32
      %scan3A_540 = arith.addi %scan3A_538, %scan3A_539 : i32
      %scan3A_541 = arith.constant 1 : i32
      scf.for %scan3A_555 = %scan3A_538 to %scan3A_540 step %scan3A_541  : i32 {
        %jit3A_556 = arith.constant 16 : i32
        %eq3A_557 = arith.constant 0 : i32
        %eq3A_558 = arith.cmpi eq, %jit3A_556, %eq3A_557 : i32
        %jit3A_559 = arith.constant 1 : i32
        %select_n3A_560 = arith.select %eq3A_558, %jit3A_559, %jit3A_556 : i32
        %rem3A_561 = arith.remsi %scan3A_555, %select_n3A_560 : i32
        %ne3A_562 = arith.constant 0 : i32
        %ne3A_563 = arith.cmpi ne, %rem3A_561, %ne3A_562 : i32
        %lt3A_564 = arith.constant 0 : i32
        %lt3A_565 = arith.cmpi slt, %rem3A_561, %lt3A_564 : i32
        %lt3A_566 = arith.constant 0 : i32
        %lt3A_567 = arith.cmpi slt, %select_n3A_560, %lt3A_566 : i32
        %ne3A_568 = arith.xori %lt3A_565, %lt3A_567 : i1
        %and3A_569 = arith.andi %ne3A_568, %ne3A_563 : i1
        %add3A_570 = arith.addi %rem3A_561, %select_n3A_560 : i32
        %select_n3A_571 = arith.select %and3A_569, %add3A_570, %rem3A_561 : i32
        %broadcast_in_dim3A_572 = vector.broadcast %select_n3A_571 : i32 to vector<16xi32>
        %lt3A_573 = arith.constant 16 : i32
        %lt3A_574 = arith.cmpi slt, %scan3A_555, %lt3A_573 : i32
        %select_n3A_575 = arith.select %lt3A_574, %mul3A_284, %mul3A_308 : vector<16xf32>
        %lt3A_576 = arith.constant 0 : i32
        %lt3A_577 = vector.broadcast %lt3A_576 : i32 to vector<16xi32>
        %lt3A_578 = arith.cmpi slt, %broadcast_in_dim3A_572, %lt3A_577 : vector<16xi32>
        %add3A_579 = arith.constant 16 : i32
        %add3A_580 = vector.broadcast %add3A_579 : i32 to vector<16xi32>
        %add3A_581 = arith.addi %broadcast_in_dim3A_572, %add3A_580 : vector<16xi32>
        %select_n3A_582 = arith.select %lt3A_578, %add3A_581, %broadcast_in_dim3A_572 : vector<16xi1>, vector<16xi32>
        %broadcast_in_dim3A_583 = vector.shape_cast %select_n3A_582 : vector<16xi32> to vector<16x1xi32>
        %gather3A = vector.shape_cast %broadcast_in_dim3A_583 : vector<16x1xi32> to vector<16xi32>
        %gather3A_584 = tpu.dynamic_gather %select_n3A_575[%gather3A] in [0] : vector<16xf32>, vector<16xi32> -> vector<16xf32>
        %select_n3A_585 = arith.select %lt3A_574, %mul3A_398, %mul3A_422 : vector<16xf32>
        %lt3A_586 = arith.constant 0 : i32
        %lt3A_587 = vector.broadcast %lt3A_586 : i32 to vector<16xi32>
        %lt3A_588 = arith.cmpi slt, %broadcast_in_dim3A_572, %lt3A_587 : vector<16xi32>
        %add3A_589 = arith.constant 16 : i32
        %add3A_590 = vector.broadcast %add3A_589 : i32 to vector<16xi32>
        %add3A_591 = arith.addi %broadcast_in_dim3A_572, %add3A_590 : vector<16xi32>
        %select_n3A_592 = arith.select %lt3A_588, %add3A_591, %broadcast_in_dim3A_572 : vector<16xi1>, vector<16xi32>
        %broadcast_in_dim3A_593 = vector.shape_cast %select_n3A_592 : vector<16xi32> to vector<16x1xi32>
        %gather3A_594 = vector.shape_cast %broadcast_in_dim3A_593 : vector<16x1xi32> to vector<16xi32>
        %gather3A_595 = tpu.dynamic_gather %select_n3A_585[%gather3A_594] in [0] : vector<16xf32>, vector<16xi32> -> vector<16xf32>
        %select_n3A_596 = arith.select %lt3A_574, %mul3A_512, %mul3A_536 : vector<16xf32>
        %lt3A_597 = arith.constant 0 : i32
        %lt3A_598 = vector.broadcast %lt3A_597 : i32 to vector<16xi32>
        %lt3A_599 = arith.cmpi slt, %broadcast_in_dim3A_572, %lt3A_598 : vector<16xi32>
        %add3A_600 = arith.constant 16 : i32
        %add3A_601 = vector.broadcast %add3A_600 : i32 to vector<16xi32>
        %add3A_602 = arith.addi %broadcast_in_dim3A_572, %add3A_601 : vector<16xi32>
        %select_n3A_603 = arith.select %lt3A_599, %add3A_602, %broadcast_in_dim3A_572 : vector<16xi1>, vector<16xi32>
        %broadcast_in_dim3A_604 = vector.shape_cast %select_n3A_603 : vector<16xi32> to vector<16x1xi32>
        %gather3A_605 = vector.shape_cast %broadcast_in_dim3A_604 : vector<16x1xi32> to vector<16xi32>
        %gather3A_606 = tpu.dynamic_gather %select_n3A_596[%gather3A_605] in [0] : vector<16xf32>, vector<16xi32> -> vector<16xf32>
        %mul3A_607 = arith.mulf %gather3A_584, %select_n3A_216 : vector<16xf32>
        %mul3A_608 = arith.mulf %gather3A_595, %select_n3A_330 : vector<16xf32>
        %max3A_609 = arith.maximumf %mul3A_607, %mul3A_608 : vector<16xf32>
        %mul3A_610 = arith.mulf %gather3A_606, %select_n3A_444 : vector<16xf32>
        %max3A_611 = arith.maximumf %max3A_609, %mul3A_610 : vector<16xf32>
        %add3A_612 = arith.constant 0 : i32
        %add3A_613 = arith.addi %mul3A_131, %add3A_612 : i32
        %swap3A = arith.index_cast %scan3A_555 : i32 to index
        %swap3A_614 = arith.index_cast %add3A_613 : i32 to index
        %swap3A_615 = tpu.vector_load %arg8[%swap3A, %swap3A_614] {strides = array<i32>} : memref<32x384xf32, #tpu.memory_space<vmem>>, vector<1x16xf32>,
        %swap3A_616 = vector.shape_cast %swap3A_615 : vector<1x16xf32> to vector<16xf32>
        %swap3A_617 = vector.shape_cast %max3A_611 : vector<16xf32> to vector<1x16xf32>
        tpu.vector_store %arg8[%swap3A, %swap3A_614], %swap3A_617 {strides = array<i32>} : memref<32x384xf32, #tpu.memory_space<vmem>>, vector<1x16xf32>,
        %mul3A_618 = arith.mulf %gather3A_584, %select_n3A_238 : vector<16xf32>
        %mul3A_619 = arith.mulf %gather3A_595, %select_n3A_352 : vector<16xf32>
        %max3A_620 = arith.maximumf %mul3A_618, %mul3A_619 : vector<16xf32>
        %mul3A_621 = arith.mulf %gather3A_606, %select_n3A_466 : vector<16xf32>
        %max3A_622 = arith.maximumf %max3A_620, %mul3A_621 : vector<16xf32>
        %add3A_623 = arith.constant 16 : i32
        %add3A_624 = arith.addi %mul3A_131, %add3A_623 : i32
        %swap3A_625 = arith.index_cast %scan3A_555 : i32 to index
        %swap3A_626 = arith.index_cast %add3A_624 : i32 to index
        %swap3A_627 = tpu.vector_load %arg8[%swap3A_625, %swap3A_626] {strides = array<i32>} : memref<32x384xf32, #tpu.memory_space<vmem>>, vector<1x16xf32>,
        %swap3A_628 = vector.shape_cast %swap3A_627 : vector<1x16xf32> to vector<16xf32>
        %swap3A_629 = vector.shape_cast %max3A_622 : vector<16xf32> to vector<1x16xf32>
        tpu.vector_store %arg8[%swap3A_625, %swap3A_626], %swap3A_629 {strides = array<i32>} : memref<32x384xf32, #tpu.memory_space<vmem>>, vector<1x16xf32>,
        %mul3A_630 = arith.mulf %gather3A_584, %select_n3A_260 : vector<16xf32>
        %mul3A_631 = arith.mulf %gather3A_595, %select_n3A_374 : vector<16xf32>
        %max3A_632 = arith.maximumf %mul3A_630, %mul3A_631 : vector<16xf32>
        %mul3A_633 = arith.mulf %gather3A_606, %select_n3A_488 : vector<16xf32>
        %max3A_634 = arith.maximumf %max3A_632, %mul3A_633 : vector<16xf32>
        %add3A_635 = arith.constant 32 : i32
        %add3A_636 = arith.addi %mul3A_131, %add3A_635 : i32
        %swap3A_637 = arith.index_cast %scan3A_555 : i32 to index
        %swap3A_638 = arith.index_cast %add3A_636 : i32 to index
        %swap3A_639 = tpu.vector_load %arg8[%swap3A_637, %swap3A_638] {strides = array<i32>} : memref<32x384xf32, #tpu.memory_space<vmem>>, vector<1x16xf32>,
        %swap3A_640 = vector.shape_cast %swap3A_639 : vector<1x16xf32> to vector<16xf32>
        %swap3A_641 = vector.shape_cast %max3A_634 : vector<16xf32> to vector<1x16xf32>
        tpu.vector_store %arg8[%swap3A_637, %swap3A_638], %swap3A_641 {strides = array<i32>} : memref<32x384xf32, #tpu.memory_space<vmem>>, vector<1x16xf32>,
      }
      %scan3A_542 = arith.constant 32 : i32
      %scan3A_543 = arith.constant 0 : i32
      %scan3A_544 = arith.constant 0 : i32
      %scan3A_545 = arith.constant 16 : i32
      %scan3A_546 = arith.addi %scan3A_544, %scan3A_545 : i32
      %scan3A_547 = arith.constant 1 : i32
      scf.for %scan3A_555 = %scan3A_544 to %scan3A_546 step %scan3A_547  : i32 {
        %mul3A_556 = arith.constant 24 : i32
        %mul3A_557 = arith.muli %scan3A_555, %mul3A_556 : i32
        %dma_wait3A = arith.constant 0 : i32
        %dma_wait3A_558 = tpu.memref_slice %arg4[%select_n3A, %select_n3A_79, %mul3A_557, %dma_wait3A] : memref<8x15x384x384xf32, #tpu.memory_space<hbm>> -> memref<1x1x24x384xf32, #tpu.memory_space<hbm>>
        %dma_wait3A_559 = tpu.memref_squeeze %dma_wait3A_558 : memref<1x1x24x384xf32, #tpu.memory_space<hbm>> -> memref<24x384xf32, #tpu.memory_space<hbm>>
        %dma_wait3A_560 = arith.constant 0 : i32
        %dma_wait3A_561 = tpu.memref_slice %arg4[%select_n3A, %select_n3A_79, %mul3A_557, %dma_wait3A_560] : memref<8x15x384x384xf32, #tpu.memory_space<hbm>> -> memref<1x1x24x384xf32, #tpu.memory_space<hbm>>
        %dma_wait3A_562 = tpu.memref_squeeze %dma_wait3A_561 : memref<1x1x24x384xf32, #tpu.memory_space<hbm>> -> memref<24x384xf32, #tpu.memory_space<hbm>>
        tpu.wait_dma2 semaphore(%arg9 : memref<!tpu.dma_semaphore, #tpu.memory_space<semaphore_mem>>) src(%arg7 : memref<24x384xf32, #tpu.memory_space<vmem>>) dst(%dma_wait3A_562 : memref<24x384xf32, #tpu.memory_space<hbm>>)
      }
      %scan3A_548 = arith.constant 16 : i32
      "tpu.region"() ({
        %run_scoped3A = tpu.sem_alloc : memref<!tpu.dma_semaphore, #tpu.memory_space<semaphore_mem>>
        %dma_start3A = arith.constant 0 : i32
        %dma_start3A_555 = tpu.memref_slice %arg4[%select_n3A, %select_n3A_79, %mul3A_157, %dma_start3A] : memref<8x15x384x384xf32, #tpu.memory_space<hbm>> -> memref<1x1x32x384xf32, #tpu.memory_space<hbm>>
        %dma_start3A_556 = tpu.memref_squeeze %dma_start3A_555 : memref<1x1x32x384xf32, #tpu.memory_space<hbm>> -> memref<32x384xf32, #tpu.memory_space<hbm>>
        %dma_start3A_557 = arith.constant 0 : i32
        %dma_start3A_558 = tpu.memref_slice %arg4[%select_n3A, %select_n3A_79, %mul3A_157, %dma_start3A_557] : memref<8x15x384x384xf32, #tpu.memory_space<hbm>> -> memref<1x1x32x384xf32, #tpu.memory_space<hbm>>
        %dma_start3A_559 = tpu.memref_squeeze %dma_start3A_558 : memref<1x1x32x384xf32, #tpu.memory_space<hbm>> -> memref<32x384xf32, #tpu.memory_space<hbm>>
        tpu.enqueue_dma source(%arg8 : memref<32x384xf32, #tpu.memory_space<vmem>>) target(%dma_start3A_559 : memref<32x384xf32, #tpu.memory_space<hbm>>) target_semaphore(%run_scoped3A : memref<!tpu.dma_semaphore, #tpu.memory_space<semaphore_mem>>)
        %dma_wait3A = arith.constant 0 : i32
        %dma_wait3A_560 = tpu.memref_slice %arg4[%select_n3A, %select_n3A_79, %mul3A_157, %dma_wait3A] : memref<8x15x384x384xf32, #tpu.memory_space<hbm>> -> memref<1x1x32x384xf32, #tpu.memory_space<hbm>>
        %dma_wait3A_561 = tpu.memref_squeeze %dma_wait3A_560 : memref<1x1x32x384xf32, #tpu.memory_space<hbm>> -> memref<32x384xf32, #tpu.memory_space<hbm>>
        %dma_wait3A_562 = arith.constant 0 : i32
        %dma_wait3A_563 = tpu.memref_slice %arg4[%select_n3A, %select_n3A_79, %mul3A_157, %dma_wait3A_562] : memref<8x15x384x384xf32, #tpu.memory_space<hbm>> -> memref<1x1x32x384xf32, #tpu.memory_space<hbm>>
        %dma_wait3A_564 = tpu.memref_squeeze %dma_wait3A_563 : memref<1x1x32x384xf32, #tpu.memory_space<hbm>> -> memref<32x384xf32, #tpu.memory_space<hbm>>
        tpu.wait_dma2 semaphore(%run_scoped3A : memref<!tpu.dma_semaphore, #tpu.memory_space<semaphore_mem>>) src(%arg8 : memref<32x384xf32, #tpu.memory_space<vmem>>) dst(%dma_wait3A_564 : memref<32x384xf32, #tpu.memory_space<hbm>>)
        tpu.yield
      }) : () -> ()
      %scan3A_549 = arith.constant 0 : i32
      %scan3A_550 = arith.constant 0 : i32
      %scan3A_551 = arith.constant 32 : i32
      %scan3A_552 = arith.addi %scan3A_550, %scan3A_551 : i32
      %scan3A_553 = arith.constant 1 : i32
      scf.for %scan3A_555 = %scan3A_550 to %scan3A_552 step %scan3A_553  : i32 {
        %add3A_556 = arith.constant 0 : i32
        %add3A_557 = arith.addi %mul3A_131, %add3A_556 : i32
        %swap3A = arith.index_cast %scan3A_555 : i32 to index
        %swap3A_558 = arith.index_cast %add3A_557 : i32 to index
        %swap3A_559 = tpu.vector_load %arg8[%swap3A, %swap3A_558] {strides = array<i32>} : memref<32x384xf32, #tpu.memory_space<vmem>>, vector<1x16xf32>,
        %swap3A_560 = vector.shape_cast %swap3A_559 : vector<1x16xf32> to vector<16xf32>
        %swap3A_561 = vector.shape_cast %broadcast_in_dim3A_0 : vector<16xf32> to vector<1x16xf32>
        tpu.vector_store %arg8[%swap3A, %swap3A_558], %swap3A_561 {strides = array<i32>} : memref<32x384xf32, #tpu.memory_space<vmem>>, vector<1x16xf32>,
        %add3A_562 = arith.constant 16 : i32
        %add3A_563 = arith.addi %mul3A_131, %add3A_562 : i32
        %swap3A_564 = arith.index_cast %scan3A_555 : i32 to index
        %swap3A_565 = arith.index_cast %add3A_563 : i32 to index
        %swap3A_566 = tpu.vector_load %arg8[%swap3A_564, %swap3A_565] {strides = array<i32>} : memref<32x384xf32, #tpu.memory_space<vmem>>, vector<1x16xf32>,
        %swap3A_567 = vector.shape_cast %swap3A_566 : vector<1x16xf32> to vector<16xf32>
        %swap3A_568 = vector.shape_cast %broadcast_in_dim3A_0 : vector<16xf32> to vector<1x16xf32>
        tpu.vector_store %arg8[%swap3A_564, %swap3A_565], %swap3A_568 {strides = array<i32>} : memref<32x384xf32, #tpu.memory_space<vmem>>, vector<1x16xf32>,
        %add3A_569 = arith.constant 32 : i32
        %add3A_570 = arith.addi %mul3A_131, %add3A_569 : i32
        %swap3A_571 = arith.index_cast %scan3A_555 : i32 to index
        %swap3A_572 = arith.index_cast %add3A_570 : i32 to index
        %swap3A_573 = tpu.vector_load %arg8[%swap3A_571, %swap3A_572] {strides = array<i32>} : memref<32x384xf32, #tpu.memory_space<vmem>>, vector<1x16xf32>,
        %swap3A_574 = vector.shape_cast %swap3A_573 : vector<1x16xf32> to vector<16xf32>
        %swap3A_575 = vector.shape_cast %broadcast_in_dim3A_0 : vector<16xf32> to vector<1x16xf32>
        tpu.vector_store %arg8[%swap3A_571, %swap3A_572], %swap3A_575 {strides = array<i32>} : memref<32x384xf32, #tpu.memory_space<vmem>>, vector<1x16xf32>,
      }
      %scan3A_554 = arith.constant 32 : i32
    } else {
    }
    %add3A_26 = arith.constant 16 : i32
    %add3A_27 = arith.addi %arg1, %add3A_26 : i32
    %lt3A_28 = arith.constant 60 : i32
    %lt3A_29 = arith.cmpi slt, %add3A_27, %lt3A_28 : i32
    %convert_element_type3A_30 = arith.extui %lt3A_29 : i1 to i32
    %cond3A_31 = arith.constant 0 : i32
    %cond3A_32 = arith.cmpi ne, %convert_element_type3A_30, %cond3A_31 : i32
    scf.if %cond3A_32 {
      %mul3A = arith.constant 60 : i32
      %mul3A_47 = arith.muli %arg0, %mul3A : i32
      %add3A_48 = arith.addi %mul3A_47, %add3A_27 : i32
      %jit3A = arith.constant 15 : i32
      %div3A = arith.divsi %add3A_48, %jit3A : i32
      %sign3A = arith.constant 0 : i32
      %sign3A_49 = arith.cmpi sgt, %add3A_48, %sign3A : i32
      %sign3A_50 = arith.extui %sign3A_49 : i1 to i32
      %sign3A_51 = arith.constant 0 : i32
      %sign3A_52 = arith.cmpi slt, %add3A_48, %sign3A_51 : i32
      %sign3A_53 = arith.extui %sign3A_52 : i1 to i32
      %sign3A_54 = arith.subi %sign3A_50, %sign3A_53 : i32
      %sign3A_55 = arith.constant 0 : i32
      %sign3A_56 = arith.cmpi sgt, %jit3A, %sign3A_55 : i32
      %sign3A_57 = arith.extui %sign3A_56 : i1 to i32
      %sign3A_58 = arith.constant 0 : i32
      %sign3A_59 = arith.cmpi slt, %jit3A, %sign3A_58 : i32
      %sign3A_60 = arith.extui %sign3A_59 : i1 to i32
      %sign3A_61 = arith.subi %sign3A_57, %sign3A_60 : i32
      %ne3A = arith.cmpi ne, %sign3A_54, %sign3A_61 : i32
      %rem3A = arith.remsi %add3A_48, %jit3A : i32
      %ne3A_62 = arith.constant 0 : i32
      %ne3A_63 = arith.cmpi ne, %rem3A, %ne3A_62 : i32
      %and3A = arith.andi %ne3A, %ne3A_63 : i1
      %sub3A = arith.constant 1 : i32
      %sub3A_64 = arith.subi %div3A, %sub3A : i32
      %select_n3A = arith.select %and3A, %sub3A_64, %div3A : i32
      %jit3A_65 = arith.constant 15 : i32
      %eq3A = arith.constant 0 : i32
      %eq3A_66 = arith.cmpi eq, %jit3A_65, %eq3A : i32
      %jit3A_67 = arith.constant 1 : i32
      %select_n3A_68 = arith.select %eq3A_66, %jit3A_67, %jit3A_65 : i32
      %rem3A_69 = arith.remsi %add3A_48, %select_n3A_68 : i32
      %ne3A_70 = arith.constant 0 : i32
      %ne3A_71 = arith.cmpi ne, %rem3A_69, %ne3A_70 : i32
      %lt3A_72 = arith.constant 0 : i32
      %lt3A_73 = arith.cmpi slt, %rem3A_69, %lt3A_72 : i32
      %lt3A_74 = arith.constant 0 : i32
      %lt3A_75 = arith.cmpi slt, %select_n3A_68, %lt3A_74 : i32
      %ne3A_76 = arith.xori %lt3A_73, %lt3A_75 : i1
      %and3A_77 = arith.andi %ne3A_76, %ne3A_71 : i1
      %add3A_78 = arith.addi %rem3A_69, %select_n3A_68 : i32
      %select_n3A_79 = arith.select %and3A_77, %add3A_78, %rem3A_69 : i32
      %scan3A_80 = arith.constant 0 : i32
      %scan3A_81 = arith.constant 0 : i32
      %scan3A_82 = arith.constant 16 : i32
      %scan3A_83 = arith.addi %scan3A_81, %scan3A_82 : i32
      %scan3A_84 = arith.constant 1 : i32
      scf.for %scan3A_555 = %scan3A_81 to %scan3A_83 step %scan3A_84  : i32 {
        %mul3A_556 = arith.constant 24 : i32
        %mul3A_557 = arith.muli %scan3A_555, %mul3A_556 : i32
        %dma_start3A = arith.constant 0 : i32
        %dma_start3A_558 = tpu.memref_slice %arg4[%select_n3A, %select_n3A_79, %mul3A_557, %dma_start3A] : memref<8x15x384x384xf32, #tpu.memory_space<hbm>> -> memref<1x1x24x384xf32, #tpu.memory_space<hbm>>
        %dma_start3A_559 = tpu.memref_squeeze %dma_start3A_558 : memref<1x1x24x384xf32, #tpu.memory_space<hbm>> -> memref<24x384xf32, #tpu.memory_space<hbm>>
        %dma_start3A_560 = arith.constant 0 : i32
        %dma_start3A_561 = tpu.memref_slice %arg4[%select_n3A, %select_n3A_79, %mul3A_557, %dma_start3A_560] : memref<8x15x384x384xf32, #tpu.memory_space<hbm>> -> memref<1x1x24x384xf32, #tpu.memory_space<hbm>>
        %dma_start3A_562 = tpu.memref_squeeze %dma_start3A_561 : memref<1x1x24x384xf32, #tpu.memory_space<hbm>> -> memref<24x384xf32, #tpu.memory_space<hbm>>
        tpu.enqueue_dma source(%arg7 : memref<24x384xf32, #tpu.memory_space<vmem>>) target(%dma_start3A_562 : memref<24x384xf32, #tpu.memory_space<hbm>>) target_semaphore(%arg9 : memref<!tpu.dma_semaphore, #tpu.memory_space<semaphore_mem>>)
      }
      %scan3A_85 = arith.constant 16 : i32
      %mul3A_86 = arith.constant 2 : i32
      %mul3A_87 = arith.muli %mul3A_86, %add3A_48 : i32
      %get3A_88 = arith.index_cast %mul3A_87 : i32 to index
      %get3A_89 = tpu.vector_load %arg5[%get3A_88] {strides = array<i32>} : memref<256xi32, #tpu.memory_space<vmem>>, vector<16xi32>,
      %get3A_90 = vector.shape_cast %get3A_89 : vector<16xi32> to vector<16xi32>
      %slice3A_91 = vector.extract_strided_slice %get3A_90 {offsets = [0], sizes = [1], strides = [1]} : vector<16xi32> to vector<1xi32>
      %squeeze3A_92 = vector.extract %slice3A_91[0] : i32 from vector<1xi32>
      %slice3A_93 = vector.extract_strided_slice %get3A_90 {offsets = [1], sizes = [1], strides = [1]} : vector<16xi32> to vector<1xi32>
      %squeeze3A_94 = vector.extract %slice3A_93[0] : i32 from vector<1xi32>
      %sub3A_95 = arith.constant 12 : i32
      %sub3A_96 = arith.subi %squeeze3A_92, %sub3A_95 : i32
      %jit3A_97 = arith.constant 0 : i32
      %jit3A_98 = arith.constant 359 : i32
      %max3A_99 = arith.maxsi %jit3A_97, %sub3A_96 : i32
      %min3A = arith.minsi %jit3A_98, %max3A_99 : i32
      %sub3A_100 = arith.constant 12 : i32
      %sub3A_101 = arith.subi %squeeze3A_94, %sub3A_100 : i32
      %jit3A_102 = arith.constant 0 : i32
      %jit3A_103 = arith.constant 359 : i32
      %max3A_104 = arith.maxsi %jit3A_102, %sub3A_101 : i32
      %min3A_105 = arith.minsi %jit3A_103, %max3A_104 : i32
      %jit3A_106 = arith.constant 16 : i32
      %div3A_107 = arith.divsi %min3A, %jit3A_106 : i32
      %sign3A_108 = arith.constant 0 : i32
      %sign3A_109 = arith.cmpi sgt, %min3A, %sign3A_108 : i32
      %sign3A_110 = arith.extui %sign3A_109 : i1 to i32
      %sign3A_111 = arith.constant 0 : i32
      %sign3A_112 = arith.cmpi slt, %min3A, %sign3A_111 : i32
      %sign3A_113 = arith.extui %sign3A_112 : i1 to i32
      %sign3A_114 = arith.subi %sign3A_110, %sign3A_113 : i32
      %sign3A_115 = arith.constant 0 : i32
      %sign3A_116 = arith.cmpi sgt, %jit3A_106, %sign3A_115 : i32
      %sign3A_117 = arith.extui %sign3A_116 : i1 to i32
      %sign3A_118 = arith.constant 0 : i32
      %sign3A_119 = arith.cmpi slt, %jit3A_106, %sign3A_118 : i32
      %sign3A_120 = arith.extui %sign3A_119 : i1 to i32
      %sign3A_121 = arith.subi %sign3A_117, %sign3A_120 : i32
      %ne3A_122 = arith.cmpi ne, %sign3A_114, %sign3A_121 : i32
      %rem3A_123 = arith.remsi %min3A, %jit3A_106 : i32
      %ne3A_124 = arith.constant 0 : i32
      %ne3A_125 = arith.cmpi ne, %rem3A_123, %ne3A_124 : i32
      %and3A_126 = arith.andi %ne3A_122, %ne3A_125 : i1
      %sub3A_127 = arith.constant 1 : i32
      %sub3A_128 = arith.subi %div3A_107, %sub3A_127 : i32
      %select_n3A_129 = arith.select %and3A_126, %sub3A_128, %div3A_107 : i32
      %mul3A_130 = arith.constant 16 : i32
      %mul3A_131 = arith.muli %select_n3A_129, %mul3A_130 : i32
      %jit3A_132 = arith.constant 8 : i32
      %div3A_133 = arith.divsi %min3A_105, %jit3A_132 : i32
      %sign3A_134 = arith.constant 0 : i32
      %sign3A_135 = arith.cmpi sgt, %min3A_105, %sign3A_134 : i32
      %sign3A_136 = arith.extui %sign3A_135 : i1 to i32
      %sign3A_137 = arith.constant 0 : i32
      %sign3A_138 = arith.cmpi slt, %min3A_105, %sign3A_137 : i32
      %sign3A_139 = arith.extui %sign3A_138 : i1 to i32
      %sign3A_140 = arith.subi %sign3A_136, %sign3A_139 : i32
      %sign3A_141 = arith.constant 0 : i32
      %sign3A_142 = arith.cmpi sgt, %jit3A_132, %sign3A_141 : i32
      %sign3A_143 = arith.extui %sign3A_142 : i1 to i32
      %sign3A_144 = arith.constant 0 : i32
      %sign3A_145 = arith.cmpi slt, %jit3A_132, %sign3A_144 : i32
      %sign3A_146 = arith.extui %sign3A_145 : i1 to i32
      %sign3A_147 = arith.subi %sign3A_143, %sign3A_146 : i32
      %ne3A_148 = arith.cmpi ne, %sign3A_140, %sign3A_147 : i32
      %rem3A_149 = arith.remsi %min3A_105, %jit3A_132 : i32
      %ne3A_150 = arith.constant 0 : i32
      %ne3A_151 = arith.cmpi ne, %rem3A_149, %ne3A_150 : i32
      %and3A_152 = arith.andi %ne3A_148, %ne3A_151 : i1
      %sub3A_153 = arith.constant 1 : i32
      %sub3A_154 = arith.subi %div3A_133, %sub3A_153 : i32
      %select_n3A_155 = arith.select %and3A_152, %sub3A_154, %div3A_133 : i32
      %mul3A_156 = arith.constant 8 : i32
      %mul3A_157 = arith.muli %select_n3A_155, %mul3A_156 : i32
      %ge3A = arith.constant 3 : i32
      %ge3A_158 = arith.cmpi sge, %squeeze3A_92, %ge3A : i32
      %lt3A_159 = arith.constant 381 : i32
      %lt3A_160 = arith.cmpi slt, %squeeze3A_92, %lt3A_159 : i32
      %and3A_161 = arith.andi %ge3A_158, %lt3A_160 : i1
      %ge3A_162 = arith.constant 3 : i32
      %ge3A_163 = arith.cmpi sge, %squeeze3A_94, %ge3A_162 : i32
      %and3A_164 = arith.andi %and3A_161, %ge3A_163 : i1
      %lt3A_165 = arith.constant 381 : i32
      %lt3A_166 = arith.cmpi slt, %squeeze3A_94, %lt3A_165 : i32
      %and3A_167 = arith.andi %and3A_164, %lt3A_166 : i1
      %convert_element_type3A_168 = arith.extui %and3A_167 : i1 to i32
      %convert_element_type3A_169 = arith.sitofp %convert_element_type3A_168 : i32 to f32
      %mul3A_170 = arith.mulf %max3A_14, %convert_element_type3A_169 : f32
      %ge3A_171 = arith.constant 6 : i32
      %ge3A_172 = arith.cmpi sge, %squeeze3A_92, %ge3A_171 : i32
      %lt3A_173 = arith.constant 378 : i32
      %lt3A_174 = arith.cmpi slt, %squeeze3A_92, %lt3A_173 : i32
      %and3A_175 = arith.andi %ge3A_172, %lt3A_174 : i1
      %ge3A_176 = arith.constant 6 : i32
      %ge3A_177 = arith.cmpi sge, %squeeze3A_94, %ge3A_176 : i32
      %and3A_178 = arith.andi %and3A_175, %ge3A_177 : i1
      %lt3A_179 = arith.constant 378 : i32
      %lt3A_180 = arith.cmpi slt, %squeeze3A_94, %lt3A_179 : i32
      %and3A_181 = arith.andi %and3A_178, %lt3A_180 : i1
      %convert_element_type3A_182 = arith.extui %and3A_181 : i1 to i32
      %convert_element_type3A_183 = arith.sitofp %convert_element_type3A_182 : i32 to f32
      %mul3A_184 = arith.mulf %max3A_18, %convert_element_type3A_183 : f32
      %ge3A_185 = arith.constant 12 : i32
      %ge3A_186 = arith.cmpi sge, %squeeze3A_92, %ge3A_185 : i32
      %lt3A_187 = arith.constant 372 : i32
      %lt3A_188 = arith.cmpi slt, %squeeze3A_92, %lt3A_187 : i32
      %and3A_189 = arith.andi %ge3A_186, %lt3A_188 : i1
      %ge3A_190 = arith.constant 12 : i32
      %ge3A_191 = arith.cmpi sge, %squeeze3A_94, %ge3A_190 : i32
      %and3A_192 = arith.andi %and3A_189, %ge3A_191 : i1
      %lt3A_193 = arith.constant 372 : i32
      %lt3A_194 = arith.cmpi slt, %squeeze3A_94, %lt3A_193 : i32
      %and3A_195 = arith.andi %and3A_192, %lt3A_194 : i1
      %convert_element_type3A_196 = arith.extui %and3A_195 : i1 to i32
      %convert_element_type3A_197 = arith.sitofp %convert_element_type3A_196 : i32 to f32
      %mul3A_198 = arith.mulf %max3A_22, %convert_element_type3A_197 : f32
      %add3A_199 = arith.constant 0 : i32
      %add3A_200 = arith.addi %mul3A_131, %add3A_199 : i32
      %add3A_201 = vector.broadcast %add3A_200 : i32 to vector<16xi32>
      %add3A_202 = arith.addi %add3A_201, %iota3A : vector<16xi32>
      %sub3A_203 = vector.broadcast %squeeze3A_92 : i32 to vector<16xi32>
      %sub3A_204 = arith.subi %add3A_202, %sub3A_203 : vector<16xi32>
      %mul3A_205 = arith.muli %sub3A_204, %sub3A_204 : vector<16xi32>
      %convert_element_type3A_206 = arith.sitofp %mul3A_205 : vector<16xi32> to vector<16xf32>
      %abs3A = math.absi %sub3A_204 : vector<16xi32>
      %le3A = arith.constant 3 : i32
      %le3A_207 = vector.broadcast %le3A : i32 to vector<16xi32>
      %le3A_208 = arith.cmpi sle, %abs3A, %le3A_207 : vector<16xi32>
      %neg3A = arith.constant 0.000000e+00 : f32
      %neg3A_209 = vector.broadcast %neg3A : f32 to vector<16xf32>
      %neg3A_210 = arith.subf %neg3A_209, %convert_element_type3A_206 : vector<16xf32>
      %mul3A_211 = arith.constant 5.000000e-01 : f32
      %mul3A_212 = vector.broadcast %mul3A_211 : f32 to vector<16xf32>
      %mul3A_213 = arith.mulf %neg3A_210, %mul3A_212 : vector<16xf32>
      %exp3A = math.exp %mul3A_213 : vector<16xf32>
      %jit3A_214 = arith.constant 0.000000e+00 : f32
      %broadcast_in_dim3A_215 = vector.broadcast %jit3A_214 : f32 to vector<16xf32>
      %select_n3A_216 = arith.select %le3A_208, %exp3A, %broadcast_in_dim3A_215 : vector<16xi1>, vector<16xf32>
      %add3A_217 = arith.constant 16 : i32
      %add3A_218 = arith.addi %mul3A_131, %add3A_217 : i32
      %add3A_219 = vector.broadcast %add3A_218 : i32 to vector<16xi32>
      %add3A_220 = arith.addi %add3A_219, %iota3A : vector<16xi32>
      %sub3A_221 = vector.broadcast %squeeze3A_92 : i32 to vector<16xi32>
      %sub3A_222 = arith.subi %add3A_220, %sub3A_221 : vector<16xi32>
      %mul3A_223 = arith.muli %sub3A_222, %sub3A_222 : vector<16xi32>
      %convert_element_type3A_224 = arith.sitofp %mul3A_223 : vector<16xi32> to vector<16xf32>
      %abs3A_225 = math.absi %sub3A_222 : vector<16xi32>
      %le3A_226 = arith.constant 3 : i32
      %le3A_227 = vector.broadcast %le3A_226 : i32 to vector<16xi32>
      %le3A_228 = arith.cmpi sle, %abs3A_225, %le3A_227 : vector<16xi32>
      %neg3A_229 = arith.constant 0.000000e+00 : f32
      %neg3A_230 = vector.broadcast %neg3A_229 : f32 to vector<16xf32>
      %neg3A_231 = arith.subf %neg3A_230, %convert_element_type3A_224 : vector<16xf32>
      %mul3A_232 = arith.constant 5.000000e-01 : f32
      %mul3A_233 = vector.broadcast %mul3A_232 : f32 to vector<16xf32>
      %mul3A_234 = arith.mulf %neg3A_231, %mul3A_233 : vector<16xf32>
      %exp3A_235 = math.exp %mul3A_234 : vector<16xf32>
      %jit3A_236 = arith.constant 0.000000e+00 : f32
      %broadcast_in_dim3A_237 = vector.broadcast %jit3A_236 : f32 to vector<16xf32>
      %select_n3A_238 = arith.select %le3A_228, %exp3A_235, %broadcast_in_dim3A_237 : vector<16xi1>, vector<16xf32>
      %add3A_239 = arith.constant 32 : i32
      %add3A_240 = arith.addi %mul3A_131, %add3A_239 : i32
      %add3A_241 = vector.broadcast %add3A_240 : i32 to vector<16xi32>
      %add3A_242 = arith.addi %add3A_241, %iota3A : vector<16xi32>
      %sub3A_243 = vector.broadcast %squeeze3A_92 : i32 to vector<16xi32>
      %sub3A_244 = arith.subi %add3A_242, %sub3A_243 : vector<16xi32>
      %mul3A_245 = arith.muli %sub3A_244, %sub3A_244 : vector<16xi32>
      %convert_element_type3A_246 = arith.sitofp %mul3A_245 : vector<16xi32> to vector<16xf32>
      %abs3A_247 = math.absi %sub3A_244 : vector<16xi32>
      %le3A_248 = arith.constant 3 : i32
      %le3A_249 = vector.broadcast %le3A_248 : i32 to vector<16xi32>
      %le3A_250 = arith.cmpi sle, %abs3A_247, %le3A_249 : vector<16xi32>
      %neg3A_251 = arith.constant 0.000000e+00 : f32
      %neg3A_252 = vector.broadcast %neg3A_251 : f32 to vector<16xf32>
      %neg3A_253 = arith.subf %neg3A_252, %convert_element_type3A_246 : vector<16xf32>
      %mul3A_254 = arith.constant 5.000000e-01 : f32
      %mul3A_255 = vector.broadcast %mul3A_254 : f32 to vector<16xf32>
      %mul3A_256 = arith.mulf %neg3A_253, %mul3A_255 : vector<16xf32>
      %exp3A_257 = math.exp %mul3A_256 : vector<16xf32>
      %jit3A_258 = arith.constant 0.000000e+00 : f32
      %broadcast_in_dim3A_259 = vector.broadcast %jit3A_258 : f32 to vector<16xf32>
      %select_n3A_260 = arith.select %le3A_250, %exp3A_257, %broadcast_in_dim3A_259 : vector<16xi1>, vector<16xf32>
      %add3A_261 = arith.constant 0 : i32
      %add3A_262 = arith.addi %mul3A_157, %add3A_261 : i32
      %add3A_263 = vector.broadcast %add3A_262 : i32 to vector<16xi32>
      %add3A_264 = arith.addi %add3A_263, %iota3A : vector<16xi32>
      %sub3A_265 = vector.broadcast %squeeze3A_94 : i32 to vector<16xi32>
      %sub3A_266 = arith.subi %add3A_264, %sub3A_265 : vector<16xi32>
      %mul3A_267 = arith.muli %sub3A_266, %sub3A_266 : vector<16xi32>
      %convert_element_type3A_268 = arith.sitofp %mul3A_267 : vector<16xi32> to vector<16xf32>
      %abs3A_269 = math.absi %sub3A_266 : vector<16xi32>
      %le3A_270 = arith.constant 3 : i32
      %le3A_271 = vector.broadcast %le3A_270 : i32 to vector<16xi32>
      %le3A_272 = arith.cmpi sle, %abs3A_269, %le3A_271 : vector<16xi32>
      %neg3A_273 = arith.constant 0.000000e+00 : f32
      %neg3A_274 = vector.broadcast %neg3A_273 : f32 to vector<16xf32>
      %neg3A_275 = arith.subf %neg3A_274, %convert_element_type3A_268 : vector<16xf32>
      %mul3A_276 = arith.constant 5.000000e-01 : f32
      %mul3A_277 = vector.broadcast %mul3A_276 : f32 to vector<16xf32>
      %mul3A_278 = arith.mulf %neg3A_275, %mul3A_277 : vector<16xf32>
      %exp3A_279 = math.exp %mul3A_278 : vector<16xf32>
      %jit3A_280 = arith.constant 0.000000e+00 : f32
      %broadcast_in_dim3A_281 = vector.broadcast %jit3A_280 : f32 to vector<16xf32>
      %select_n3A_282 = arith.select %le3A_272, %exp3A_279, %broadcast_in_dim3A_281 : vector<16xi1>, vector<16xf32>
      %mul3A_283 = vector.broadcast %mul3A_170 : f32 to vector<16xf32>
      %mul3A_284 = arith.mulf %select_n3A_282, %mul3A_283 : vector<16xf32>
      %add3A_285 = arith.constant 16 : i32
      %add3A_286 = arith.addi %mul3A_157, %add3A_285 : i32
      %add3A_287 = vector.broadcast %add3A_286 : i32 to vector<16xi32>
      %add3A_288 = arith.addi %add3A_287, %iota3A : vector<16xi32>
      %sub3A_289 = vector.broadcast %squeeze3A_94 : i32 to vector<16xi32>
      %sub3A_290 = arith.subi %add3A_288, %sub3A_289 : vector<16xi32>
      %mul3A_291 = arith.muli %sub3A_290, %sub3A_290 : vector<16xi32>
      %convert_element_type3A_292 = arith.sitofp %mul3A_291 : vector<16xi32> to vector<16xf32>
      %abs3A_293 = math.absi %sub3A_290 : vector<16xi32>
      %le3A_294 = arith.constant 3 : i32
      %le3A_295 = vector.broadcast %le3A_294 : i32 to vector<16xi32>
      %le3A_296 = arith.cmpi sle, %abs3A_293, %le3A_295 : vector<16xi32>
      %neg3A_297 = arith.constant 0.000000e+00 : f32
      %neg3A_298 = vector.broadcast %neg3A_297 : f32 to vector<16xf32>
      %neg3A_299 = arith.subf %neg3A_298, %convert_element_type3A_292 : vector<16xf32>
      %mul3A_300 = arith.constant 5.000000e-01 : f32
      %mul3A_301 = vector.broadcast %mul3A_300 : f32 to vector<16xf32>
      %mul3A_302 = arith.mulf %neg3A_299, %mul3A_301 : vector<16xf32>
      %exp3A_303 = math.exp %mul3A_302 : vector<16xf32>
      %jit3A_304 = arith.constant 0.000000e+00 : f32
      %broadcast_in_dim3A_305 = vector.broadcast %jit3A_304 : f32 to vector<16xf32>
      %select_n3A_306 = arith.select %le3A_296, %exp3A_303, %broadcast_in_dim3A_305 : vector<16xi1>, vector<16xf32>
      %mul3A_307 = vector.broadcast %mul3A_170 : f32 to vector<16xf32>
      %mul3A_308 = arith.mulf %select_n3A_306, %mul3A_307 : vector<16xf32>
      %add3A_309 = arith.constant 0 : i32
      %add3A_310 = arith.addi %mul3A_131, %add3A_309 : i32
      %add3A_311 = vector.broadcast %add3A_310 : i32 to vector<16xi32>
      %add3A_312 = arith.addi %add3A_311, %iota3A : vector<16xi32>
      %sub3A_313 = vector.broadcast %squeeze3A_92 : i32 to vector<16xi32>
      %sub3A_314 = arith.subi %add3A_312, %sub3A_313 : vector<16xi32>
      %mul3A_315 = arith.muli %sub3A_314, %sub3A_314 : vector<16xi32>
      %convert_element_type3A_316 = arith.sitofp %mul3A_315 : vector<16xi32> to vector<16xf32>
      %abs3A_317 = math.absi %sub3A_314 : vector<16xi32>
      %le3A_318 = arith.constant 6 : i32
      %le3A_319 = vector.broadcast %le3A_318 : i32 to vector<16xi32>
      %le3A_320 = arith.cmpi sle, %abs3A_317, %le3A_319 : vector<16xi32>
      %neg3A_321 = arith.constant 0.000000e+00 : f32
      %neg3A_322 = vector.broadcast %neg3A_321 : f32 to vector<16xf32>
      %neg3A_323 = arith.subf %neg3A_322, %convert_element_type3A_316 : vector<16xf32>
      %mul3A_324 = arith.constant 1.250000e-01 : f32
      %mul3A_325 = vector.broadcast %mul3A_324 : f32 to vector<16xf32>
      %mul3A_326 = arith.mulf %neg3A_323, %mul3A_325 : vector<16xf32>
      %exp3A_327 = math.exp %mul3A_326 : vector<16xf32>
      %jit3A_328 = arith.constant 0.000000e+00 : f32
      %broadcast_in_dim3A_329 = vector.broadcast %jit3A_328 : f32 to vector<16xf32>
      %select_n3A_330 = arith.select %le3A_320, %exp3A_327, %broadcast_in_dim3A_329 : vector<16xi1>, vector<16xf32>
      %add3A_331 = arith.constant 16 : i32
      %add3A_332 = arith.addi %mul3A_131, %add3A_331 : i32
      %add3A_333 = vector.broadcast %add3A_332 : i32 to vector<16xi32>
      %add3A_334 = arith.addi %add3A_333, %iota3A : vector<16xi32>
      %sub3A_335 = vector.broadcast %squeeze3A_92 : i32 to vector<16xi32>
      %sub3A_336 = arith.subi %add3A_334, %sub3A_335 : vector<16xi32>
      %mul3A_337 = arith.muli %sub3A_336, %sub3A_336 : vector<16xi32>
      %convert_element_type3A_338 = arith.sitofp %mul3A_337 : vector<16xi32> to vector<16xf32>
      %abs3A_339 = math.absi %sub3A_336 : vector<16xi32>
      %le3A_340 = arith.constant 6 : i32
      %le3A_341 = vector.broadcast %le3A_340 : i32 to vector<16xi32>
      %le3A_342 = arith.cmpi sle, %abs3A_339, %le3A_341 : vector<16xi32>
      %neg3A_343 = arith.constant 0.000000e+00 : f32
      %neg3A_344 = vector.broadcast %neg3A_343 : f32 to vector<16xf32>
      %neg3A_345 = arith.subf %neg3A_344, %convert_element_type3A_338 : vector<16xf32>
      %mul3A_346 = arith.constant 1.250000e-01 : f32
      %mul3A_347 = vector.broadcast %mul3A_346 : f32 to vector<16xf32>
      %mul3A_348 = arith.mulf %neg3A_345, %mul3A_347 : vector<16xf32>
      %exp3A_349 = math.exp %mul3A_348 : vector<16xf32>
      %jit3A_350 = arith.constant 0.000000e+00 : f32
      %broadcast_in_dim3A_351 = vector.broadcast %jit3A_350 : f32 to vector<16xf32>
      %select_n3A_352 = arith.select %le3A_342, %exp3A_349, %broadcast_in_dim3A_351 : vector<16xi1>, vector<16xf32>
      %add3A_353 = arith.constant 32 : i32
      %add3A_354 = arith.addi %mul3A_131, %add3A_353 : i32
      %add3A_355 = vector.broadcast %add3A_354 : i32 to vector<16xi32>
      %add3A_356 = arith.addi %add3A_355, %iota3A : vector<16xi32>
      %sub3A_357 = vector.broadcast %squeeze3A_92 : i32 to vector<16xi32>
      %sub3A_358 = arith.subi %add3A_356, %sub3A_357 : vector<16xi32>
      %mul3A_359 = arith.muli %sub3A_358, %sub3A_358 : vector<16xi32>
      %convert_element_type3A_360 = arith.sitofp %mul3A_359 : vector<16xi32> to vector<16xf32>
      %abs3A_361 = math.absi %sub3A_358 : vector<16xi32>
      %le3A_362 = arith.constant 6 : i32
      %le3A_363 = vector.broadcast %le3A_362 : i32 to vector<16xi32>
      %le3A_364 = arith.cmpi sle, %abs3A_361, %le3A_363 : vector<16xi32>
      %neg3A_365 = arith.constant 0.000000e+00 : f32
      %neg3A_366 = vector.broadcast %neg3A_365 : f32 to vector<16xf32>
      %neg3A_367 = arith.subf %neg3A_366, %convert_element_type3A_360 : vector<16xf32>
      %mul3A_368 = arith.constant 1.250000e-01 : f32
      %mul3A_369 = vector.broadcast %mul3A_368 : f32 to vector<16xf32>
      %mul3A_370 = arith.mulf %neg3A_367, %mul3A_369 : vector<16xf32>
      %exp3A_371 = math.exp %mul3A_370 : vector<16xf32>
      %jit3A_372 = arith.constant 0.000000e+00 : f32
      %broadcast_in_dim3A_373 = vector.broadcast %jit3A_372 : f32 to vector<16xf32>
      %select_n3A_374 = arith.select %le3A_364, %exp3A_371, %broadcast_in_dim3A_373 : vector<16xi1>, vector<16xf32>
      %add3A_375 = arith.constant 0 : i32
      %add3A_376 = arith.addi %mul3A_157, %add3A_375 : i32
      %add3A_377 = vector.broadcast %add3A_376 : i32 to vector<16xi32>
      %add3A_378 = arith.addi %add3A_377, %iota3A : vector<16xi32>
      %sub3A_379 = vector.broadcast %squeeze3A_94 : i32 to vector<16xi32>
      %sub3A_380 = arith.subi %add3A_378, %sub3A_379 : vector<16xi32>
      %mul3A_381 = arith.muli %sub3A_380, %sub3A_380 : vector<16xi32>
      %convert_element_type3A_382 = arith.sitofp %mul3A_381 : vector<16xi32> to vector<16xf32>
      %abs3A_383 = math.absi %sub3A_380 : vector<16xi32>
      %le3A_384 = arith.constant 6 : i32
      %le3A_385 = vector.broadcast %le3A_384 : i32 to vector<16xi32>
      %le3A_386 = arith.cmpi sle, %abs3A_383, %le3A_385 : vector<16xi32>
      %neg3A_387 = arith.constant 0.000000e+00 : f32
      %neg3A_388 = vector.broadcast %neg3A_387 : f32 to vector<16xf32>
      %neg3A_389 = arith.subf %neg3A_388, %convert_element_type3A_382 : vector<16xf32>
      %mul3A_390 = arith.constant 1.250000e-01 : f32
      %mul3A_391 = vector.broadcast %mul3A_390 : f32 to vector<16xf32>
      %mul3A_392 = arith.mulf %neg3A_389, %mul3A_391 : vector<16xf32>
      %exp3A_393 = math.exp %mul3A_392 : vector<16xf32>
      %jit3A_394 = arith.constant 0.000000e+00 : f32
      %broadcast_in_dim3A_395 = vector.broadcast %jit3A_394 : f32 to vector<16xf32>
      %select_n3A_396 = arith.select %le3A_386, %exp3A_393, %broadcast_in_dim3A_395 : vector<16xi1>, vector<16xf32>
      %mul3A_397 = vector.broadcast %mul3A_184 : f32 to vector<16xf32>
      %mul3A_398 = arith.mulf %select_n3A_396, %mul3A_397 : vector<16xf32>
      %add3A_399 = arith.constant 16 : i32
      %add3A_400 = arith.addi %mul3A_157, %add3A_399 : i32
      %add3A_401 = vector.broadcast %add3A_400 : i32 to vector<16xi32>
      %add3A_402 = arith.addi %add3A_401, %iota3A : vector<16xi32>
      %sub3A_403 = vector.broadcast %squeeze3A_94 : i32 to vector<16xi32>
      %sub3A_404 = arith.subi %add3A_402, %sub3A_403 : vector<16xi32>
      %mul3A_405 = arith.muli %sub3A_404, %sub3A_404 : vector<16xi32>
      %convert_element_type3A_406 = arith.sitofp %mul3A_405 : vector<16xi32> to vector<16xf32>
      %abs3A_407 = math.absi %sub3A_404 : vector<16xi32>
      %le3A_408 = arith.constant 6 : i32
      %le3A_409 = vector.broadcast %le3A_408 : i32 to vector<16xi32>
      %le3A_410 = arith.cmpi sle, %abs3A_407, %le3A_409 : vector<16xi32>
      %neg3A_411 = arith.constant 0.000000e+00 : f32
      %neg3A_412 = vector.broadcast %neg3A_411 : f32 to vector<16xf32>
      %neg3A_413 = arith.subf %neg3A_412, %convert_element_type3A_406 : vector<16xf32>
      %mul3A_414 = arith.constant 1.250000e-01 : f32
      %mul3A_415 = vector.broadcast %mul3A_414 : f32 to vector<16xf32>
      %mul3A_416 = arith.mulf %neg3A_413, %mul3A_415 : vector<16xf32>
      %exp3A_417 = math.exp %mul3A_416 : vector<16xf32>
      %jit3A_418 = arith.constant 0.000000e+00 : f32
      %broadcast_in_dim3A_419 = vector.broadcast %jit3A_418 : f32 to vector<16xf32>
      %select_n3A_420 = arith.select %le3A_410, %exp3A_417, %broadcast_in_dim3A_419 : vector<16xi1>, vector<16xf32>
      %mul3A_421 = vector.broadcast %mul3A_184 : f32 to vector<16xf32>
      %mul3A_422 = arith.mulf %select_n3A_420, %mul3A_421 : vector<16xf32>
      %add3A_423 = arith.constant 0 : i32
      %add3A_424 = arith.addi %mul3A_131, %add3A_423 : i32
      %add3A_425 = vector.broadcast %add3A_424 : i32 to vector<16xi32>
      %add3A_426 = arith.addi %add3A_425, %iota3A : vector<16xi32>
      %sub3A_427 = vector.broadcast %squeeze3A_92 : i32 to vector<16xi32>
      %sub3A_428 = arith.subi %add3A_426, %sub3A_427 : vector<16xi32>
      %mul3A_429 = arith.muli %sub3A_428, %sub3A_428 : vector<16xi32>
      %convert_element_type3A_430 = arith.sitofp %mul3A_429 : vector<16xi32> to vector<16xf32>
      %abs3A_431 = math.absi %sub3A_428 : vector<16xi32>
      %le3A_432 = arith.constant 12 : i32
      %le3A_433 = vector.broadcast %le3A_432 : i32 to vector<16xi32>
      %le3A_434 = arith.cmpi sle, %abs3A_431, %le3A_433 : vector<16xi32>
      %neg3A_435 = arith.constant 0.000000e+00 : f32
      %neg3A_436 = vector.broadcast %neg3A_435 : f32 to vector<16xf32>
      %neg3A_437 = arith.subf %neg3A_436, %convert_element_type3A_430 : vector<16xf32>
      %mul3A_438 = arith.constant 3.125000e-02 : f32
      %mul3A_439 = vector.broadcast %mul3A_438 : f32 to vector<16xf32>
      %mul3A_440 = arith.mulf %neg3A_437, %mul3A_439 : vector<16xf32>
      %exp3A_441 = math.exp %mul3A_440 : vector<16xf32>
      %jit3A_442 = arith.constant 0.000000e+00 : f32
      %broadcast_in_dim3A_443 = vector.broadcast %jit3A_442 : f32 to vector<16xf32>
      %select_n3A_444 = arith.select %le3A_434, %exp3A_441, %broadcast_in_dim3A_443 : vector<16xi1>, vector<16xf32>
      %add3A_445 = arith.constant 16 : i32
      %add3A_446 = arith.addi %mul3A_131, %add3A_445 : i32
      %add3A_447 = vector.broadcast %add3A_446 : i32 to vector<16xi32>
      %add3A_448 = arith.addi %add3A_447, %iota3A : vector<16xi32>
      %sub3A_449 = vector.broadcast %squeeze3A_92 : i32 to vector<16xi32>
      %sub3A_450 = arith.subi %add3A_448, %sub3A_449 : vector<16xi32>
      %mul3A_451 = arith.muli %sub3A_450, %sub3A_450 : vector<16xi32>
      %convert_element_type3A_452 = arith.sitofp %mul3A_451 : vector<16xi32> to vector<16xf32>
      %abs3A_453 = math.absi %sub3A_450 : vector<16xi32>
      %le3A_454 = arith.constant 12 : i32
      %le3A_455 = vector.broadcast %le3A_454 : i32 to vector<16xi32>
      %le3A_456 = arith.cmpi sle, %abs3A_453, %le3A_455 : vector<16xi32>
      %neg3A_457 = arith.constant 0.000000e+00 : f32
      %neg3A_458 = vector.broadcast %neg3A_457 : f32 to vector<16xf32>
      %neg3A_459 = arith.subf %neg3A_458, %convert_element_type3A_452 : vector<16xf32>
      %mul3A_460 = arith.constant 3.125000e-02 : f32
      %mul3A_461 = vector.broadcast %mul3A_460 : f32 to vector<16xf32>
      %mul3A_462 = arith.mulf %neg3A_459, %mul3A_461 : vector<16xf32>
      %exp3A_463 = math.exp %mul3A_462 : vector<16xf32>
      %jit3A_464 = arith.constant 0.000000e+00 : f32
      %broadcast_in_dim3A_465 = vector.broadcast %jit3A_464 : f32 to vector<16xf32>
      %select_n3A_466 = arith.select %le3A_456, %exp3A_463, %broadcast_in_dim3A_465 : vector<16xi1>, vector<16xf32>
      %add3A_467 = arith.constant 32 : i32
      %add3A_468 = arith.addi %mul3A_131, %add3A_467 : i32
      %add3A_469 = vector.broadcast %add3A_468 : i32 to vector<16xi32>
      %add3A_470 = arith.addi %add3A_469, %iota3A : vector<16xi32>
      %sub3A_471 = vector.broadcast %squeeze3A_92 : i32 to vector<16xi32>
      %sub3A_472 = arith.subi %add3A_470, %sub3A_471 : vector<16xi32>
      %mul3A_473 = arith.muli %sub3A_472, %sub3A_472 : vector<16xi32>
      %convert_element_type3A_474 = arith.sitofp %mul3A_473 : vector<16xi32> to vector<16xf32>
      %abs3A_475 = math.absi %sub3A_472 : vector<16xi32>
      %le3A_476 = arith.constant 12 : i32
      %le3A_477 = vector.broadcast %le3A_476 : i32 to vector<16xi32>
      %le3A_478 = arith.cmpi sle, %abs3A_475, %le3A_477 : vector<16xi32>
      %neg3A_479 = arith.constant 0.000000e+00 : f32
      %neg3A_480 = vector.broadcast %neg3A_479 : f32 to vector<16xf32>
      %neg3A_481 = arith.subf %neg3A_480, %convert_element_type3A_474 : vector<16xf32>
      %mul3A_482 = arith.constant 3.125000e-02 : f32
      %mul3A_483 = vector.broadcast %mul3A_482 : f32 to vector<16xf32>
      %mul3A_484 = arith.mulf %neg3A_481, %mul3A_483 : vector<16xf32>
      %exp3A_485 = math.exp %mul3A_484 : vector<16xf32>
      %jit3A_486 = arith.constant 0.000000e+00 : f32
      %broadcast_in_dim3A_487 = vector.broadcast %jit3A_486 : f32 to vector<16xf32>
      %select_n3A_488 = arith.select %le3A_478, %exp3A_485, %broadcast_in_dim3A_487 : vector<16xi1>, vector<16xf32>
      %add3A_489 = arith.constant 0 : i32
      %add3A_490 = arith.addi %mul3A_157, %add3A_489 : i32
      %add3A_491 = vector.broadcast %add3A_490 : i32 to vector<16xi32>
      %add3A_492 = arith.addi %add3A_491, %iota3A : vector<16xi32>
      %sub3A_493 = vector.broadcast %squeeze3A_94 : i32 to vector<16xi32>
      %sub3A_494 = arith.subi %add3A_492, %sub3A_493 : vector<16xi32>
      %mul3A_495 = arith.muli %sub3A_494, %sub3A_494 : vector<16xi32>
      %convert_element_type3A_496 = arith.sitofp %mul3A_495 : vector<16xi32> to vector<16xf32>
      %abs3A_497 = math.absi %sub3A_494 : vector<16xi32>
      %le3A_498 = arith.constant 12 : i32
      %le3A_499 = vector.broadcast %le3A_498 : i32 to vector<16xi32>
      %le3A_500 = arith.cmpi sle, %abs3A_497, %le3A_499 : vector<16xi32>
      %neg3A_501 = arith.constant 0.000000e+00 : f32
      %neg3A_502 = vector.broadcast %neg3A_501 : f32 to vector<16xf32>
      %neg3A_503 = arith.subf %neg3A_502, %convert_element_type3A_496 : vector<16xf32>
      %mul3A_504 = arith.constant 3.125000e-02 : f32
      %mul3A_505 = vector.broadcast %mul3A_504 : f32 to vector<16xf32>
      %mul3A_506 = arith.mulf %neg3A_503, %mul3A_505 : vector<16xf32>
      %exp3A_507 = math.exp %mul3A_506 : vector<16xf32>
      %jit3A_508 = arith.constant 0.000000e+00 : f32
      %broadcast_in_dim3A_509 = vector.broadcast %jit3A_508 : f32 to vector<16xf32>
      %select_n3A_510 = arith.select %le3A_500, %exp3A_507, %broadcast_in_dim3A_509 : vector<16xi1>, vector<16xf32>
      %mul3A_511 = vector.broadcast %mul3A_198 : f32 to vector<16xf32>
      %mul3A_512 = arith.mulf %select_n3A_510, %mul3A_511 : vector<16xf32>
      %add3A_513 = arith.constant 16 : i32
      %add3A_514 = arith.addi %mul3A_157, %add3A_513 : i32
      %add3A_515 = vector.broadcast %add3A_514 : i32 to vector<16xi32>
      %add3A_516 = arith.addi %add3A_515, %iota3A : vector<16xi32>
      %sub3A_517 = vector.broadcast %squeeze3A_94 : i32 to vector<16xi32>
      %sub3A_518 = arith.subi %add3A_516, %sub3A_517 : vector<16xi32>
      %mul3A_519 = arith.muli %sub3A_518, %sub3A_518 : vector<16xi32>
      %convert_element_type3A_520 = arith.sitofp %mul3A_519 : vector<16xi32> to vector<16xf32>
      %abs3A_521 = math.absi %sub3A_518 : vector<16xi32>
      %le3A_522 = arith.constant 12 : i32
      %le3A_523 = vector.broadcast %le3A_522 : i32 to vector<16xi32>
      %le3A_524 = arith.cmpi sle, %abs3A_521, %le3A_523 : vector<16xi32>
      %neg3A_525 = arith.constant 0.000000e+00 : f32
      %neg3A_526 = vector.broadcast %neg3A_525 : f32 to vector<16xf32>
      %neg3A_527 = arith.subf %neg3A_526, %convert_element_type3A_520 : vector<16xf32>
      %mul3A_528 = arith.constant 3.125000e-02 : f32
      %mul3A_529 = vector.broadcast %mul3A_528 : f32 to vector<16xf32>
      %mul3A_530 = arith.mulf %neg3A_527, %mul3A_529 : vector<16xf32>
      %exp3A_531 = math.exp %mul3A_530 : vector<16xf32>
      %jit3A_532 = arith.constant 0.000000e+00 : f32
      %broadcast_in_dim3A_533 = vector.broadcast %jit3A_532 : f32 to vector<16xf32>
      %select_n3A_534 = arith.select %le3A_524, %exp3A_531, %broadcast_in_dim3A_533 : vector<16xi1>, vector<16xf32>
      %mul3A_535 = vector.broadcast %mul3A_198 : f32 to vector<16xf32>
      %mul3A_536 = arith.mulf %select_n3A_534, %mul3A_535 : vector<16xf32>
      %scan3A_537 = arith.constant 0 : i32
      %scan3A_538 = arith.constant 0 : i32
      %scan3A_539 = arith.constant 32 : i32
      %scan3A_540 = arith.addi %scan3A_538, %scan3A_539 : i32
      %scan3A_541 = arith.constant 1 : i32
      scf.for %scan3A_555 = %scan3A_538 to %scan3A_540 step %scan3A_541  : i32 {
        %jit3A_556 = arith.constant 16 : i32
        %eq3A_557 = arith.constant 0 : i32
        %eq3A_558 = arith.cmpi eq, %jit3A_556, %eq3A_557 : i32
        %jit3A_559 = arith.constant 1 : i32
        %select_n3A_560 = arith.select %eq3A_558, %jit3A_559, %jit3A_556 : i32
        %rem3A_561 = arith.remsi %scan3A_555, %select_n3A_560 : i32
        %ne3A_562 = arith.constant 0 : i32
        %ne3A_563 = arith.cmpi ne, %rem3A_561, %ne3A_562 : i32
        %lt3A_564 = arith.constant 0 : i32
        %lt3A_565 = arith.cmpi slt, %rem3A_561, %lt3A_564 : i32
        %lt3A_566 = arith.constant 0 : i32
        %lt3A_567 = arith.cmpi slt, %select_n3A_560, %lt3A_566 : i32
        %ne3A_568 = arith.xori %lt3A_565, %lt3A_567 : i1
        %and3A_569 = arith.andi %ne3A_568, %ne3A_563 : i1
        %add3A_570 = arith.addi %rem3A_561, %select_n3A_560 : i32
        %select_n3A_571 = arith.select %and3A_569, %add3A_570, %rem3A_561 : i32
        %broadcast_in_dim3A_572 = vector.broadcast %select_n3A_571 : i32 to vector<16xi32>
        %lt3A_573 = arith.constant 16 : i32
        %lt3A_574 = arith.cmpi slt, %scan3A_555, %lt3A_573 : i32
        %select_n3A_575 = arith.select %lt3A_574, %mul3A_284, %mul3A_308 : vector<16xf32>
        %lt3A_576 = arith.constant 0 : i32
        %lt3A_577 = vector.broadcast %lt3A_576 : i32 to vector<16xi32>
        %lt3A_578 = arith.cmpi slt, %broadcast_in_dim3A_572, %lt3A_577 : vector<16xi32>
        %add3A_579 = arith.constant 16 : i32
        %add3A_580 = vector.broadcast %add3A_579 : i32 to vector<16xi32>
        %add3A_581 = arith.addi %broadcast_in_dim3A_572, %add3A_580 : vector<16xi32>
        %select_n3A_582 = arith.select %lt3A_578, %add3A_581, %broadcast_in_dim3A_572 : vector<16xi1>, vector<16xi32>
        %broadcast_in_dim3A_583 = vector.shape_cast %select_n3A_582 : vector<16xi32> to vector<16x1xi32>
        %gather3A = vector.shape_cast %broadcast_in_dim3A_583 : vector<16x1xi32> to vector<16xi32>
        %gather3A_584 = tpu.dynamic_gather %select_n3A_575[%gather3A] in [0] : vector<16xf32>, vector<16xi32> -> vector<16xf32>
        %select_n3A_585 = arith.select %lt3A_574, %mul3A_398, %mul3A_422 : vector<16xf32>
        %lt3A_586 = arith.constant 0 : i32
        %lt3A_587 = vector.broadcast %lt3A_586 : i32 to vector<16xi32>
        %lt3A_588 = arith.cmpi slt, %broadcast_in_dim3A_572, %lt3A_587 : vector<16xi32>
        %add3A_589 = arith.constant 16 : i32
        %add3A_590 = vector.broadcast %add3A_589 : i32 to vector<16xi32>
        %add3A_591 = arith.addi %broadcast_in_dim3A_572, %add3A_590 : vector<16xi32>
        %select_n3A_592 = arith.select %lt3A_588, %add3A_591, %broadcast_in_dim3A_572 : vector<16xi1>, vector<16xi32>
        %broadcast_in_dim3A_593 = vector.shape_cast %select_n3A_592 : vector<16xi32> to vector<16x1xi32>
        %gather3A_594 = vector.shape_cast %broadcast_in_dim3A_593 : vector<16x1xi32> to vector<16xi32>
        %gather3A_595 = tpu.dynamic_gather %select_n3A_585[%gather3A_594] in [0] : vector<16xf32>, vector<16xi32> -> vector<16xf32>
        %select_n3A_596 = arith.select %lt3A_574, %mul3A_512, %mul3A_536 : vector<16xf32>
        %lt3A_597 = arith.constant 0 : i32
        %lt3A_598 = vector.broadcast %lt3A_597 : i32 to vector<16xi32>
        %lt3A_599 = arith.cmpi slt, %broadcast_in_dim3A_572, %lt3A_598 : vector<16xi32>
        %add3A_600 = arith.constant 16 : i32
        %add3A_601 = vector.broadcast %add3A_600 : i32 to vector<16xi32>
        %add3A_602 = arith.addi %broadcast_in_dim3A_572, %add3A_601 : vector<16xi32>
        %select_n3A_603 = arith.select %lt3A_599, %add3A_602, %broadcast_in_dim3A_572 : vector<16xi1>, vector<16xi32>
        %broadcast_in_dim3A_604 = vector.shape_cast %select_n3A_603 : vector<16xi32> to vector<16x1xi32>
        %gather3A_605 = vector.shape_cast %broadcast_in_dim3A_604 : vector<16x1xi32> to vector<16xi32>
        %gather3A_606 = tpu.dynamic_gather %select_n3A_596[%gather3A_605] in [0] : vector<16xf32>, vector<16xi32> -> vector<16xf32>
        %mul3A_607 = arith.mulf %gather3A_584, %select_n3A_216 : vector<16xf32>
        %mul3A_608 = arith.mulf %gather3A_595, %select_n3A_330 : vector<16xf32>
        %max3A_609 = arith.maximumf %mul3A_607, %mul3A_608 : vector<16xf32>
        %mul3A_610 = arith.mulf %gather3A_606, %select_n3A_444 : vector<16xf32>
        %max3A_611 = arith.maximumf %max3A_609, %mul3A_610 : vector<16xf32>
        %add3A_612 = arith.constant 0 : i32
        %add3A_613 = arith.addi %mul3A_131, %add3A_612 : i32
        %swap3A = arith.index_cast %scan3A_555 : i32 to index
        %swap3A_614 = arith.index_cast %add3A_613 : i32 to index
        %swap3A_615 = tpu.vector_load %arg8[%swap3A, %swap3A_614] {strides = array<i32>} : memref<32x384xf32, #tpu.memory_space<vmem>>, vector<1x16xf32>,
        %swap3A_616 = vector.shape_cast %swap3A_615 : vector<1x16xf32> to vector<16xf32>
        %swap3A_617 = vector.shape_cast %max3A_611 : vector<16xf32> to vector<1x16xf32>
        tpu.vector_store %arg8[%swap3A, %swap3A_614], %swap3A_617 {strides = array<i32>} : memref<32x384xf32, #tpu.memory_space<vmem>>, vector<1x16xf32>,
        %mul3A_618 = arith.mulf %gather3A_584, %select_n3A_238 : vector<16xf32>
        %mul3A_619 = arith.mulf %gather3A_595, %select_n3A_352 : vector<16xf32>
        %max3A_620 = arith.maximumf %mul3A_618, %mul3A_619 : vector<16xf32>
        %mul3A_621 = arith.mulf %gather3A_606, %select_n3A_466 : vector<16xf32>
        %max3A_622 = arith.maximumf %max3A_620, %mul3A_621 : vector<16xf32>
        %add3A_623 = arith.constant 16 : i32
        %add3A_624 = arith.addi %mul3A_131, %add3A_623 : i32
        %swap3A_625 = arith.index_cast %scan3A_555 : i32 to index
        %swap3A_626 = arith.index_cast %add3A_624 : i32 to index
        %swap3A_627 = tpu.vector_load %arg8[%swap3A_625, %swap3A_626] {strides = array<i32>} : memref<32x384xf32, #tpu.memory_space<vmem>>, vector<1x16xf32>,
        %swap3A_628 = vector.shape_cast %swap3A_627 : vector<1x16xf32> to vector<16xf32>
        %swap3A_629 = vector.shape_cast %max3A_622 : vector<16xf32> to vector<1x16xf32>
        tpu.vector_store %arg8[%swap3A_625, %swap3A_626], %swap3A_629 {strides = array<i32>} : memref<32x384xf32, #tpu.memory_space<vmem>>, vector<1x16xf32>,
        %mul3A_630 = arith.mulf %gather3A_584, %select_n3A_260 : vector<16xf32>
        %mul3A_631 = arith.mulf %gather3A_595, %select_n3A_374 : vector<16xf32>
        %max3A_632 = arith.maximumf %mul3A_630, %mul3A_631 : vector<16xf32>
        %mul3A_633 = arith.mulf %gather3A_606, %select_n3A_488 : vector<16xf32>
        %max3A_634 = arith.maximumf %max3A_632, %mul3A_633 : vector<16xf32>
        %add3A_635 = arith.constant 32 : i32
        %add3A_636 = arith.addi %mul3A_131, %add3A_635 : i32
        %swap3A_637 = arith.index_cast %scan3A_555 : i32 to index
        %swap3A_638 = arith.index_cast %add3A_636 : i32 to index
        %swap3A_639 = tpu.vector_load %arg8[%swap3A_637, %swap3A_638] {strides = array<i32>} : memref<32x384xf32, #tpu.memory_space<vmem>>, vector<1x16xf32>,
        %swap3A_640 = vector.shape_cast %swap3A_639 : vector<1x16xf32> to vector<16xf32>
        %swap3A_641 = vector.shape_cast %max3A_634 : vector<16xf32> to vector<1x16xf32>
        tpu.vector_store %arg8[%swap3A_637, %swap3A_638], %swap3A_641 {strides = array<i32>} : memref<32x384xf32, #tpu.memory_space<vmem>>, vector<1x16xf32>,
      }
      %scan3A_542 = arith.constant 32 : i32
      %scan3A_543 = arith.constant 0 : i32
      %scan3A_544 = arith.constant 0 : i32
      %scan3A_545 = arith.constant 16 : i32
      %scan3A_546 = arith.addi %scan3A_544, %scan3A_545 : i32
      %scan3A_547 = arith.constant 1 : i32
      scf.for %scan3A_555 = %scan3A_544 to %scan3A_546 step %scan3A_547  : i32 {
        %mul3A_556 = arith.constant 24 : i32
        %mul3A_557 = arith.muli %scan3A_555, %mul3A_556 : i32
        %dma_wait3A = arith.constant 0 : i32
        %dma_wait3A_558 = tpu.memref_slice %arg4[%select_n3A, %select_n3A_79, %mul3A_557, %dma_wait3A] : memref<8x15x384x384xf32, #tpu.memory_space<hbm>> -> memref<1x1x24x384xf32, #tpu.memory_space<hbm>>
        %dma_wait3A_559 = tpu.memref_squeeze %dma_wait3A_558 : memref<1x1x24x384xf32, #tpu.memory_space<hbm>> -> memref<24x384xf32, #tpu.memory_space<hbm>>
        %dma_wait3A_560 = arith.constant 0 : i32
        %dma_wait3A_561 = tpu.memref_slice %arg4[%select_n3A, %select_n3A_79, %mul3A_557, %dma_wait3A_560] : memref<8x15x384x384xf32, #tpu.memory_space<hbm>> -> memref<1x1x24x384xf32, #tpu.memory_space<hbm>>
        %dma_wait3A_562 = tpu.memref_squeeze %dma_wait3A_561 : memref<1x1x24x384xf32, #tpu.memory_space<hbm>> -> memref<24x384xf32, #tpu.memory_space<hbm>>
        tpu.wait_dma2 semaphore(%arg9 : memref<!tpu.dma_semaphore, #tpu.memory_space<semaphore_mem>>) src(%arg7 : memref<24x384xf32, #tpu.memory_space<vmem>>) dst(%dma_wait3A_562 : memref<24x384xf32, #tpu.memory_space<hbm>>)
      }
      %scan3A_548 = arith.constant 16 : i32
      "tpu.region"() ({
        %run_scoped3A = tpu.sem_alloc : memref<!tpu.dma_semaphore, #tpu.memory_space<semaphore_mem>>
        %dma_start3A = arith.constant 0 : i32
        %dma_start3A_555 = tpu.memref_slice %arg4[%select_n3A, %select_n3A_79, %mul3A_157, %dma_start3A] : memref<8x15x384x384xf32, #tpu.memory_space<hbm>> -> memref<1x1x32x384xf32, #tpu.memory_space<hbm>>
        %dma_start3A_556 = tpu.memref_squeeze %dma_start3A_555 : memref<1x1x32x384xf32, #tpu.memory_space<hbm>> -> memref<32x384xf32, #tpu.memory_space<hbm>>
        %dma_start3A_557 = arith.constant 0 : i32
        %dma_start3A_558 = tpu.memref_slice %arg4[%select_n3A, %select_n3A_79, %mul3A_157, %dma_start3A_557] : memref<8x15x384x384xf32, #tpu.memory_space<hbm>> -> memref<1x1x32x384xf32, #tpu.memory_space<hbm>>
        %dma_start3A_559 = tpu.memref_squeeze %dma_start3A_558 : memref<1x1x32x384xf32, #tpu.memory_space<hbm>> -> memref<32x384xf32, #tpu.memory_space<hbm>>
        tpu.enqueue_dma source(%arg8 : memref<32x384xf32, #tpu.memory_space<vmem>>) target(%dma_start3A_559 : memref<32x384xf32, #tpu.memory_space<hbm>>) target_semaphore(%run_scoped3A : memref<!tpu.dma_semaphore, #tpu.memory_space<semaphore_mem>>)
        %dma_wait3A = arith.constant 0 : i32
        %dma_wait3A_560 = tpu.memref_slice %arg4[%select_n3A, %select_n3A_79, %mul3A_157, %dma_wait3A] : memref<8x15x384x384xf32, #tpu.memory_space<hbm>> -> memref<1x1x32x384xf32, #tpu.memory_space<hbm>>
        %dma_wait3A_561 = tpu.memref_squeeze %dma_wait3A_560 : memref<1x1x32x384xf32, #tpu.memory_space<hbm>> -> memref<32x384xf32, #tpu.memory_space<hbm>>
        %dma_wait3A_562 = arith.constant 0 : i32
        %dma_wait3A_563 = tpu.memref_slice %arg4[%select_n3A, %select_n3A_79, %mul3A_157, %dma_wait3A_562] : memref<8x15x384x384xf32, #tpu.memory_space<hbm>> -> memref<1x1x32x384xf32, #tpu.memory_space<hbm>>
        %dma_wait3A_564 = tpu.memref_squeeze %dma_wait3A_563 : memref<1x1x32x384xf32, #tpu.memory_space<hbm>> -> memref<32x384xf32, #tpu.memory_space<hbm>>
        tpu.wait_dma2 semaphore(%run_scoped3A : memref<!tpu.dma_semaphore, #tpu.memory_space<semaphore_mem>>) src(%arg8 : memref<32x384xf32, #tpu.memory_space<vmem>>) dst(%dma_wait3A_564 : memref<32x384xf32, #tpu.memory_space<hbm>>)
        tpu.yield
      }) : () -> ()
      %scan3A_549 = arith.constant 0 : i32
      %scan3A_550 = arith.constant 0 : i32
      %scan3A_551 = arith.constant 32 : i32
      %scan3A_552 = arith.addi %scan3A_550, %scan3A_551 : i32
      %scan3A_553 = arith.constant 1 : i32
      scf.for %scan3A_555 = %scan3A_550 to %scan3A_552 step %scan3A_553  : i32 {
        %add3A_556 = arith.constant 0 : i32
        %add3A_557 = arith.addi %mul3A_131, %add3A_556 : i32
        %swap3A = arith.index_cast %scan3A_555 : i32 to index
        %swap3A_558 = arith.index_cast %add3A_557 : i32 to index
        %swap3A_559 = tpu.vector_load %arg8[%swap3A, %swap3A_558] {strides = array<i32>} : memref<32x384xf32, #tpu.memory_space<vmem>>, vector<1x16xf32>,
        %swap3A_560 = vector.shape_cast %swap3A_559 : vector<1x16xf32> to vector<16xf32>
        %swap3A_561 = vector.shape_cast %broadcast_in_dim3A_0 : vector<16xf32> to vector<1x16xf32>
        tpu.vector_store %arg8[%swap3A, %swap3A_558], %swap3A_561 {strides = array<i32>} : memref<32x384xf32, #tpu.memory_space<vmem>>, vector<1x16xf32>,
        %add3A_562 = arith.constant 16 : i32
        %add3A_563 = arith.addi %mul3A_131, %add3A_562 : i32
        %swap3A_564 = arith.index_cast %scan3A_555 : i32 to index
        %swap3A_565 = arith.index_cast %add3A_563 : i32 to index
        %swap3A_566 = tpu.vector_load %arg8[%swap3A_564, %swap3A_565] {strides = array<i32>} : memref<32x384xf32, #tpu.memory_space<vmem>>, vector<1x16xf32>,
        %swap3A_567 = vector.shape_cast %swap3A_566 : vector<1x16xf32> to vector<16xf32>
        %swap3A_568 = vector.shape_cast %broadcast_in_dim3A_0 : vector<16xf32> to vector<1x16xf32>
        tpu.vector_store %arg8[%swap3A_564, %swap3A_565], %swap3A_568 {strides = array<i32>} : memref<32x384xf32, #tpu.memory_space<vmem>>, vector<1x16xf32>,
        %add3A_569 = arith.constant 32 : i32
        %add3A_570 = arith.addi %mul3A_131, %add3A_569 : i32
        %swap3A_571 = arith.index_cast %scan3A_555 : i32 to index
        %swap3A_572 = arith.index_cast %add3A_570 : i32 to index
        %swap3A_573 = tpu.vector_load %arg8[%swap3A_571, %swap3A_572] {strides = array<i32>} : memref<32x384xf32, #tpu.memory_space<vmem>>, vector<1x16xf32>,
        %swap3A_574 = vector.shape_cast %swap3A_573 : vector<1x16xf32> to vector<16xf32>
        %swap3A_575 = vector.shape_cast %broadcast_in_dim3A_0 : vector<16xf32> to vector<1x16xf32>
        tpu.vector_store %arg8[%swap3A_571, %swap3A_572], %swap3A_575 {strides = array<i32>} : memref<32x384xf32, #tpu.memory_space<vmem>>, vector<1x16xf32>,
      }
      %scan3A_554 = arith.constant 32 : i32
    } else {
    }
    %add3A_33 = arith.constant 32 : i32
    %add3A_34 = arith.addi %arg1, %add3A_33 : i32
    %lt3A_35 = arith.constant 60 : i32
    %lt3A_36 = arith.cmpi slt, %add3A_34, %lt3A_35 : i32
    %convert_element_type3A_37 = arith.extui %lt3A_36 : i1 to i32
    %cond3A_38 = arith.constant 0 : i32
    %cond3A_39 = arith.cmpi ne, %convert_element_type3A_37, %cond3A_38 : i32
    scf.if %cond3A_39 {
      %mul3A = arith.constant 60 : i32
      %mul3A_47 = arith.muli %arg0, %mul3A : i32
      %add3A_48 = arith.addi %mul3A_47, %add3A_34 : i32
      %jit3A = arith.constant 15 : i32
      %div3A = arith.divsi %add3A_48, %jit3A : i32
      %sign3A = arith.constant 0 : i32
      %sign3A_49 = arith.cmpi sgt, %add3A_48, %sign3A : i32
      %sign3A_50 = arith.extui %sign3A_49 : i1 to i32
      %sign3A_51 = arith.constant 0 : i32
      %sign3A_52 = arith.cmpi slt, %add3A_48, %sign3A_51 : i32
      %sign3A_53 = arith.extui %sign3A_52 : i1 to i32
      %sign3A_54 = arith.subi %sign3A_50, %sign3A_53 : i32
      %sign3A_55 = arith.constant 0 : i32
      %sign3A_56 = arith.cmpi sgt, %jit3A, %sign3A_55 : i32
      %sign3A_57 = arith.extui %sign3A_56 : i1 to i32
      %sign3A_58 = arith.constant 0 : i32
      %sign3A_59 = arith.cmpi slt, %jit3A, %sign3A_58 : i32
      %sign3A_60 = arith.extui %sign3A_59 : i1 to i32
      %sign3A_61 = arith.subi %sign3A_57, %sign3A_60 : i32
      %ne3A = arith.cmpi ne, %sign3A_54, %sign3A_61 : i32
      %rem3A = arith.remsi %add3A_48, %jit3A : i32
      %ne3A_62 = arith.constant 0 : i32
      %ne3A_63 = arith.cmpi ne, %rem3A, %ne3A_62 : i32
      %and3A = arith.andi %ne3A, %ne3A_63 : i1
      %sub3A = arith.constant 1 : i32
      %sub3A_64 = arith.subi %div3A, %sub3A : i32
      %select_n3A = arith.select %and3A, %sub3A_64, %div3A : i32
      %jit3A_65 = arith.constant 15 : i32
      %eq3A = arith.constant 0 : i32
      %eq3A_66 = arith.cmpi eq, %jit3A_65, %eq3A : i32
      %jit3A_67 = arith.constant 1 : i32
      %select_n3A_68 = arith.select %eq3A_66, %jit3A_67, %jit3A_65 : i32
      %rem3A_69 = arith.remsi %add3A_48, %select_n3A_68 : i32
      %ne3A_70 = arith.constant 0 : i32
      %ne3A_71 = arith.cmpi ne, %rem3A_69, %ne3A_70 : i32
      %lt3A_72 = arith.constant 0 : i32
      %lt3A_73 = arith.cmpi slt, %rem3A_69, %lt3A_72 : i32
      %lt3A_74 = arith.constant 0 : i32
      %lt3A_75 = arith.cmpi slt, %select_n3A_68, %lt3A_74 : i32
      %ne3A_76 = arith.xori %lt3A_73, %lt3A_75 : i1
      %and3A_77 = arith.andi %ne3A_76, %ne3A_71 : i1
      %add3A_78 = arith.addi %rem3A_69, %select_n3A_68 : i32
      %select_n3A_79 = arith.select %and3A_77, %add3A_78, %rem3A_69 : i32
      %scan3A_80 = arith.constant 0 : i32
      %scan3A_81 = arith.constant 0 : i32
      %scan3A_82 = arith.constant 16 : i32
      %scan3A_83 = arith.addi %scan3A_81, %scan3A_82 : i32
      %scan3A_84 = arith.constant 1 : i32
      scf.for %scan3A_555 = %scan3A_81 to %scan3A_83 step %scan3A_84  : i32 {
        %mul3A_556 = arith.constant 24 : i32
        %mul3A_557 = arith.muli %scan3A_555, %mul3A_556 : i32
        %dma_start3A = arith.constant 0 : i32
        %dma_start3A_558 = tpu.memref_slice %arg4[%select_n3A, %select_n3A_79, %mul3A_557, %dma_start3A] : memref<8x15x384x384xf32, #tpu.memory_space<hbm>> -> memref<1x1x24x384xf32, #tpu.memory_space<hbm>>
        %dma_start3A_559 = tpu.memref_squeeze %dma_start3A_558 : memref<1x1x24x384xf32, #tpu.memory_space<hbm>> -> memref<24x384xf32, #tpu.memory_space<hbm>>
        %dma_start3A_560 = arith.constant 0 : i32
        %dma_start3A_561 = tpu.memref_slice %arg4[%select_n3A, %select_n3A_79, %mul3A_557, %dma_start3A_560] : memref<8x15x384x384xf32, #tpu.memory_space<hbm>> -> memref<1x1x24x384xf32, #tpu.memory_space<hbm>>
        %dma_start3A_562 = tpu.memref_squeeze %dma_start3A_561 : memref<1x1x24x384xf32, #tpu.memory_space<hbm>> -> memref<24x384xf32, #tpu.memory_space<hbm>>
        tpu.enqueue_dma source(%arg7 : memref<24x384xf32, #tpu.memory_space<vmem>>) target(%dma_start3A_562 : memref<24x384xf32, #tpu.memory_space<hbm>>) target_semaphore(%arg9 : memref<!tpu.dma_semaphore, #tpu.memory_space<semaphore_mem>>)
      }
      %scan3A_85 = arith.constant 16 : i32
      %mul3A_86 = arith.constant 2 : i32
      %mul3A_87 = arith.muli %mul3A_86, %add3A_48 : i32
      %get3A_88 = arith.index_cast %mul3A_87 : i32 to index
      %get3A_89 = tpu.vector_load %arg5[%get3A_88] {strides = array<i32>} : memref<256xi32, #tpu.memory_space<vmem>>, vector<16xi32>,
      %get3A_90 = vector.shape_cast %get3A_89 : vector<16xi32> to vector<16xi32>
      %slice3A_91 = vector.extract_strided_slice %get3A_90 {offsets = [0], sizes = [1], strides = [1]} : vector<16xi32> to vector<1xi32>
      %squeeze3A_92 = vector.extract %slice3A_91[0] : i32 from vector<1xi32>
      %slice3A_93 = vector.extract_strided_slice %get3A_90 {offsets = [1], sizes = [1], strides = [1]} : vector<16xi32> to vector<1xi32>
      %squeeze3A_94 = vector.extract %slice3A_93[0] : i32 from vector<1xi32>
      %sub3A_95 = arith.constant 12 : i32
      %sub3A_96 = arith.subi %squeeze3A_92, %sub3A_95 : i32
      %jit3A_97 = arith.constant 0 : i32
      %jit3A_98 = arith.constant 359 : i32
      %max3A_99 = arith.maxsi %jit3A_97, %sub3A_96 : i32
      %min3A = arith.minsi %jit3A_98, %max3A_99 : i32
      %sub3A_100 = arith.constant 12 : i32
      %sub3A_101 = arith.subi %squeeze3A_94, %sub3A_100 : i32
      %jit3A_102 = arith.constant 0 : i32
      %jit3A_103 = arith.constant 359 : i32
      %max3A_104 = arith.maxsi %jit3A_102, %sub3A_101 : i32
      %min3A_105 = arith.minsi %jit3A_103, %max3A_104 : i32
      %jit3A_106 = arith.constant 16 : i32
      %div3A_107 = arith.divsi %min3A, %jit3A_106 : i32
      %sign3A_108 = arith.constant 0 : i32
      %sign3A_109 = arith.cmpi sgt, %min3A, %sign3A_108 : i32
      %sign3A_110 = arith.extui %sign3A_109 : i1 to i32
      %sign3A_111 = arith.constant 0 : i32
      %sign3A_112 = arith.cmpi slt, %min3A, %sign3A_111 : i32
      %sign3A_113 = arith.extui %sign3A_112 : i1 to i32
      %sign3A_114 = arith.subi %sign3A_110, %sign3A_113 : i32
      %sign3A_115 = arith.constant 0 : i32
      %sign3A_116 = arith.cmpi sgt, %jit3A_106, %sign3A_115 : i32
      %sign3A_117 = arith.extui %sign3A_116 : i1 to i32
      %sign3A_118 = arith.constant 0 : i32
      %sign3A_119 = arith.cmpi slt, %jit3A_106, %sign3A_118 : i32
      %sign3A_120 = arith.extui %sign3A_119 : i1 to i32
      %sign3A_121 = arith.subi %sign3A_117, %sign3A_120 : i32
      %ne3A_122 = arith.cmpi ne, %sign3A_114, %sign3A_121 : i32
      %rem3A_123 = arith.remsi %min3A, %jit3A_106 : i32
      %ne3A_124 = arith.constant 0 : i32
      %ne3A_125 = arith.cmpi ne, %rem3A_123, %ne3A_124 : i32
      %and3A_126 = arith.andi %ne3A_122, %ne3A_125 : i1
      %sub3A_127 = arith.constant 1 : i32
      %sub3A_128 = arith.subi %div3A_107, %sub3A_127 : i32
      %select_n3A_129 = arith.select %and3A_126, %sub3A_128, %div3A_107 : i32
      %mul3A_130 = arith.constant 16 : i32
      %mul3A_131 = arith.muli %select_n3A_129, %mul3A_130 : i32
      %jit3A_132 = arith.constant 8 : i32
      %div3A_133 = arith.divsi %min3A_105, %jit3A_132 : i32
      %sign3A_134 = arith.constant 0 : i32
      %sign3A_135 = arith.cmpi sgt, %min3A_105, %sign3A_134 : i32
      %sign3A_136 = arith.extui %sign3A_135 : i1 to i32
      %sign3A_137 = arith.constant 0 : i32
      %sign3A_138 = arith.cmpi slt, %min3A_105, %sign3A_137 : i32
      %sign3A_139 = arith.extui %sign3A_138 : i1 to i32
      %sign3A_140 = arith.subi %sign3A_136, %sign3A_139 : i32
      %sign3A_141 = arith.constant 0 : i32
      %sign3A_142 = arith.cmpi sgt, %jit3A_132, %sign3A_141 : i32
      %sign3A_143 = arith.extui %sign3A_142 : i1 to i32
      %sign3A_144 = arith.constant 0 : i32
      %sign3A_145 = arith.cmpi slt, %jit3A_132, %sign3A_144 : i32
      %sign3A_146 = arith.extui %sign3A_145 : i1 to i32
      %sign3A_147 = arith.subi %sign3A_143, %sign3A_146 : i32
      %ne3A_148 = arith.cmpi ne, %sign3A_140, %sign3A_147 : i32
      %rem3A_149 = arith.remsi %min3A_105, %jit3A_132 : i32
      %ne3A_150 = arith.constant 0 : i32
      %ne3A_151 = arith.cmpi ne, %rem3A_149, %ne3A_150 : i32
      %and3A_152 = arith.andi %ne3A_148, %ne3A_151 : i1
      %sub3A_153 = arith.constant 1 : i32
      %sub3A_154 = arith.subi %div3A_133, %sub3A_153 : i32
      %select_n3A_155 = arith.select %and3A_152, %sub3A_154, %div3A_133 : i32
      %mul3A_156 = arith.constant 8 : i32
      %mul3A_157 = arith.muli %select_n3A_155, %mul3A_156 : i32
      %ge3A = arith.constant 3 : i32
      %ge3A_158 = arith.cmpi sge, %squeeze3A_92, %ge3A : i32
      %lt3A_159 = arith.constant 381 : i32
      %lt3A_160 = arith.cmpi slt, %squeeze3A_92, %lt3A_159 : i32
      %and3A_161 = arith.andi %ge3A_158, %lt3A_160 : i1
      %ge3A_162 = arith.constant 3 : i32
      %ge3A_163 = arith.cmpi sge, %squeeze3A_94, %ge3A_162 : i32
      %and3A_164 = arith.andi %and3A_161, %ge3A_163 : i1
      %lt3A_165 = arith.constant 381 : i32
      %lt3A_166 = arith.cmpi slt, %squeeze3A_94, %lt3A_165 : i32
      %and3A_167 = arith.andi %and3A_164, %lt3A_166 : i1
      %convert_element_type3A_168 = arith.extui %and3A_167 : i1 to i32
      %convert_element_type3A_169 = arith.sitofp %convert_element_type3A_168 : i32 to f32
      %mul3A_170 = arith.mulf %max3A_14, %convert_element_type3A_169 : f32
      %ge3A_171 = arith.constant 6 : i32
      %ge3A_172 = arith.cmpi sge, %squeeze3A_92, %ge3A_171 : i32
      %lt3A_173 = arith.constant 378 : i32
      %lt3A_174 = arith.cmpi slt, %squeeze3A_92, %lt3A_173 : i32
      %and3A_175 = arith.andi %ge3A_172, %lt3A_174 : i1
      %ge3A_176 = arith.constant 6 : i32
      %ge3A_177 = arith.cmpi sge, %squeeze3A_94, %ge3A_176 : i32
      %and3A_178 = arith.andi %and3A_175, %ge3A_177 : i1
      %lt3A_179 = arith.constant 378 : i32
      %lt3A_180 = arith.cmpi slt, %squeeze3A_94, %lt3A_179 : i32
      %and3A_181 = arith.andi %and3A_178, %lt3A_180 : i1
      %convert_element_type3A_182 = arith.extui %and3A_181 : i1 to i32
      %convert_element_type3A_183 = arith.sitofp %convert_element_type3A_182 : i32 to f32
      %mul3A_184 = arith.mulf %max3A_18, %convert_element_type3A_183 : f32
      %ge3A_185 = arith.constant 12 : i32
      %ge3A_186 = arith.cmpi sge, %squeeze3A_92, %ge3A_185 : i32
      %lt3A_187 = arith.constant 372 : i32
      %lt3A_188 = arith.cmpi slt, %squeeze3A_92, %lt3A_187 : i32
      %and3A_189 = arith.andi %ge3A_186, %lt3A_188 : i1
      %ge3A_190 = arith.constant 12 : i32
      %ge3A_191 = arith.cmpi sge, %squeeze3A_94, %ge3A_190 : i32
      %and3A_192 = arith.andi %and3A_189, %ge3A_191 : i1
      %lt3A_193 = arith.constant 372 : i32
      %lt3A_194 = arith.cmpi slt, %squeeze3A_94, %lt3A_193 : i32
      %and3A_195 = arith.andi %and3A_192, %lt3A_194 : i1
      %convert_element_type3A_196 = arith.extui %and3A_195 : i1 to i32
      %convert_element_type3A_197 = arith.sitofp %convert_element_type3A_196 : i32 to f32
      %mul3A_198 = arith.mulf %max3A_22, %convert_element_type3A_197 : f32
      %add3A_199 = arith.constant 0 : i32
      %add3A_200 = arith.addi %mul3A_131, %add3A_199 : i32
      %add3A_201 = vector.broadcast %add3A_200 : i32 to vector<16xi32>
      %add3A_202 = arith.addi %add3A_201, %iota3A : vector<16xi32>
      %sub3A_203 = vector.broadcast %squeeze3A_92 : i32 to vector<16xi32>
      %sub3A_204 = arith.subi %add3A_202, %sub3A_203 : vector<16xi32>
      %mul3A_205 = arith.muli %sub3A_204, %sub3A_204 : vector<16xi32>
      %convert_element_type3A_206 = arith.sitofp %mul3A_205 : vector<16xi32> to vector<16xf32>
      %abs3A = math.absi %sub3A_204 : vector<16xi32>
      %le3A = arith.constant 3 : i32
      %le3A_207 = vector.broadcast %le3A : i32 to vector<16xi32>
      %le3A_208 = arith.cmpi sle, %abs3A, %le3A_207 : vector<16xi32>
      %neg3A = arith.constant 0.000000e+00 : f32
      %neg3A_209 = vector.broadcast %neg3A : f32 to vector<16xf32>
      %neg3A_210 = arith.subf %neg3A_209, %convert_element_type3A_206 : vector<16xf32>
      %mul3A_211 = arith.constant 5.000000e-01 : f32
      %mul3A_212 = vector.broadcast %mul3A_211 : f32 to vector<16xf32>
      %mul3A_213 = arith.mulf %neg3A_210, %mul3A_212 : vector<16xf32>
      %exp3A = math.exp %mul3A_213 : vector<16xf32>
      %jit3A_214 = arith.constant 0.000000e+00 : f32
      %broadcast_in_dim3A_215 = vector.broadcast %jit3A_214 : f32 to vector<16xf32>
      %select_n3A_216 = arith.select %le3A_208, %exp3A, %broadcast_in_dim3A_215 : vector<16xi1>, vector<16xf32>
      %add3A_217 = arith.constant 16 : i32
      %add3A_218 = arith.addi %mul3A_131, %add3A_217 : i32
      %add3A_219 = vector.broadcast %add3A_218 : i32 to vector<16xi32>
      %add3A_220 = arith.addi %add3A_219, %iota3A : vector<16xi32>
      %sub3A_221 = vector.broadcast %squeeze3A_92 : i32 to vector<16xi32>
      %sub3A_222 = arith.subi %add3A_220, %sub3A_221 : vector<16xi32>
      %mul3A_223 = arith.muli %sub3A_222, %sub3A_222 : vector<16xi32>
      %convert_element_type3A_224 = arith.sitofp %mul3A_223 : vector<16xi32> to vector<16xf32>
      %abs3A_225 = math.absi %sub3A_222 : vector<16xi32>
      %le3A_226 = arith.constant 3 : i32
      %le3A_227 = vector.broadcast %le3A_226 : i32 to vector<16xi32>
      %le3A_228 = arith.cmpi sle, %abs3A_225, %le3A_227 : vector<16xi32>
      %neg3A_229 = arith.constant 0.000000e+00 : f32
      %neg3A_230 = vector.broadcast %neg3A_229 : f32 to vector<16xf32>
      %neg3A_231 = arith.subf %neg3A_230, %convert_element_type3A_224 : vector<16xf32>
      %mul3A_232 = arith.constant 5.000000e-01 : f32
      %mul3A_233 = vector.broadcast %mul3A_232 : f32 to vector<16xf32>
      %mul3A_234 = arith.mulf %neg3A_231, %mul3A_233 : vector<16xf32>
      %exp3A_235 = math.exp %mul3A_234 : vector<16xf32>
      %jit3A_236 = arith.constant 0.000000e+00 : f32
      %broadcast_in_dim3A_237 = vector.broadcast %jit3A_236 : f32 to vector<16xf32>
      %select_n3A_238 = arith.select %le3A_228, %exp3A_235, %broadcast_in_dim3A_237 : vector<16xi1>, vector<16xf32>
      %add3A_239 = arith.constant 32 : i32
      %add3A_240 = arith.addi %mul3A_131, %add3A_239 : i32
      %add3A_241 = vector.broadcast %add3A_240 : i32 to vector<16xi32>
      %add3A_242 = arith.addi %add3A_241, %iota3A : vector<16xi32>
      %sub3A_243 = vector.broadcast %squeeze3A_92 : i32 to vector<16xi32>
      %sub3A_244 = arith.subi %add3A_242, %sub3A_243 : vector<16xi32>
      %mul3A_245 = arith.muli %sub3A_244, %sub3A_244 : vector<16xi32>
      %convert_element_type3A_246 = arith.sitofp %mul3A_245 : vector<16xi32> to vector<16xf32>
      %abs3A_247 = math.absi %sub3A_244 : vector<16xi32>
      %le3A_248 = arith.constant 3 : i32
      %le3A_249 = vector.broadcast %le3A_248 : i32 to vector<16xi32>
      %le3A_250 = arith.cmpi sle, %abs3A_247, %le3A_249 : vector<16xi32>
      %neg3A_251 = arith.constant 0.000000e+00 : f32
      %neg3A_252 = vector.broadcast %neg3A_251 : f32 to vector<16xf32>
      %neg3A_253 = arith.subf %neg3A_252, %convert_element_type3A_246 : vector<16xf32>
      %mul3A_254 = arith.constant 5.000000e-01 : f32
      %mul3A_255 = vector.broadcast %mul3A_254 : f32 to vector<16xf32>
      %mul3A_256 = arith.mulf %neg3A_253, %mul3A_255 : vector<16xf32>
      %exp3A_257 = math.exp %mul3A_256 : vector<16xf32>
      %jit3A_258 = arith.constant 0.000000e+00 : f32
      %broadcast_in_dim3A_259 = vector.broadcast %jit3A_258 : f32 to vector<16xf32>
      %select_n3A_260 = arith.select %le3A_250, %exp3A_257, %broadcast_in_dim3A_259 : vector<16xi1>, vector<16xf32>
      %add3A_261 = arith.constant 0 : i32
      %add3A_262 = arith.addi %mul3A_157, %add3A_261 : i32
      %add3A_263 = vector.broadcast %add3A_262 : i32 to vector<16xi32>
      %add3A_264 = arith.addi %add3A_263, %iota3A : vector<16xi32>
      %sub3A_265 = vector.broadcast %squeeze3A_94 : i32 to vector<16xi32>
      %sub3A_266 = arith.subi %add3A_264, %sub3A_265 : vector<16xi32>
      %mul3A_267 = arith.muli %sub3A_266, %sub3A_266 : vector<16xi32>
      %convert_element_type3A_268 = arith.sitofp %mul3A_267 : vector<16xi32> to vector<16xf32>
      %abs3A_269 = math.absi %sub3A_266 : vector<16xi32>
      %le3A_270 = arith.constant 3 : i32
      %le3A_271 = vector.broadcast %le3A_270 : i32 to vector<16xi32>
      %le3A_272 = arith.cmpi sle, %abs3A_269, %le3A_271 : vector<16xi32>
      %neg3A_273 = arith.constant 0.000000e+00 : f32
      %neg3A_274 = vector.broadcast %neg3A_273 : f32 to vector<16xf32>
      %neg3A_275 = arith.subf %neg3A_274, %convert_element_type3A_268 : vector<16xf32>
      %mul3A_276 = arith.constant 5.000000e-01 : f32
      %mul3A_277 = vector.broadcast %mul3A_276 : f32 to vector<16xf32>
      %mul3A_278 = arith.mulf %neg3A_275, %mul3A_277 : vector<16xf32>
      %exp3A_279 = math.exp %mul3A_278 : vector<16xf32>
      %jit3A_280 = arith.constant 0.000000e+00 : f32
      %broadcast_in_dim3A_281 = vector.broadcast %jit3A_280 : f32 to vector<16xf32>
      %select_n3A_282 = arith.select %le3A_272, %exp3A_279, %broadcast_in_dim3A_281 : vector<16xi1>, vector<16xf32>
      %mul3A_283 = vector.broadcast %mul3A_170 : f32 to vector<16xf32>
      %mul3A_284 = arith.mulf %select_n3A_282, %mul3A_283 : vector<16xf32>
      %add3A_285 = arith.constant 16 : i32
      %add3A_286 = arith.addi %mul3A_157, %add3A_285 : i32
      %add3A_287 = vector.broadcast %add3A_286 : i32 to vector<16xi32>
      %add3A_288 = arith.addi %add3A_287, %iota3A : vector<16xi32>
      %sub3A_289 = vector.broadcast %squeeze3A_94 : i32 to vector<16xi32>
      %sub3A_290 = arith.subi %add3A_288, %sub3A_289 : vector<16xi32>
      %mul3A_291 = arith.muli %sub3A_290, %sub3A_290 : vector<16xi32>
      %convert_element_type3A_292 = arith.sitofp %mul3A_291 : vector<16xi32> to vector<16xf32>
      %abs3A_293 = math.absi %sub3A_290 : vector<16xi32>
      %le3A_294 = arith.constant 3 : i32
      %le3A_295 = vector.broadcast %le3A_294 : i32 to vector<16xi32>
      %le3A_296 = arith.cmpi sle, %abs3A_293, %le3A_295 : vector<16xi32>
      %neg3A_297 = arith.constant 0.000000e+00 : f32
      %neg3A_298 = vector.broadcast %neg3A_297 : f32 to vector<16xf32>
      %neg3A_299 = arith.subf %neg3A_298, %convert_element_type3A_292 : vector<16xf32>
      %mul3A_300 = arith.constant 5.000000e-01 : f32
      %mul3A_301 = vector.broadcast %mul3A_300 : f32 to vector<16xf32>
      %mul3A_302 = arith.mulf %neg3A_299, %mul3A_301 : vector<16xf32>
      %exp3A_303 = math.exp %mul3A_302 : vector<16xf32>
      %jit3A_304 = arith.constant 0.000000e+00 : f32
      %broadcast_in_dim3A_305 = vector.broadcast %jit3A_304 : f32 to vector<16xf32>
      %select_n3A_306 = arith.select %le3A_296, %exp3A_303, %broadcast_in_dim3A_305 : vector<16xi1>, vector<16xf32>
      %mul3A_307 = vector.broadcast %mul3A_170 : f32 to vector<16xf32>
      %mul3A_308 = arith.mulf %select_n3A_306, %mul3A_307 : vector<16xf32>
      %add3A_309 = arith.constant 0 : i32
      %add3A_310 = arith.addi %mul3A_131, %add3A_309 : i32
      %add3A_311 = vector.broadcast %add3A_310 : i32 to vector<16xi32>
      %add3A_312 = arith.addi %add3A_311, %iota3A : vector<16xi32>
      %sub3A_313 = vector.broadcast %squeeze3A_92 : i32 to vector<16xi32>
      %sub3A_314 = arith.subi %add3A_312, %sub3A_313 : vector<16xi32>
      %mul3A_315 = arith.muli %sub3A_314, %sub3A_314 : vector<16xi32>
      %convert_element_type3A_316 = arith.sitofp %mul3A_315 : vector<16xi32> to vector<16xf32>
      %abs3A_317 = math.absi %sub3A_314 : vector<16xi32>
      %le3A_318 = arith.constant 6 : i32
      %le3A_319 = vector.broadcast %le3A_318 : i32 to vector<16xi32>
      %le3A_320 = arith.cmpi sle, %abs3A_317, %le3A_319 : vector<16xi32>
      %neg3A_321 = arith.constant 0.000000e+00 : f32
      %neg3A_322 = vector.broadcast %neg3A_321 : f32 to vector<16xf32>
      %neg3A_323 = arith.subf %neg3A_322, %convert_element_type3A_316 : vector<16xf32>
      %mul3A_324 = arith.constant 1.250000e-01 : f32
      %mul3A_325 = vector.broadcast %mul3A_324 : f32 to vector<16xf32>
      %mul3A_326 = arith.mulf %neg3A_323, %mul3A_325 : vector<16xf32>
      %exp3A_327 = math.exp %mul3A_326 : vector<16xf32>
      %jit3A_328 = arith.constant 0.000000e+00 : f32
      %broadcast_in_dim3A_329 = vector.broadcast %jit3A_328 : f32 to vector<16xf32>
      %select_n3A_330 = arith.select %le3A_320, %exp3A_327, %broadcast_in_dim3A_329 : vector<16xi1>, vector<16xf32>
      %add3A_331 = arith.constant 16 : i32
      %add3A_332 = arith.addi %mul3A_131, %add3A_331 : i32
      %add3A_333 = vector.broadcast %add3A_332 : i32 to vector<16xi32>
      %add3A_334 = arith.addi %add3A_333, %iota3A : vector<16xi32>
      %sub3A_335 = vector.broadcast %squeeze3A_92 : i32 to vector<16xi32>
      %sub3A_336 = arith.subi %add3A_334, %sub3A_335 : vector<16xi32>
      %mul3A_337 = arith.muli %sub3A_336, %sub3A_336 : vector<16xi32>
      %convert_element_type3A_338 = arith.sitofp %mul3A_337 : vector<16xi32> to vector<16xf32>
      %abs3A_339 = math.absi %sub3A_336 : vector<16xi32>
      %le3A_340 = arith.constant 6 : i32
      %le3A_341 = vector.broadcast %le3A_340 : i32 to vector<16xi32>
      %le3A_342 = arith.cmpi sle, %abs3A_339, %le3A_341 : vector<16xi32>
      %neg3A_343 = arith.constant 0.000000e+00 : f32
      %neg3A_344 = vector.broadcast %neg3A_343 : f32 to vector<16xf32>
      %neg3A_345 = arith.subf %neg3A_344, %convert_element_type3A_338 : vector<16xf32>
      %mul3A_346 = arith.constant 1.250000e-01 : f32
      %mul3A_347 = vector.broadcast %mul3A_346 : f32 to vector<16xf32>
      %mul3A_348 = arith.mulf %neg3A_345, %mul3A_347 : vector<16xf32>
      %exp3A_349 = math.exp %mul3A_348 : vector<16xf32>
      %jit3A_350 = arith.constant 0.000000e+00 : f32
      %broadcast_in_dim3A_351 = vector.broadcast %jit3A_350 : f32 to vector<16xf32>
      %select_n3A_352 = arith.select %le3A_342, %exp3A_349, %broadcast_in_dim3A_351 : vector<16xi1>, vector<16xf32>
      %add3A_353 = arith.constant 32 : i32
      %add3A_354 = arith.addi %mul3A_131, %add3A_353 : i32
      %add3A_355 = vector.broadcast %add3A_354 : i32 to vector<16xi32>
      %add3A_356 = arith.addi %add3A_355, %iota3A : vector<16xi32>
      %sub3A_357 = vector.broadcast %squeeze3A_92 : i32 to vector<16xi32>
      %sub3A_358 = arith.subi %add3A_356, %sub3A_357 : vector<16xi32>
      %mul3A_359 = arith.muli %sub3A_358, %sub3A_358 : vector<16xi32>
      %convert_element_type3A_360 = arith.sitofp %mul3A_359 : vector<16xi32> to vector<16xf32>
      %abs3A_361 = math.absi %sub3A_358 : vector<16xi32>
      %le3A_362 = arith.constant 6 : i32
      %le3A_363 = vector.broadcast %le3A_362 : i32 to vector<16xi32>
      %le3A_364 = arith.cmpi sle, %abs3A_361, %le3A_363 : vector<16xi32>
      %neg3A_365 = arith.constant 0.000000e+00 : f32
      %neg3A_366 = vector.broadcast %neg3A_365 : f32 to vector<16xf32>
      %neg3A_367 = arith.subf %neg3A_366, %convert_element_type3A_360 : vector<16xf32>
      %mul3A_368 = arith.constant 1.250000e-01 : f32
      %mul3A_369 = vector.broadcast %mul3A_368 : f32 to vector<16xf32>
      %mul3A_370 = arith.mulf %neg3A_367, %mul3A_369 : vector<16xf32>
      %exp3A_371 = math.exp %mul3A_370 : vector<16xf32>
      %jit3A_372 = arith.constant 0.000000e+00 : f32
      %broadcast_in_dim3A_373 = vector.broadcast %jit3A_372 : f32 to vector<16xf32>
      %select_n3A_374 = arith.select %le3A_364, %exp3A_371, %broadcast_in_dim3A_373 : vector<16xi1>, vector<16xf32>
      %add3A_375 = arith.constant 0 : i32
      %add3A_376 = arith.addi %mul3A_157, %add3A_375 : i32
      %add3A_377 = vector.broadcast %add3A_376 : i32 to vector<16xi32>
      %add3A_378 = arith.addi %add3A_377, %iota3A : vector<16xi32>
      %sub3A_379 = vector.broadcast %squeeze3A_94 : i32 to vector<16xi32>
      %sub3A_380 = arith.subi %add3A_378, %sub3A_379 : vector<16xi32>
      %mul3A_381 = arith.muli %sub3A_380, %sub3A_380 : vector<16xi32>
      %convert_element_type3A_382 = arith.sitofp %mul3A_381 : vector<16xi32> to vector<16xf32>
      %abs3A_383 = math.absi %sub3A_380 : vector<16xi32>
      %le3A_384 = arith.constant 6 : i32
      %le3A_385 = vector.broadcast %le3A_384 : i32 to vector<16xi32>
      %le3A_386 = arith.cmpi sle, %abs3A_383, %le3A_385 : vector<16xi32>
      %neg3A_387 = arith.constant 0.000000e+00 : f32
      %neg3A_388 = vector.broadcast %neg3A_387 : f32 to vector<16xf32>
      %neg3A_389 = arith.subf %neg3A_388, %convert_element_type3A_382 : vector<16xf32>
      %mul3A_390 = arith.constant 1.250000e-01 : f32
      %mul3A_391 = vector.broadcast %mul3A_390 : f32 to vector<16xf32>
      %mul3A_392 = arith.mulf %neg3A_389, %mul3A_391 : vector<16xf32>
      %exp3A_393 = math.exp %mul3A_392 : vector<16xf32>
      %jit3A_394 = arith.constant 0.000000e+00 : f32
      %broadcast_in_dim3A_395 = vector.broadcast %jit3A_394 : f32 to vector<16xf32>
      %select_n3A_396 = arith.select %le3A_386, %exp3A_393, %broadcast_in_dim3A_395 : vector<16xi1>, vector<16xf32>
      %mul3A_397 = vector.broadcast %mul3A_184 : f32 to vector<16xf32>
      %mul3A_398 = arith.mulf %select_n3A_396, %mul3A_397 : vector<16xf32>
      %add3A_399 = arith.constant 16 : i32
      %add3A_400 = arith.addi %mul3A_157, %add3A_399 : i32
      %add3A_401 = vector.broadcast %add3A_400 : i32 to vector<16xi32>
      %add3A_402 = arith.addi %add3A_401, %iota3A : vector<16xi32>
      %sub3A_403 = vector.broadcast %squeeze3A_94 : i32 to vector<16xi32>
      %sub3A_404 = arith.subi %add3A_402, %sub3A_403 : vector<16xi32>
      %mul3A_405 = arith.muli %sub3A_404, %sub3A_404 : vector<16xi32>
      %convert_element_type3A_406 = arith.sitofp %mul3A_405 : vector<16xi32> to vector<16xf32>
      %abs3A_407 = math.absi %sub3A_404 : vector<16xi32>
      %le3A_408 = arith.constant 6 : i32
      %le3A_409 = vector.broadcast %le3A_408 : i32 to vector<16xi32>
      %le3A_410 = arith.cmpi sle, %abs3A_407, %le3A_409 : vector<16xi32>
      %neg3A_411 = arith.constant 0.000000e+00 : f32
      %neg3A_412 = vector.broadcast %neg3A_411 : f32 to vector<16xf32>
      %neg3A_413 = arith.subf %neg3A_412, %convert_element_type3A_406 : vector<16xf32>
      %mul3A_414 = arith.constant 1.250000e-01 : f32
      %mul3A_415 = vector.broadcast %mul3A_414 : f32 to vector<16xf32>
      %mul3A_416 = arith.mulf %neg3A_413, %mul3A_415 : vector<16xf32>
      %exp3A_417 = math.exp %mul3A_416 : vector<16xf32>
      %jit3A_418 = arith.constant 0.000000e+00 : f32
      %broadcast_in_dim3A_419 = vector.broadcast %jit3A_418 : f32 to vector<16xf32>
      %select_n3A_420 = arith.select %le3A_410, %exp3A_417, %broadcast_in_dim3A_419 : vector<16xi1>, vector<16xf32>
      %mul3A_421 = vector.broadcast %mul3A_184 : f32 to vector<16xf32>
      %mul3A_422 = arith.mulf %select_n3A_420, %mul3A_421 : vector<16xf32>
      %add3A_423 = arith.constant 0 : i32
      %add3A_424 = arith.addi %mul3A_131, %add3A_423 : i32
      %add3A_425 = vector.broadcast %add3A_424 : i32 to vector<16xi32>
      %add3A_426 = arith.addi %add3A_425, %iota3A : vector<16xi32>
      %sub3A_427 = vector.broadcast %squeeze3A_92 : i32 to vector<16xi32>
      %sub3A_428 = arith.subi %add3A_426, %sub3A_427 : vector<16xi32>
      %mul3A_429 = arith.muli %sub3A_428, %sub3A_428 : vector<16xi32>
      %convert_element_type3A_430 = arith.sitofp %mul3A_429 : vector<16xi32> to vector<16xf32>
      %abs3A_431 = math.absi %sub3A_428 : vector<16xi32>
      %le3A_432 = arith.constant 12 : i32
      %le3A_433 = vector.broadcast %le3A_432 : i32 to vector<16xi32>
      %le3A_434 = arith.cmpi sle, %abs3A_431, %le3A_433 : vector<16xi32>
      %neg3A_435 = arith.constant 0.000000e+00 : f32
      %neg3A_436 = vector.broadcast %neg3A_435 : f32 to vector<16xf32>
      %neg3A_437 = arith.subf %neg3A_436, %convert_element_type3A_430 : vector<16xf32>
      %mul3A_438 = arith.constant 3.125000e-02 : f32
      %mul3A_439 = vector.broadcast %mul3A_438 : f32 to vector<16xf32>
      %mul3A_440 = arith.mulf %neg3A_437, %mul3A_439 : vector<16xf32>
      %exp3A_441 = math.exp %mul3A_440 : vector<16xf32>
      %jit3A_442 = arith.constant 0.000000e+00 : f32
      %broadcast_in_dim3A_443 = vector.broadcast %jit3A_442 : f32 to vector<16xf32>
      %select_n3A_444 = arith.select %le3A_434, %exp3A_441, %broadcast_in_dim3A_443 : vector<16xi1>, vector<16xf32>
      %add3A_445 = arith.constant 16 : i32
      %add3A_446 = arith.addi %mul3A_131, %add3A_445 : i32
      %add3A_447 = vector.broadcast %add3A_446 : i32 to vector<16xi32>
      %add3A_448 = arith.addi %add3A_447, %iota3A : vector<16xi32>
      %sub3A_449 = vector.broadcast %squeeze3A_92 : i32 to vector<16xi32>
      %sub3A_450 = arith.subi %add3A_448, %sub3A_449 : vector<16xi32>
      %mul3A_451 = arith.muli %sub3A_450, %sub3A_450 : vector<16xi32>
      %convert_element_type3A_452 = arith.sitofp %mul3A_451 : vector<16xi32> to vector<16xf32>
      %abs3A_453 = math.absi %sub3A_450 : vector<16xi32>
      %le3A_454 = arith.constant 12 : i32
      %le3A_455 = vector.broadcast %le3A_454 : i32 to vector<16xi32>
      %le3A_456 = arith.cmpi sle, %abs3A_453, %le3A_455 : vector<16xi32>
      %neg3A_457 = arith.constant 0.000000e+00 : f32
      %neg3A_458 = vector.broadcast %neg3A_457 : f32 to vector<16xf32>
      %neg3A_459 = arith.subf %neg3A_458, %convert_element_type3A_452 : vector<16xf32>
      %mul3A_460 = arith.constant 3.125000e-02 : f32
      %mul3A_461 = vector.broadcast %mul3A_460 : f32 to vector<16xf32>
      %mul3A_462 = arith.mulf %neg3A_459, %mul3A_461 : vector<16xf32>
      %exp3A_463 = math.exp %mul3A_462 : vector<16xf32>
      %jit3A_464 = arith.constant 0.000000e+00 : f32
      %broadcast_in_dim3A_465 = vector.broadcast %jit3A_464 : f32 to vector<16xf32>
      %select_n3A_466 = arith.select %le3A_456, %exp3A_463, %broadcast_in_dim3A_465 : vector<16xi1>, vector<16xf32>
      %add3A_467 = arith.constant 32 : i32
      %add3A_468 = arith.addi %mul3A_131, %add3A_467 : i32
      %add3A_469 = vector.broadcast %add3A_468 : i32 to vector<16xi32>
      %add3A_470 = arith.addi %add3A_469, %iota3A : vector<16xi32>
      %sub3A_471 = vector.broadcast %squeeze3A_92 : i32 to vector<16xi32>
      %sub3A_472 = arith.subi %add3A_470, %sub3A_471 : vector<16xi32>
      %mul3A_473 = arith.muli %sub3A_472, %sub3A_472 : vector<16xi32>
      %convert_element_type3A_474 = arith.sitofp %mul3A_473 : vector<16xi32> to vector<16xf32>
      %abs3A_475 = math.absi %sub3A_472 : vector<16xi32>
      %le3A_476 = arith.constant 12 : i32
      %le3A_477 = vector.broadcast %le3A_476 : i32 to vector<16xi32>
      %le3A_478 = arith.cmpi sle, %abs3A_475, %le3A_477 : vector<16xi32>
      %neg3A_479 = arith.constant 0.000000e+00 : f32
      %neg3A_480 = vector.broadcast %neg3A_479 : f32 to vector<16xf32>
      %neg3A_481 = arith.subf %neg3A_480, %convert_element_type3A_474 : vector<16xf32>
      %mul3A_482 = arith.constant 3.125000e-02 : f32
      %mul3A_483 = vector.broadcast %mul3A_482 : f32 to vector<16xf32>
      %mul3A_484 = arith.mulf %neg3A_481, %mul3A_483 : vector<16xf32>
      %exp3A_485 = math.exp %mul3A_484 : vector<16xf32>
      %jit3A_486 = arith.constant 0.000000e+00 : f32
      %broadcast_in_dim3A_487 = vector.broadcast %jit3A_486 : f32 to vector<16xf32>
      %select_n3A_488 = arith.select %le3A_478, %exp3A_485, %broadcast_in_dim3A_487 : vector<16xi1>, vector<16xf32>
      %add3A_489 = arith.constant 0 : i32
      %add3A_490 = arith.addi %mul3A_157, %add3A_489 : i32
      %add3A_491 = vector.broadcast %add3A_490 : i32 to vector<16xi32>
      %add3A_492 = arith.addi %add3A_491, %iota3A : vector<16xi32>
      %sub3A_493 = vector.broadcast %squeeze3A_94 : i32 to vector<16xi32>
      %sub3A_494 = arith.subi %add3A_492, %sub3A_493 : vector<16xi32>
      %mul3A_495 = arith.muli %sub3A_494, %sub3A_494 : vector<16xi32>
      %convert_element_type3A_496 = arith.sitofp %mul3A_495 : vector<16xi32> to vector<16xf32>
      %abs3A_497 = math.absi %sub3A_494 : vector<16xi32>
      %le3A_498 = arith.constant 12 : i32
      %le3A_499 = vector.broadcast %le3A_498 : i32 to vector<16xi32>
      %le3A_500 = arith.cmpi sle, %abs3A_497, %le3A_499 : vector<16xi32>
      %neg3A_501 = arith.constant 0.000000e+00 : f32
      %neg3A_502 = vector.broadcast %neg3A_501 : f32 to vector<16xf32>
      %neg3A_503 = arith.subf %neg3A_502, %convert_element_type3A_496 : vector<16xf32>
      %mul3A_504 = arith.constant 3.125000e-02 : f32
      %mul3A_505 = vector.broadcast %mul3A_504 : f32 to vector<16xf32>
      %mul3A_506 = arith.mulf %neg3A_503, %mul3A_505 : vector<16xf32>
      %exp3A_507 = math.exp %mul3A_506 : vector<16xf32>
      %jit3A_508 = arith.constant 0.000000e+00 : f32
      %broadcast_in_dim3A_509 = vector.broadcast %jit3A_508 : f32 to vector<16xf32>
      %select_n3A_510 = arith.select %le3A_500, %exp3A_507, %broadcast_in_dim3A_509 : vector<16xi1>, vector<16xf32>
      %mul3A_511 = vector.broadcast %mul3A_198 : f32 to vector<16xf32>
      %mul3A_512 = arith.mulf %select_n3A_510, %mul3A_511 : vector<16xf32>
      %add3A_513 = arith.constant 16 : i32
      %add3A_514 = arith.addi %mul3A_157, %add3A_513 : i32
      %add3A_515 = vector.broadcast %add3A_514 : i32 to vector<16xi32>
      %add3A_516 = arith.addi %add3A_515, %iota3A : vector<16xi32>
      %sub3A_517 = vector.broadcast %squeeze3A_94 : i32 to vector<16xi32>
      %sub3A_518 = arith.subi %add3A_516, %sub3A_517 : vector<16xi32>
      %mul3A_519 = arith.muli %sub3A_518, %sub3A_518 : vector<16xi32>
      %convert_element_type3A_520 = arith.sitofp %mul3A_519 : vector<16xi32> to vector<16xf32>
      %abs3A_521 = math.absi %sub3A_518 : vector<16xi32>
      %le3A_522 = arith.constant 12 : i32
      %le3A_523 = vector.broadcast %le3A_522 : i32 to vector<16xi32>
      %le3A_524 = arith.cmpi sle, %abs3A_521, %le3A_523 : vector<16xi32>
      %neg3A_525 = arith.constant 0.000000e+00 : f32
      %neg3A_526 = vector.broadcast %neg3A_525 : f32 to vector<16xf32>
      %neg3A_527 = arith.subf %neg3A_526, %convert_element_type3A_520 : vector<16xf32>
      %mul3A_528 = arith.constant 3.125000e-02 : f32
      %mul3A_529 = vector.broadcast %mul3A_528 : f32 to vector<16xf32>
      %mul3A_530 = arith.mulf %neg3A_527, %mul3A_529 : vector<16xf32>
      %exp3A_531 = math.exp %mul3A_530 : vector<16xf32>
      %jit3A_532 = arith.constant 0.000000e+00 : f32
      %broadcast_in_dim3A_533 = vector.broadcast %jit3A_532 : f32 to vector<16xf32>
      %select_n3A_534 = arith.select %le3A_524, %exp3A_531, %broadcast_in_dim3A_533 : vector<16xi1>, vector<16xf32>
      %mul3A_535 = vector.broadcast %mul3A_198 : f32 to vector<16xf32>
      %mul3A_536 = arith.mulf %select_n3A_534, %mul3A_535 : vector<16xf32>
      %scan3A_537 = arith.constant 0 : i32
      %scan3A_538 = arith.constant 0 : i32
      %scan3A_539 = arith.constant 32 : i32
      %scan3A_540 = arith.addi %scan3A_538, %scan3A_539 : i32
      %scan3A_541 = arith.constant 1 : i32
      scf.for %scan3A_555 = %scan3A_538 to %scan3A_540 step %scan3A_541  : i32 {
        %jit3A_556 = arith.constant 16 : i32
        %eq3A_557 = arith.constant 0 : i32
        %eq3A_558 = arith.cmpi eq, %jit3A_556, %eq3A_557 : i32
        %jit3A_559 = arith.constant 1 : i32
        %select_n3A_560 = arith.select %eq3A_558, %jit3A_559, %jit3A_556 : i32
        %rem3A_561 = arith.remsi %scan3A_555, %select_n3A_560 : i32
        %ne3A_562 = arith.constant 0 : i32
        %ne3A_563 = arith.cmpi ne, %rem3A_561, %ne3A_562 : i32
        %lt3A_564 = arith.constant 0 : i32
        %lt3A_565 = arith.cmpi slt, %rem3A_561, %lt3A_564 : i32
        %lt3A_566 = arith.constant 0 : i32
        %lt3A_567 = arith.cmpi slt, %select_n3A_560, %lt3A_566 : i32
        %ne3A_568 = arith.xori %lt3A_565, %lt3A_567 : i1
        %and3A_569 = arith.andi %ne3A_568, %ne3A_563 : i1
        %add3A_570 = arith.addi %rem3A_561, %select_n3A_560 : i32
        %select_n3A_571 = arith.select %and3A_569, %add3A_570, %rem3A_561 : i32
        %broadcast_in_dim3A_572 = vector.broadcast %select_n3A_571 : i32 to vector<16xi32>
        %lt3A_573 = arith.constant 16 : i32
        %lt3A_574 = arith.cmpi slt, %scan3A_555, %lt3A_573 : i32
        %select_n3A_575 = arith.select %lt3A_574, %mul3A_284, %mul3A_308 : vector<16xf32>
        %lt3A_576 = arith.constant 0 : i32
        %lt3A_577 = vector.broadcast %lt3A_576 : i32 to vector<16xi32>
        %lt3A_578 = arith.cmpi slt, %broadcast_in_dim3A_572, %lt3A_577 : vector<16xi32>
        %add3A_579 = arith.constant 16 : i32
        %add3A_580 = vector.broadcast %add3A_579 : i32 to vector<16xi32>
        %add3A_581 = arith.addi %broadcast_in_dim3A_572, %add3A_580 : vector<16xi32>
        %select_n3A_582 = arith.select %lt3A_578, %add3A_581, %broadcast_in_dim3A_572 : vector<16xi1>, vector<16xi32>
        %broadcast_in_dim3A_583 = vector.shape_cast %select_n3A_582 : vector<16xi32> to vector<16x1xi32>
        %gather3A = vector.shape_cast %broadcast_in_dim3A_583 : vector<16x1xi32> to vector<16xi32>
        %gather3A_584 = tpu.dynamic_gather %select_n3A_575[%gather3A] in [0] : vector<16xf32>, vector<16xi32> -> vector<16xf32>
        %select_n3A_585 = arith.select %lt3A_574, %mul3A_398, %mul3A_422 : vector<16xf32>
        %lt3A_586 = arith.constant 0 : i32
        %lt3A_587 = vector.broadcast %lt3A_586 : i32 to vector<16xi32>
        %lt3A_588 = arith.cmpi slt, %broadcast_in_dim3A_572, %lt3A_587 : vector<16xi32>
        %add3A_589 = arith.constant 16 : i32
        %add3A_590 = vector.broadcast %add3A_589 : i32 to vector<16xi32>
        %add3A_591 = arith.addi %broadcast_in_dim3A_572, %add3A_590 : vector<16xi32>
        %select_n3A_592 = arith.select %lt3A_588, %add3A_591, %broadcast_in_dim3A_572 : vector<16xi1>, vector<16xi32>
        %broadcast_in_dim3A_593 = vector.shape_cast %select_n3A_592 : vector<16xi32> to vector<16x1xi32>
        %gather3A_594 = vector.shape_cast %broadcast_in_dim3A_593 : vector<16x1xi32> to vector<16xi32>
        %gather3A_595 = tpu.dynamic_gather %select_n3A_585[%gather3A_594] in [0] : vector<16xf32>, vector<16xi32> -> vector<16xf32>
        %select_n3A_596 = arith.select %lt3A_574, %mul3A_512, %mul3A_536 : vector<16xf32>
        %lt3A_597 = arith.constant 0 : i32
        %lt3A_598 = vector.broadcast %lt3A_597 : i32 to vector<16xi32>
        %lt3A_599 = arith.cmpi slt, %broadcast_in_dim3A_572, %lt3A_598 : vector<16xi32>
        %add3A_600 = arith.constant 16 : i32
        %add3A_601 = vector.broadcast %add3A_600 : i32 to vector<16xi32>
        %add3A_602 = arith.addi %broadcast_in_dim3A_572, %add3A_601 : vector<16xi32>
        %select_n3A_603 = arith.select %lt3A_599, %add3A_602, %broadcast_in_dim3A_572 : vector<16xi1>, vector<16xi32>
        %broadcast_in_dim3A_604 = vector.shape_cast %select_n3A_603 : vector<16xi32> to vector<16x1xi32>
        %gather3A_605 = vector.shape_cast %broadcast_in_dim3A_604 : vector<16x1xi32> to vector<16xi32>
        %gather3A_606 = tpu.dynamic_gather %select_n3A_596[%gather3A_605] in [0] : vector<16xf32>, vector<16xi32> -> vector<16xf32>
        %mul3A_607 = arith.mulf %gather3A_584, %select_n3A_216 : vector<16xf32>
        %mul3A_608 = arith.mulf %gather3A_595, %select_n3A_330 : vector<16xf32>
        %max3A_609 = arith.maximumf %mul3A_607, %mul3A_608 : vector<16xf32>
        %mul3A_610 = arith.mulf %gather3A_606, %select_n3A_444 : vector<16xf32>
        %max3A_611 = arith.maximumf %max3A_609, %mul3A_610 : vector<16xf32>
        %add3A_612 = arith.constant 0 : i32
        %add3A_613 = arith.addi %mul3A_131, %add3A_612 : i32
        %swap3A = arith.index_cast %scan3A_555 : i32 to index
        %swap3A_614 = arith.index_cast %add3A_613 : i32 to index
        %swap3A_615 = tpu.vector_load %arg8[%swap3A, %swap3A_614] {strides = array<i32>} : memref<32x384xf32, #tpu.memory_space<vmem>>, vector<1x16xf32>,
        %swap3A_616 = vector.shape_cast %swap3A_615 : vector<1x16xf32> to vector<16xf32>
        %swap3A_617 = vector.shape_cast %max3A_611 : vector<16xf32> to vector<1x16xf32>
        tpu.vector_store %arg8[%swap3A, %swap3A_614], %swap3A_617 {strides = array<i32>} : memref<32x384xf32, #tpu.memory_space<vmem>>, vector<1x16xf32>,
        %mul3A_618 = arith.mulf %gather3A_584, %select_n3A_238 : vector<16xf32>
        %mul3A_619 = arith.mulf %gather3A_595, %select_n3A_352 : vector<16xf32>
        %max3A_620 = arith.maximumf %mul3A_618, %mul3A_619 : vector<16xf32>
        %mul3A_621 = arith.mulf %gather3A_606, %select_n3A_466 : vector<16xf32>
        %max3A_622 = arith.maximumf %max3A_620, %mul3A_621 : vector<16xf32>
        %add3A_623 = arith.constant 16 : i32
        %add3A_624 = arith.addi %mul3A_131, %add3A_623 : i32
        %swap3A_625 = arith.index_cast %scan3A_555 : i32 to index
        %swap3A_626 = arith.index_cast %add3A_624 : i32 to index
        %swap3A_627 = tpu.vector_load %arg8[%swap3A_625, %swap3A_626] {strides = array<i32>} : memref<32x384xf32, #tpu.memory_space<vmem>>, vector<1x16xf32>,
        %swap3A_628 = vector.shape_cast %swap3A_627 : vector<1x16xf32> to vector<16xf32>
        %swap3A_629 = vector.shape_cast %max3A_622 : vector<16xf32> to vector<1x16xf32>
        tpu.vector_store %arg8[%swap3A_625, %swap3A_626], %swap3A_629 {strides = array<i32>} : memref<32x384xf32, #tpu.memory_space<vmem>>, vector<1x16xf32>,
        %mul3A_630 = arith.mulf %gather3A_584, %select_n3A_260 : vector<16xf32>
        %mul3A_631 = arith.mulf %gather3A_595, %select_n3A_374 : vector<16xf32>
        %max3A_632 = arith.maximumf %mul3A_630, %mul3A_631 : vector<16xf32>
        %mul3A_633 = arith.mulf %gather3A_606, %select_n3A_488 : vector<16xf32>
        %max3A_634 = arith.maximumf %max3A_632, %mul3A_633 : vector<16xf32>
        %add3A_635 = arith.constant 32 : i32
        %add3A_636 = arith.addi %mul3A_131, %add3A_635 : i32
        %swap3A_637 = arith.index_cast %scan3A_555 : i32 to index
        %swap3A_638 = arith.index_cast %add3A_636 : i32 to index
        %swap3A_639 = tpu.vector_load %arg8[%swap3A_637, %swap3A_638] {strides = array<i32>} : memref<32x384xf32, #tpu.memory_space<vmem>>, vector<1x16xf32>,
        %swap3A_640 = vector.shape_cast %swap3A_639 : vector<1x16xf32> to vector<16xf32>
        %swap3A_641 = vector.shape_cast %max3A_634 : vector<16xf32> to vector<1x16xf32>
        tpu.vector_store %arg8[%swap3A_637, %swap3A_638], %swap3A_641 {strides = array<i32>} : memref<32x384xf32, #tpu.memory_space<vmem>>, vector<1x16xf32>,
      }
      %scan3A_542 = arith.constant 32 : i32
      %scan3A_543 = arith.constant 0 : i32
      %scan3A_544 = arith.constant 0 : i32
      %scan3A_545 = arith.constant 16 : i32
      %scan3A_546 = arith.addi %scan3A_544, %scan3A_545 : i32
      %scan3A_547 = arith.constant 1 : i32
      scf.for %scan3A_555 = %scan3A_544 to %scan3A_546 step %scan3A_547  : i32 {
        %mul3A_556 = arith.constant 24 : i32
        %mul3A_557 = arith.muli %scan3A_555, %mul3A_556 : i32
        %dma_wait3A = arith.constant 0 : i32
        %dma_wait3A_558 = tpu.memref_slice %arg4[%select_n3A, %select_n3A_79, %mul3A_557, %dma_wait3A] : memref<8x15x384x384xf32, #tpu.memory_space<hbm>> -> memref<1x1x24x384xf32, #tpu.memory_space<hbm>>
        %dma_wait3A_559 = tpu.memref_squeeze %dma_wait3A_558 : memref<1x1x24x384xf32, #tpu.memory_space<hbm>> -> memref<24x384xf32, #tpu.memory_space<hbm>>
        %dma_wait3A_560 = arith.constant 0 : i32
        %dma_wait3A_561 = tpu.memref_slice %arg4[%select_n3A, %select_n3A_79, %mul3A_557, %dma_wait3A_560] : memref<8x15x384x384xf32, #tpu.memory_space<hbm>> -> memref<1x1x24x384xf32, #tpu.memory_space<hbm>>
        %dma_wait3A_562 = tpu.memref_squeeze %dma_wait3A_561 : memref<1x1x24x384xf32, #tpu.memory_space<hbm>> -> memref<24x384xf32, #tpu.memory_space<hbm>>
        tpu.wait_dma2 semaphore(%arg9 : memref<!tpu.dma_semaphore, #tpu.memory_space<semaphore_mem>>) src(%arg7 : memref<24x384xf32, #tpu.memory_space<vmem>>) dst(%dma_wait3A_562 : memref<24x384xf32, #tpu.memory_space<hbm>>)
      }
      %scan3A_548 = arith.constant 16 : i32
      "tpu.region"() ({
        %run_scoped3A = tpu.sem_alloc : memref<!tpu.dma_semaphore, #tpu.memory_space<semaphore_mem>>
        %dma_start3A = arith.constant 0 : i32
        %dma_start3A_555 = tpu.memref_slice %arg4[%select_n3A, %select_n3A_79, %mul3A_157, %dma_start3A] : memref<8x15x384x384xf32, #tpu.memory_space<hbm>> -> memref<1x1x32x384xf32, #tpu.memory_space<hbm>>
        %dma_start3A_556 = tpu.memref_squeeze %dma_start3A_555 : memref<1x1x32x384xf32, #tpu.memory_space<hbm>> -> memref<32x384xf32, #tpu.memory_space<hbm>>
        %dma_start3A_557 = arith.constant 0 : i32
        %dma_start3A_558 = tpu.memref_slice %arg4[%select_n3A, %select_n3A_79, %mul3A_157, %dma_start3A_557] : memref<8x15x384x384xf32, #tpu.memory_space<hbm>> -> memref<1x1x32x384xf32, #tpu.memory_space<hbm>>
        %dma_start3A_559 = tpu.memref_squeeze %dma_start3A_558 : memref<1x1x32x384xf32, #tpu.memory_space<hbm>> -> memref<32x384xf32, #tpu.memory_space<hbm>>
        tpu.enqueue_dma source(%arg8 : memref<32x384xf32, #tpu.memory_space<vmem>>) target(%dma_start3A_559 : memref<32x384xf32, #tpu.memory_space<hbm>>) target_semaphore(%run_scoped3A : memref<!tpu.dma_semaphore, #tpu.memory_space<semaphore_mem>>)
        %dma_wait3A = arith.constant 0 : i32
        %dma_wait3A_560 = tpu.memref_slice %arg4[%select_n3A, %select_n3A_79, %mul3A_157, %dma_wait3A] : memref<8x15x384x384xf32, #tpu.memory_space<hbm>> -> memref<1x1x32x384xf32, #tpu.memory_space<hbm>>
        %dma_wait3A_561 = tpu.memref_squeeze %dma_wait3A_560 : memref<1x1x32x384xf32, #tpu.memory_space<hbm>> -> memref<32x384xf32, #tpu.memory_space<hbm>>
        %dma_wait3A_562 = arith.constant 0 : i32
        %dma_wait3A_563 = tpu.memref_slice %arg4[%select_n3A, %select_n3A_79, %mul3A_157, %dma_wait3A_562] : memref<8x15x384x384xf32, #tpu.memory_space<hbm>> -> memref<1x1x32x384xf32, #tpu.memory_space<hbm>>
        %dma_wait3A_564 = tpu.memref_squeeze %dma_wait3A_563 : memref<1x1x32x384xf32, #tpu.memory_space<hbm>> -> memref<32x384xf32, #tpu.memory_space<hbm>>
        tpu.wait_dma2 semaphore(%run_scoped3A : memref<!tpu.dma_semaphore, #tpu.memory_space<semaphore_mem>>) src(%arg8 : memref<32x384xf32, #tpu.memory_space<vmem>>) dst(%dma_wait3A_564 : memref<32x384xf32, #tpu.memory_space<hbm>>)
        tpu.yield
      }) : () -> ()
      %scan3A_549 = arith.constant 0 : i32
      %scan3A_550 = arith.constant 0 : i32
      %scan3A_551 = arith.constant 32 : i32
      %scan3A_552 = arith.addi %scan3A_550, %scan3A_551 : i32
      %scan3A_553 = arith.constant 1 : i32
      scf.for %scan3A_555 = %scan3A_550 to %scan3A_552 step %scan3A_553  : i32 {
        %add3A_556 = arith.constant 0 : i32
        %add3A_557 = arith.addi %mul3A_131, %add3A_556 : i32
        %swap3A = arith.index_cast %scan3A_555 : i32 to index
        %swap3A_558 = arith.index_cast %add3A_557 : i32 to index
        %swap3A_559 = tpu.vector_load %arg8[%swap3A, %swap3A_558] {strides = array<i32>} : memref<32x384xf32, #tpu.memory_space<vmem>>, vector<1x16xf32>,
        %swap3A_560 = vector.shape_cast %swap3A_559 : vector<1x16xf32> to vector<16xf32>
        %swap3A_561 = vector.shape_cast %broadcast_in_dim3A_0 : vector<16xf32> to vector<1x16xf32>
        tpu.vector_store %arg8[%swap3A, %swap3A_558], %swap3A_561 {strides = array<i32>} : memref<32x384xf32, #tpu.memory_space<vmem>>, vector<1x16xf32>,
        %add3A_562 = arith.constant 16 : i32
        %add3A_563 = arith.addi %mul3A_131, %add3A_562 : i32
        %swap3A_564 = arith.index_cast %scan3A_555 : i32 to index
        %swap3A_565 = arith.index_cast %add3A_563 : i32 to index
        %swap3A_566 = tpu.vector_load %arg8[%swap3A_564, %swap3A_565] {strides = array<i32>} : memref<32x384xf32, #tpu.memory_space<vmem>>, vector<1x16xf32>,
        %swap3A_567 = vector.shape_cast %swap3A_566 : vector<1x16xf32> to vector<16xf32>
        %swap3A_568 = vector.shape_cast %broadcast_in_dim3A_0 : vector<16xf32> to vector<1x16xf32>
        tpu.vector_store %arg8[%swap3A_564, %swap3A_565], %swap3A_568 {strides = array<i32>} : memref<32x384xf32, #tpu.memory_space<vmem>>, vector<1x16xf32>,
        %add3A_569 = arith.constant 32 : i32
        %add3A_570 = arith.addi %mul3A_131, %add3A_569 : i32
        %swap3A_571 = arith.index_cast %scan3A_555 : i32 to index
        %swap3A_572 = arith.index_cast %add3A_570 : i32 to index
        %swap3A_573 = tpu.vector_load %arg8[%swap3A_571, %swap3A_572] {strides = array<i32>} : memref<32x384xf32, #tpu.memory_space<vmem>>, vector<1x16xf32>,
        %swap3A_574 = vector.shape_cast %swap3A_573 : vector<1x16xf32> to vector<16xf32>
        %swap3A_575 = vector.shape_cast %broadcast_in_dim3A_0 : vector<16xf32> to vector<1x16xf32>
        tpu.vector_store %arg8[%swap3A_571, %swap3A_572], %swap3A_575 {strides = array<i32>} : memref<32x384xf32, #tpu.memory_space<vmem>>, vector<1x16xf32>,
      }
      %scan3A_554 = arith.constant 32 : i32
    } else {
    }
    %add3A_40 = arith.constant 48 : i32
    %add3A_41 = arith.addi %arg1, %add3A_40 : i32
    %lt3A_42 = arith.constant 60 : i32
    %lt3A_43 = arith.cmpi slt, %add3A_41, %lt3A_42 : i32
    %convert_element_type3A_44 = arith.extui %lt3A_43 : i1 to i32
    %cond3A_45 = arith.constant 0 : i32
    %cond3A_46 = arith.cmpi ne, %convert_element_type3A_44, %cond3A_45 : i32
    scf.if %cond3A_46 {
      %mul3A = arith.constant 60 : i32
      %mul3A_47 = arith.muli %arg0, %mul3A : i32
      %add3A_48 = arith.addi %mul3A_47, %add3A_41 : i32
      %jit3A = arith.constant 15 : i32
      %div3A = arith.divsi %add3A_48, %jit3A : i32
      %sign3A = arith.constant 0 : i32
      %sign3A_49 = arith.cmpi sgt, %add3A_48, %sign3A : i32
      %sign3A_50 = arith.extui %sign3A_49 : i1 to i32
      %sign3A_51 = arith.constant 0 : i32
      %sign3A_52 = arith.cmpi slt, %add3A_48, %sign3A_51 : i32
      %sign3A_53 = arith.extui %sign3A_52 : i1 to i32
      %sign3A_54 = arith.subi %sign3A_50, %sign3A_53 : i32
      %sign3A_55 = arith.constant 0 : i32
      %sign3A_56 = arith.cmpi sgt, %jit3A, %sign3A_55 : i32
      %sign3A_57 = arith.extui %sign3A_56 : i1 to i32
      %sign3A_58 = arith.constant 0 : i32
      %sign3A_59 = arith.cmpi slt, %jit3A, %sign3A_58 : i32
      %sign3A_60 = arith.extui %sign3A_59 : i1 to i32
      %sign3A_61 = arith.subi %sign3A_57, %sign3A_60 : i32
      %ne3A = arith.cmpi ne, %sign3A_54, %sign3A_61 : i32
      %rem3A = arith.remsi %add3A_48, %jit3A : i32
      %ne3A_62 = arith.constant 0 : i32
      %ne3A_63 = arith.cmpi ne, %rem3A, %ne3A_62 : i32
      %and3A = arith.andi %ne3A, %ne3A_63 : i1
      %sub3A = arith.constant 1 : i32
      %sub3A_64 = arith.subi %div3A, %sub3A : i32
      %select_n3A = arith.select %and3A, %sub3A_64, %div3A : i32
      %jit3A_65 = arith.constant 15 : i32
      %eq3A = arith.constant 0 : i32
      %eq3A_66 = arith.cmpi eq, %jit3A_65, %eq3A : i32
      %jit3A_67 = arith.constant 1 : i32
      %select_n3A_68 = arith.select %eq3A_66, %jit3A_67, %jit3A_65 : i32
      %rem3A_69 = arith.remsi %add3A_48, %select_n3A_68 : i32
      %ne3A_70 = arith.constant 0 : i32
      %ne3A_71 = arith.cmpi ne, %rem3A_69, %ne3A_70 : i32
      %lt3A_72 = arith.constant 0 : i32
      %lt3A_73 = arith.cmpi slt, %rem3A_69, %lt3A_72 : i32
      %lt3A_74 = arith.constant 0 : i32
      %lt3A_75 = arith.cmpi slt, %select_n3A_68, %lt3A_74 : i32
      %ne3A_76 = arith.xori %lt3A_73, %lt3A_75 : i1
      %and3A_77 = arith.andi %ne3A_76, %ne3A_71 : i1
      %add3A_78 = arith.addi %rem3A_69, %select_n3A_68 : i32
      %select_n3A_79 = arith.select %and3A_77, %add3A_78, %rem3A_69 : i32
      %scan3A_80 = arith.constant 0 : i32
      %scan3A_81 = arith.constant 0 : i32
      %scan3A_82 = arith.constant 16 : i32
      %scan3A_83 = arith.addi %scan3A_81, %scan3A_82 : i32
      %scan3A_84 = arith.constant 1 : i32
      scf.for %scan3A_549 = %scan3A_81 to %scan3A_83 step %scan3A_84  : i32 {
        %mul3A_550 = arith.constant 24 : i32
        %mul3A_551 = arith.muli %scan3A_549, %mul3A_550 : i32
        %dma_start3A = arith.constant 0 : i32
        %dma_start3A_552 = tpu.memref_slice %arg4[%select_n3A, %select_n3A_79, %mul3A_551, %dma_start3A] : memref<8x15x384x384xf32, #tpu.memory_space<hbm>> -> memref<1x1x24x384xf32, #tpu.memory_space<hbm>>
        %dma_start3A_553 = tpu.memref_squeeze %dma_start3A_552 : memref<1x1x24x384xf32, #tpu.memory_space<hbm>> -> memref<24x384xf32, #tpu.memory_space<hbm>>
        %dma_start3A_554 = arith.constant 0 : i32
        %dma_start3A_555 = tpu.memref_slice %arg4[%select_n3A, %select_n3A_79, %mul3A_551, %dma_start3A_554] : memref<8x15x384x384xf32, #tpu.memory_space<hbm>> -> memref<1x1x24x384xf32, #tpu.memory_space<hbm>>
        %dma_start3A_556 = tpu.memref_squeeze %dma_start3A_555 : memref<1x1x24x384xf32, #tpu.memory_space<hbm>> -> memref<24x384xf32, #tpu.memory_space<hbm>>
        tpu.enqueue_dma source(%arg7 : memref<24x384xf32, #tpu.memory_space<vmem>>) target(%dma_start3A_556 : memref<24x384xf32, #tpu.memory_space<hbm>>) target_semaphore(%arg9 : memref<!tpu.dma_semaphore, #tpu.memory_space<semaphore_mem>>)
      }
      %scan3A_85 = arith.constant 16 : i32
      %mul3A_86 = arith.constant 2 : i32
      %mul3A_87 = arith.muli %mul3A_86, %add3A_48 : i32
      %get3A_88 = arith.index_cast %mul3A_87 : i32 to index
      %get3A_89 = tpu.vector_load %arg5[%get3A_88] {strides = array<i32>} : memref<256xi32, #tpu.memory_space<vmem>>, vector<16xi32>,
      %get3A_90 = vector.shape_cast %get3A_89 : vector<16xi32> to vector<16xi32>
      %slice3A_91 = vector.extract_strided_slice %get3A_90 {offsets = [0], sizes = [1], strides = [1]} : vector<16xi32> to vector<1xi32>
      %squeeze3A_92 = vector.extract %slice3A_91[0] : i32 from vector<1xi32>
      %slice3A_93 = vector.extract_strided_slice %get3A_90 {offsets = [1], sizes = [1], strides = [1]} : vector<16xi32> to vector<1xi32>
      %squeeze3A_94 = vector.extract %slice3A_93[0] : i32 from vector<1xi32>
      %sub3A_95 = arith.constant 12 : i32
      %sub3A_96 = arith.subi %squeeze3A_92, %sub3A_95 : i32
      %jit3A_97 = arith.constant 0 : i32
      %jit3A_98 = arith.constant 359 : i32
      %max3A_99 = arith.maxsi %jit3A_97, %sub3A_96 : i32
      %min3A = arith.minsi %jit3A_98, %max3A_99 : i32
      %sub3A_100 = arith.constant 12 : i32
      %sub3A_101 = arith.subi %squeeze3A_94, %sub3A_100 : i32
      %jit3A_102 = arith.constant 0 : i32
      %jit3A_103 = arith.constant 359 : i32
      %max3A_104 = arith.maxsi %jit3A_102, %sub3A_101 : i32
      %min3A_105 = arith.minsi %jit3A_103, %max3A_104 : i32
      %jit3A_106 = arith.constant 16 : i32
      %div3A_107 = arith.divsi %min3A, %jit3A_106 : i32
      %sign3A_108 = arith.constant 0 : i32
      %sign3A_109 = arith.cmpi sgt, %min3A, %sign3A_108 : i32
      %sign3A_110 = arith.extui %sign3A_109 : i1 to i32
      %sign3A_111 = arith.constant 0 : i32
      %sign3A_112 = arith.cmpi slt, %min3A, %sign3A_111 : i32
      %sign3A_113 = arith.extui %sign3A_112 : i1 to i32
      %sign3A_114 = arith.subi %sign3A_110, %sign3A_113 : i32
      %sign3A_115 = arith.constant 0 : i32
      %sign3A_116 = arith.cmpi sgt, %jit3A_106, %sign3A_115 : i32
      %sign3A_117 = arith.extui %sign3A_116 : i1 to i32
      %sign3A_118 = arith.constant 0 : i32
      %sign3A_119 = arith.cmpi slt, %jit3A_106, %sign3A_118 : i32
      %sign3A_120 = arith.extui %sign3A_119 : i1 to i32
      %sign3A_121 = arith.subi %sign3A_117, %sign3A_120 : i32
      %ne3A_122 = arith.cmpi ne, %sign3A_114, %sign3A_121 : i32
      %rem3A_123 = arith.remsi %min3A, %jit3A_106 : i32
      %ne3A_124 = arith.constant 0 : i32
      %ne3A_125 = arith.cmpi ne, %rem3A_123, %ne3A_124 : i32
      %and3A_126 = arith.andi %ne3A_122, %ne3A_125 : i1
      %sub3A_127 = arith.constant 1 : i32
      %sub3A_128 = arith.subi %div3A_107, %sub3A_127 : i32
      %select_n3A_129 = arith.select %and3A_126, %sub3A_128, %div3A_107 : i32
      %mul3A_130 = arith.constant 16 : i32
      %mul3A_131 = arith.muli %select_n3A_129, %mul3A_130 : i32
      %jit3A_132 = arith.constant 8 : i32
      %div3A_133 = arith.divsi %min3A_105, %jit3A_132 : i32
      %sign3A_134 = arith.constant 0 : i32
      %sign3A_135 = arith.cmpi sgt, %min3A_105, %sign3A_134 : i32
      %sign3A_136 = arith.extui %sign3A_135 : i1 to i32
      %sign3A_137 = arith.constant 0 : i32
      %sign3A_138 = arith.cmpi slt, %min3A_105, %sign3A_137 : i32
      %sign3A_139 = arith.extui %sign3A_138 : i1 to i32
      %sign3A_140 = arith.subi %sign3A_136, %sign3A_139 : i32
      %sign3A_141 = arith.constant 0 : i32
      %sign3A_142 = arith.cmpi sgt, %jit3A_132, %sign3A_141 : i32
      %sign3A_143 = arith.extui %sign3A_142 : i1 to i32
      %sign3A_144 = arith.constant 0 : i32
      %sign3A_145 = arith.cmpi slt, %jit3A_132, %sign3A_144 : i32
      %sign3A_146 = arith.extui %sign3A_145 : i1 to i32
      %sign3A_147 = arith.subi %sign3A_143, %sign3A_146 : i32
      %ne3A_148 = arith.cmpi ne, %sign3A_140, %sign3A_147 : i32
      %rem3A_149 = arith.remsi %min3A_105, %jit3A_132 : i32
      %ne3A_150 = arith.constant 0 : i32
      %ne3A_151 = arith.cmpi ne, %rem3A_149, %ne3A_150 : i32
      %and3A_152 = arith.andi %ne3A_148, %ne3A_151 : i1
      %sub3A_153 = arith.constant 1 : i32
      %sub3A_154 = arith.subi %div3A_133, %sub3A_153 : i32
      %select_n3A_155 = arith.select %and3A_152, %sub3A_154, %div3A_133 : i32
      %mul3A_156 = arith.constant 8 : i32
      %mul3A_157 = arith.muli %select_n3A_155, %mul3A_156 : i32
      %ge3A = arith.constant 3 : i32
      %ge3A_158 = arith.cmpi sge, %squeeze3A_92, %ge3A : i32
      %lt3A_159 = arith.constant 381 : i32
      %lt3A_160 = arith.cmpi slt, %squeeze3A_92, %lt3A_159 : i32
      %and3A_161 = arith.andi %ge3A_158, %lt3A_160 : i1
      %ge3A_162 = arith.constant 3 : i32
      %ge3A_163 = arith.cmpi sge, %squeeze3A_94, %ge3A_162 : i32
      %and3A_164 = arith.andi %and3A_161, %ge3A_163 : i1
      %lt3A_165 = arith.constant 381 : i32
      %lt3A_166 = arith.cmpi slt, %squeeze3A_94, %lt3A_165 : i32
      %and3A_167 = arith.andi %and3A_164, %lt3A_166 : i1
      %convert_element_type3A_168 = arith.extui %and3A_167 : i1 to i32
      %convert_element_type3A_169 = arith.sitofp %convert_element_type3A_168 : i32 to f32
      %mul3A_170 = arith.mulf %max3A_14, %convert_element_type3A_169 : f32
      %ge3A_171 = arith.constant 6 : i32
      %ge3A_172 = arith.cmpi sge, %squeeze3A_92, %ge3A_171 : i32
      %lt3A_173 = arith.constant 378 : i32
      %lt3A_174 = arith.cmpi slt, %squeeze3A_92, %lt3A_173 : i32
      %and3A_175 = arith.andi %ge3A_172, %lt3A_174 : i1
      %ge3A_176 = arith.constant 6 : i32
      %ge3A_177 = arith.cmpi sge, %squeeze3A_94, %ge3A_176 : i32
      %and3A_178 = arith.andi %and3A_175, %ge3A_177 : i1
      %lt3A_179 = arith.constant 378 : i32
      %lt3A_180 = arith.cmpi slt, %squeeze3A_94, %lt3A_179 : i32
      %and3A_181 = arith.andi %and3A_178, %lt3A_180 : i1
      %convert_element_type3A_182 = arith.extui %and3A_181 : i1 to i32
      %convert_element_type3A_183 = arith.sitofp %convert_element_type3A_182 : i32 to f32
      %mul3A_184 = arith.mulf %max3A_18, %convert_element_type3A_183 : f32
      %ge3A_185 = arith.constant 12 : i32
      %ge3A_186 = arith.cmpi sge, %squeeze3A_92, %ge3A_185 : i32
      %lt3A_187 = arith.constant 372 : i32
      %lt3A_188 = arith.cmpi slt, %squeeze3A_92, %lt3A_187 : i32
      %and3A_189 = arith.andi %ge3A_186, %lt3A_188 : i1
      %ge3A_190 = arith.constant 12 : i32
      %ge3A_191 = arith.cmpi sge, %squeeze3A_94, %ge3A_190 : i32
      %and3A_192 = arith.andi %and3A_189, %ge3A_191 : i1
      %lt3A_193 = arith.constant 372 : i32
      %lt3A_194 = arith.cmpi slt, %squeeze3A_94, %lt3A_193 : i32
      %and3A_195 = arith.andi %and3A_192, %lt3A_194 : i1
      %convert_element_type3A_196 = arith.extui %and3A_195 : i1 to i32
      %convert_element_type3A_197 = arith.sitofp %convert_element_type3A_196 : i32 to f32
      %mul3A_198 = arith.mulf %max3A_22, %convert_element_type3A_197 : f32
      %add3A_199 = arith.constant 0 : i32
      %add3A_200 = arith.addi %mul3A_131, %add3A_199 : i32
      %add3A_201 = vector.broadcast %add3A_200 : i32 to vector<16xi32>
      %add3A_202 = arith.addi %add3A_201, %iota3A : vector<16xi32>
      %sub3A_203 = vector.broadcast %squeeze3A_92 : i32 to vector<16xi32>
      %sub3A_204 = arith.subi %add3A_202, %sub3A_203 : vector<16xi32>
      %mul3A_205 = arith.muli %sub3A_204, %sub3A_204 : vector<16xi32>
      %convert_element_type3A_206 = arith.sitofp %mul3A_205 : vector<16xi32> to vector<16xf32>
      %abs3A = math.absi %sub3A_204 : vector<16xi32>
      %le3A = arith.constant 3 : i32
      %le3A_207 = vector.broadcast %le3A : i32 to vector<16xi32>
      %le3A_208 = arith.cmpi sle, %abs3A, %le3A_207 : vector<16xi32>
      %neg3A = arith.constant 0.000000e+00 : f32
      %neg3A_209 = vector.broadcast %neg3A : f32 to vector<16xf32>
      %neg3A_210 = arith.subf %neg3A_209, %convert_element_type3A_206 : vector<16xf32>
      %mul3A_211 = arith.constant 5.000000e-01 : f32
      %mul3A_212 = vector.broadcast %mul3A_211 : f32 to vector<16xf32>
      %mul3A_213 = arith.mulf %neg3A_210, %mul3A_212 : vector<16xf32>
      %exp3A = math.exp %mul3A_213 : vector<16xf32>
      %jit3A_214 = arith.constant 0.000000e+00 : f32
      %broadcast_in_dim3A_215 = vector.broadcast %jit3A_214 : f32 to vector<16xf32>
      %select_n3A_216 = arith.select %le3A_208, %exp3A, %broadcast_in_dim3A_215 : vector<16xi1>, vector<16xf32>
      %add3A_217 = arith.constant 16 : i32
      %add3A_218 = arith.addi %mul3A_131, %add3A_217 : i32
      %add3A_219 = vector.broadcast %add3A_218 : i32 to vector<16xi32>
      %add3A_220 = arith.addi %add3A_219, %iota3A : vector<16xi32>
      %sub3A_221 = vector.broadcast %squeeze3A_92 : i32 to vector<16xi32>
      %sub3A_222 = arith.subi %add3A_220, %sub3A_221 : vector<16xi32>
      %mul3A_223 = arith.muli %sub3A_222, %sub3A_222 : vector<16xi32>
      %convert_element_type3A_224 = arith.sitofp %mul3A_223 : vector<16xi32> to vector<16xf32>
      %abs3A_225 = math.absi %sub3A_222 : vector<16xi32>
      %le3A_226 = arith.constant 3 : i32
      %le3A_227 = vector.broadcast %le3A_226 : i32 to vector<16xi32>
      %le3A_228 = arith.cmpi sle, %abs3A_225, %le3A_227 : vector<16xi32>
      %neg3A_229 = arith.constant 0.000000e+00 : f32
      %neg3A_230 = vector.broadcast %neg3A_229 : f32 to vector<16xf32>
      %neg3A_231 = arith.subf %neg3A_230, %convert_element_type3A_224 : vector<16xf32>
      %mul3A_232 = arith.constant 5.000000e-01 : f32
      %mul3A_233 = vector.broadcast %mul3A_232 : f32 to vector<16xf32>
      %mul3A_234 = arith.mulf %neg3A_231, %mul3A_233 : vector<16xf32>
      %exp3A_235 = math.exp %mul3A_234 : vector<16xf32>
      %jit3A_236 = arith.constant 0.000000e+00 : f32
      %broadcast_in_dim3A_237 = vector.broadcast %jit3A_236 : f32 to vector<16xf32>
      %select_n3A_238 = arith.select %le3A_228, %exp3A_235, %broadcast_in_dim3A_237 : vector<16xi1>, vector<16xf32>
      %add3A_239 = arith.constant 32 : i32
      %add3A_240 = arith.addi %mul3A_131, %add3A_239 : i32
      %add3A_241 = vector.broadcast %add3A_240 : i32 to vector<16xi32>
      %add3A_242 = arith.addi %add3A_241, %iota3A : vector<16xi32>
      %sub3A_243 = vector.broadcast %squeeze3A_92 : i32 to vector<16xi32>
      %sub3A_244 = arith.subi %add3A_242, %sub3A_243 : vector<16xi32>
      %mul3A_245 = arith.muli %sub3A_244, %sub3A_244 : vector<16xi32>
      %convert_element_type3A_246 = arith.sitofp %mul3A_245 : vector<16xi32> to vector<16xf32>
      %abs3A_247 = math.absi %sub3A_244 : vector<16xi32>
      %le3A_248 = arith.constant 3 : i32
      %le3A_249 = vector.broadcast %le3A_248 : i32 to vector<16xi32>
      %le3A_250 = arith.cmpi sle, %abs3A_247, %le3A_249 : vector<16xi32>
      %neg3A_251 = arith.constant 0.000000e+00 : f32
      %neg3A_252 = vector.broadcast %neg3A_251 : f32 to vector<16xf32>
      %neg3A_253 = arith.subf %neg3A_252, %convert_element_type3A_246 : vector<16xf32>
      %mul3A_254 = arith.constant 5.000000e-01 : f32
      %mul3A_255 = vector.broadcast %mul3A_254 : f32 to vector<16xf32>
      %mul3A_256 = arith.mulf %neg3A_253, %mul3A_255 : vector<16xf32>
      %exp3A_257 = math.exp %mul3A_256 : vector<16xf32>
      %jit3A_258 = arith.constant 0.000000e+00 : f32
      %broadcast_in_dim3A_259 = vector.broadcast %jit3A_258 : f32 to vector<16xf32>
      %select_n3A_260 = arith.select %le3A_250, %exp3A_257, %broadcast_in_dim3A_259 : vector<16xi1>, vector<16xf32>
      %add3A_261 = arith.constant 0 : i32
      %add3A_262 = arith.addi %mul3A_157, %add3A_261 : i32
      %add3A_263 = vector.broadcast %add3A_262 : i32 to vector<16xi32>
      %add3A_264 = arith.addi %add3A_263, %iota3A : vector<16xi32>
      %sub3A_265 = vector.broadcast %squeeze3A_94 : i32 to vector<16xi32>
      %sub3A_266 = arith.subi %add3A_264, %sub3A_265 : vector<16xi32>
      %mul3A_267 = arith.muli %sub3A_266, %sub3A_266 : vector<16xi32>
      %convert_element_type3A_268 = arith.sitofp %mul3A_267 : vector<16xi32> to vector<16xf32>
      %abs3A_269 = math.absi %sub3A_266 : vector<16xi32>
      %le3A_270 = arith.constant 3 : i32
      %le3A_271 = vector.broadcast %le3A_270 : i32 to vector<16xi32>
      %le3A_272 = arith.cmpi sle, %abs3A_269, %le3A_271 : vector<16xi32>
      %neg3A_273 = arith.constant 0.000000e+00 : f32
      %neg3A_274 = vector.broadcast %neg3A_273 : f32 to vector<16xf32>
      %neg3A_275 = arith.subf %neg3A_274, %convert_element_type3A_268 : vector<16xf32>
      %mul3A_276 = arith.constant 5.000000e-01 : f32
      %mul3A_277 = vector.broadcast %mul3A_276 : f32 to vector<16xf32>
      %mul3A_278 = arith.mulf %neg3A_275, %mul3A_277 : vector<16xf32>
      %exp3A_279 = math.exp %mul3A_278 : vector<16xf32>
      %jit3A_280 = arith.constant 0.000000e+00 : f32
      %broadcast_in_dim3A_281 = vector.broadcast %jit3A_280 : f32 to vector<16xf32>
      %select_n3A_282 = arith.select %le3A_272, %exp3A_279, %broadcast_in_dim3A_281 : vector<16xi1>, vector<16xf32>
      %mul3A_283 = vector.broadcast %mul3A_170 : f32 to vector<16xf32>
      %mul3A_284 = arith.mulf %select_n3A_282, %mul3A_283 : vector<16xf32>
      %add3A_285 = arith.constant 16 : i32
      %add3A_286 = arith.addi %mul3A_157, %add3A_285 : i32
      %add3A_287 = vector.broadcast %add3A_286 : i32 to vector<16xi32>
      %add3A_288 = arith.addi %add3A_287, %iota3A : vector<16xi32>
      %sub3A_289 = vector.broadcast %squeeze3A_94 : i32 to vector<16xi32>
      %sub3A_290 = arith.subi %add3A_288, %sub3A_289 : vector<16xi32>
      %mul3A_291 = arith.muli %sub3A_290, %sub3A_290 : vector<16xi32>
      %convert_element_type3A_292 = arith.sitofp %mul3A_291 : vector<16xi32> to vector<16xf32>
      %abs3A_293 = math.absi %sub3A_290 : vector<16xi32>
      %le3A_294 = arith.constant 3 : i32
      %le3A_295 = vector.broadcast %le3A_294 : i32 to vector<16xi32>
      %le3A_296 = arith.cmpi sle, %abs3A_293, %le3A_295 : vector<16xi32>
      %neg3A_297 = arith.constant 0.000000e+00 : f32
      %neg3A_298 = vector.broadcast %neg3A_297 : f32 to vector<16xf32>
      %neg3A_299 = arith.subf %neg3A_298, %convert_element_type3A_292 : vector<16xf32>
      %mul3A_300 = arith.constant 5.000000e-01 : f32
      %mul3A_301 = vector.broadcast %mul3A_300 : f32 to vector<16xf32>
      %mul3A_302 = arith.mulf %neg3A_299, %mul3A_301 : vector<16xf32>
      %exp3A_303 = math.exp %mul3A_302 : vector<16xf32>
      %jit3A_304 = arith.constant 0.000000e+00 : f32
      %broadcast_in_dim3A_305 = vector.broadcast %jit3A_304 : f32 to vector<16xf32>
      %select_n3A_306 = arith.select %le3A_296, %exp3A_303, %broadcast_in_dim3A_305 : vector<16xi1>, vector<16xf32>
      %mul3A_307 = vector.broadcast %mul3A_170 : f32 to vector<16xf32>
      %mul3A_308 = arith.mulf %select_n3A_306, %mul3A_307 : vector<16xf32>
      %add3A_309 = arith.constant 0 : i32
      %add3A_310 = arith.addi %mul3A_131, %add3A_309 : i32
      %add3A_311 = vector.broadcast %add3A_310 : i32 to vector<16xi32>
      %add3A_312 = arith.addi %add3A_311, %iota3A : vector<16xi32>
      %sub3A_313 = vector.broadcast %squeeze3A_92 : i32 to vector<16xi32>
      %sub3A_314 = arith.subi %add3A_312, %sub3A_313 : vector<16xi32>
      %mul3A_315 = arith.muli %sub3A_314, %sub3A_314 : vector<16xi32>
      %convert_element_type3A_316 = arith.sitofp %mul3A_315 : vector<16xi32> to vector<16xf32>
      %abs3A_317 = math.absi %sub3A_314 : vector<16xi32>
      %le3A_318 = arith.constant 6 : i32
      %le3A_319 = vector.broadcast %le3A_318 : i32 to vector<16xi32>
      %le3A_320 = arith.cmpi sle, %abs3A_317, %le3A_319 : vector<16xi32>
      %neg3A_321 = arith.constant 0.000000e+00 : f32
      %neg3A_322 = vector.broadcast %neg3A_321 : f32 to vector<16xf32>
      %neg3A_323 = arith.subf %neg3A_322, %convert_element_type3A_316 : vector<16xf32>
      %mul3A_324 = arith.constant 1.250000e-01 : f32
      %mul3A_325 = vector.broadcast %mul3A_324 : f32 to vector<16xf32>
      %mul3A_326 = arith.mulf %neg3A_323, %mul3A_325 : vector<16xf32>
      %exp3A_327 = math.exp %mul3A_326 : vector<16xf32>
      %jit3A_328 = arith.constant 0.000000e+00 : f32
      %broadcast_in_dim3A_329 = vector.broadcast %jit3A_328 : f32 to vector<16xf32>
      %select_n3A_330 = arith.select %le3A_320, %exp3A_327, %broadcast_in_dim3A_329 : vector<16xi1>, vector<16xf32>
      %add3A_331 = arith.constant 16 : i32
      %add3A_332 = arith.addi %mul3A_131, %add3A_331 : i32
      %add3A_333 = vector.broadcast %add3A_332 : i32 to vector<16xi32>
      %add3A_334 = arith.addi %add3A_333, %iota3A : vector<16xi32>
      %sub3A_335 = vector.broadcast %squeeze3A_92 : i32 to vector<16xi32>
      %sub3A_336 = arith.subi %add3A_334, %sub3A_335 : vector<16xi32>
      %mul3A_337 = arith.muli %sub3A_336, %sub3A_336 : vector<16xi32>
      %convert_element_type3A_338 = arith.sitofp %mul3A_337 : vector<16xi32> to vector<16xf32>
      %abs3A_339 = math.absi %sub3A_336 : vector<16xi32>
      %le3A_340 = arith.constant 6 : i32
      %le3A_341 = vector.broadcast %le3A_340 : i32 to vector<16xi32>
      %le3A_342 = arith.cmpi sle, %abs3A_339, %le3A_341 : vector<16xi32>
      %neg3A_343 = arith.constant 0.000000e+00 : f32
      %neg3A_344 = vector.broadcast %neg3A_343 : f32 to vector<16xf32>
      %neg3A_345 = arith.subf %neg3A_344, %convert_element_type3A_338 : vector<16xf32>
      %mul3A_346 = arith.constant 1.250000e-01 : f32
      %mul3A_347 = vector.broadcast %mul3A_346 : f32 to vector<16xf32>
      %mul3A_348 = arith.mulf %neg3A_345, %mul3A_347 : vector<16xf32>
      %exp3A_349 = math.exp %mul3A_348 : vector<16xf32>
      %jit3A_350 = arith.constant 0.000000e+00 : f32
      %broadcast_in_dim3A_351 = vector.broadcast %jit3A_350 : f32 to vector<16xf32>
      %select_n3A_352 = arith.select %le3A_342, %exp3A_349, %broadcast_in_dim3A_351 : vector<16xi1>, vector<16xf32>
      %add3A_353 = arith.constant 32 : i32
      %add3A_354 = arith.addi %mul3A_131, %add3A_353 : i32
      %add3A_355 = vector.broadcast %add3A_354 : i32 to vector<16xi32>
      %add3A_356 = arith.addi %add3A_355, %iota3A : vector<16xi32>
      %sub3A_357 = vector.broadcast %squeeze3A_92 : i32 to vector<16xi32>
      %sub3A_358 = arith.subi %add3A_356, %sub3A_357 : vector<16xi32>
      %mul3A_359 = arith.muli %sub3A_358, %sub3A_358 : vector<16xi32>
      %convert_element_type3A_360 = arith.sitofp %mul3A_359 : vector<16xi32> to vector<16xf32>
      %abs3A_361 = math.absi %sub3A_358 : vector<16xi32>
      %le3A_362 = arith.constant 6 : i32
      %le3A_363 = vector.broadcast %le3A_362 : i32 to vector<16xi32>
      %le3A_364 = arith.cmpi sle, %abs3A_361, %le3A_363 : vector<16xi32>
      %neg3A_365 = arith.constant 0.000000e+00 : f32
      %neg3A_366 = vector.broadcast %neg3A_365 : f32 to vector<16xf32>
      %neg3A_367 = arith.subf %neg3A_366, %convert_element_type3A_360 : vector<16xf32>
      %mul3A_368 = arith.constant 1.250000e-01 : f32
      %mul3A_369 = vector.broadcast %mul3A_368 : f32 to vector<16xf32>
      %mul3A_370 = arith.mulf %neg3A_367, %mul3A_369 : vector<16xf32>
      %exp3A_371 = math.exp %mul3A_370 : vector<16xf32>
      %jit3A_372 = arith.constant 0.000000e+00 : f32
      %broadcast_in_dim3A_373 = vector.broadcast %jit3A_372 : f32 to vector<16xf32>
      %select_n3A_374 = arith.select %le3A_364, %exp3A_371, %broadcast_in_dim3A_373 : vector<16xi1>, vector<16xf32>
      %add3A_375 = arith.constant 0 : i32
      %add3A_376 = arith.addi %mul3A_157, %add3A_375 : i32
      %add3A_377 = vector.broadcast %add3A_376 : i32 to vector<16xi32>
      %add3A_378 = arith.addi %add3A_377, %iota3A : vector<16xi32>
      %sub3A_379 = vector.broadcast %squeeze3A_94 : i32 to vector<16xi32>
      %sub3A_380 = arith.subi %add3A_378, %sub3A_379 : vector<16xi32>
      %mul3A_381 = arith.muli %sub3A_380, %sub3A_380 : vector<16xi32>
      %convert_element_type3A_382 = arith.sitofp %mul3A_381 : vector<16xi32> to vector<16xf32>
      %abs3A_383 = math.absi %sub3A_380 : vector<16xi32>
      %le3A_384 = arith.constant 6 : i32
      %le3A_385 = vector.broadcast %le3A_384 : i32 to vector<16xi32>
      %le3A_386 = arith.cmpi sle, %abs3A_383, %le3A_385 : vector<16xi32>
      %neg3A_387 = arith.constant 0.000000e+00 : f32
      %neg3A_388 = vector.broadcast %neg3A_387 : f32 to vector<16xf32>
      %neg3A_389 = arith.subf %neg3A_388, %convert_element_type3A_382 : vector<16xf32>
      %mul3A_390 = arith.constant 1.250000e-01 : f32
      %mul3A_391 = vector.broadcast %mul3A_390 : f32 to vector<16xf32>
      %mul3A_392 = arith.mulf %neg3A_389, %mul3A_391 : vector<16xf32>
      %exp3A_393 = math.exp %mul3A_392 : vector<16xf32>
      %jit3A_394 = arith.constant 0.000000e+00 : f32
      %broadcast_in_dim3A_395 = vector.broadcast %jit3A_394 : f32 to vector<16xf32>
      %select_n3A_396 = arith.select %le3A_386, %exp3A_393, %broadcast_in_dim3A_395 : vector<16xi1>, vector<16xf32>
      %mul3A_397 = vector.broadcast %mul3A_184 : f32 to vector<16xf32>
      %mul3A_398 = arith.mulf %select_n3A_396, %mul3A_397 : vector<16xf32>
      %add3A_399 = arith.constant 16 : i32
      %add3A_400 = arith.addi %mul3A_157, %add3A_399 : i32
      %add3A_401 = vector.broadcast %add3A_400 : i32 to vector<16xi32>
      %add3A_402 = arith.addi %add3A_401, %iota3A : vector<16xi32>
      %sub3A_403 = vector.broadcast %squeeze3A_94 : i32 to vector<16xi32>
      %sub3A_404 = arith.subi %add3A_402, %sub3A_403 : vector<16xi32>
      %mul3A_405 = arith.muli %sub3A_404, %sub3A_404 : vector<16xi32>
      %convert_element_type3A_406 = arith.sitofp %mul3A_405 : vector<16xi32> to vector<16xf32>
      %abs3A_407 = math.absi %sub3A_404 : vector<16xi32>
      %le3A_408 = arith.constant 6 : i32
      %le3A_409 = vector.broadcast %le3A_408 : i32 to vector<16xi32>
      %le3A_410 = arith.cmpi sle, %abs3A_407, %le3A_409 : vector<16xi32>
      %neg3A_411 = arith.constant 0.000000e+00 : f32
      %neg3A_412 = vector.broadcast %neg3A_411 : f32 to vector<16xf32>
      %neg3A_413 = arith.subf %neg3A_412, %convert_element_type3A_406 : vector<16xf32>
      %mul3A_414 = arith.constant 1.250000e-01 : f32
      %mul3A_415 = vector.broadcast %mul3A_414 : f32 to vector<16xf32>
      %mul3A_416 = arith.mulf %neg3A_413, %mul3A_415 : vector<16xf32>
      %exp3A_417 = math.exp %mul3A_416 : vector<16xf32>
      %jit3A_418 = arith.constant 0.000000e+00 : f32
      %broadcast_in_dim3A_419 = vector.broadcast %jit3A_418 : f32 to vector<16xf32>
      %select_n3A_420 = arith.select %le3A_410, %exp3A_417, %broadcast_in_dim3A_419 : vector<16xi1>, vector<16xf32>
      %mul3A_421 = vector.broadcast %mul3A_184 : f32 to vector<16xf32>
      %mul3A_422 = arith.mulf %select_n3A_420, %mul3A_421 : vector<16xf32>
      %add3A_423 = arith.constant 0 : i32
      %add3A_424 = arith.addi %mul3A_131, %add3A_423 : i32
      %add3A_425 = vector.broadcast %add3A_424 : i32 to vector<16xi32>
      %add3A_426 = arith.addi %add3A_425, %iota3A : vector<16xi32>
      %sub3A_427 = vector.broadcast %squeeze3A_92 : i32 to vector<16xi32>
      %sub3A_428 = arith.subi %add3A_426, %sub3A_427 : vector<16xi32>
      %mul3A_429 = arith.muli %sub3A_428, %sub3A_428 : vector<16xi32>
      %convert_element_type3A_430 = arith.sitofp %mul3A_429 : vector<16xi32> to vector<16xf32>
      %abs3A_431 = math.absi %sub3A_428 : vector<16xi32>
      %le3A_432 = arith.constant 12 : i32
      %le3A_433 = vector.broadcast %le3A_432 : i32 to vector<16xi32>
      %le3A_434 = arith.cmpi sle, %abs3A_431, %le3A_433 : vector<16xi32>
      %neg3A_435 = arith.constant 0.000000e+00 : f32
      %neg3A_436 = vector.broadcast %neg3A_435 : f32 to vector<16xf32>
      %neg3A_437 = arith.subf %neg3A_436, %convert_element_type3A_430 : vector<16xf32>
      %mul3A_438 = arith.constant 3.125000e-02 : f32
      %mul3A_439 = vector.broadcast %mul3A_438 : f32 to vector<16xf32>
      %mul3A_440 = arith.mulf %neg3A_437, %mul3A_439 : vector<16xf32>
      %exp3A_441 = math.exp %mul3A_440 : vector<16xf32>
      %jit3A_442 = arith.constant 0.000000e+00 : f32
      %broadcast_in_dim3A_443 = vector.broadcast %jit3A_442 : f32 to vector<16xf32>
      %select_n3A_444 = arith.select %le3A_434, %exp3A_441, %broadcast_in_dim3A_443 : vector<16xi1>, vector<16xf32>
      %add3A_445 = arith.constant 16 : i32
      %add3A_446 = arith.addi %mul3A_131, %add3A_445 : i32
      %add3A_447 = vector.broadcast %add3A_446 : i32 to vector<16xi32>
      %add3A_448 = arith.addi %add3A_447, %iota3A : vector<16xi32>
      %sub3A_449 = vector.broadcast %squeeze3A_92 : i32 to vector<16xi32>
      %sub3A_450 = arith.subi %add3A_448, %sub3A_449 : vector<16xi32>
      %mul3A_451 = arith.muli %sub3A_450, %sub3A_450 : vector<16xi32>
      %convert_element_type3A_452 = arith.sitofp %mul3A_451 : vector<16xi32> to vector<16xf32>
      %abs3A_453 = math.absi %sub3A_450 : vector<16xi32>
      %le3A_454 = arith.constant 12 : i32
      %le3A_455 = vector.broadcast %le3A_454 : i32 to vector<16xi32>
      %le3A_456 = arith.cmpi sle, %abs3A_453, %le3A_455 : vector<16xi32>
      %neg3A_457 = arith.constant 0.000000e+00 : f32
      %neg3A_458 = vector.broadcast %neg3A_457 : f32 to vector<16xf32>
      %neg3A_459 = arith.subf %neg3A_458, %convert_element_type3A_452 : vector<16xf32>
      %mul3A_460 = arith.constant 3.125000e-02 : f32
      %mul3A_461 = vector.broadcast %mul3A_460 : f32 to vector<16xf32>
      %mul3A_462 = arith.mulf %neg3A_459, %mul3A_461 : vector<16xf32>
      %exp3A_463 = math.exp %mul3A_462 : vector<16xf32>
      %jit3A_464 = arith.constant 0.000000e+00 : f32
      %broadcast_in_dim3A_465 = vector.broadcast %jit3A_464 : f32 to vector<16xf32>
      %select_n3A_466 = arith.select %le3A_456, %exp3A_463, %broadcast_in_dim3A_465 : vector<16xi1>, vector<16xf32>
      %add3A_467 = arith.constant 32 : i32
      %add3A_468 = arith.addi %mul3A_131, %add3A_467 : i32
      %add3A_469 = vector.broadcast %add3A_468 : i32 to vector<16xi32>
      %add3A_470 = arith.addi %add3A_469, %iota3A : vector<16xi32>
      %sub3A_471 = vector.broadcast %squeeze3A_92 : i32 to vector<16xi32>
      %sub3A_472 = arith.subi %add3A_470, %sub3A_471 : vector<16xi32>
      %mul3A_473 = arith.muli %sub3A_472, %sub3A_472 : vector<16xi32>
      %convert_element_type3A_474 = arith.sitofp %mul3A_473 : vector<16xi32> to vector<16xf32>
      %abs3A_475 = math.absi %sub3A_472 : vector<16xi32>
      %le3A_476 = arith.constant 12 : i32
      %le3A_477 = vector.broadcast %le3A_476 : i32 to vector<16xi32>
      %le3A_478 = arith.cmpi sle, %abs3A_475, %le3A_477 : vector<16xi32>
      %neg3A_479 = arith.constant 0.000000e+00 : f32
      %neg3A_480 = vector.broadcast %neg3A_479 : f32 to vector<16xf32>
      %neg3A_481 = arith.subf %neg3A_480, %convert_element_type3A_474 : vector<16xf32>
      %mul3A_482 = arith.constant 3.125000e-02 : f32
      %mul3A_483 = vector.broadcast %mul3A_482 : f32 to vector<16xf32>
      %mul3A_484 = arith.mulf %neg3A_481, %mul3A_483 : vector<16xf32>
      %exp3A_485 = math.exp %mul3A_484 : vector<16xf32>
      %jit3A_486 = arith.constant 0.000000e+00 : f32
      %broadcast_in_dim3A_487 = vector.broadcast %jit3A_486 : f32 to vector<16xf32>
      %select_n3A_488 = arith.select %le3A_478, %exp3A_485, %broadcast_in_dim3A_487 : vector<16xi1>, vector<16xf32>
      %add3A_489 = arith.constant 0 : i32
      %add3A_490 = arith.addi %mul3A_157, %add3A_489 : i32
      %add3A_491 = vector.broadcast %add3A_490 : i32 to vector<16xi32>
      %add3A_492 = arith.addi %add3A_491, %iota3A : vector<16xi32>
      %sub3A_493 = vector.broadcast %squeeze3A_94 : i32 to vector<16xi32>
      %sub3A_494 = arith.subi %add3A_492, %sub3A_493 : vector<16xi32>
      %mul3A_495 = arith.muli %sub3A_494, %sub3A_494 : vector<16xi32>
      %convert_element_type3A_496 = arith.sitofp %mul3A_495 : vector<16xi32> to vector<16xf32>
      %abs3A_497 = math.absi %sub3A_494 : vector<16xi32>
      %le3A_498 = arith.constant 12 : i32
      %le3A_499 = vector.broadcast %le3A_498 : i32 to vector<16xi32>
      %le3A_500 = arith.cmpi sle, %abs3A_497, %le3A_499 : vector<16xi32>
      %neg3A_501 = arith.constant 0.000000e+00 : f32
      %neg3A_502 = vector.broadcast %neg3A_501 : f32 to vector<16xf32>
      %neg3A_503 = arith.subf %neg3A_502, %convert_element_type3A_496 : vector<16xf32>
      %mul3A_504 = arith.constant 3.125000e-02 : f32
      %mul3A_505 = vector.broadcast %mul3A_504 : f32 to vector<16xf32>
      %mul3A_506 = arith.mulf %neg3A_503, %mul3A_505 : vector<16xf32>
      %exp3A_507 = math.exp %mul3A_506 : vector<16xf32>
      %jit3A_508 = arith.constant 0.000000e+00 : f32
      %broadcast_in_dim3A_509 = vector.broadcast %jit3A_508 : f32 to vector<16xf32>
      %select_n3A_510 = arith.select %le3A_500, %exp3A_507, %broadcast_in_dim3A_509 : vector<16xi1>, vector<16xf32>
      %mul3A_511 = vector.broadcast %mul3A_198 : f32 to vector<16xf32>
      %mul3A_512 = arith.mulf %select_n3A_510, %mul3A_511 : vector<16xf32>
      %add3A_513 = arith.constant 16 : i32
      %add3A_514 = arith.addi %mul3A_157, %add3A_513 : i32
      %add3A_515 = vector.broadcast %add3A_514 : i32 to vector<16xi32>
      %add3A_516 = arith.addi %add3A_515, %iota3A : vector<16xi32>
      %sub3A_517 = vector.broadcast %squeeze3A_94 : i32 to vector<16xi32>
      %sub3A_518 = arith.subi %add3A_516, %sub3A_517 : vector<16xi32>
      %mul3A_519 = arith.muli %sub3A_518, %sub3A_518 : vector<16xi32>
      %convert_element_type3A_520 = arith.sitofp %mul3A_519 : vector<16xi32> to vector<16xf32>
      %abs3A_521 = math.absi %sub3A_518 : vector<16xi32>
      %le3A_522 = arith.constant 12 : i32
      %le3A_523 = vector.broadcast %le3A_522 : i32 to vector<16xi32>
      %le3A_524 = arith.cmpi sle, %abs3A_521, %le3A_523 : vector<16xi32>
      %neg3A_525 = arith.constant 0.000000e+00 : f32
      %neg3A_526 = vector.broadcast %neg3A_525 : f32 to vector<16xf32>
      %neg3A_527 = arith.subf %neg3A_526, %convert_element_type3A_520 : vector<16xf32>
      %mul3A_528 = arith.constant 3.125000e-02 : f32
      %mul3A_529 = vector.broadcast %mul3A_528 : f32 to vector<16xf32>
      %mul3A_530 = arith.mulf %neg3A_527, %mul3A_529 : vector<16xf32>
      %exp3A_531 = math.exp %mul3A_530 : vector<16xf32>
      %jit3A_532 = arith.constant 0.000000e+00 : f32
      %broadcast_in_dim3A_533 = vector.broadcast %jit3A_532 : f32 to vector<16xf32>
      %select_n3A_534 = arith.select %le3A_524, %exp3A_531, %broadcast_in_dim3A_533 : vector<16xi1>, vector<16xf32>
      %mul3A_535 = vector.broadcast %mul3A_198 : f32 to vector<16xf32>
      %mul3A_536 = arith.mulf %select_n3A_534, %mul3A_535 : vector<16xf32>
      %scan3A_537 = arith.constant 0 : i32
      %scan3A_538 = arith.constant 0 : i32
      %scan3A_539 = arith.constant 32 : i32
      %scan3A_540 = arith.addi %scan3A_538, %scan3A_539 : i32
      %scan3A_541 = arith.constant 1 : i32
      scf.for %scan3A_549 = %scan3A_538 to %scan3A_540 step %scan3A_541  : i32 {
        %jit3A_550 = arith.constant 16 : i32
        %eq3A_551 = arith.constant 0 : i32
        %eq3A_552 = arith.cmpi eq, %jit3A_550, %eq3A_551 : i32
        %jit3A_553 = arith.constant 1 : i32
        %select_n3A_554 = arith.select %eq3A_552, %jit3A_553, %jit3A_550 : i32
        %rem3A_555 = arith.remsi %scan3A_549, %select_n3A_554 : i32
        %ne3A_556 = arith.constant 0 : i32
        %ne3A_557 = arith.cmpi ne, %rem3A_555, %ne3A_556 : i32
        %lt3A_558 = arith.constant 0 : i32
        %lt3A_559 = arith.cmpi slt, %rem3A_555, %lt3A_558 : i32
        %lt3A_560 = arith.constant 0 : i32
        %lt3A_561 = arith.cmpi slt, %select_n3A_554, %lt3A_560 : i32
        %ne3A_562 = arith.xori %lt3A_559, %lt3A_561 : i1
        %and3A_563 = arith.andi %ne3A_562, %ne3A_557 : i1
        %add3A_564 = arith.addi %rem3A_555, %select_n3A_554 : i32
        %select_n3A_565 = arith.select %and3A_563, %add3A_564, %rem3A_555 : i32
        %broadcast_in_dim3A_566 = vector.broadcast %select_n3A_565 : i32 to vector<16xi32>
        %lt3A_567 = arith.constant 16 : i32
        %lt3A_568 = arith.cmpi slt, %scan3A_549, %lt3A_567 : i32
        %select_n3A_569 = arith.select %lt3A_568, %mul3A_284, %mul3A_308 : vector<16xf32>
        %lt3A_570 = arith.constant 0 : i32
        %lt3A_571 = vector.broadcast %lt3A_570 : i32 to vector<16xi32>
        %lt3A_572 = arith.cmpi slt, %broadcast_in_dim3A_566, %lt3A_571 : vector<16xi32>
        %add3A_573 = arith.constant 16 : i32
        %add3A_574 = vector.broadcast %add3A_573 : i32 to vector<16xi32>
        %add3A_575 = arith.addi %broadcast_in_dim3A_566, %add3A_574 : vector<16xi32>
        %select_n3A_576 = arith.select %lt3A_572, %add3A_575, %broadcast_in_dim3A_566 : vector<16xi1>, vector<16xi32>
        %broadcast_in_dim3A_577 = vector.shape_cast %select_n3A_576 : vector<16xi32> to vector<16x1xi32>
        %gather3A = vector.shape_cast %broadcast_in_dim3A_577 : vector<16x1xi32> to vector<16xi32>
        %gather3A_578 = tpu.dynamic_gather %select_n3A_569[%gather3A] in [0] : vector<16xf32>, vector<16xi32> -> vector<16xf32>
        %select_n3A_579 = arith.select %lt3A_568, %mul3A_398, %mul3A_422 : vector<16xf32>
        %lt3A_580 = arith.constant 0 : i32
        %lt3A_581 = vector.broadcast %lt3A_580 : i32 to vector<16xi32>
        %lt3A_582 = arith.cmpi slt, %broadcast_in_dim3A_566, %lt3A_581 : vector<16xi32>
        %add3A_583 = arith.constant 16 : i32
        %add3A_584 = vector.broadcast %add3A_583 : i32 to vector<16xi32>
        %add3A_585 = arith.addi %broadcast_in_dim3A_566, %add3A_584 : vector<16xi32>
        %select_n3A_586 = arith.select %lt3A_582, %add3A_585, %broadcast_in_dim3A_566 : vector<16xi1>, vector<16xi32>
        %broadcast_in_dim3A_587 = vector.shape_cast %select_n3A_586 : vector<16xi32> to vector<16x1xi32>
        %gather3A_588 = vector.shape_cast %broadcast_in_dim3A_587 : vector<16x1xi32> to vector<16xi32>
        %gather3A_589 = tpu.dynamic_gather %select_n3A_579[%gather3A_588] in [0] : vector<16xf32>, vector<16xi32> -> vector<16xf32>
        %select_n3A_590 = arith.select %lt3A_568, %mul3A_512, %mul3A_536 : vector<16xf32>
        %lt3A_591 = arith.constant 0 : i32
        %lt3A_592 = vector.broadcast %lt3A_591 : i32 to vector<16xi32>
        %lt3A_593 = arith.cmpi slt, %broadcast_in_dim3A_566, %lt3A_592 : vector<16xi32>
        %add3A_594 = arith.constant 16 : i32
        %add3A_595 = vector.broadcast %add3A_594 : i32 to vector<16xi32>
        %add3A_596 = arith.addi %broadcast_in_dim3A_566, %add3A_595 : vector<16xi32>
        %select_n3A_597 = arith.select %lt3A_593, %add3A_596, %broadcast_in_dim3A_566 : vector<16xi1>, vector<16xi32>
        %broadcast_in_dim3A_598 = vector.shape_cast %select_n3A_597 : vector<16xi32> to vector<16x1xi32>
        %gather3A_599 = vector.shape_cast %broadcast_in_dim3A_598 : vector<16x1xi32> to vector<16xi32>
        %gather3A_600 = tpu.dynamic_gather %select_n3A_590[%gather3A_599] in [0] : vector<16xf32>, vector<16xi32> -> vector<16xf32>
        %mul3A_601 = arith.mulf %gather3A_578, %select_n3A_216 : vector<16xf32>
        %mul3A_602 = arith.mulf %gather3A_589, %select_n3A_330 : vector<16xf32>
        %max3A_603 = arith.maximumf %mul3A_601, %mul3A_602 : vector<16xf32>
        %mul3A_604 = arith.mulf %gather3A_600, %select_n3A_444 : vector<16xf32>
        %max3A_605 = arith.maximumf %max3A_603, %mul3A_604 : vector<16xf32>
        %add3A_606 = arith.constant 0 : i32
        %add3A_607 = arith.addi %mul3A_131, %add3A_606 : i32
        %swap3A = arith.index_cast %scan3A_549 : i32 to index
        %swap3A_608 = arith.index_cast %add3A_607 : i32 to index
        %swap3A_609 = tpu.vector_load %arg8[%swap3A, %swap3A_608] {strides = array<i32>} : memref<32x384xf32, #tpu.memory_space<vmem>>, vector<1x16xf32>,
        %swap3A_610 = vector.shape_cast %swap3A_609 : vector<1x16xf32> to vector<16xf32>
        %swap3A_611 = vector.shape_cast %max3A_605 : vector<16xf32> to vector<1x16xf32>
        tpu.vector_store %arg8[%swap3A, %swap3A_608], %swap3A_611 {strides = array<i32>} : memref<32x384xf32, #tpu.memory_space<vmem>>, vector<1x16xf32>,
        %mul3A_612 = arith.mulf %gather3A_578, %select_n3A_238 : vector<16xf32>
        %mul3A_613 = arith.mulf %gather3A_589, %select_n3A_352 : vector<16xf32>
        %max3A_614 = arith.maximumf %mul3A_612, %mul3A_613 : vector<16xf32>
        %mul3A_615 = arith.mulf %gather3A_600, %select_n3A_466 : vector<16xf32>
        %max3A_616 = arith.maximumf %max3A_614, %mul3A_615 : vector<16xf32>
        %add3A_617 = arith.constant 16 : i32
        %add3A_618 = arith.addi %mul3A_131, %add3A_617 : i32
        %swap3A_619 = arith.index_cast %scan3A_549 : i32 to index
        %swap3A_620 = arith.index_cast %add3A_618 : i32 to index
        %swap3A_621 = tpu.vector_load %arg8[%swap3A_619, %swap3A_620] {strides = array<i32>} : memref<32x384xf32, #tpu.memory_space<vmem>>, vector<1x16xf32>,
        %swap3A_622 = vector.shape_cast %swap3A_621 : vector<1x16xf32> to vector<16xf32>
        %swap3A_623 = vector.shape_cast %max3A_616 : vector<16xf32> to vector<1x16xf32>
        tpu.vector_store %arg8[%swap3A_619, %swap3A_620], %swap3A_623 {strides = array<i32>} : memref<32x384xf32, #tpu.memory_space<vmem>>, vector<1x16xf32>,
        %mul3A_624 = arith.mulf %gather3A_578, %select_n3A_260 : vector<16xf32>
        %mul3A_625 = arith.mulf %gather3A_589, %select_n3A_374 : vector<16xf32>
        %max3A_626 = arith.maximumf %mul3A_624, %mul3A_625 : vector<16xf32>
        %mul3A_627 = arith.mulf %gather3A_600, %select_n3A_488 : vector<16xf32>
        %max3A_628 = arith.maximumf %max3A_626, %mul3A_627 : vector<16xf32>
        %add3A_629 = arith.constant 32 : i32
        %add3A_630 = arith.addi %mul3A_131, %add3A_629 : i32
        %swap3A_631 = arith.index_cast %scan3A_549 : i32 to index
        %swap3A_632 = arith.index_cast %add3A_630 : i32 to index
        %swap3A_633 = tpu.vector_load %arg8[%swap3A_631, %swap3A_632] {strides = array<i32>} : memref<32x384xf32, #tpu.memory_space<vmem>>, vector<1x16xf32>,
        %swap3A_634 = vector.shape_cast %swap3A_633 : vector<1x16xf32> to vector<16xf32>
        %swap3A_635 = vector.shape_cast %max3A_628 : vector<16xf32> to vector<1x16xf32>
        tpu.vector_store %arg8[%swap3A_631, %swap3A_632], %swap3A_635 {strides = array<i32>} : memref<32x384xf32, #tpu.memory_space<vmem>>, vector<1x16xf32>,
      }
      %scan3A_542 = arith.constant 32 : i32
      %scan3A_543 = arith.constant 0 : i32
      %scan3A_544 = arith.constant 0 : i32
      %scan3A_545 = arith.constant 16 : i32
      %scan3A_546 = arith.addi %scan3A_544, %scan3A_545 : i32
      %scan3A_547 = arith.constant 1 : i32
      scf.for %scan3A_549 = %scan3A_544 to %scan3A_546 step %scan3A_547  : i32 {
        %mul3A_550 = arith.constant 24 : i32
        %mul3A_551 = arith.muli %scan3A_549, %mul3A_550 : i32
        %dma_wait3A = arith.constant 0 : i32
        %dma_wait3A_552 = tpu.memref_slice %arg4[%select_n3A, %select_n3A_79, %mul3A_551, %dma_wait3A] : memref<8x15x384x384xf32, #tpu.memory_space<hbm>> -> memref<1x1x24x384xf32, #tpu.memory_space<hbm>>
        %dma_wait3A_553 = tpu.memref_squeeze %dma_wait3A_552 : memref<1x1x24x384xf32, #tpu.memory_space<hbm>> -> memref<24x384xf32, #tpu.memory_space<hbm>>
        %dma_wait3A_554 = arith.constant 0 : i32
        %dma_wait3A_555 = tpu.memref_slice %arg4[%select_n3A, %select_n3A_79, %mul3A_551, %dma_wait3A_554] : memref<8x15x384x384xf32, #tpu.memory_space<hbm>> -> memref<1x1x24x384xf32, #tpu.memory_space<hbm>>
        %dma_wait3A_556 = tpu.memref_squeeze %dma_wait3A_555 : memref<1x1x24x384xf32, #tpu.memory_space<hbm>> -> memref<24x384xf32, #tpu.memory_space<hbm>>
        tpu.wait_dma2 semaphore(%arg9 : memref<!tpu.dma_semaphore, #tpu.memory_space<semaphore_mem>>) src(%arg7 : memref<24x384xf32, #tpu.memory_space<vmem>>) dst(%dma_wait3A_556 : memref<24x384xf32, #tpu.memory_space<hbm>>)
      }
      %scan3A_548 = arith.constant 16 : i32
      "tpu.region"() ({
        %run_scoped3A = tpu.sem_alloc : memref<!tpu.dma_semaphore, #tpu.memory_space<semaphore_mem>>
        %dma_start3A = arith.constant 0 : i32
        %dma_start3A_549 = tpu.memref_slice %arg4[%select_n3A, %select_n3A_79, %mul3A_157, %dma_start3A] : memref<8x15x384x384xf32, #tpu.memory_space<hbm>> -> memref<1x1x32x384xf32, #tpu.memory_space<hbm>>
        %dma_start3A_550 = tpu.memref_squeeze %dma_start3A_549 : memref<1x1x32x384xf32, #tpu.memory_space<hbm>> -> memref<32x384xf32, #tpu.memory_space<hbm>>
        %dma_start3A_551 = arith.constant 0 : i32
        %dma_start3A_552 = tpu.memref_slice %arg4[%select_n3A, %select_n3A_79, %mul3A_157, %dma_start3A_551] : memref<8x15x384x384xf32, #tpu.memory_space<hbm>> -> memref<1x1x32x384xf32, #tpu.memory_space<hbm>>
        %dma_start3A_553 = tpu.memref_squeeze %dma_start3A_552 : memref<1x1x32x384xf32, #tpu.memory_space<hbm>> -> memref<32x384xf32, #tpu.memory_space<hbm>>
        tpu.enqueue_dma source(%arg8 : memref<32x384xf32, #tpu.memory_space<vmem>>) target(%dma_start3A_553 : memref<32x384xf32, #tpu.memory_space<hbm>>) target_semaphore(%run_scoped3A : memref<!tpu.dma_semaphore, #tpu.memory_space<semaphore_mem>>)
        %dma_wait3A = arith.constant 0 : i32
        %dma_wait3A_554 = tpu.memref_slice %arg4[%select_n3A, %select_n3A_79, %mul3A_157, %dma_wait3A] : memref<8x15x384x384xf32, #tpu.memory_space<hbm>> -> memref<1x1x32x384xf32, #tpu.memory_space<hbm>>
        %dma_wait3A_555 = tpu.memref_squeeze %dma_wait3A_554 : memref<1x1x32x384xf32, #tpu.memory_space<hbm>> -> memref<32x384xf32, #tpu.memory_space<hbm>>
        %dma_wait3A_556 = arith.constant 0 : i32
        %dma_wait3A_557 = tpu.memref_slice %arg4[%select_n3A, %select_n3A_79, %mul3A_157, %dma_wait3A_556] : memref<8x15x384x384xf32, #tpu.memory_space<hbm>> -> memref<1x1x32x384xf32, #tpu.memory_space<hbm>>
        %dma_wait3A_558 = tpu.memref_squeeze %dma_wait3A_557 : memref<1x1x32x384xf32, #tpu.memory_space<hbm>> -> memref<32x384xf32, #tpu.memory_space<hbm>>
        tpu.wait_dma2 semaphore(%run_scoped3A : memref<!tpu.dma_semaphore, #tpu.memory_space<semaphore_mem>>) src(%arg8 : memref<32x384xf32, #tpu.memory_space<vmem>>) dst(%dma_wait3A_558 : memref<32x384xf32, #tpu.memory_space<hbm>>)
        tpu.yield
      }) : () -> ()
    } else {
    }
    return
  }
}

</mosaic_0001>

<sc_bundles>
// kernel: kernel.3.cloned.1.call-start
scs
__scs_entry_jumppad:
0x0: {  	(pc) =	sbr.rel $0x88, $3  }
0x1: {  	(tag) =	ssettag $0x0;
	lr =	simm.s32 $0x1  }
0x2: {  	[smem:$0x3F9F] =	sst lr;
	_ =	strace $0xD0000000  }
0x3: {  	_ = 	snop  }
0x4: {  	_ = 	snop  }
0x5: {  	_ = 	snop  }
0x6: {  	_ = 	snop  }
0x7: {  	_ = 	snop  }
__scs_overlays_trampoline_lowered:
0x8: {  	[smem:$0x3FAE] =	sst s0  }
0x9: {  	[smem:$0x3FAF] =	sst s1  }
0xa: {  	[smem:$0x3FB0] =	sst s2  }
0xb: {  	[smem:$0x3FB1] =	sst s3  }
0xc: {  	[smem:$0x3FB2] =	sst s4  }
0xd: {  	[smem:$0x3FB3] =	sst s5  }
0xe: {  	[smem:$0x3FB4] =	sst s6  }
0xf: {  	[smem:$0x3FB5] =	sst s7  }
0x10: {  	[smem:$0x3FB6] =	sst s8  }
0x11: {  	[smem:$0x3FB7] =	sst s9;
	s0 =	simm.s32 @!p0 $0x0  }
0x12: {  	s1 =	sld [smem:$0x3F9D];
	s0 =	simm.s32 @p0 $0x1  }
0x13: {  	[smem:$0x3FB8] =	sst s0;
	s0 =	simm.s32 @!p1 $0x0  }
0x14: {  	s2 =	sld [smem:$0x3F9C];
	s0 =	simm.s32 @p1 $0x1  }
0x15: {  	[smem:$0x3FB9] =	sst s0;
	s0 =	simm.s32 @!p2 $0x0  }
0x16: {  	s3 =	sld [smem:$0x3FDB];
	s0 =	simm.s32 @p2 $0x1  }
0x17: {  	s4 =	simm.s32 $0x1BF5;
	[smem:$0x3FBB] =	sst s0  }
0x18: {  	s0 =	sld [smem:$0x3F9E];
	_ =	swait.ge [sflag:s4], $0x0  }
0x19: {  	s7 =	sld [smem:$0x3F9F]  }
0x1a: {  	s8 =	sadd.s32 $0xFFFFE003, lr  }
0x1b: {  	s9 =	sadd.s32 $0xFFFFFEF7, lr;
	s5 =	simm.s32 $0xFFFFFFFF;
	p2 =	slt.u32 s8, $0xFFFFF086  }
0x1c: {  	p1 =	slt.u32 s9, $0xF7A;
	s5 =	simm.s32 @!p2 $0x0  }
0x1d: {  	s5 =	simm.s32 @p1 $0x1;
	p0 =	seq.s32 s7, s2  }
0x1e: {  	s7 =	smul.u32 @!p0 $0xF7A, s2;
	p2 =	seq.s32 @!p0 s5, $0x0  }
0x1f: {  	s9 =	smul.u32 $0xF7A, s1;
	s8 =	simm.s32 @!p0 $0x1BF5;
	p2 =	por !p2, p0  }
0x20: {  	[sflag:s8] =	ssyncset.s32 @!p0 $0xFFFFF086;
	s6 =	sadd.s32 @!p0 s3, s7;
	s7 =	simm.s32 @!p0 $0x108  }
0x21: {  	s3 =	sadd.s32 s3, s9;
	s6 =	sadd.s32 @!p0 $0x88, s6;
	s7 =	simm.s32 @p2 $0x1082  }
0x22: {  	[simem:s7], [sflag:s8] =	dma.local @!p0 [hbm:s6], $0xF7A  }
0x23: {  	s9 =	sor.u32 $0xD0000000, s2;
	s6 =	simm.s32 $0x108;
	_ =	swait.ge @!p0 [sflag:s8], $0x0  }
0x24: {  	s3 =	sadd.s32 $0x88, s3;
	s6 =	simm.s32 @!p1 $0x1082;
	[sflag:s4] =	ssyncset.s32 $0xFFFFF086  }
0x25: {  	[simem:s6], [sflag:s4] =	dma.local [hbm:s3], $0xF7A  }
0x26: {  	[smem:$0x3F9F] =	sst s1;
	(tag) =	ssettag s2;
	_ =	strace s9  }
0x27: {  	s1 =	sld [smem:$0x3FAF]  }
0x28: {  	s2 =	sld [smem:$0x3FB0]  }
0x29: {  	s4 =	sld [smem:$0x3FB2]  }
0x2a: {  	p0 =	seq.s32 s5, $0x0;
	s5 =	sld [smem:$0x3FB3]  }
0x2b: {  	s6 =	sld [smem:$0x3FB4]  }
0x2c: {  	s7 =	sld [smem:$0x3FB5]  }
0x2d: {  	s3 =	simm.s32 $0x108;
	s8 =	sld [smem:$0x3FB6]  }
0x2e: {  	s3 =	simm.s32 @!p0 $0x1082;
	s9 =	sld [smem:$0x3FB7]  }
0x2f: {  	lr =	sadd.s32 s0, s3;
	s0 =	sld [smem:$0x3FAE]  }
0x30: {  	s3 =	sld [smem:$0x3FB1]  }
0x31: {  	[smem:$0x3FBA] =	sst s10  }
0x32: {  	s10 =	sld [smem:$0x3FB8];
	_ =	sdelay $0x3  }
0x33: {  	p0 =	seq.s32 s10, $0x1;
	s10 =	sld [smem:$0x3FBA];
	_ =	sdelay $0x3  }
0x34: {  	[smem:$0x3FBA] =	sst s10  }
0x35: {  	s10 =	sld [smem:$0x3FB9];
	_ =	sdelay $0x3  }
0x36: {  	p1 =	seq.s32 s10, $0x1;
	s10 =	sld [smem:$0x3FBA];
	_ =	sdelay $0x3  }
0x37: {  	[smem:$0x3FBA] =	sst s10  }
0x38: {  	s10 =	sld [smem:$0x3FBB]  }
0x39: {  	_ = 	snop;
	(pc) =	sbr.ind lr, $3  }
0x3a: {  	_ = 	snop  }
0x3b: {  	_ = 	snop  }
0x3c: {  	p2 =	seq.s32 s10, $0x1;
	s10 =	sld [smem:$0x3FBA]  }
0x3d: {  	_ =	shalt  }
0x3e: {  	_ =	shalt  }
0x3f: {  	_ =	shalt  }
0x40: {  	_ =	shalt  }
0x41: {  	_ =	shalt  }
0x42: {  	_ =	shalt  }
0x43: {  	_ =	shalt  }
0x44: {  	_ =	shalt  }
0x45: {  	_ =	shalt  }
0x46: {  	_ =	shalt  }
0x47: {  	_ =	shalt  }
0x48: {  	_ =	shalt  }
0x49: {  	_ =	shalt  }
0x4a: {  	_ =	shalt  }
0x4b: {  	_ =	shalt  }
0x4c: {  	_ =	shalt  }
0x4d: {  	_ =	shalt  }
0x4e: {  	_ =	shalt  }
0x4f: {  	_ =	shalt  }
0x50: {  	_ =	shalt  }
0x51: {  	_ =	shalt  }
0x52: {  	_ =	shalt  }
0x53: {  	_ =	shalt  }
0x54: {  	_ =	shalt  }
0x55: {  	_ =	shalt  }
0x56: {  	_ =	shalt  }
0x57: {  	_ =	shalt  }
0x58: {  	_ =	shalt  }
0x59: {  	_ =	shalt  }
0x5a: {  	_ =	shalt  }
0x5b: {  	_ =	shalt  }
0x5c: {  	_ =	shalt  }
0x5d: {  	_ =	shalt  }
0x5e: {  	_ =	shalt  }
0x5f: {  	_ =	shalt  }
0x60: {  	_ =	shalt  }
0x61: {  	_ =	shalt  }
0x62: {  	_ =	shalt  }
0x63: {  	_ =	shalt  }
0x64: {  	_ =	shalt  }
0x65: {  	_ =	shalt  }
0x66: {  	_ =	shalt  }
0x67: {  	_ =	shalt  }
0x68: {  	_ =	shalt  }
0x69: {  	_ =	shalt  }
0x6a: {  	_ =	shalt  }
0x6b: {  	_ =	shalt  }
0x6c: {  	_ =	shalt  }
0x6d: {  	_ =	shalt  }
0x6e: {  	_ =	shalt  }
0x6f: {  	_ =	shalt  }
0x70: {  	_ =	shalt  }
0x71: {  	_ =	shalt  }
0x72: {  	_ =	shalt  }
0x73: {  	_ =	shalt  }
0x74: {  	_ =	shalt  }
0x75: {  	_ =	shalt  }
0x76: {  	_ =	shalt  }
0x77: {  	_ =	shalt  }
0x78: {  	_ =	shalt  }
0x79: {  	_ =	shalt  }
0x7a: {  	_ =	shalt  }
0x7b: {  	_ =	shalt  }
0x7c: {  	_ =	shalt  }
0x7d: {  	_ =	shalt  }
0x7e: {  	_ =	shalt  }
0x7f: {  	_ =	shalt  }
0x80: {  	_ =	shalt  }
0x81: {  	_ =	shalt  }
0x82: {  	_ =	shalt  }
0x83: {  	_ =	shalt  }
0x84: {  	_ =	shalt  }
0x85: {  	_ =	shalt  }
0x86: {  	_ =	shalt  }
0x87: {  	_ =	shalt  }
.Lfunc_end0:
.L_simem_size_0:
called_computation_lowered:
.L_overlay_start_0:
0x88: {  	s2 =	sld [smem:$0x3FD9]  }
0x89: {  	s3 =	sld [smem:$0x3FFE];
	_ =	sdelay $0x1  }
0x8a: {  	s1 =	srdreg.scid  }
0x8b: {  	s0 =	sand.u32 $0x1, s1  }
0x8c: {  	s17 =	sshll.u32 s0, $0xA;
	s2 =	sadd.s32 s3, s2  }
0x8d: {  	s2 =	sadd.s32 s2, s17  }
0x8e: {  	[smem:$0x3FC6] =	sst s2  }
0x8f: {  	_ = 	snop  }
0x90: {  	s2 =	sld [smem:$0x3FD0];
	(tm) =	ssettm $0x1  }
0x91: {  	s18 =	sld [smem:$0x3FFB];
	_ =	sdelay $0x3  }
0x92: {  	_ =	strace s18  }
0x93: {  	s3 =	sld [smem:$0x3FFC];
	_ =	sdelay $0x3  }
0x94: {  	_ =	strace s3  }
0x95: {  	s3 =	sld [smem:$0x3FFD];
	_ =	sdelay $0x3  }
0x96: {  	_ =	strace s3  }
0x97: {  	_ =	strace $0x8FFFFFFF  }
0x98: {  	s19 =	sld [smem:$0x3FDB];
	_ =	sdelay $0x1  }
0x99: {  	s4 =	simm.s32 $_scs_section_size  }
0x9a: {  	s5 =	simm.s32 $_size__tile_overlayer_lowered;
	s6 =	simm.s32 $_tile_overlayer_lowered  }
0x9b: {  	s22 =	simm.s32 $0x1BFF;
	s21 =	sshll.u32 s6, $0x1;
	s3 =	sadd.s32 s4, s19  }
0x9c: {  	s7 =	simm.s32 $0x0;
	s20 =	sshll.u32 s5, $0x1;
	s5 =	sadd.s32 s21, s3  }
0x9d: {  	[timem:s7], [sflag:s22] =	dma.local [hbm:s5], s20  }
0x9e: {  	_ =	swait.ge [sflag:s22], s20  }
0x9f: {  	s4 =	ssub.s32 $0x0, s20;
	[sflag:s22] =	ssyncset.done $0x0  }
0xa0: {  	[sflag:s22] =	ssyncadd.s32 s4;
	_ =	sdelay $0x1  }
0xa1: {  	s23 =	simm.s32 $0x1B8B  }
0xa2: {  	_ =	swait.ge [sflag:s23], $0x1  }
0xa3: {  	[sflag:s23] =	ssyncset.done $0x0  }
0xa4: {  	s25 =	simm.s32 $0x1B8E;
	s24 =	sld [smem:$0x3FFE];
	[sflag:s23] =	ssyncadd.s32 $0xFFFFFFFF  }
0xa5: {  	s26 =	simm.s32 $execute0_lowered;
	[smem:$0x3FD2] =	sst s25  }
0xa6: {  	s5 =	sshll.u32 s26, $0x1;
	_ =	strace $0x80000046;
	[dreg:$0x1] =	wrdreg $0xFFFFFFFF  }
0xa7: {  	s28 =	simm.s32 $_size_execute0_lowered;
	s3 =	sadd.s32 s3, s5;
	[dreg:$0x0] =	wrdreg $0x0  }
0xa8: {  	s5 =	sshll.u32 s28, $0x1;
	[dreg:$0x2] =	wrdreg s3  }
0xa9: {  	[dreg:$0x3] =	wrdreg s5  }
0xaa: {  	[dreg:$0x4] =	wrdreg $0xC0  }
0xab: {  	_ =	task [dreg:s7], $0x5FFFF  }
0xac: {  	[dreg:$0x1] =	wrdreg $0xFFFFFFFF  }
0xad: {  	[dreg:$0x0] =	wrdreg $0x60  }
0xae: {  	[dreg:$0x2] =	wrdreg s24  }
0xaf: {  	[dreg:$0x3] =	wrdreg s2  }
0xb0: {  	[dreg:$0x4] =	wrdreg $0x9  }
0xb1: {  	_ =	task.clear_ibuf [dreg:s7], $0x5FFFF;
	_ =	strace $0x90000046  }
0xb2: {  	s29 =	simm.s32 $0x9;
	_ =	strace $0x80000048  }
0xb3: {  	_ =	swait.ge [sflag:s29], $0x1  }
0xb4: {  	[sflag:s29] =	ssyncadd.s32 $0xFFFFFFFF  }
0xb5: {  	_ =	strace $0x90000048  }
0xb6: {  	_ =	sfence  }
0xb7: {  	s30 =	sld [smem:$0x0];
	_ =	sdelay $0x2  }
0xb8: {  	s31 =	sshll.u32 s1, $0xD;
	s1 =	sshrl.u32 s1, $0x2  }
0xb9: {  	s3 =	sand.u32 $0x4000, s31;
	s1 =	sadd.s32 s1, s30  }
0xba: {  	s0 =	sor.u32 s3, s0;
	s1 =	sshll.u32 s1, $0x11  }
0xbb: {  	s0 =	sor.u32 s1, s0  }
0xbc: {  	s0 =	sadd.s32 $0x8F2B, s0  }
0xbd: {  	[sflag:s0] =	ssyncadd.remote.s32 $0x1  }
0xbe: {  	_ =	sfence.sel $0xFFFF  }
0xbf: {  	[dreg:$0x0] =	wrdreg $0xFFFFFFFF;
	(pc) =	sbr.abs _section_cstart, $3  }
0xc0: {  	[dreg:$0x1] =	wrdreg $0xFFFFFFFF  }
0xc1: {  	_ =	task.clear_ibuf [dreg:s7], $0x2FFFF;
	_ =	strace $0x9FFFFFFF  }
0xc2: {  	(tm) =	ssettm $0x7FFFFFFF  }
0xc3: {  	_ =	shalt  }
tec
execute0_lowered:
.L_overlay_start_1:
0x0: {  	(tag) =	ssettag $0x1  }
0x1: {  	s0 =	srdreg.scid  }
0x2: {  	s0 =	sand.u32 $0x1, s0  }
0x3: {  	s3 =	rddreg [dreg:$0x0];
	s1 =	smul.u32 $0x3C, s0  }
0x4: {  	s14 =	stileid.u32;
	s2 =	rddreg [dreg:$0x1];
	s5 =	simm.s32 $0x0  }
0x5: {  	[smem:$0x7FF] =	sst s5;
	s1 =	sadd.s32 s14, s1  }
0x6: {  	s6 =	sadd.s32 $0x400, s3;
	s3 =	sadd.s32 $0x600, s3;
	s4 =	smul.u32 $0x89, s1  }
0x7: {  	_ =	strace $0x80000047;
	[dreg:$0x3] =	wrdreg s6;
	s0 =	ssub.s32 $0x2, s0  }
0x8: {  	[dreg:$0x4] =	wrdreg s3;
	s7 =	sshrl.u32 s0, $0x1;
	s21 =	sshrl.u32 s4, $0xB  }
0x9: {  	s0 =	ssub.s32 s0, s7;
	s23 =	sadd.s32 $0x890, s4;
	s22 =	smul.u32 $0xF, s21  }
0xa: {  	s9 =	sadd.s32 $0x10, s1;
	s5 =	smul.u32 $0x21C000, s21;
	s3 =	sshrl.u32 s23, $0xB  }
0xb: {  	s12 =	sadd.s32 $0x20, s1;
	s10 =	sadd.s32 $0x1120, s4;
	s8 =	smul.u32 $0xF, s3  }
0xc: {  	s4 =	sadd.s32 $0x19B0, s4;
	s10 =	sshrl.u32 s10, $0xB;
	s3 =	smul.u32 $0x21C000, s3  }
0xd: {  	s13 =	sadd.s32 $0x30, s1;
	s4 =	sshrl.u32 s4, $0xB;
	s11 =	smul.u32 $0xF, s10  }
0xe: {  	s0 =	smax.u32 s0, $0x1;
	s29 =	sshll.u32 s9, $0x3;
	s25 =	smul.u32 $0xF, s4  }
0xf: {  	s15 =	sshll.u32 s13, $0x3;
	[dreg:$0x7] =	wrdreg s0;
	s10 =	smul.u32 $0x21C000, s10  }
0x10: {  	s4 =	smul.u32 $0x21C000, s4;
	s6 =	ssub.s32 s1, s22;
	s1 =	sshll.u32 s1, $0x3  }
0x11: {  	s6 =	sand.u32 $0xFF, s6;
	s8 =	ssub.s32 s9, s8;
	s24 =	ssub.s32 s12, s11  }
0x12: {  	s28 =	ssub.s32 s13, s25;
	s1 =	sshrl.u32 s1, $0x2;
	s25 =	sshrl.u32 s29, $0x2  }
0x13: {  	s6 =	smul.u32 $0x24000, s6;
	s8 =	sand.u32 $0xFF, s8;
	s7 =	sand.u32 $0xFF, s24  }
0x14: {  	s11 =	sand.u32 $0xFF, s28;
	[dreg:$0x10] =	wrdreg s1;
	s8 =	smul.u32 $0x24000, s8  }
0x15: {  	[dreg:$0x11] =	wrdreg s25;
	s28 =	sshrl.u32 s15, $0x2;
	s26 =	smul.u32 $0x24000, s7  }
0x16: {  	s31 =	sshll.u32 s12, $0x3;
	s30 =	smul.u32 $0x24000, s11;
	[dreg:$0x13] =	wrdreg s28  }
0x17: {  	s6 =	sadd.s32 s6, s5;
	s7 =	sadd.s32 s8, s3;
	s8 =	sadd.s32 s26, s10  }
0x18: {  	[dreg:$0x5] =	wrdreg s6;
	s11 =	sshrl.u32 s6, $0x3;
	s12 =	sadd.s32 s30, s4  }
0x19: {  	s26 =	sshrl.u32 s31, $0x2;
	s10 =	sadd.s32 s2, s11;
	[dreg:$0x6] =	wrdreg s12  }
0x1a: {  	[dreg:$0x12] =	wrdreg s26;
	s16 =	sadd.s32 $0x480, s10  }
0x1b: {  	s17 =	sadd.s32 $0x900, s10;
	[dreg:$0x8] =	wrdreg s16  }
0x1c: {  	s18 =	sadd.s32 $0xD80, s10;
	[dreg:$0x9] =	wrdreg s17  }
0x1d: {  	s19 =	sadd.s32 $0x1200, s10;
	[dreg:$0xa] =	wrdreg s18  }
0x1e: {  	s20 =	sadd.s32 $0x1680, s10;
	[dreg:$0xb] =	wrdreg s19  }
0x1f: {  	s21 =	sadd.s32 $0x1B00, s10;
	[dreg:$0xc] =	wrdreg s20  }
0x20: {  	s22 =	sadd.s32 $0x1F80, s10;
	[dreg:$0xd] =	wrdreg s21  }
0x21: {  	s29 =	sadd.s32 $0x2400, s10;
	[dreg:$0xe] =	wrdreg s22  }
0x22: {  	s30 =	sadd.s32 $0x2880, s10;
	[dreg:$0x14] =	wrdreg s29  }
0x23: {  	s31 =	sadd.s32 $0x2D00, s10;
	[dreg:$0x15] =	wrdreg s30  }
0x24: {  	s3 =	sadd.s32 $0x3180, s10;
	[dreg:$0x16] =	wrdreg s31  }
0x25: {  	s4 =	sadd.s32 $0x3600, s10;
	[dreg:$0x17] =	wrdreg s3  }
0x26: {  	s23 =	sshrl.u32 s7, $0x3;
	s5 =	sadd.s32 $0x3A80, s10;
	[dreg:$0x18] =	wrdreg s4  }
0x27: {  	s9 =	sshrl.u32 s12, $0x3;
	s6 =	sadd.s32 $0x3F00, s10;
	[dreg:$0x19] =	wrdreg s5  }
0x28: {  	s0 =	sadd.s32 s2, s9;
	s9 =	sadd.s32 $0x4380, s10;
	[dreg:$0x1a] =	wrdreg s6  }
0x29: {  	s19 =	sadd.s32 s2, s23;
	[dreg:$0x1b] =	wrdreg s9  }
0x2a: {  	[dreg:$0xf] =	wrdreg s0;
	s11 =	sadd.s32 $0x480, s19  }
0x2b: {  	s12 =	sadd.s32 $0x900, s19;
	[dreg:$0x1c] =	wrdreg s11  }
0x2c: {  	s13 =	sadd.s32 $0xD80, s19;
	[dreg:$0x1d] =	wrdreg s12  }
0x2d: {  	p0 =	sgt.u32 s14, $0xB;
	s14 =	sadd.s32 $0x1200, s19;
	[dreg:$0x1e] =	wrdreg s13  }
0x2e: {  	s15 =	sadd.s32 $0x1680, s19;
	[dreg:$0x1f] =	wrdreg s14  }
0x2f: {  	s16 =	sadd.s32 $0x1B00, s19;
	[smem:$0x7D9] =	sst s15  }
0x30: {  	s17 =	sadd.s32 $0x1F80, s19;
	[smem:$0x7DA] =	sst s16  }
0x31: {  	s18 =	sadd.s32 $0x2400, s19;
	[smem:$0x7DB] =	sst s17  }
0x32: {  	s21 =	sadd.s32 $0x2880, s19;
	[smem:$0x7DC] =	sst s18  }
0x33: {  	s22 =	sadd.s32 $0x2D00, s19;
	[smem:$0x7DD] =	sst s21  }
0x34: {  	s24 =	sshrl.u32 s8, $0x3;
	s23 =	sadd.s32 $0x3180, s19;
	[smem:$0x7DE] =	sst s22  }
0x35: {  	s20 =	sadd.s32 s2, s24;
	s24 =	sadd.s32 $0x3600, s19;
	[smem:$0x7DF] =	sst s23  }
0x36: {  	s25 =	sadd.s32 $0x3A80, s19;
	[smem:$0x7E0] =	sst s24  }
0x37: {  	s26 =	sadd.s32 $0x3F00, s19;
	[smem:$0x7E1] =	sst s25  }
0x38: {  	s28 =	sadd.s32 $0x4380, s19;
	[smem:$0x7E2] =	sst s26  }
0x39: {  	s29 =	sadd.s32 $0x480, s20;
	[smem:$0x7E3] =	sst s28  }
0x3a: {  	s30 =	sadd.s32 $0x900, s20;
	[smem:$0x7E4] =	sst s29  }
0x3b: {  	s31 =	sadd.s32 $0xD80, s20;
	[smem:$0x7E5] =	sst s30  }
0x3c: {  	s3 =	sadd.s32 $0x1200, s20;
	[smem:$0x7E6] =	sst s31  }
0x3d: {  	s4 =	sadd.s32 $0x1680, s20;
	[smem:$0x7E7] =	sst s3  }
0x3e: {  	s5 =	sadd.s32 $0x1B00, s20;
	[smem:$0x7E8] =	sst s4  }
0x3f: {  	s6 =	sadd.s32 $0x1F80, s20;
	[smem:$0x7E9] =	sst s5  }
0x40: {  	s9 =	sadd.s32 $0x2400, s20;
	[smem:$0x7EA] =	sst s6  }
0x41: {  	[smem:$0x7EB] =	sst s9;
	s11 =	sadd.s32 $0x2880, s20  }
0x42: {  	s12 =	sadd.s32 $0x2D00, s20;
	[smem:$0x7EC] =	sst s11  }
0x43: {  	s13 =	sadd.s32 $0x3180, s20;
	[smem:$0x7ED] =	sst s12  }
0x44: {  	s14 =	sadd.s32 $0x480, s0;
	[smem:$0x7EE] =	sst s13  }
0x45: {  	s15 =	sadd.s32 $0x900, s0;
	[smem:$0x7EF] =	sst s14  }
0x46: {  	s16 =	sadd.s32 $0xD80, s0;
	[smem:$0x7F0] =	sst s15  }
0x47: {  	s17 =	sadd.s32 $0x1200, s0;
	[smem:$0x7F1] =	sst s16  }
0x48: {  	s18 =	sadd.s32 $0x1680, s0;
	[smem:$0x7F2] =	sst s17  }
0x49: {  	s22 =	sadd.s32 $0x1B00, s0;
	[smem:$0x7F3] =	sst s18  }
0x4a: {  	s23 =	sadd.s32 $0x1F80, s0;
	[smem:$0x7F4] =	sst s22  }
0x4b: {  	s24 =	sadd.s32 $0x2400, s0;
	[smem:$0x7F5] =	sst s23  }
0x4c: {  	s25 =	sadd.s32 $0x2880, s0;
	[smem:$0x7F6] =	sst s24  }
0x4d: {  	s26 =	sadd.s32 $0x2D00, s0;
	[smem:$0x7F7] =	sst s25  }
0x4e: {  	s21 =	sadd.s32 $0x3600, s20;
	s28 =	sadd.s32 $0x3180, s0;
	[smem:$0x7F8] =	sst s26  }
0x4f: {  	s4 =	sadd.s32 $0x3A80, s20;
	s29 =	sadd.s32 $0x3600, s0;
	[smem:$0x7F9] =	sst s28  }
.Ltmp0:
0x50: {  	s30 =	sadd.s32 $0x3A80, s0;
	[smem:$0x7FA] =	sst s29;
	(pc) =	sbr.rel .LBB2_1-.Ltmp0, $4  }
0x51: {  	s5 =	sadd.s32 $0x3F00, s20;
	s31 =	sadd.s32 $0x3F00, s0;
	[smem:$0x7FB] =	sst s30  }
0x52: {  	s0 =	sadd.s32 $0x4380, s0;
	s11 =	sadd.s32 $0x4380, s20;
	[smem:$0x7FC] =	sst s31  }
0x53: {  	[smem:$0x7FD] =	sst s0;
	s12 =	simm.s32 $0x180;
	s13 =	simm.s32 $0x2  }
0x54: {  	v0 =	vimm.f32 $0.0e+00;
	v1 =	vlaneseq.u32;
	s14 =	simm.s32 $0x1;
	s15 =	simm.s32 $0x2580;
	s16 =	simm.s32 $0x0  }
.LBB2_20:
0x55: {  	v5 =	vperm.xlane v21, v20;
	s3 =	smul.u32 $0x3000, s9  }
0x56: {  	v9 =	vperm.xlane v23, v20;
	v10 =	vperm.xlane v24, v20  }
0x57: {  	v11 =	vmul.f32 v5, v12;
	s3 =	sshra.s32 s3, $0x2;
	v62 =	vmul.f32 v5, v19  }
0x58: {  	v2 =	vmul.f32 v9, v2;
	v6 =	vmul.f32 v10, v6;
	s3 =	sadd.s32 $0x2580, s3  }
0x59: {  	s24 =	sadd.s32 $0x80, s24;
	v3 =	vmul.f32 v9, v3;
	v8 =	vmul.f32 v10, v8;
	s6 =	sadd.s32 s18, s3  }
0x5a: {  	s9 =	sand.u32 $0x380, s24;
	v4 =	vmul.f32 v9, v4;
	v63 =	vmul.f32 v10, v7;
	v2 =	vmax.f32 v2, v6;
	s26 =	sadd.s32 s26, s3;
	s6 =	sadd.s32 s17, s6  }
0x5b: {  	[tilespmem:s25+$0x0] =	vst v22;
	v5 =	vmul.f32 v5, v13;
	v3 =	vmax.f32 v3, v8;
	s3 =	sadd.s32 s22, s3;
	v2 =	vmax.f32 v2, v11;
	s0 =	sadd.s32 s0, s26;
	s6 =	sadd.s32 s9, s6  }
0x5c: {  	s1 =	sadd.s32 s1, s3;
	s0 =	sadd.s32 s9, s0;
	[tilespmem:s6+$0x0] =	vst v2;
	v2 =	vmax.f32 v3, v62;
	v3 =	vmax.f32 v4, v63  }
0x5d: {  	s28 =	sadd.s32 s9, s1;
	[tilespmem:s0+$0x0] =	vst v2;
	v2 =	vmax.f32 v3, v5  }
0x5e: {  	[tilespmem:s28+$0x0] =	vst v2  }
0x5f: {  	_ =	swait.ge [sflag:s14], $0x2400  }
0x60: {  	[sflag:s14] =	ssyncset.done $0x0  }
0x61: {  	[sflag:s14] =	ssyncadd.s32 $0xFFFFDC00  }
0x62: {  	_ =	swait.ge [sflag:s14], $0x2400  }
0x63: {  	[sflag:s14] =	ssyncset.done $0x0  }
0x64: {  	[sflag:s14] =	ssyncadd.s32 $0xFFFFDC00  }
0x65: {  	_ =	swait.ge [sflag:s14], $0x2400  }
0x66: {  	[sflag:s14] =	ssyncset.done $0x0  }
0x67: {  	[sflag:s14] =	ssyncadd.s32 $0xFFFFDC00  }
0x68: {  	_ =	swait.ge [sflag:s14], $0x2400  }
0x69: {  	[sflag:s14] =	ssyncset.done $0x0  }
0x6a: {  	[sflag:s14] =	ssyncadd.s32 $0xFFFFDC00  }
0x6b: {  	_ =	swait.ge [sflag:s14], $0x2400  }
0x6c: {  	[sflag:s14] =	ssyncset.done $0x0  }
0x6d: {  	[sflag:s14] =	ssyncadd.s32 $0xFFFFDC00  }
0x6e: {  	_ =	swait.ge [sflag:s14], $0x2400  }
0x6f: {  	[sflag:s14] =	ssyncset.done $0x0  }
0x70: {  	[sflag:s14] =	ssyncadd.s32 $0xFFFFDC00  }
0x71: {  	_ =	swait.ge [sflag:s14], $0x2400  }
0x72: {  	[sflag:s14] =	ssyncset.done $0x0  }
0x73: {  	[sflag:s14] =	ssyncadd.s32 $0xFFFFDC00  }
0x74: {  	_ =	swait.ge [sflag:s14], $0x2400  }
0x75: {  	[sflag:s14] =	ssyncset.done $0x0  }
0x76: {  	[sflag:s14] =	ssyncadd.s32 $0xFFFFDC00  }
0x77: {  	_ =	swait.ge [sflag:s14], $0x2400  }
0x78: {  	[sflag:s14] =	ssyncset.done $0x0  }
0x79: {  	[sflag:s14] =	ssyncadd.s32 $0xFFFFDC00  }
0x7a: {  	_ =	swait.ge [sflag:s14], $0x2400  }
0x7b: {  	[sflag:s14] =	ssyncset.done $0x0  }
0x7c: {  	[sflag:s14] =	ssyncadd.s32 $0xFFFFDC00  }
0x7d: {  	_ =	swait.ge [sflag:s14], $0x2400  }
0x7e: {  	[sflag:s14] =	ssyncset.done $0x0  }
0x7f: {  	[sflag:s14] =	ssyncadd.s32 $0xFFFFDC00  }
0x80: {  	_ =	swait.ge [sflag:s14], $0x2400  }
0x81: {  	[sflag:s14] =	ssyncset.done $0x0  }
0x82: {  	[sflag:s14] =	ssyncadd.s32 $0xFFFFDC00  }
0x83: {  	_ =	swait.ge [sflag:s14], $0x2400  }
0x84: {  	[sflag:s14] =	ssyncset.done $0x0  }
0x85: {  	[sflag:s14] =	ssyncadd.s32 $0xFFFFDC00  }
0x86: {  	_ =	swait.ge [sflag:s14], $0x2400  }
0x87: {  	[sflag:s14] =	ssyncset.done $0x0  }
0x88: {  	[sflag:s14] =	ssyncadd.s32 $0xFFFFDC00  }
0x89: {  	_ =	swait.ge [sflag:s14], $0x2400  }
0x8a: {  	[sflag:s14] =	ssyncset.done $0x0  }
0x8b: {  	s29 =	sshrl.u32 s23, $0x3;
	[sflag:s14] =	ssyncadd.s32 $0xFFFFDC00  }
0x8c: {  	s0 =	smul.u32 $0xC00, s29;
	_ =	swait.ge [sflag:s14], $0x2400  }
0x8d: {  	s30 =	rddreg [dreg:$0x6]  }
0x8e: {  	s0 =	sadd.s32 s0, s30  }
0x8f: {  	[sflag:s14] =	ssyncset.done $0x0;
	s0 =	sshrl.u32 s0, $0x3  }
0x90: {  	s31 =	simm.s32 $0x0;
	[sflag:s14] =	ssyncadd.s32 $0xFFFFDC00;
	s0 =	sadd.s32 s2, s0  }
0x91: {  	[hbm4b:s0+s31] =	stream.linear.scatter [tilespmem:s15], [sflag:$0x2], $0x3000, $0x38;
	[tilespmem:$0x5580] =	vst v63  }
0x92: {  	_ =	swait.ge [sflag:s13], $0x3000  }
0x93: {  	[sflag:s13] =	ssyncset.done $0x0  }
0x94: {  	[sflag:s13] =	ssyncadd.s32 $0xFFFFD000  }
.LBB2_21:
0x95: {  	s16 =	sadd.s32 $0x1, s16;
	s0 =	rddreg [dreg:$0x7]  }
0x96: {  	p1 =	sne.s32 s16, s0  }
.Ltmp1:
0x97: {  	_ = 	snop;
	(pc) =	sbr.rel @!p1 .LBB2_22-.Ltmp1, $1  }
0x98: {  	_ =	sdelay $0x3  }
.LBB2_1:
0x99: {  	s0 =	simm.s32 $0x0  }
0x9a: {  	s0 =	smul.u32 $0x3000, s0  }
0x9b: {  	s1 =	simm.s32 $0x0  }
0x9c: {  	s1 =	sand.u32 $0x380, s1;
	s0 =	sshra.s32 s0, $0x2  }
0x9d: {  	s0 =	sor.u32 s1, s0  }
0x9e: {  	[tilespmem:s0+$0x9F0] =	vst v0  }
0x9f: {  	[tilespmem:s0+$0x180] =	vst v0  }
0xa0: {  	[tilespmem:s0+$0x190] =	vst v0  }
0xa1: {  	[tilespmem:s0+$0x1A0] =	vst v0  }
0xa2: {  	[tilespmem:s0+$0x1B0] =	vst v0  }
0xa3: {  	[tilespmem:s0+$0x1C0] =	vst v0  }
0xa4: {  	[tilespmem:s0+$0x1D0] =	vst v0  }
0xa5: {  	[tilespmem:s0+$0x1E0] =	vst v0  }
0xa6: {  	[tilespmem:s0+$0x1F0] =	vst v0  }
0xa7: {  	[tilespmem:s0+$0x580] =	vst v0  }
0xa8: {  	[tilespmem:s0+$0x590] =	vst v0  }
0xa9: {  	[tilespmem:s0+$0x5A0] =	vst v0  }
0xaa: {  	[tilespmem:s0+$0x5B0] =	vst v0  }
0xab: {  	[tilespmem:s0+$0x5C0] =	vst v0  }
0xac: {  	[tilespmem:s0+$0x5D0] =	vst v0  }
0xad: {  	[tilespmem:s0+$0x5E0] =	vst v0  }
0xae: {  	[tilespmem:s0+$0x5F0] =	vst v0  }
0xaf: {  	[tilespmem:s0+$0x980] =	vst v0  }
0xb0: {  	[tilespmem:s0+$0x990] =	vst v0  }
0xb1: {  	s9 =	simm.s32 $0x0;
	s17 =	simm.s32 $0x2;
	s1 =	simm.s32 $0x0;
	[tilespmem:s0+$0x9A0] =	vst v0  }
.LBB2_2:
0xb2: {  	p1 =	sne.s32 s17, $0x17;
	s9 =	smul.u32 $0x3000, s9;
	[tilespmem:s0+$0x9B0] =	vst v0  }
0xb3: {  	s1 =	sadd.s32 $0x80, s1;
	[tilespmem:s0+$0x9C0] =	vst v0  }
0xb4: {  	s18 =	sand.u32 $0x380, s1;
	s9 =	sshra.s32 s9, $0x2;
	[tilespmem:s0+$0x9D0] =	vst v0  }
0xb5: {  	[tilespmem:s0+$0x9E0] =	vst v0;
	s0 =	sor.u32 s18, s9  }
0xb6: {  	[tilespmem:s0+$0x9F0] =	vst v0  }
0xb7: {  	[tilespmem:s0+$0x180] =	vst v0  }
0xb8: {  	[tilespmem:s0+$0x190] =	vst v0  }
0xb9: {  	[tilespmem:s0+$0x1A0] =	vst v0  }
0xba: {  	[tilespmem:s0+$0x1B0] =	vst v0  }
0xbb: {  	[tilespmem:s0+$0x1C0] =	vst v0  }
0xbc: {  	[tilespmem:s0+$0x1D0] =	vst v0  }
0xbd: {  	[tilespmem:s0+$0x1E0] =	vst v0  }
0xbe: {  	[tilespmem:s0+$0x1F0] =	vst v0  }
0xbf: {  	[tilespmem:s0+$0x580] =	vst v0  }
0xc0: {  	[tilespmem:s0+$0x590] =	vst v0  }
0xc1: {  	[tilespmem:s0+$0x5A0] =	vst v0  }
0xc2: {  	[tilespmem:s0+$0x5B0] =	vst v0  }
0xc3: {  	[tilespmem:s0+$0x5C0] =	vst v0  }
0xc4: {  	[tilespmem:s0+$0x5D0] =	vst v0  }
.Ltmp2:
0xc5: {  	[tilespmem:s0+$0x5E0] =	vst v0;
	(pc) =	sbr.rel @p1 .LBB2_2-.Ltmp2, $4  }
0xc6: {  	[tilespmem:s0+$0x5F0] =	vst v0  }
0xc7: {  	[tilespmem:s0+$0x980] =	vst v0  }
0xc8: {  	[tilespmem:s0+$0x990] =	vst v0  }
0xc9: {  	s9 =	sshrl.u32 s17, $0x3;
	s17 =	sadd.s32 $0x1, s17;
	[tilespmem:s0+$0x9A0] =	vst v0  }
0xca: {  	s9 =	smul.u32 $0x3000, s9;
	[tilespmem:s0+$0x9B0] =	vst v0  }
0xcb: {  	[tilespmem:s0+$0x9C0] =	vst v0;
	s1 =	sadd.s32 $0x80, s1  }
0xcc: {  	[tilespmem:s0+$0x9D0] =	vst v0;
	s1 =	sand.u32 $0x380, s1;
	s9 =	sshra.s32 s9, $0x2  }
0xcd: {  	[tilespmem:s0+$0x9E0] =	vst v0;
	s1 =	sor.u32 s1, s9  }
0xce: {  	[tilespmem:s1+$0x9F0] =	vst v0  }
0xcf: {  	[tilespmem:s1+$0x180] =	vst v0  }
0xd0: {  	[tilespmem:s1+$0x190] =	vst v0  }
0xd1: {  	[tilespmem:s1+$0x1A0] =	vst v0  }
0xd2: {  	[tilespmem:s1+$0x1B0] =	vst v0  }
0xd3: {  	[tilespmem:s1+$0x1C0] =	vst v0  }
0xd4: {  	[tilespmem:s1+$0x1D0] =	vst v0  }
0xd5: {  	[tilespmem:s1+$0x1E0] =	vst v0  }
0xd6: {  	[tilespmem:s1+$0x1F0] =	vst v0  }
0xd7: {  	[tilespmem:s1+$0x580] =	vst v0  }
0xd8: {  	[tilespmem:s1+$0x590] =	vst v0  }
0xd9: {  	[tilespmem:s1+$0x5A0] =	vst v0  }
0xda: {  	[tilespmem:s1+$0x5B0] =	vst v0  }
0xdb: {  	[tilespmem:s1+$0x5C0] =	vst v0  }
0xdc: {  	[tilespmem:s1+$0x5D0] =	vst v0  }
0xdd: {  	[tilespmem:s1+$0x5E0] =	vst v0  }
0xde: {  	[tilespmem:s1+$0x5F0] =	vst v0  }
0xdf: {  	[tilespmem:s1+$0x980] =	vst v0  }
0xe0: {  	[tilespmem:s1+$0x990] =	vst v0  }
0xe1: {  	[tilespmem:s1+$0x9A0] =	vst v0  }
0xe2: {  	[tilespmem:s1+$0x9B0] =	vst v0  }
0xe3: {  	[tilespmem:s1+$0x9C0] =	vst v0  }
0xe4: {  	[tilespmem:s1+$0x9D0] =	vst v0  }
0xe5: {  	s0 =	simm.s32 $0x0;
	[tilespmem:s1+$0x9E0] =	vst v0  }
0xe6: {  	[hbm4b:s10+s0] =	stream.linear.scatter [tilespmem:s12], [sflag:$0x1], $0x2400, $0x38;
	[tilespmem:$0x5580] =	vst v63  }
0xe7: {  	s26 =	rddreg [dreg:$0x8]  }
0xe8: {  	[hbm4b:s26+s0] =	stream.linear.scatter [tilespmem:s12], [sflag:$0x1], $0x2400, $0x38;
	[tilespmem:$0x5580] =	vst v63  }
0xe9: {  	s28 =	rddreg [dreg:$0x9]  }
0xea: {  	[hbm4b:s28+s0] =	stream.linear.scatter [tilespmem:s12], [sflag:$0x1], $0x2400, $0x38;
	[tilespmem:$0x5580] =	vst v63  }
0xeb: {  	s29 =	rddreg [dreg:$0xa]  }
0xec: {  	[hbm4b:s29+s0] =	stream.linear.scatter [tilespmem:s12], [sflag:$0x1], $0x2400, $0x38;
	[tilespmem:$0x5580] =	vst v63  }
0xed: {  	s30 =	rddreg [dreg:$0xb]  }
0xee: {  	[hbm4b:s30+s0] =	stream.linear.scatter [tilespmem:s12], [sflag:$0x1], $0x2400, $0x38;
	[tilespmem:$0x5580] =	vst v63  }
0xef: {  	s31 =	rddreg [dreg:$0xc]  }
0xf0: {  	[hbm4b:s31+s0] =	stream.linear.scatter [tilespmem:s12], [sflag:$0x1], $0x2400, $0x38;
	[tilespmem:$0x5580] =	vst v63  }
0xf1: {  	s3 =	rddreg [dreg:$0xd]  }
0xf2: {  	[hbm4b:s3+s0] =	stream.linear.scatter [tilespmem:s12], [sflag:$0x1], $0x2400, $0x38;
	[tilespmem:$0x5580] =	vst v63  }
0xf3: {  	s6 =	rddreg [dreg:$0xe]  }
0xf4: {  	[hbm4b:s6+s0] =	stream.linear.scatter [tilespmem:s12], [sflag:$0x1], $0x2400, $0x38;
	[tilespmem:$0x5580] =	vst v63  }
0xf5: {  	s9 =	rddreg [dreg:$0x14]  }
0xf6: {  	[hbm4b:s9+s0] =	stream.linear.scatter [tilespmem:s12], [sflag:$0x1], $0x2400, $0x38;
	[tilespmem:$0x5580] =	vst v63  }
0xf7: {  	s17 =	rddreg [dreg:$0x15]  }
0xf8: {  	[hbm4b:s17+s0] =	stream.linear.scatter [tilespmem:s12], [sflag:$0x1], $0x2400, $0x38;
	[tilespmem:$0x5580] =	vst v63  }
0xf9: {  	s18 =	rddreg [dreg:$0x16]  }
0xfa: {  	[hbm4b:s18+s0] =	stream.linear.scatter [tilespmem:s12], [sflag:$0x1], $0x2400, $0x38;
	[tilespmem:$0x5580] =	vst v63  }
0xfb: {  	s22 =	rddreg [dreg:$0x17]  }
0xfc: {  	[hbm4b:s22+s0] =	stream.linear.scatter [tilespmem:s12], [sflag:$0x1], $0x2400, $0x38;
	[tilespmem:$0x5580] =	vst v63  }
0xfd: {  	s23 =	rddreg [dreg:$0x18]  }
0xfe: {  	[hbm4b:s23+s0] =	stream.linear.scatter [tilespmem:s12], [sflag:$0x1], $0x2400, $0x38;
	[tilespmem:$0x5580] =	vst v63  }
0xff: {  	s24 =	rddreg [dreg:$0x19]  }
0x100: {  	[hbm4b:s24+s0] =	stream.linear.scatter [tilespmem:s12], [sflag:$0x1], $0x2400, $0x38;
	[tilespmem:$0x5580] =	vst v63  }
0x101: {  	s25 =	rddreg [dreg:$0x1a]  }
0x102: {  	[hbm4b:s25+s0] =	stream.linear.scatter [tilespmem:s12], [sflag:$0x1], $0x2400, $0x38;
	[tilespmem:$0x5580] =	vst v63  }
0x103: {  	s26 =	rddreg [dreg:$0x1b]  }
0x104: {  	[hbm4b:s26+s0] =	stream.linear.scatter [tilespmem:s12], [sflag:$0x1], $0x2400, $0x38;
	[tilespmem:$0x5580] =	vst v63  }
0x105: {  	s28 =	rddreg [dreg:$0x3]  }
0x106: {  	[tilespmem:s0], [sflag:$0x2] =	stream.linear.gather [hbm4b:s28+s0], $0xF0, $0x38;
	[tilespmem:$0x5580] =	vst v63  }
0x107: {  	s30 =	simm.s32 $0x0;
	_ =	swait.ge [sflag:s13], $0xF0  }
0x108: {  	s1 =	smul.u32 $0x3000, s30;
	[sflag:s13] =	ssyncset.done $0x0  }
0x109: {  	s3 =	simm.s32 $0x100;
	s29 =	rddreg [dreg:$0x4];
	[sflag:s13] =	ssyncadd.s32 $0xFFFFFF10  }
0x10a: {  	[tilespmem:s3], [sflag:$0x2] =	stream.linear.gather [hbm4b:s29+s0], $0x8, $0x38;
	[tilespmem:$0x5580] =	vst v63  }
0x10b: {  	_ =	swait.ge [sflag:s13], $0x8  }
0x10c: {  	s31 =	sand.u32 $0x380, s0;
	s1 =	sshra.s32 s1, $0x2;
	[sflag:s13] =	ssyncset.done $0x0  }
0x10d: {  	s1 =	sor.u32 s31, s1;
	[sflag:s13] =	ssyncadd.s32 $0xFFFFFFF8  }
0x10e: {  	v2 =	vld [tilespmem:$0x100];
	[tilespmem:s1+$0x2DF0] =	vst v0  }
0x10f: {  	[tilespmem:s1+$0x2580] =	vst v0  }
0x110: {  	[tilespmem:s1+$0x2590] =	vst v0  }
0x111: {  	[tilespmem:s1+$0x25A0] =	vst v0  }
0x112: {  	[tilespmem:s1+$0x25B0] =	vst v0  }
0x113: {  	[tilespmem:s1+$0x25C0] =	vst v0  }
0x114: {  	[tilespmem:s1+$0x25D0] =	vst v0  }
0x115: {  	[tilespmem:s1+$0x25E0] =	vst v0  }
0x116: {  	[tilespmem:s1+$0x25F0] =	vst v0  }
0x117: {  	[tilespmem:s1+$0x2980] =	vst v0  }
0x118: {  	[tilespmem:s1+$0x2990] =	vst v0  }
0x119: {  	[tilespmem:s1+$0x29A0] =	vst v0  }
0x11a: {  	[tilespmem:s1+$0x29B0] =	vst v0  }
0x11b: {  	[tilespmem:s1+$0x29C0] =	vst v0  }
0x11c: {  	[tilespmem:s1+$0x29D0] =	vst v0  }
0x11d: {  	[tilespmem:s1+$0x29E0] =	vst v0  }
0x11e: {  	[tilespmem:s1+$0x29F0] =	vst v0  }
0x11f: {  	[tilespmem:s1+$0x2D80] =	vst v0  }
0x120: {  	[tilespmem:s1+$0x2D90] =	vst v0  }
0x121: {  	s9 =	simm.s32 $0x0;
	s17 =	simm.s32 $0x2;
	[tilespmem:s1+$0x2DA0] =	vst v0  }
.LBB2_4:
0x122: {  	p1 =	sne.s32 s17, $0x1F;
	s9 =	smul.u32 $0x3000, s9;
	[tilespmem:s1+$0x2DB0] =	vst v0  }
0x123: {  	s0 =	sadd.s32 $0x80, s0;
	[tilespmem:s1+$0x2DC0] =	vst v0  }
0x124: {  	s18 =	sand.u32 $0x380, s0;
	s9 =	sshra.s32 s9, $0x2;
	[tilespmem:s1+$0x2DD0] =	vst v0  }
0x125: {  	[tilespmem:s1+$0x2DE0] =	vst v0;
	s1 =	sor.u32 s18, s9  }
0x126: {  	[tilespmem:s1+$0x2DF0] =	vst v0  }
0x127: {  	[tilespmem:s1+$0x2580] =	vst v0  }
0x128: {  	[tilespmem:s1+$0x2590] =	vst v0  }
0x129: {  	[tilespmem:s1+$0x25A0] =	vst v0  }
0x12a: {  	[tilespmem:s1+$0x25B0] =	vst v0  }
0x12b: {  	[tilespmem:s1+$0x25C0] =	vst v0  }
0x12c: {  	[tilespmem:s1+$0x25D0] =	vst v0  }
0x12d: {  	[tilespmem:s1+$0x25E0] =	vst v0  }
0x12e: {  	[tilespmem:s1+$0x25F0] =	vst v0  }
0x12f: {  	[tilespmem:s1+$0x2980] =	vst v0  }
0x130: {  	[tilespmem:s1+$0x2990] =	vst v0  }
0x131: {  	[tilespmem:s1+$0x29A0] =	vst v0  }
0x132: {  	[tilespmem:s1+$0x29B0] =	vst v0  }
0x133: {  	[tilespmem:s1+$0x29C0] =	vst v0  }
0x134: {  	[tilespmem:s1+$0x29D0] =	vst v0  }
.Ltmp3:
0x135: {  	[tilespmem:s1+$0x29E0] =	vst v0;
	(pc) =	sbr.rel @p1 .LBB2_4-.Ltmp3, $4  }
0x136: {  	[tilespmem:s1+$0x29F0] =	vst v0  }
0x137: {  	[tilespmem:s1+$0x2D80] =	vst v0  }
0x138: {  	[tilespmem:s1+$0x2D90] =	vst v0  }
0x139: {  	s9 =	sshrl.u32 s17, $0x3;
	s17 =	sadd.s32 $0x1, s17;
	[tilespmem:s1+$0x2DA0] =	vst v0  }
0x13a: {  	s9 =	smul.u32 $0x3000, s9;
	[tilespmem:s1+$0x2DB0] =	vst v0  }
0x13b: {  	[tilespmem:s1+$0x2DC0] =	vst v0;
	s0 =	sadd.s32 $0x80, s0  }
0x13c: {  	[tilespmem:s1+$0x2DD0] =	vst v0;
	s0 =	sand.u32 $0x380, s0;
	s9 =	sshra.s32 s9, $0x2  }
0x13d: {  	[tilespmem:s1+$0x2DE0] =	vst v0;
	s0 =	sor.u32 s0, s9  }
0x13e: {  	[tilespmem:s0+$0x2DF0] =	vst v0  }
0x13f: {  	[tilespmem:s0+$0x2580] =	vst v0  }
0x140: {  	[tilespmem:s0+$0x2590] =	vst v0  }
0x141: {  	[tilespmem:s0+$0x25A0] =	vst v0  }
0x142: {  	[tilespmem:s0+$0x25B0] =	vst v0  }
0x143: {  	[tilespmem:s0+$0x25C0] =	vst v0  }
0x144: {  	[tilespmem:s0+$0x25D0] =	vst v0  }
0x145: {  	[tilespmem:s0+$0x25E0] =	vst v0  }
0x146: {  	[tilespmem:s0+$0x25F0] =	vst v0  }
0x147: {  	[tilespmem:s0+$0x2980] =	vst v0  }
0x148: {  	[tilespmem:s0+$0x2990] =	vst v0  }
0x149: {  	[tilespmem:s0+$0x29A0] =	vst v0  }
0x14a: {  	[tilespmem:s0+$0x29B0] =	vst v0  }
0x14b: {  	[tilespmem:s0+$0x29C0] =	vst v0  }
0x14c: {  	[tilespmem:s0+$0x29D0] =	vst v0  }
0x14d: {  	[tilespmem:s0+$0x29E0] =	vst v0  }
0x14e: {  	[tilespmem:s0+$0x29F0] =	vst v0  }
0x14f: {  	[tilespmem:s0+$0x2D80] =	vst v0  }
0x150: {  	[tilespmem:s0+$0x2D90] =	vst v0  }
0x151: {  	[tilespmem:s0+$0x2DA0] =	vst v0  }
0x152: {  	[tilespmem:s0+$0x2DB0] =	vst v0  }
0x153: {  	[tilespmem:s0+$0x2DC0] =	vst v0  }
0x154: {  	[tilespmem:s0+$0x2DD0] =	vst v0  }
0x155: {  	s3 =	rddreg [dreg:$0x10];
	[tilespmem:s0+$0x2DE0] =	vst v0  }
0x156: {  	v3 =	vld [tilespmem:s3+$0x0];
	_ =	sdelay $0x1  }
0x157: {  	(v2sf) =	vpush v2, $0x0  }
0x158: {  	(v2sf) =	vpush v2, $0x1  }
0x159: {  	(v2sf) =	vpush v2, $0x2  }
0x15a: {  	(v2sf) =	vpush v3, $0x0;
	_ =	sdelay $0x7  }
0x15b: {  	(v2sf) =	vpush v3, $0x1;
	_ =	sdelay $0x3  }
0x15c: {  	s17 =	spop (v2sf)  }
0x15d: {  	s18 =	spop (v2sf)  }
0x15e: {  	s22 =	spop (v2sf)  }
0x15f: {  	s6 =	spop (v2sf)  }
0x160: {  	s26 =	sadd.s32 $0xFFFFFFF4, s6  }
0x161: {  	p1 =	sgt.s32 s26, $0x0;
	s1 =	smov.u32 s26  }
0x162: {  	s1 =	simm.s32 @!p1 $0x0  }
0x163: {  	s1 =	smin.u32 s1, $0x167  }
0x164: {  	s24 =	sand.u32 $0xF, s1  }
0x165: {  	p4 =	slt.s32 s26, $0x1;
	p2 =	sne.s32 s24, $0x0  }
0x166: {  	p1 =	por !p4, !p2  }
0x167: {  	s9 =	simm.s32 $0xFFFFFFFF;
	s30 =	spop (v2sf);
	p1 =	por !p1, !p1  }
0x168: {  	s28 =	sadd.s32 $0xFFFFFFF4, s30;
	s9 =	simm.s32 @!p1 $0x0  }
0x169: {  	s23 =	smov.u32 s28;
	p1 =	sgt.s32 s28, $0x0;
	s9 =	sshll.u32 s9, $0x4  }
0x16a: {  	s23 =	simm.s32 @!p1 $0x0;
	s24 =	sadd.s32 s1, s9  }
0x16b: {  	v2 =	vbroadcast v3, $0x0;
	s25 =	smin.u32 s23, $0x167;
	s1 =	sand.u32 $0xFFFFFFF0, s24  }
0x16c: {  	s23 =	sand.u32 $0x7, s25;
	v4 =	vor.u32 s1, v1  }
0x16d: {  	p5 =	slt.s32 s28, $0x1;
	p6 =	sne.s32 s23, $0x0;
	v4 =	vsub.s32 v4, v2  }
0x16e: {  	s29 =	sadd.s32 $0x10, s1;
	p1 =	por !p5, !p6;
	v5 =	vmul.u32 v4, v4  }
0x16f: {  	v3 =	vsub.s32 $0x0, v3;
	s23 =	simm.s32 $0xFFFFFFFF;
	s1 =	sadd.s32 $0x20, s1;
	v6 =	vor.u32 s29, v1;
	p1 =	por !p1, !p1  }
0x170: {  	v7 =	vor.u32 s1, v1;
	v6 =	vsub.s32 v6, v2;
	s23 =	simm.s32 @!p1 $0x0;
	v5 =	vcvt.s32.f32 v5  }
0x171: {  	v7 =	vsub.s32 v7, v2;
	v2 =	vbroadcast v3, $0x1;
	v8 =	vmul.u32 v6, v6;
	s23 =	sshll.u32 s23, $0x3  }
0x172: {  	s23 =	sadd.s32 s25, s23;
	v3 =	vsub.f32 $0.0e+00, v5;
	v5 =	vmul.u32 v7, v7  }
0x173: {  	v2 =	vadd.s32 v1, v2;
	v8 =	vcvt.s32.f32 v8;
	s9 =	sand.u32 $0xFFFFFFF8, s23  }
0x174: {  	v10 =	vadd.s32 s9, v2;
	s9 =	sadd.s32 $0x10, s9;
	v9 =	vmul.f32 $5.000000000e-01, v3;
	v5 =	vcvt.s32.f32 v5  }
0x175: {  	v8 =	vsub.f32 $0.0e+00, v8;
	v11 =	vmul.u32 v10, v10;
	v12 =	vadd.s32 s9, v2  }
0x176: {  	v2 =	vmul.f32 $1.442695020e+00, v9;
	v5 =	vsub.f32 $0.0e+00, v5;
	v9 =	vmul.u32 v12, v12  }
0x177: {  	v13 =	vmul.f32 $5.000000000e-01, v8;
	v11 =	vcvt.s32.f32 v11  }
0x178: {  	v14 =	vmul.f32 $5.000000000e-01, v5;
	v9 =	vcvt.s32.f32 v9  }
0x179: {  	v13 =	vmul.f32 $1.442695020e+00, v13;
	v11 =	vsub.f32 $0.0e+00, v11  }
0x17a: {  	(erf) = vpow2.f32 v2;
	v2 =	vmul.f32 $1.442695020e+00, v14;
	v9 =	vsub.f32 $0.0e+00, v9  }
0x17b: {  	(erf) = vpow2.f32 v13;
	v13 =	vmul.f32 $5.000000000e-01, v11  }
0x17c: {  	(erf) = vpow2.f32 v2;
	v2 =	vmul.f32 $5.000000000e-01, v9  }
0x17d: {  	v14 =	vmul.f32 $1.250000000e-01, v3;
	v13 =	vmul.f32 $1.442695020e+00, v13  }
0x17e: {  	v15 =	vmul.f32 $1.250000000e-01, v8;
	v2 =	vmul.f32 $1.442695020e+00, v2  }
0x17f: {  	(erf) = vpow2.f32 v13;
	v13 =	vmul.f32 $1.442695020e+00, v14  }
0x180: {  	(erf) = vpow2.f32 v2;
	v2 =	vmul.f32 $1.442695020e+00, v15  }
0x181: {  	(erf) = vpow2.f32 v13;
	v13 =	vmul.f32 $1.250000000e-01, v5  }
0x182: {  	(erf) = vpow2.f32 v2;
	v2 =	vmul.f32 $1.250000000e-01, v11  }
0x183: {  	v3 =	vmul.f32 $3.125000000e-02, v3;
	v13 =	vmul.f32 $1.442695020e+00, v13  }
0x184: {  	v14 =	vmul.f32 $1.250000000e-01, v9;
	v2 =	vmul.f32 $1.442695020e+00, v2  }
0x185: {  	v9 =	vmul.f32 $3.125000000e-02, v9;
	(erf) = vpow2.f32 v13  }
0x186: {  	v13 =	vmul.f32 $1.442695020e+00, v14;
	(erf) = vpow2.f32 v2  }
0x187: {  	v2 =	vmul.f32 $1.442695020e+00, v3;
	v3 =	vmul.f32 $3.125000000e-02, v8;
	v8 =	vsub.s32 $0x0, v4  }
0x188: {  	(erf) = vpow2.f32 v13;
	v13 =	vmin.u32 v4, v8;
	v4 =	vmul.f32 $3.125000000e-02, v11  }
0x189: {  	s3 =	sadd.s32 $0xFFFFFFFD, s6;
	s25 =	sadd.s32 $0xFFFFFFFD, s30;
	(erf) = vpow2.f32 v2;
	v2 =	vmul.f32 $3.125000000e-02, v5  }
0x18a: {  	p3 =	slt.u32 s3, $0x17A;
	p4 =	slt.u32 s25, $0x17A;
	v11 =	vsub.s32 $0x0, v6;
	v5 =	vpop (erf);
	v3 =	vmul.f32 $1.442695020e+00, v3;
	vm0 =	vlt.s32 v13, $0x4  }
0x18b: {  	p1 =	por !p3, !p4;
	v17 =	vmin.u32 v6, v11;
	vm6 =	vlt.s32 v13, $0x7;
	v8 =	vpop (erf);
	v2 =	vmul.f32 $1.442695020e+00, v2  }
0x18c: {  	p1 =	por !p1, !p1;
	s9 =	simm.s32 $0x3F800000;
	vm11 =	vlt.s32 v13, $0xD;
	v14 =	vpop (erf);
	(erf) = vpow2.f32 v3;
	v3 =	vmul.f32 $1.442695020e+00, v4  }
0x18d: {  	s17 =	smax.f32 s17, $0.0e+00;
	s9 =	simm.s32 @!p1 $0x0;
	vm15 =	vlt.s32 v17, $0x4;
	v4 =	vmul.f32 $1.442695020e+00, v9;
	v6 =	vpop (erf);
	(erf) = vpow2.f32 v2  }
0x18e: {  	s0 =	sadd.s32 $0xFFFFFFFA, s6;
	s6 =	sadd.s32 $0xFFFFFFFA, s30;
	s9 =	smul.f32 s9, s17;
	vm7 =	vlt.s32 v17, $0x7;
	v9 =	vsub.s32 $0x0, v10;
	v11 =	vpop (erf);
	(erf) = vpow2.f32 v3  }
0x18f: {  	p5 =	slt.u32 s0, $0x174;
	p6 =	slt.u32 s6, $0x174;
	vm14 =	vlt.s32 v17, $0xD;
	v19 =	vmin.u32 v10, v9;
	v15 =	vpop (erf);
	(erf) = vpow2.f32 v4  }
0x190: {  	s0 =	simm.s32 $0x3F800000;
	p1 =	por !p5, !p6;
	v9 =	vmov s9;
	v2 =	vnsel vm0, $0x0, v5;
	v5 =	vsub.s32 $0x0, v7;
	v16 =	vpop (erf)  }
0x191: {  	p3 =	slt.u32 s26, $0x168;
	p4 =	slt.u32 s28, $0x168;
	p1 =	por !p1, !p1;
	vm1 =	vlt.s32 v19, $0x4;
	vm9 =	vlt.s32 v19, $0x7;
	v18 =	vmin.u32 v7, v5;
	v7 =	vpop (erf)  }
0x192: {  	s0 =	simm.s32 @!p1 $0x0;
	p1 =	por !p3, !p4;
	vm12 =	vlt.s32 v19, $0xD;
	v3 =	vnsel vm15, $0x0, v8;
	v8 =	vsub.s32 $0x0, v12;
	v20 =	vpop (erf)  }
0x193: {  	s18 =	smax.f32 s18, $0.0e+00;
	p1 =	por !p1, !p1;
	s9 =	simm.s32 $0x3F800000;
	v5 =	vnsel vm1, $0x0, v6;
	vm4 =	vlt.s32 v18, $0x4;
	v21 =	vmin.u32 v12, v8;
	v12 =	vpop (erf)  }
0x194: {  	s22 =	smax.f32 s22, $0.0e+00;
	s0 =	smul.f32 s0, s18;
	s9 =	simm.s32 @!p1 $0x0;
	v6 =	vnsel vm6, $0x0, v15;
	vm8 =	vlt.s32 v18, $0x7;
	vm15 =	vlt.s32 v18, $0xD;
	v22 =	vpop (erf)  }
0x195: {  	s26 =	smul.f32 s9, s22;
	v4 =	vnsel vm4, $0x0, v14;
	vm5 =	vlt.s32 v21, $0x4;
	v8 =	vnsel vm7, $0x0, v16;
	v23 =	vpop (erf)  }
0x196: {  	vm10 =	vlt.s32 v21, $0x7;
	v14 =	vmov s0;
	vm13 =	vlt.s32 v21, $0xD;
	v24 =	vpop (erf)  }
0x197: {  	p5 =	por $0x1, $0x1;
	v18 =	vmov s26;
	v10 =	vnsel vm5, $0x0, v11;
	v7 =	vnsel vm8, $0x0, v7;
	v16 =	vpop (erf)  }
0x198: {  	v11 =	vnsel vm9, $0x0, v20;
	v19 =	vpsel p5, v5, v10;
	v15 =	vnsel vm10, $0x0, v12;
	v13 =	vpop (erf)  }
0x199: {  	s0 =	simm.s32 $0x0;
	v25 =	vmul.f32 v19, v9;
	v16 =	vnsel vm12, $0x0, v16;
	v17 =	vnsel vm13, $0x0, v13  }
0x19a: {  	s6 =	simm.s32 $0x0;
	s3 =	sand.u32 $0xF, s0;
	v12 =	vnsel vm11, $0x0, v22;
	v20 =	vpsel p5, v11, v15;
	v13 =	vpsel p5, v16, v17  }
0x19b: {  	p6 =	por $0x1, $0x1;
	s9 =	smul.u32 $0x3000, s6;
	v22 =	vmov s3;
	v26 =	vmul.f32 v20, v14;
	v21 =	vmul.f32 v13, v18  }
0x19c: {  	s30 =	sand.u32 $0x70, s1;
	s26 =	simm.s32 $0x1;
	v27 =	vpsel p6, v5, v10;
	v19 =	vnsel vm14, $0x0, v23;
	v23 =	vperm.xlane v25, v22  }
0x19d: {  	s6 =	sshll.u32 s29, $0x3;
	s9 =	sshra.s32 s9, $0x2;
	s25 =	sand.u32 $0xF, s26;
	v30 =	vpsel p6, v11, v15;
	v21 =	vperm.xlane v21, v22;
	v22 =	vperm.xlane v26, v22  }
0x19e: {  	s26 =	sand.u32 $0x70, s29;
	s29 =	sand.u32 $0xFFFFFC00, s6;
	s3 =	sshll.u32 s24, $0x3;
	v20 =	vmov s25;
	v28 =	vmul.f32 v23, v2;
	v31 =	vmul.f32 v23, v3  }
0x19f: {  	s9 =	sadd.s32 $0x2580, s9;
	s24 =	sand.u32 $0x70, s24;
	s28 =	sand.u32 $0xFFFFFC00, s3;
	v23 =	vmul.f32 v23, v4;
	v13 =	vnsel vm15, $0x0, v24;
	v29 =	vmul.f32 v22, v6  }
0x1a0: {  	s3 =	sshll.u32 s1, $0x3;
	s25 =	sand.u32 $0x380, s0;
	s6 =	sadd.s32 s28, s9;
	v24 =	vpsel p6, v16, v17;
	v25 =	vmul.f32 v21, v12;
	v32 =	vmul.f32 v22, v8  }
0x1a1: {  	s31 =	sand.u32 $0xFFFFFC00, s3;
	s3 =	sadd.s32 s29, s9;
	s1 =	sadd.s32 s24, s6;
	v26 =	vmul.f32 v21, v19;
	v22 =	vmul.f32 v22, v7;
	v28 =	vmax.f32 v28, v29  }
0x1a2: {  	s3 =	sadd.s32 s26, s3;
	s9 =	sadd.s32 s31, s9;
	s1 =	sadd.s32 s25, s1;
	v63 =	vmul.f32 v21, v13;
	v62 =	vmax.f32 v31, v32;
	v25 =	vmax.f32 v28, v25  }
0x1a3: {  	s3 =	sadd.s32 s25, s3;
	s6 =	sadd.s32 s30, s9;
	v21 =	vmul.f32 v24, v18;
	v22 =	vmax.f32 v23, v22;
	[tilespmem:s1+$0x0] =	vst v25;
	v25 =	vmax.f32 v62, v26  }
0x1a4: {  	s9 =	simm.s32 $0x0;
	s25 =	sadd.s32 s25, s6;
	v24 =	vmul.f32 v30, v14;
	v23 =	vmul.f32 v27, v9;
	v22 =	vmax.f32 v22, v63;
	s1 =	simm.s32 $0x2;
	[tilespmem:s3+$0x0] =	vst v25  }
.LBB2_6:
0x1a5: {  	s3 =	sand.u32 $0xF, s1;
	p1 =	sne.s32 s1, $0x1F;
	v21 =	vperm.xlane v21, v20;
	s6 =	smul.u32 $0x3000, s9;
	[tilespmem:s25+$0x0] =	vst v22  }
0x1a6: {  	p2 =	slt.u32 s1, $0x10;
	v22 =	vperm.xlane v23, v20;
	v23 =	vperm.xlane v24, v20;
	v20 =	vmov s3  }
0x1a7: {  	v24 =	vpsel p2, v16, v17;
	v25 =	vmul.f32 v21, v12;
	s3 =	sshra.s32 s6, $0x2;
	v26 =	vmul.f32 v21, v19  }
0x1a8: {  	v27 =	vpsel p2, v5, v10;
	v28 =	vmul.f32 v22, v2;
	v29 =	vmul.f32 v23, v6;
	s3 =	sadd.s32 $0x2580, s3  }
.Ltmp4:
0x1a9: {  	s0 =	sadd.s32 $0x80, s0;
	v30 =	vpsel p2, v11, v15;
	v31 =	vmul.f32 v22, v3;
	v32 =	vmul.f32 v23, v8;
	s6 =	sadd.s32 s28, s3;
	(pc) =	sbr.rel @p1 .LBB2_6-.Ltmp4, $4  }
0x1aa: {  	s25 =	sand.u32 $0x380, s0;
	v22 =	vmul.f32 v22, v4;
	v23 =	vmul.f32 v23, v7;
	s9 =	sadd.s32 s29, s3;
	v28 =	vmax.f32 v28, v29;
	s6 =	sadd.s32 s24, s6  }
0x1ab: {  	s3 =	sadd.s32 s31, s3;
	s9 =	sadd.s32 s26, s9;
	v29 =	vmul.f32 v21, v13;
	v25 =	vmax.f32 v28, v25;
	s6 =	sadd.s32 s25, s6;
	v28 =	vmax.f32 v31, v32  }
0x1ac: {  	v21 =	vmul.f32 v24, v18;
	v22 =	vmax.f32 v22, v23;
	s3 =	sadd.s32 s30, s3;
	[tilespmem:s6+$0x0] =	vst v25;
	v25 =	vmax.f32 v28, v26;
	s6 =	sadd.s32 s25, s9  }
0x1ad: {  	v23 =	vmul.f32 v27, v9;
	v24 =	vmul.f32 v30, v14;
	s9 =	sshrl.u32 s1, $0x3;
	s1 =	sadd.s32 $0x1, s1;
	v22 =	vmax.f32 v22, v29;
	s25 =	sadd.s32 s25, s3;
	[tilespmem:s6+$0x0] =	vst v25  }
0x1ae: {  	v5 =	vperm.xlane v21, v20;
	s1 =	smul.u32 $0x3000, s9  }
0x1af: {  	v9 =	vperm.xlane v23, v20;
	v10 =	vperm.xlane v24, v20  }
0x1b0: {  	v11 =	vmul.f32 v5, v12;
	s1 =	sshra.s32 s1, $0x2;
	v62 =	vmul.f32 v5, v19  }
0x1b1: {  	v2 =	vmul.f32 v9, v2;
	v6 =	vmul.f32 v10, v6;
	s1 =	sadd.s32 $0x2580, s1  }
0x1b2: {  	s0 =	sadd.s32 $0x80, s0;
	v3 =	vmul.f32 v9, v3;
	v8 =	vmul.f32 v10, v8;
	s3 =	sadd.s32 s28, s1  }
0x1b3: {  	s0 =	sand.u32 $0x380, s0;
	v4 =	vmul.f32 v9, v4;
	v63 =	vmul.f32 v10, v7;
	s6 =	sadd.s32 s29, s1;
	v2 =	vmax.f32 v2, v6;
	s3 =	sadd.s32 s24, s3  }
0x1b4: {  	[tilespmem:s25+$0x0] =	vst v22;
	v5 =	vmul.f32 v5, v13;
	s1 =	sadd.s32 s31, s1;
	v3 =	vmax.f32 v3, v8;
	s6 =	sadd.s32 s26, s6;
	v2 =	vmax.f32 v2, v11;
	s3 =	sadd.s32 s0, s3  }
0x1b5: {  	s1 =	sadd.s32 s30, s1;
	s9 =	sadd.s32 s0, s6;
	[tilespmem:s3+$0x0] =	vst v2;
	v2 =	vmax.f32 v3, v62;
	v3 =	vmax.f32 v4, v63  }
0x1b6: {  	s0 =	sadd.s32 s0, s1;
	[tilespmem:s9+$0x0] =	vst v2;
	v2 =	vmax.f32 v3, v5  }
0x1b7: {  	[tilespmem:s0+$0x0] =	vst v2  }
0x1b8: {  	_ =	swait.ge [sflag:s14], $0x2400  }
0x1b9: {  	[sflag:s14] =	ssyncset.done $0x0  }
0x1ba: {  	[sflag:s14] =	ssyncadd.s32 $0xFFFFDC00  }
0x1bb: {  	_ =	swait.ge [sflag:s14], $0x2400  }
0x1bc: {  	[sflag:s14] =	ssyncset.done $0x0  }
0x1bd: {  	[sflag:s14] =	ssyncadd.s32 $0xFFFFDC00  }
0x1be: {  	_ =	swait.ge [sflag:s14], $0x2400  }
0x1bf: {  	[sflag:s14] =	ssyncset.done $0x0  }
0x1c0: {  	[sflag:s14] =	ssyncadd.s32 $0xFFFFDC00  }
0x1c1: {  	_ =	swait.ge [sflag:s14], $0x2400  }
0x1c2: {  	[sflag:s14] =	ssyncset.done $0x0  }
0x1c3: {  	[sflag:s14] =	ssyncadd.s32 $0xFFFFDC00  }
0x1c4: {  	_ =	swait.ge [sflag:s14], $0x2400  }
0x1c5: {  	[sflag:s14] =	ssyncset.done $0x0  }
0x1c6: {  	[sflag:s14] =	ssyncadd.s32 $0xFFFFDC00  }
0x1c7: {  	_ =	swait.ge [sflag:s14], $0x2400  }
0x1c8: {  	[sflag:s14] =	ssyncset.done $0x0  }
0x1c9: {  	[sflag:s14] =	ssyncadd.s32 $0xFFFFDC00  }
0x1ca: {  	_ =	swait.ge [sflag:s14], $0x2400  }
0x1cb: {  	[sflag:s14] =	ssyncset.done $0x0  }
0x1cc: {  	[sflag:s14] =	ssyncadd.s32 $0xFFFFDC00  }
0x1cd: {  	_ =	swait.ge [sflag:s14], $0x2400  }
0x1ce: {  	[sflag:s14] =	ssyncset.done $0x0  }
0x1cf: {  	[sflag:s14] =	ssyncadd.s32 $0xFFFFDC00  }
0x1d0: {  	_ =	swait.ge [sflag:s14], $0x2400  }
0x1d1: {  	[sflag:s14] =	ssyncset.done $0x0  }
0x1d2: {  	[sflag:s14] =	ssyncadd.s32 $0xFFFFDC00  }
0x1d3: {  	_ =	swait.ge [sflag:s14], $0x2400  }
0x1d4: {  	[sflag:s14] =	ssyncset.done $0x0  }
0x1d5: {  	[sflag:s14] =	ssyncadd.s32 $0xFFFFDC00  }
0x1d6: {  	_ =	swait.ge [sflag:s14], $0x2400  }
0x1d7: {  	[sflag:s14] =	ssyncset.done $0x0  }
0x1d8: {  	[sflag:s14] =	ssyncadd.s32 $0xFFFFDC00  }
0x1d9: {  	_ =	swait.ge [sflag:s14], $0x2400  }
0x1da: {  	[sflag:s14] =	ssyncset.done $0x0  }
0x1db: {  	[sflag:s14] =	ssyncadd.s32 $0xFFFFDC00  }
0x1dc: {  	_ =	swait.ge [sflag:s14], $0x2400  }
0x1dd: {  	[sflag:s14] =	ssyncset.done $0x0  }
0x1de: {  	[sflag:s14] =	ssyncadd.s32 $0xFFFFDC00  }
0x1df: {  	_ =	swait.ge [sflag:s14], $0x2400  }
0x1e0: {  	[sflag:s14] =	ssyncset.done $0x0  }
0x1e1: {  	[sflag:s14] =	ssyncadd.s32 $0xFFFFDC00  }
0x1e2: {  	_ =	swait.ge [sflag:s14], $0x2400  }
0x1e3: {  	s3 =	simm.s32 $0x0;
	[sflag:s14] =	ssyncset.done $0x0  }
0x1e4: {  	s23 =	sshrl.u32 s23, $0x3;
	s1 =	smul.u32 $0x3000, s3;
	[sflag:s14] =	ssyncadd.s32 $0xFFFFDC00  }
0x1e5: {  	s0 =	smul.u32 $0xC00, s23;
	_ =	swait.ge [sflag:s14], $0x2400  }
0x1e6: {  	s9 =	simm.s32 $0x0;
	s1 =	sshra.s32 s1, $0x2;
	s25 =	rddreg [dreg:$0x5]  }
0x1e7: {  	s3 =	smul.u32 $0x3000, s9;
	s1 =	sadd.s32 $0x2580, s1;
	s0 =	sadd.s32 s0, s25  }
0x1e8: {  	s23 =	sadd.s32 s28, s1;
	[sflag:s14] =	ssyncset.done $0x0;
	s0 =	sshrl.u32 s0, $0x3  }
0x1e9: {  	[sflag:s14] =	ssyncadd.s32 $0xFFFFDC00;
	s6 =	sadd.s32 s2, s0;
	s0 =	simm.s32 $0x0  }
0x1ea: {  	[hbm4b:s6+s0] =	stream.linear.scatter [tilespmem:s15], [sflag:$0x2], $0x3000, $0x38;
	[tilespmem:$0x5580] =	vst v63  }
0x1eb: {  	s25 =	sadd.s32 s29, s1;
	s1 =	sadd.s32 s31, s1;
	_ =	swait.ge [sflag:s13], $0x3000  }
0x1ec: {  	s9 =	sand.u32 $0x380, s0;
	s6 =	sadd.s32 s24, s23;
	[sflag:s13] =	ssyncset.done $0x0  }
0x1ed: {  	s23 =	sadd.s32 s26, s25;
	s6 =	sadd.s32 s9, s6;
	[sflag:s13] =	ssyncadd.s32 $0xFFFFD000  }
0x1ee: {  	s25 =	sadd.s32 s30, s1;
	[tilespmem:s6+$0x0] =	vst v0;
	s6 =	sadd.s32 s9, s23  }
0x1ef: {  	s1 =	simm.s32 $0x2;
	s23 =	sshra.s32 s3, $0x2;
	s9 =	sadd.s32 s9, s25;
	[tilespmem:s6+$0x0] =	vst v0  }
.LBB2_8:
0x1f0: {  	s3 =	sshrl.u32 s1, $0x3;
	s6 =	sadd.s32 $0x2580, s23  }
0x1f1: {  	[tilespmem:s9+$0x0] =	vst v0;
	s0 =	sadd.s32 $0x80, s0;
	p1 =	sne.s32 s1, $0x1F;
	s3 =	smul.u32 $0x3000, s3  }
.Ltmp5:
0x1f2: {  	s9 =	sand.u32 $0x380, s0;
	s23 =	sadd.s32 s28, s6;
	(pc) =	sbr.rel @p1 .LBB2_8-.Ltmp5, $4  }
0x1f3: {  	s25 =	sadd.s32 s29, s6;
	s6 =	sadd.s32 s31, s6;
	s23 =	sadd.s32 s24, s23  }
0x1f4: {  	s25 =	sadd.s32 s26, s25;
	s6 =	sadd.s32 s30, s6;
	s23 =	sadd.s32 s9, s23  }
0x1f5: {  	s1 =	sadd.s32 $0x1, s1;
	s25 =	sadd.s32 s9, s25;
	[tilespmem:s23+$0x0] =	vst v0  }
0x1f6: {  	s9 =	sadd.s32 s9, s6;
	s23 =	sshra.s32 s3, $0x2;
	[tilespmem:s25+$0x0] =	vst v0  }
0x1f7: {  	s1 =	sadd.s32 $0x2580, s23  }
0x1f8: {  	s0 =	sadd.s32 $0x80, s0;
	s3 =	sadd.s32 s28, s1  }
0x1f9: {  	s0 =	sand.u32 $0x380, s0;
	s6 =	sadd.s32 s29, s1;
	s3 =	sadd.s32 s24, s3  }
0x1fa: {  	[tilespmem:s9+$0x0] =	vst v0;
	s1 =	sadd.s32 s31, s1;
	s6 =	sadd.s32 s26, s6;
	s3 =	sadd.s32 s0, s3  }
0x1fb: {  	s1 =	sadd.s32 s30, s1;
	s26 =	sadd.s32 s0, s6;
	[tilespmem:s3+$0x0] =	vst v0  }
0x1fc: {  	s0 =	sadd.s32 s0, s1;
	[tilespmem:s26+$0x0] =	vst v0  }
0x1fd: {  	s9 =	rddreg [dreg:$0x1d];
	s24 =	simm.s32 $0x0;
	[tilespmem:s0+$0x0] =	vst v0  }
0x1fe: {  	[hbm4b:s19+s24] =	stream.linear.scatter [tilespmem:s12], [sflag:$0x1], $0x2400, $0x38;
	[tilespmem:$0x5580] =	vst v63  }
0x1ff: {  	s6 =	rddreg [dreg:$0x1c]  }
0x200: {  	[hbm4b:s6+s24] =	stream.linear.scatter [tilespmem:s12], [sflag:$0x1], $0x2400, $0x38;
	[tilespmem:$0x5580] =	vst v63  }
0x201: {  	s23 =	rddreg [dreg:$0x1e]  }
0x202: {  	[hbm4b:s9+s24] =	stream.linear.scatter [tilespmem:s12], [sflag:$0x1], $0x2400, $0x38;
	[tilespmem:$0x5580] =	vst v63  }
0x203: {  	s25 =	rddreg [dreg:$0x1f]  }
0x204: {  	[hbm4b:s23+s24] =	stream.linear.scatter [tilespmem:s12], [sflag:$0x1], $0x2400, $0x38;
	[tilespmem:$0x5580] =	vst v63  }
0x205: {  	s26 =	sld [smem:$0x7D9]  }
0x206: {  	[hbm4b:s25+s24] =	stream.linear.scatter [tilespmem:s12], [sflag:$0x1], $0x2400, $0x38;
	[tilespmem:$0x5580] =	vst v63  }
0x207: {  	s1 =	sld [smem:$0x7DA]  }
0x208: {  	[hbm4b:s26+s24] =	stream.linear.scatter [tilespmem:s12], [sflag:$0x1], $0x2400, $0x38;
	[tilespmem:$0x5580] =	vst v63  }
0x209: {  	s3 =	sld [smem:$0x7DB]  }
0x20a: {  	[hbm4b:s1+s24] =	stream.linear.scatter [tilespmem:s12], [sflag:$0x1], $0x2400, $0x38;
	[tilespmem:$0x5580] =	vst v63  }
0x20b: {  	s6 =	sld [smem:$0x7DC]  }
0x20c: {  	[hbm4b:s3+s24] =	stream.linear.scatter [tilespmem:s12], [sflag:$0x1], $0x2400, $0x38;
	[tilespmem:$0x5580] =	vst v63  }
0x20d: {  	s9 =	sld [smem:$0x7DD]  }
0x20e: {  	[hbm4b:s6+s24] =	stream.linear.scatter [tilespmem:s12], [sflag:$0x1], $0x2400, $0x38;
	[tilespmem:$0x5580] =	vst v63  }
0x20f: {  	s23 =	sld [smem:$0x7DE]  }
0x210: {  	[hbm4b:s9+s24] =	stream.linear.scatter [tilespmem:s12], [sflag:$0x1], $0x2400, $0x38;
	[tilespmem:$0x5580] =	vst v63  }
0x211: {  	s25 =	sld [smem:$0x7DF]  }
0x212: {  	[hbm4b:s23+s24] =	stream.linear.scatter [tilespmem:s12], [sflag:$0x1], $0x2400, $0x38;
	[tilespmem:$0x5580] =	vst v63  }
0x213: {  	s26 =	sld [smem:$0x7E0]  }
0x214: {  	[hbm4b:s25+s24] =	stream.linear.scatter [tilespmem:s12], [sflag:$0x1], $0x2400, $0x38;
	[tilespmem:$0x5580] =	vst v63  }
0x215: {  	s1 =	sld [smem:$0x7E1]  }
0x216: {  	[hbm4b:s26+s24] =	stream.linear.scatter [tilespmem:s12], [sflag:$0x1], $0x2400, $0x38;
	[tilespmem:$0x5580] =	vst v63  }
0x217: {  	s3 =	sld [smem:$0x7E2]  }
0x218: {  	[hbm4b:s1+s24] =	stream.linear.scatter [tilespmem:s12], [sflag:$0x1], $0x2400, $0x38;
	[tilespmem:$0x5580] =	vst v63  }
0x219: {  	s6 =	sld [smem:$0x7E3]  }
0x21a: {  	[hbm4b:s3+s24] =	stream.linear.scatter [tilespmem:s12], [sflag:$0x1], $0x2400, $0x38;
	[tilespmem:$0x5580] =	vst v63  }
0x21b: {  	s9 =	rddreg [dreg:$0x11]  }
0x21c: {  	[hbm4b:s6+s24] =	stream.linear.scatter [tilespmem:s12], [sflag:$0x1], $0x2400, $0x38;
	[tilespmem:$0x5580] =	vst v63  }
0x21d: {  	v2 =	vld [tilespmem:s9+$0x0];
	_ =	sdelay $0x4  }
0x21e: {  	(v2sf) =	vpush v2, $0x0;
	_ =	sdelay $0x7  }
0x21f: {  	(v2sf) =	vpush v2, $0x1;
	_ =	sdelay $0x6  }
0x220: {  	s0 =	spop (v2sf)  }
0x221: {  	s28 =	sadd.s32 $0xFFFFFFF4, s0  }
0x222: {  	p1 =	sgt.s32 s28, $0x0;
	s1 =	smov.u32 s28  }
0x223: {  	s1 =	simm.s32 @!p1 $0x0  }
0x224: {  	s1 =	smin.u32 s1, $0x167  }
0x225: {  	s23 =	sand.u32 $0xF, s1  }
0x226: {  	p4 =	slt.s32 s28, $0x1;
	p2 =	sne.s32 s23, $0x0  }
0x227: {  	p1 =	por !p4, !p2  }
0x228: {  	s3 =	simm.s32 $0xFFFFFFFF;
	s31 =	spop (v2sf);
	p1 =	por !p1, !p1  }
0x229: {  	s29 =	sadd.s32 $0xFFFFFFF4, s31;
	s3 =	simm.s32 @!p1 $0x0  }
0x22a: {  	s6 =	smov.u32 s29;
	p1 =	sgt.s32 s29, $0x0;
	s3 =	sshll.u32 s3, $0x4  }
0x22b: {  	s6 =	simm.s32 @!p1 $0x0;
	s26 =	sadd.s32 s1, s3  }
0x22c: {  	v3 =	vbroadcast v2, $0x0;
	s25 =	smin.u32 s6, $0x167;
	s1 =	sand.u32 $0xFFFFFFF0, s26  }
0x22d: {  	s6 =	sand.u32 $0x7, s25;
	v4 =	vor.u32 s1, v1  }
0x22e: {  	p5 =	slt.s32 s29, $0x1;
	p6 =	sne.s32 s6, $0x0;
	v4 =	vsub.s32 v4, v3  }
0x22f: {  	s30 =	sadd.s32 $0x10, s1;
	p1 =	por !p5, !p6;
	v5 =	vmul.u32 v4, v4  }
0x230: {  	v2 =	vsub.s32 $0x0, v2;
	s6 =	simm.s32 $0xFFFFFFFF;
	s1 =	sadd.s32 $0x20, s1;
	v6 =	vor.u32 s30, v1;
	p1 =	por !p1, !p1  }
0x231: {  	v7 =	vor.u32 s1, v1;
	v6 =	vsub.s32 v6, v3;
	s6 =	simm.s32 @!p1 $0x0;
	v5 =	vcvt.s32.f32 v5  }
0x232: {  	v2 =	vbroadcast v2, $0x1;
	v7 =	vsub.s32 v7, v3;
	v8 =	vmul.u32 v6, v6;
	s6 =	sshll.u32 s6, $0x3  }
0x233: {  	s23 =	sadd.s32 s25, s6;
	v3 =	vsub.f32 $0.0e+00, v5;
	v5 =	vmul.u32 v7, v7  }
0x234: {  	v2 =	vadd.s32 v1, v2;
	v8 =	vcvt.s32.f32 v8;
	s3 =	sand.u32 $0xFFFFFFF8, s23  }
0x235: {  	v10 =	vadd.s32 s3, v2;
	s3 =	sadd.s32 $0x10, s3;
	v9 =	vmul.f32 $5.000000000e-01, v3;
	v5 =	vcvt.s32.f32 v5  }
0x236: {  	v8 =	vsub.f32 $0.0e+00, v8;
	v11 =	vmul.u32 v10, v10;
	v12 =	vadd.s32 s3, v2  }
0x237: {  	v2 =	vmul.f32 $1.442695020e+00, v9;
	v5 =	vsub.f32 $0.0e+00, v5;
	v9 =	vmul.u32 v12, v12  }
0x238: {  	v13 =	vmul.f32 $5.000000000e-01, v8;
	v11 =	vcvt.s32.f32 v11  }
0x239: {  	v14 =	vmul.f32 $5.000000000e-01, v5;
	v9 =	vcvt.s32.f32 v9  }
0x23a: {  	v13 =	vmul.f32 $1.442695020e+00, v13;
	v11 =	vsub.f32 $0.0e+00, v11  }
0x23b: {  	(erf) = vpow2.f32 v2;
	v2 =	vmul.f32 $1.442695020e+00, v14;
	v9 =	vsub.f32 $0.0e+00, v9  }
0x23c: {  	(erf) = vpow2.f32 v13;
	v13 =	vmul.f32 $5.000000000e-01, v11  }
0x23d: {  	(erf) = vpow2.f32 v2;
	v2 =	vmul.f32 $5.000000000e-01, v9  }
0x23e: {  	v14 =	vmul.f32 $1.250000000e-01, v3;
	v13 =	vmul.f32 $1.442695020e+00, v13  }
0x23f: {  	v15 =	vmul.f32 $1.250000000e-01, v8;
	v2 =	vmul.f32 $1.442695020e+00, v2  }
0x240: {  	(erf) = vpow2.f32 v13;
	v13 =	vmul.f32 $1.442695020e+00, v14  }
0x241: {  	(erf) = vpow2.f32 v2;
	v2 =	vmul.f32 $1.442695020e+00, v15  }
0x242: {  	(erf) = vpow2.f32 v13;
	v13 =	vmul.f32 $1.250000000e-01, v5  }
0x243: {  	(erf) = vpow2.f32 v2;
	v2 =	vmul.f32 $1.250000000e-01, v11  }
0x244: {  	v3 =	vmul.f32 $3.125000000e-02, v3;
	v13 =	vmul.f32 $1.442695020e+00, v13  }
0x245: {  	v14 =	vmul.f32 $1.250000000e-01, v9;
	v2 =	vmul.f32 $1.442695020e+00, v2  }
0x246: {  	v9 =	vmul.f32 $3.125000000e-02, v9;
	(erf) = vpow2.f32 v13  }
0x247: {  	v13 =	vmul.f32 $1.442695020e+00, v14;
	(erf) = vpow2.f32 v2  }
0x248: {  	v2 =	vmul.f32 $1.442695020e+00, v3;
	v3 =	vmul.f32 $3.125000000e-02, v8;
	v8 =	vsub.s32 $0x0, v4  }
0x249: {  	(erf) = vpow2.f32 v13;
	v13 =	vmin.u32 v4, v8;
	v4 =	vmul.f32 $3.125000000e-02, v11  }
0x24a: {  	s9 =	sadd.s32 $0xFFFFFFFD, s31;
	s6 =	sadd.s32 $0xFFFFFFFD, s0;
	(erf) = vpow2.f32 v2;
	v2 =	vmul.f32 $3.125000000e-02, v5  }
0x24b: {  	p4 =	slt.u32 s9, $0x17A;
	p3 =	slt.u32 s6, $0x17A;
	v11 =	vsub.s32 $0x0, v6;
	v5 =	vpop (erf);
	v3 =	vmul.f32 $1.442695020e+00, v3;
	vm0 =	vlt.s32 v13, $0x4  }
0x24c: {  	p1 =	por !p3, !p4;
	v17 =	vmin.u32 v6, v11;
	vm6 =	vlt.s32 v13, $0x7;
	v8 =	vpop (erf);
	v2 =	vmul.f32 $1.442695020e+00, v2  }
0x24d: {  	p1 =	por !p1, !p1;
	s3 =	simm.s32 $0x3F800000;
	vm11 =	vlt.s32 v13, $0xD;
	v14 =	vpop (erf);
	(erf) = vpow2.f32 v3;
	v3 =	vmul.f32 $1.442695020e+00, v4  }
0x24e: {  	s3 =	simm.s32 @!p1 $0x0;
	vm15 =	vlt.s32 v17, $0x4;
	v4 =	vmul.f32 $1.442695020e+00, v9;
	v6 =	vpop (erf);
	(erf) = vpow2.f32 v2  }
0x24f: {  	s0 =	sadd.s32 $0xFFFFFFFA, s0;
	s25 =	sadd.s32 $0xFFFFFFFA, s31;
	s3 =	smul.f32 s3, s17;
	vm7 =	vlt.s32 v17, $0x7;
	v9 =	vsub.s32 $0x0, v10;
	v11 =	vpop (erf);
	(erf) = vpow2.f32 v3  }
0x250: {  	p5 =	slt.u32 s0, $0x174;
	p6 =	slt.u32 s25, $0x174;
	vm14 =	vlt.s32 v17, $0xD;
	v19 =	vmin.u32 v10, v9;
	v15 =	vpop (erf);
	(erf) = vpow2.f32 v4  }
0x251: {  	s0 =	simm.s32 $0x3F800000;
	p1 =	por !p5, !p6;
	v9 =	vmov s3;
	v2 =	vnsel vm0, $0x0, v5;
	v5 =	vsub.s32 $0x0, v7;
	v16 =	vpop (erf)  }
0x252: {  	p3 =	slt.u32 s28, $0x168;
	p4 =	slt.u32 s29, $0x168;
	p1 =	por !p1, !p1;
	vm1 =	vlt.s32 v19, $0x4;
	vm9 =	vlt.s32 v19, $0x7;
	v18 =	vmin.u32 v7, v5;
	v7 =	vpop (erf)  }
0x253: {  	s0 =	simm.s32 @!p1 $0x0;
	p1 =	por !p3, !p4;
	vm12 =	vlt.s32 v19, $0xD;
	v3 =	vnsel vm15, $0x0, v8;
	v8 =	vsub.s32 $0x0, v12;
	v20 =	vpop (erf)  }
0x254: {  	p1 =	por !p1, !p1;
	s3 =	simm.s32 $0x3F800000;
	v5 =	vnsel vm1, $0x0, v6;
	vm4 =	vlt.s32 v18, $0x4;
	v21 =	vmin.u32 v12, v8;
	v12 =	vpop (erf)  }
0x255: {  	s0 =	smul.f32 s0, s18;
	s3 =	simm.s32 @!p1 $0x0;
	v6 =	vnsel vm6, $0x0, v15;
	vm8 =	vlt.s32 v18, $0x7;
	vm15 =	vlt.s32 v18, $0xD;
	v22 =	vpop (erf)  }
0x256: {  	s6 =	smul.f32 s3, s22;
	v4 =	vnsel vm4, $0x0, v14;
	vm5 =	vlt.s32 v21, $0x4;
	v8 =	vnsel vm7, $0x0, v16;
	v23 =	vpop (erf)  }
0x257: {  	vm10 =	vlt.s32 v21, $0x7;
	v14 =	vmov s0;
	vm13 =	vlt.s32 v21, $0xD;
	v24 =	vpop (erf)  }
0x258: {  	p5 =	por $0x1, $0x1;
	v18 =	vmov s6;
	v10 =	vnsel vm5, $0x0, v11;
	v7 =	vnsel vm8, $0x0, v7;
	v16 =	vpop (erf)  }
0x259: {  	v11 =	vnsel vm9, $0x0, v20;
	v19 =	vpsel p5, v5, v10;
	v15 =	vnsel vm10, $0x0, v12;
	v13 =	vpop (erf)  }
0x25a: {  	v25 =	vmul.f32 v19, v9;
	v16 =	vnsel vm12, $0x0, v16;
	v17 =	vnsel vm13, $0x0, v13  }
0x25b: {  	s9 =	sand.u32 $0xF, s24;
	v12 =	vnsel vm11, $0x0, v22;
	v20 =	vpsel p5, v11, v15;
	v13 =	vpsel p5, v16, v17  }
0x25c: {  	s25 =	simm.s32 $0x0;
	p6 =	por $0x1, $0x1;
	v22 =	vmov s9;
	v26 =	vmul.f32 v20, v14;
	v21 =	vmul.f32 v13, v18  }
0x25d: {  	s31 =	sand.u32 $0x70, s1;
	s6 =	simm.s32 $0x1;
	s0 =	smul.u32 $0x3000, s25;
	v27 =	vpsel p6, v5, v10;
	v19 =	vnsel vm14, $0x0, v23;
	v23 =	vperm.xlane v25, v22  }
0x25e: {  	s28 =	sand.u32 $0x70, s30;
	s25 =	sshll.u32 s30, $0x3;
	s3 =	sand.u32 $0xF, s6;
	v30 =	vpsel p6, v11, v15;
	v21 =	vperm.xlane v21, v22;
	v22 =	vperm.xlane v26, v22  }
0x25f: {  	s30 =	sand.u32 $0xFFFFFC00, s25;
	s0 =	sshra.s32 s0, $0x2;
	s9 =	sshll.u32 s26, $0x3;
	v20 =	vmov s3;
	v28 =	vmul.f32 v23, v2;
	v31 =	vmul.f32 v23, v3  }
0x260: {  	s6 =	sshll.u32 s1, $0x3;
	s0 =	sadd.s32 $0x2580, s0;
	s29 =	sand.u32 $0xFFFFFC00, s9;
	v23 =	vmul.f32 v23, v4;
	v13 =	vnsel vm15, $0x0, v24;
	v29 =	vmul.f32 v22, v6  }
0x261: {  	s1 =	sand.u32 $0xFFFFFC00, s6;
	s26 =	sand.u32 $0x70, s26;
	s9 =	sadd.s32 s29, s0;
	v24 =	vpsel p6, v16, v17;
	v25 =	vmul.f32 v21, v12;
	v32 =	vmul.f32 v22, v8  }
0x262: {  	s6 =	sand.u32 $0x380, s24;
	s25 =	sadd.s32 s30, s0;
	s3 =	sadd.s32 s26, s9;
	v26 =	vmul.f32 v21, v19;
	v22 =	vmul.f32 v22, v7;
	v28 =	vmax.f32 v28, v29  }
0x263: {  	s0 =	sadd.s32 s1, s0;
	s9 =	sadd.s32 s28, s25;
	s3 =	sadd.s32 s6, s3;
	v63 =	vmul.f32 v21, v13;
	v62 =	vmax.f32 v31, v32;
	v25 =	vmax.f32 v28, v25  }
0x264: {  	s0 =	sadd.s32 s31, s0;
	s25 =	sadd.s32 s6, s9;
	v21 =	vmul.f32 v24, v18;
	v22 =	vmax.f32 v23, v22;
	[tilespmem:s3+$0x0] =	vst v25;
	v25 =	vmax.f32 v62, v26  }
0x265: {  	s9 =	simm.s32 $0x0;
	v24 =	vmul.f32 v30, v14;
	v23 =	vmul.f32 v27, v9;
	v22 =	vmax.f32 v22, v63;
	[tilespmem:s25+$0x0] =	vst v25;
	s25 =	sadd.s32 s6, s0;
	s0 =	simm.s32 $0x2  }
.LBB2_10:
0x266: {  	s3 =	sand.u32 $0xF, s0;
	p1 =	sne.s32 s0, $0x1F;
	v21 =	vperm.xlane v21, v20;
	s6 =	smul.u32 $0x3000, s9;
	[tilespmem:s25+$0x0] =	vst v22  }
0x267: {  	p2 =	slt.u32 s0, $0x10;
	v22 =	vperm.xlane v23, v20;
	v23 =	vperm.xlane v24, v20;
	v20 =	vmov s3  }
0x268: {  	v24 =	vpsel p2, v16, v17;
	v25 =	vmul.f32 v21, v12;
	s3 =	sshra.s32 s6, $0x2;
	v26 =	vmul.f32 v21, v19  }
0x269: {  	v27 =	vpsel p2, v5, v10;
	v28 =	vmul.f32 v22, v2;
	v29 =	vmul.f32 v23, v6;
	s3 =	sadd.s32 $0x2580, s3  }
.Ltmp6:
0x26a: {  	s24 =	sadd.s32 $0x80, s24;
	v30 =	vpsel p2, v11, v15;
	v31 =	vmul.f32 v22, v3;
	v32 =	vmul.f32 v23, v8;
	s6 =	sadd.s32 s29, s3;
	(pc) =	sbr.rel @p1 .LBB2_10-.Ltmp6, $4  }
0x26b: {  	s25 =	sand.u32 $0x380, s24;
	v22 =	vmul.f32 v22, v4;
	v23 =	vmul.f32 v23, v7;
	s9 =	sadd.s32 s30, s3;
	v28 =	vmax.f32 v28, v29;
	s6 =	sadd.s32 s26, s6  }
0x26c: {  	s3 =	sadd.s32 s1, s3;
	s9 =	sadd.s32 s28, s9;
	v29 =	vmul.f32 v21, v13;
	v25 =	vmax.f32 v28, v25;
	s6 =	sadd.s32 s25, s6;
	v28 =	vmax.f32 v31, v32  }
0x26d: {  	v21 =	vmul.f32 v24, v18;
	v22 =	vmax.f32 v22, v23;
	s3 =	sadd.s32 s31, s3;
	[tilespmem:s6+$0x0] =	vst v25;
	v25 =	vmax.f32 v28, v26;
	s6 =	sadd.s32 s25, s9  }
0x26e: {  	v23 =	vmul.f32 v27, v9;
	v24 =	vmul.f32 v30, v14;
	s9 =	sshrl.u32 s0, $0x3;
	s0 =	sadd.s32 $0x1, s0;
	v22 =	vmax.f32 v22, v29;
	s25 =	sadd.s32 s25, s3;
	[tilespmem:s6+$0x0] =	vst v25  }
0x26f: {  	v5 =	vperm.xlane v21, v20;
	s0 =	smul.u32 $0x3000, s9  }
0x270: {  	v9 =	vperm.xlane v23, v20;
	v10 =	vperm.xlane v24, v20  }
0x271: {  	v11 =	vmul.f32 v5, v12;
	s0 =	sshra.s32 s0, $0x2;
	v62 =	vmul.f32 v5, v19  }
0x272: {  	v2 =	vmul.f32 v9, v2;
	v6 =	vmul.f32 v10, v6;
	s0 =	sadd.s32 $0x2580, s0  }
0x273: {  	s6 =	sadd.s32 $0x80, s24;
	v3 =	vmul.f32 v9, v3;
	v8 =	vmul.f32 v10, v8;
	s3 =	sadd.s32 s29, s0  }
0x274: {  	s6 =	sand.u32 $0x380, s6;
	v4 =	vmul.f32 v9, v4;
	v63 =	vmul.f32 v10, v7;
	s24 =	sadd.s32 s30, s0;
	v2 =	vmax.f32 v2, v6;
	s3 =	sadd.s32 s26, s3  }
0x275: {  	[tilespmem:s25+$0x0] =	vst v22;
	v5 =	vmul.f32 v5, v13;
	s0 =	sadd.s32 s1, s0;
	v3 =	vmax.f32 v3, v8;
	s9 =	sadd.s32 s28, s24;
	v2 =	vmax.f32 v2, v11;
	s3 =	sadd.s32 s6, s3  }
0x276: {  	s0 =	sadd.s32 s31, s0;
	s9 =	sadd.s32 s6, s9;
	[tilespmem:s3+$0x0] =	vst v2;
	v2 =	vmax.f32 v3, v62;
	v3 =	vmax.f32 v4, v63  }
0x277: {  	s0 =	sadd.s32 s6, s0;
	[tilespmem:s9+$0x0] =	vst v2;
	v2 =	vmax.f32 v3, v5  }
0x278: {  	[tilespmem:s0+$0x0] =	vst v2  }
0x279: {  	_ =	swait.ge [sflag:s14], $0x2400  }
0x27a: {  	[sflag:s14] =	ssyncset.done $0x0  }
0x27b: {  	[sflag:s14] =	ssyncadd.s32 $0xFFFFDC00  }
0x27c: {  	_ =	swait.ge [sflag:s14], $0x2400  }
0x27d: {  	[sflag:s14] =	ssyncset.done $0x0  }
0x27e: {  	[sflag:s14] =	ssyncadd.s32 $0xFFFFDC00  }
0x27f: {  	_ =	swait.ge [sflag:s14], $0x2400  }
0x280: {  	[sflag:s14] =	ssyncset.done $0x0  }
0x281: {  	[sflag:s14] =	ssyncadd.s32 $0xFFFFDC00  }
0x282: {  	_ =	swait.ge [sflag:s14], $0x2400  }
0x283: {  	[sflag:s14] =	ssyncset.done $0x0  }
0x284: {  	[sflag:s14] =	ssyncadd.s32 $0xFFFFDC00  }
0x285: {  	_ =	swait.ge [sflag:s14], $0x2400  }
0x286: {  	[sflag:s14] =	ssyncset.done $0x0  }
0x287: {  	[sflag:s14] =	ssyncadd.s32 $0xFFFFDC00  }
0x288: {  	_ =	swait.ge [sflag:s14], $0x2400  }
0x289: {  	[sflag:s14] =	ssyncset.done $0x0  }
0x28a: {  	[sflag:s14] =	ssyncadd.s32 $0xFFFFDC00  }
0x28b: {  	_ =	swait.ge [sflag:s14], $0x2400  }
0x28c: {  	[sflag:s14] =	ssyncset.done $0x0  }
0x28d: {  	[sflag:s14] =	ssyncadd.s32 $0xFFFFDC00  }
0x28e: {  	_ =	swait.ge [sflag:s14], $0x2400  }
0x28f: {  	[sflag:s14] =	ssyncset.done $0x0  }
0x290: {  	[sflag:s14] =	ssyncadd.s32 $0xFFFFDC00  }
0x291: {  	_ =	swait.ge [sflag:s14], $0x2400  }
0x292: {  	[sflag:s14] =	ssyncset.done $0x0  }
0x293: {  	[sflag:s14] =	ssyncadd.s32 $0xFFFFDC00  }
0x294: {  	_ =	swait.ge [sflag:s14], $0x2400  }
0x295: {  	[sflag:s14] =	ssyncset.done $0x0  }
0x296: {  	[sflag:s14] =	ssyncadd.s32 $0xFFFFDC00  }
0x297: {  	_ =	swait.ge [sflag:s14], $0x2400  }
0x298: {  	[sflag:s14] =	ssyncset.done $0x0  }
0x299: {  	[sflag:s14] =	ssyncadd.s32 $0xFFFFDC00  }
0x29a: {  	_ =	swait.ge [sflag:s14], $0x2400  }
0x29b: {  	[sflag:s14] =	ssyncset.done $0x0  }
0x29c: {  	[sflag:s14] =	ssyncadd.s32 $0xFFFFDC00  }
0x29d: {  	_ =	swait.ge [sflag:s14], $0x2400  }
0x29e: {  	[sflag:s14] =	ssyncset.done $0x0  }
0x29f: {  	[sflag:s14] =	ssyncadd.s32 $0xFFFFDC00  }
0x2a0: {  	_ =	swait.ge [sflag:s14], $0x2400  }
0x2a1: {  	[sflag:s14] =	ssyncset.done $0x0  }
0x2a2: {  	s24 =	simm.s32 $0x0;
	[sflag:s14] =	ssyncadd.s32 $0xFFFFDC00  }
0x2a3: {  	s23 =	sshrl.u32 s23, $0x3;
	s3 =	smul.u32 $0x3000, s24;
	_ =	swait.ge [sflag:s14], $0x2400  }
0x2a4: {  	s9 =	simm.s32 $0x0;
	s0 =	smul.u32 $0xC00, s23;
	[sflag:s14] =	ssyncset.done $0x0  }
0x2a5: {  	s3 =	sshra.s32 s3, $0x2;
	s6 =	smul.u32 $0x3000, s9;
	[sflag:s14] =	ssyncadd.s32 $0xFFFFDC00  }
0x2a6: {  	s3 =	sadd.s32 $0x2580, s3;
	s0 =	sadd.s32 s0, s7;
	_ =	swait.ge [sflag:s14], $0x2400  }
0x2a7: {  	s23 =	sadd.s32 s29, s3;
	s0 =	sshrl.u32 s0, $0x3;
	[sflag:s14] =	ssyncset.done $0x0  }
0x2a8: {  	s25 =	sadd.s32 s2, s0;
	s0 =	simm.s32 $0x0;
	[sflag:s14] =	ssyncadd.s32 $0xFFFFDC00  }
0x2a9: {  	[hbm4b:s25+s0] =	stream.linear.scatter [tilespmem:s15], [sflag:$0x2], $0x3000, $0x38;
	[tilespmem:$0x5580] =	vst v63  }
0x2aa: {  	s24 =	sadd.s32 s30, s3;
	s3 =	sadd.s32 s1, s3;
	_ =	swait.ge [sflag:s13], $0x3000  }
0x2ab: {  	s9 =	sadd.s32 s26, s23;
	s25 =	sand.u32 $0x380, s0;
	[sflag:s13] =	ssyncset.done $0x0  }
0x2ac: {  	s23 =	sadd.s32 s28, s24;
	s9 =	sadd.s32 s25, s9;
	[sflag:s13] =	ssyncadd.s32 $0xFFFFD000  }
0x2ad: {  	s3 =	sadd.s32 s31, s3;
	[tilespmem:s9+$0x0] =	vst v0;
	s9 =	sadd.s32 s25, s23  }
0x2ae: {  	s24 =	sshra.s32 s6, $0x2;
	s23 =	simm.s32 $0x2;
	[tilespmem:s9+$0x0] =	vst v0;
	s9 =	sadd.s32 s25, s3  }
.LBB2_12:
0x2af: {  	s3 =	sshrl.u32 s23, $0x3;
	s6 =	sadd.s32 $0x2580, s24  }
0x2b0: {  	[tilespmem:s9+$0x0] =	vst v0;
	s0 =	sadd.s32 $0x80, s0;
	p1 =	sne.s32 s23, $0x1F;
	s3 =	smul.u32 $0x3000, s3  }
.Ltmp7:
0x2b1: {  	s9 =	sand.u32 $0x380, s0;
	s24 =	sadd.s32 s29, s6;
	(pc) =	sbr.rel @p1 .LBB2_12-.Ltmp7, $4  }
0x2b2: {  	s25 =	sadd.s32 s30, s6;
	s6 =	sadd.s32 s1, s6;
	s24 =	sadd.s32 s26, s24  }
0x2b3: {  	s25 =	sadd.s32 s28, s25;
	s6 =	sadd.s32 s31, s6;
	s24 =	sadd.s32 s9, s24  }
0x2b4: {  	s23 =	sadd.s32 $0x1, s23;
	s25 =	sadd.s32 s9, s25;
	[tilespmem:s24+$0x0] =	vst v0  }
0x2b5: {  	s9 =	sadd.s32 s9, s6;
	s24 =	sshra.s32 s3, $0x2;
	[tilespmem:s25+$0x0] =	vst v0  }
0x2b6: {  	s3 =	sadd.s32 $0x2580, s24  }
0x2b7: {  	s0 =	sadd.s32 $0x80, s0;
	s6 =	sadd.s32 s29, s3  }
0x2b8: {  	s0 =	sand.u32 $0x380, s0;
	s23 =	sadd.s32 s30, s3;
	s6 =	sadd.s32 s26, s6  }
0x2b9: {  	[tilespmem:s9+$0x0] =	vst v0;
	s1 =	sadd.s32 s1, s3;
	s24 =	sadd.s32 s28, s23;
	s9 =	sadd.s32 s0, s6  }
0x2ba: {  	s1 =	sadd.s32 s31, s1;
	s25 =	sadd.s32 s0, s24;
	[tilespmem:s9+$0x0] =	vst v0  }
0x2bb: {  	s0 =	sadd.s32 s0, s1;
	[tilespmem:s25+$0x0] =	vst v0  }
0x2bc: {  	s26 =	sld [smem:$0x7E4];
	s24 =	simm.s32 $0x0;
	[tilespmem:s0+$0x0] =	vst v0  }
0x2bd: {  	[hbm4b:s20+s24] =	stream.linear.scatter [tilespmem:s12], [sflag:$0x1], $0x2400, $0x38;
	[tilespmem:$0x5580] =	vst v63  }
0x2be: {  	s1 =	sld [smem:$0x7E5]  }
0x2bf: {  	[hbm4b:s26+s24] =	stream.linear.scatter [tilespmem:s12], [sflag:$0x1], $0x2400, $0x38;
	[tilespmem:$0x5580] =	vst v63  }
0x2c0: {  	s3 =	sld [smem:$0x7E6]  }
0x2c1: {  	[hbm4b:s1+s24] =	stream.linear.scatter [tilespmem:s12], [sflag:$0x1], $0x2400, $0x38;
	[tilespmem:$0x5580] =	vst v63  }
0x2c2: {  	s6 =	sld [smem:$0x7E7]  }
0x2c3: {  	[hbm4b:s3+s24] =	stream.linear.scatter [tilespmem:s12], [sflag:$0x1], $0x2400, $0x38;
	[tilespmem:$0x5580] =	vst v63  }
0x2c4: {  	s9 =	sld [smem:$0x7E8]  }
0x2c5: {  	[hbm4b:s6+s24] =	stream.linear.scatter [tilespmem:s12], [sflag:$0x1], $0x2400, $0x38;
	[tilespmem:$0x5580] =	vst v63  }
0x2c6: {  	s23 =	sld [smem:$0x7E9]  }
0x2c7: {  	[hbm4b:s9+s24] =	stream.linear.scatter [tilespmem:s12], [sflag:$0x1], $0x2400, $0x38;
	[tilespmem:$0x5580] =	vst v63  }
0x2c8: {  	s25 =	sld [smem:$0x7EA]  }
0x2c9: {  	[hbm4b:s23+s24] =	stream.linear.scatter [tilespmem:s12], [sflag:$0x1], $0x2400, $0x38;
	[tilespmem:$0x5580] =	vst v63  }
0x2ca: {  	s26 =	sld [smem:$0x7EB]  }
0x2cb: {  	[hbm4b:s25+s24] =	stream.linear.scatter [tilespmem:s12], [sflag:$0x1], $0x2400, $0x38;
	[tilespmem:$0x5580] =	vst v63  }
0x2cc: {  	s1 =	sld [smem:$0x7EC]  }
0x2cd: {  	[hbm4b:s26+s24] =	stream.linear.scatter [tilespmem:s12], [sflag:$0x1], $0x2400, $0x38;
	[tilespmem:$0x5580] =	vst v63  }
0x2ce: {  	s3 =	sld [smem:$0x7ED]  }
0x2cf: {  	[hbm4b:s1+s24] =	stream.linear.scatter [tilespmem:s12], [sflag:$0x1], $0x2400, $0x38;
	[tilespmem:$0x5580] =	vst v63  }
0x2d0: {  	s6 =	sld [smem:$0x7EE]  }
0x2d1: {  	[hbm4b:s3+s24] =	stream.linear.scatter [tilespmem:s12], [sflag:$0x1], $0x2400, $0x38;
	[tilespmem:$0x5580] =	vst v63  }
0x2d2: {  	_ = 	snop  }
0x2d3: {  	[hbm4b:s6+s24] =	stream.linear.scatter [tilespmem:s12], [sflag:$0x1], $0x2400, $0x38;
	[tilespmem:$0x5580] =	vst v63  }
0x2d4: {  	_ = 	snop  }
0x2d5: {  	[hbm4b:s21+s24] =	stream.linear.scatter [tilespmem:s12], [sflag:$0x1], $0x2400, $0x38;
	[tilespmem:$0x5580] =	vst v63  }
0x2d6: {  	_ = 	snop  }
0x2d7: {  	[hbm4b:s4+s24] =	stream.linear.scatter [tilespmem:s12], [sflag:$0x1], $0x2400, $0x38;
	[tilespmem:$0x5580] =	vst v63  }
0x2d8: {  	_ = 	snop  }
0x2d9: {  	[hbm4b:s5+s24] =	stream.linear.scatter [tilespmem:s12], [sflag:$0x1], $0x2400, $0x38;
	[tilespmem:$0x5580] =	vst v63  }
0x2da: {  	s9 =	rddreg [dreg:$0x12]  }
0x2db: {  	[hbm4b:s11+s24] =	stream.linear.scatter [tilespmem:s12], [sflag:$0x1], $0x2400, $0x38;
	[tilespmem:$0x5580] =	vst v63  }
0x2dc: {  	v2 =	vld [tilespmem:s9+$0x0];
	_ =	sdelay $0x4  }
0x2dd: {  	(v2sf) =	vpush v2, $0x0;
	_ =	sdelay $0x7  }
0x2de: {  	(v2sf) =	vpush v2, $0x1;
	_ =	sdelay $0x6  }
0x2df: {  	s0 =	spop (v2sf)  }
0x2e0: {  	s28 =	sadd.s32 $0xFFFFFFF4, s0  }
0x2e1: {  	p1 =	sgt.s32 s28, $0x0;
	s1 =	smov.u32 s28  }
0x2e2: {  	s1 =	simm.s32 @!p1 $0x0  }
0x2e3: {  	s1 =	smin.u32 s1, $0x167  }
0x2e4: {  	s23 =	sand.u32 $0xF, s1  }
0x2e5: {  	p4 =	slt.s32 s28, $0x1;
	p2 =	sne.s32 s23, $0x0  }
0x2e6: {  	p1 =	por !p4, !p2  }
0x2e7: {  	s3 =	simm.s32 $0xFFFFFFFF;
	s31 =	spop (v2sf);
	p1 =	por !p1, !p1  }
0x2e8: {  	s29 =	sadd.s32 $0xFFFFFFF4, s31;
	s3 =	simm.s32 @!p1 $0x0  }
0x2e9: {  	s6 =	smov.u32 s29;
	p1 =	sgt.s32 s29, $0x0;
	s3 =	sshll.u32 s3, $0x4  }
0x2ea: {  	s6 =	simm.s32 @!p1 $0x0;
	s26 =	sadd.s32 s1, s3  }
0x2eb: {  	v3 =	vbroadcast v2, $0x0;
	s25 =	smin.u32 s6, $0x167;
	s1 =	sand.u32 $0xFFFFFFF0, s26  }
0x2ec: {  	s6 =	sand.u32 $0x7, s25;
	v4 =	vor.u32 s1, v1  }
0x2ed: {  	p5 =	slt.s32 s29, $0x1;
	p6 =	sne.s32 s6, $0x0;
	v4 =	vsub.s32 v4, v3  }
0x2ee: {  	s30 =	sadd.s32 $0x10, s1;
	p1 =	por !p5, !p6;
	v5 =	vmul.u32 v4, v4  }
0x2ef: {  	v2 =	vsub.s32 $0x0, v2;
	s6 =	simm.s32 $0xFFFFFFFF;
	s1 =	sadd.s32 $0x20, s1;
	v6 =	vor.u32 s30, v1;
	p1 =	por !p1, !p1  }
0x2f0: {  	v7 =	vor.u32 s1, v1;
	v6 =	vsub.s32 v6, v3;
	s6 =	simm.s32 @!p1 $0x0;
	v5 =	vcvt.s32.f32 v5  }
0x2f1: {  	v2 =	vbroadcast v2, $0x1;
	v7 =	vsub.s32 v7, v3;
	v8 =	vmul.u32 v6, v6;
	s6 =	sshll.u32 s6, $0x3  }
0x2f2: {  	s23 =	sadd.s32 s25, s6;
	v3 =	vsub.f32 $0.0e+00, v5;
	v5 =	vmul.u32 v7, v7  }
0x2f3: {  	v2 =	vadd.s32 v1, v2;
	v8 =	vcvt.s32.f32 v8;
	s3 =	sand.u32 $0xFFFFFFF8, s23  }
0x2f4: {  	v10 =	vadd.s32 s3, v2;
	s3 =	sadd.s32 $0x10, s3;
	v9 =	vmul.f32 $5.000000000e-01, v3;
	v5 =	vcvt.s32.f32 v5  }
0x2f5: {  	v8 =	vsub.f32 $0.0e+00, v8;
	v11 =	vmul.u32 v10, v10;
	v12 =	vadd.s32 s3, v2  }
0x2f6: {  	v2 =	vmul.f32 $1.442695020e+00, v9;
	v5 =	vsub.f32 $0.0e+00, v5;
	v9 =	vmul.u32 v12, v12  }
0x2f7: {  	v13 =	vmul.f32 $5.000000000e-01, v8;
	v11 =	vcvt.s32.f32 v11  }
0x2f8: {  	v14 =	vmul.f32 $5.000000000e-01, v5;
	v9 =	vcvt.s32.f32 v9  }
0x2f9: {  	v13 =	vmul.f32 $1.442695020e+00, v13;
	v11 =	vsub.f32 $0.0e+00, v11  }
0x2fa: {  	(erf) = vpow2.f32 v2;
	v2 =	vmul.f32 $1.442695020e+00, v14;
	v9 =	vsub.f32 $0.0e+00, v9  }
0x2fb: {  	(erf) = vpow2.f32 v13;
	v13 =	vmul.f32 $5.000000000e-01, v11  }
0x2fc: {  	(erf) = vpow2.f32 v2;
	v2 =	vmul.f32 $5.000000000e-01, v9  }
0x2fd: {  	v14 =	vmul.f32 $1.250000000e-01, v3;
	v13 =	vmul.f32 $1.442695020e+00, v13  }
0x2fe: {  	v15 =	vmul.f32 $1.250000000e-01, v8;
	v2 =	vmul.f32 $1.442695020e+00, v2  }
0x2ff: {  	(erf) = vpow2.f32 v13;
	v13 =	vmul.f32 $1.442695020e+00, v14  }
0x300: {  	(erf) = vpow2.f32 v2;
	v2 =	vmul.f32 $1.442695020e+00, v15  }
0x301: {  	(erf) = vpow2.f32 v13;
	v13 =	vmul.f32 $1.250000000e-01, v5  }
0x302: {  	(erf) = vpow2.f32 v2;
	v2 =	vmul.f32 $1.250000000e-01, v11  }
0x303: {  	v3 =	vmul.f32 $3.125000000e-02, v3;
	v13 =	vmul.f32 $1.442695020e+00, v13  }
0x304: {  	v14 =	vmul.f32 $1.250000000e-01, v9;
	v2 =	vmul.f32 $1.442695020e+00, v2  }
0x305: {  	v9 =	vmul.f32 $3.125000000e-02, v9;
	(erf) = vpow2.f32 v13  }
0x306: {  	v13 =	vmul.f32 $1.442695020e+00, v14;
	(erf) = vpow2.f32 v2  }
0x307: {  	v2 =	vmul.f32 $1.442695020e+00, v3;
	v3 =	vmul.f32 $3.125000000e-02, v8;
	v8 =	vsub.s32 $0x0, v4  }
0x308: {  	(erf) = vpow2.f32 v13;
	v13 =	vmin.u32 v4, v8;
	v4 =	vmul.f32 $3.125000000e-02, v11  }
0x309: {  	s9 =	sadd.s32 $0xFFFFFFFD, s31;
	s6 =	sadd.s32 $0xFFFFFFFD, s0;
	(erf) = vpow2.f32 v2;
	v2 =	vmul.f32 $3.125000000e-02, v5  }
0x30a: {  	p4 =	slt.u32 s9, $0x17A;
	p3 =	slt.u32 s6, $0x17A;
	v11 =	vsub.s32 $0x0, v6;
	v5 =	vpop (erf);
	v3 =	vmul.f32 $1.442695020e+00, v3;
	vm0 =	vlt.s32 v13, $0x4  }
0x30b: {  	p1 =	por !p3, !p4;
	v17 =	vmin.u32 v6, v11;
	vm6 =	vlt.s32 v13, $0x7;
	v8 =	vpop (erf);
	v2 =	vmul.f32 $1.442695020e+00, v2  }
0x30c: {  	p1 =	por !p1, !p1;
	s3 =	simm.s32 $0x3F800000;
	vm11 =	vlt.s32 v13, $0xD;
	v14 =	vpop (erf);
	(erf) = vpow2.f32 v3;
	v3 =	vmul.f32 $1.442695020e+00, v4  }
0x30d: {  	s3 =	simm.s32 @!p1 $0x0;
	vm15 =	vlt.s32 v17, $0x4;
	v4 =	vmul.f32 $1.442695020e+00, v9;
	v6 =	vpop (erf);
	(erf) = vpow2.f32 v2  }
0x30e: {  	s0 =	sadd.s32 $0xFFFFFFFA, s0;
	s25 =	sadd.s32 $0xFFFFFFFA, s31;
	s3 =	smul.f32 s3, s17;
	vm7 =	vlt.s32 v17, $0x7;
	v9 =	vsub.s32 $0x0, v10;
	v11 =	vpop (erf);
	(erf) = vpow2.f32 v3  }
0x30f: {  	p5 =	slt.u32 s0, $0x174;
	p6 =	slt.u32 s25, $0x174;
	vm14 =	vlt.s32 v17, $0xD;
	v19 =	vmin.u32 v10, v9;
	v15 =	vpop (erf);
	(erf) = vpow2.f32 v4  }
0x310: {  	s0 =	simm.s32 $0x3F800000;
	p1 =	por !p5, !p6;
	v9 =	vmov s3;
	v2 =	vnsel vm0, $0x0, v5;
	v5 =	vsub.s32 $0x0, v7;
	v16 =	vpop (erf)  }
0x311: {  	p3 =	slt.u32 s28, $0x168;
	p4 =	slt.u32 s29, $0x168;
	p1 =	por !p1, !p1;
	vm1 =	vlt.s32 v19, $0x4;
	vm9 =	vlt.s32 v19, $0x7;
	v18 =	vmin.u32 v7, v5;
	v7 =	vpop (erf)  }
0x312: {  	s0 =	simm.s32 @!p1 $0x0;
	p1 =	por !p3, !p4;
	vm12 =	vlt.s32 v19, $0xD;
	v3 =	vnsel vm15, $0x0, v8;
	v8 =	vsub.s32 $0x0, v12;
	v20 =	vpop (erf)  }
0x313: {  	p1 =	por !p1, !p1;
	s3 =	simm.s32 $0x3F800000;
	v5 =	vnsel vm1, $0x0, v6;
	vm4 =	vlt.s32 v18, $0x4;
	v21 =	vmin.u32 v12, v8;
	v12 =	vpop (erf)  }
0x314: {  	s0 =	smul.f32 s0, s18;
	s3 =	simm.s32 @!p1 $0x0;
	v6 =	vnsel vm6, $0x0, v15;
	vm8 =	vlt.s32 v18, $0x7;
	vm15 =	vlt.s32 v18, $0xD;
	v22 =	vpop (erf)  }
0x315: {  	s6 =	smul.f32 s3, s22;
	v4 =	vnsel vm4, $0x0, v14;
	vm5 =	vlt.s32 v21, $0x4;
	v8 =	vnsel vm7, $0x0, v16;
	v23 =	vpop (erf)  }
0x316: {  	vm10 =	vlt.s32 v21, $0x7;
	v14 =	vmov s0;
	vm13 =	vlt.s32 v21, $0xD;
	v24 =	vpop (erf)  }
0x317: {  	p5 =	por $0x1, $0x1;
	v18 =	vmov s6;
	v10 =	vnsel vm5, $0x0, v11;
	v7 =	vnsel vm8, $0x0, v7;
	v16 =	vpop (erf)  }
0x318: {  	v11 =	vnsel vm9, $0x0, v20;
	v19 =	vpsel p5, v5, v10;
	v15 =	vnsel vm10, $0x0, v12;
	v13 =	vpop (erf)  }
0x319: {  	v25 =	vmul.f32 v19, v9;
	v16 =	vnsel vm12, $0x0, v16;
	v17 =	vnsel vm13, $0x0, v13  }
0x31a: {  	s9 =	sand.u32 $0xF, s24;
	v12 =	vnsel vm11, $0x0, v22;
	v20 =	vpsel p5, v11, v15;
	v13 =	vpsel p5, v16, v17  }
0x31b: {  	s25 =	simm.s32 $0x0;
	p6 =	por $0x1, $0x1;
	v22 =	vmov s9;
	v26 =	vmul.f32 v20, v14;
	v21 =	vmul.f32 v13, v18  }
0x31c: {  	s31 =	sand.u32 $0x70, s1;
	s6 =	simm.s32 $0x1;
	s0 =	smul.u32 $0x3000, s25;
	v27 =	vpsel p6, v5, v10;
	v19 =	vnsel vm14, $0x0, v23;
	v23 =	vperm.xlane v25, v22  }
0x31d: {  	s28 =	sand.u32 $0x70, s30;
	s25 =	sshll.u32 s30, $0x3;
	s3 =	sand.u32 $0xF, s6;
	v30 =	vpsel p6, v11, v15;
	v21 =	vperm.xlane v21, v22;
	v22 =	vperm.xlane v26, v22  }
0x31e: {  	s30 =	sand.u32 $0xFFFFFC00, s25;
	s0 =	sshra.s32 s0, $0x2;
	s9 =	sshll.u32 s26, $0x3;
	v20 =	vmov s3;
	v28 =	vmul.f32 v23, v2;
	v31 =	vmul.f32 v23, v3  }
0x31f: {  	s6 =	sshll.u32 s1, $0x3;
	s0 =	sadd.s32 $0x2580, s0;
	s29 =	sand.u32 $0xFFFFFC00, s9;
	v23 =	vmul.f32 v23, v4;
	v13 =	vnsel vm15, $0x0, v24;
	v29 =	vmul.f32 v22, v6  }
0x320: {  	s1 =	sand.u32 $0xFFFFFC00, s6;
	s26 =	sand.u32 $0x70, s26;
	s9 =	sadd.s32 s29, s0;
	v24 =	vpsel p6, v16, v17;
	v25 =	vmul.f32 v21, v12;
	v32 =	vmul.f32 v22, v8  }
0x321: {  	s6 =	sand.u32 $0x380, s24;
	s25 =	sadd.s32 s30, s0;
	s3 =	sadd.s32 s26, s9;
	v26 =	vmul.f32 v21, v19;
	v22 =	vmul.f32 v22, v7;
	v28 =	vmax.f32 v28, v29  }
0x322: {  	s0 =	sadd.s32 s1, s0;
	s9 =	sadd.s32 s28, s25;
	s3 =	sadd.s32 s6, s3;
	v63 =	vmul.f32 v21, v13;
	v62 =	vmax.f32 v31, v32;
	v25 =	vmax.f32 v28, v25  }
0x323: {  	s0 =	sadd.s32 s31, s0;
	s25 =	sadd.s32 s6, s9;
	v21 =	vmul.f32 v24, v18;
	v22 =	vmax.f32 v23, v22;
	[tilespmem:s3+$0x0] =	vst v25;
	v25 =	vmax.f32 v62, v26  }
0x324: {  	s9 =	simm.s32 $0x0;
	v24 =	vmul.f32 v30, v14;
	v23 =	vmul.f32 v27, v9;
	v22 =	vmax.f32 v22, v63;
	[tilespmem:s25+$0x0] =	vst v25;
	s25 =	sadd.s32 s6, s0;
	s0 =	simm.s32 $0x2  }
.LBB2_14:
0x325: {  	s3 =	sand.u32 $0xF, s0;
	p1 =	sne.s32 s0, $0x1F;
	v21 =	vperm.xlane v21, v20;
	s6 =	smul.u32 $0x3000, s9;
	[tilespmem:s25+$0x0] =	vst v22  }
0x326: {  	p2 =	slt.u32 s0, $0x10;
	v22 =	vperm.xlane v23, v20;
	v23 =	vperm.xlane v24, v20;
	v20 =	vmov s3  }
0x327: {  	v24 =	vpsel p2, v16, v17;
	v25 =	vmul.f32 v21, v12;
	s3 =	sshra.s32 s6, $0x2;
	v26 =	vmul.f32 v21, v19  }
0x328: {  	v27 =	vpsel p2, v5, v10;
	v28 =	vmul.f32 v22, v2;
	v29 =	vmul.f32 v23, v6;
	s3 =	sadd.s32 $0x2580, s3  }
.Ltmp8:
0x329: {  	s24 =	sadd.s32 $0x80, s24;
	v30 =	vpsel p2, v11, v15;
	v31 =	vmul.f32 v22, v3;
	v32 =	vmul.f32 v23, v8;
	s6 =	sadd.s32 s29, s3;
	(pc) =	sbr.rel @p1 .LBB2_14-.Ltmp8, $4  }
0x32a: {  	s25 =	sand.u32 $0x380, s24;
	v22 =	vmul.f32 v22, v4;
	v23 =	vmul.f32 v23, v7;
	s9 =	sadd.s32 s30, s3;
	v28 =	vmax.f32 v28, v29;
	s6 =	sadd.s32 s26, s6  }
0x32b: {  	s3 =	sadd.s32 s1, s3;
	s9 =	sadd.s32 s28, s9;
	v29 =	vmul.f32 v21, v13;
	v25 =	vmax.f32 v28, v25;
	s6 =	sadd.s32 s25, s6;
	v28 =	vmax.f32 v31, v32  }
0x32c: {  	v21 =	vmul.f32 v24, v18;
	v22 =	vmax.f32 v22, v23;
	s3 =	sadd.s32 s31, s3;
	[tilespmem:s6+$0x0] =	vst v25;
	v25 =	vmax.f32 v28, v26;
	s6 =	sadd.s32 s25, s9  }
0x32d: {  	v23 =	vmul.f32 v27, v9;
	v24 =	vmul.f32 v30, v14;
	s9 =	sshrl.u32 s0, $0x3;
	s0 =	sadd.s32 $0x1, s0;
	v22 =	vmax.f32 v22, v29;
	s25 =	sadd.s32 s25, s3;
	[tilespmem:s6+$0x0] =	vst v25  }
0x32e: {  	v5 =	vperm.xlane v21, v20;
	s0 =	smul.u32 $0x3000, s9  }
0x32f: {  	v9 =	vperm.xlane v23, v20;
	v10 =	vperm.xlane v24, v20  }
0x330: {  	v11 =	vmul.f32 v5, v12;
	s0 =	sshra.s32 s0, $0x2;
	v62 =	vmul.f32 v5, v19  }
0x331: {  	v2 =	vmul.f32 v9, v2;
	v6 =	vmul.f32 v10, v6;
	s0 =	sadd.s32 $0x2580, s0  }
0x332: {  	s6 =	sadd.s32 $0x80, s24;
	v3 =	vmul.f32 v9, v3;
	v8 =	vmul.f32 v10, v8;
	s3 =	sadd.s32 s29, s0  }
0x333: {  	s6 =	sand.u32 $0x380, s6;
	v4 =	vmul.f32 v9, v4;
	v63 =	vmul.f32 v10, v7;
	s24 =	sadd.s32 s30, s0;
	v2 =	vmax.f32 v2, v6;
	s3 =	sadd.s32 s26, s3  }
0x334: {  	[tilespmem:s25+$0x0] =	vst v22;
	v5 =	vmul.f32 v5, v13;
	s0 =	sadd.s32 s1, s0;
	v3 =	vmax.f32 v3, v8;
	s9 =	sadd.s32 s28, s24;
	v2 =	vmax.f32 v2, v11;
	s3 =	sadd.s32 s6, s3  }
0x335: {  	s0 =	sadd.s32 s31, s0;
	s9 =	sadd.s32 s6, s9;
	[tilespmem:s3+$0x0] =	vst v2;
	v2 =	vmax.f32 v3, v62;
	v3 =	vmax.f32 v4, v63  }
0x336: {  	s0 =	sadd.s32 s6, s0;
	[tilespmem:s9+$0x0] =	vst v2;
	v2 =	vmax.f32 v3, v5  }
0x337: {  	[tilespmem:s0+$0x0] =	vst v2  }
0x338: {  	_ =	swait.ge [sflag:s14], $0x2400  }
0x339: {  	[sflag:s14] =	ssyncset.done $0x0  }
0x33a: {  	[sflag:s14] =	ssyncadd.s32 $0xFFFFDC00  }
0x33b: {  	_ =	swait.ge [sflag:s14], $0x2400  }
0x33c: {  	[sflag:s14] =	ssyncset.done $0x0  }
0x33d: {  	[sflag:s14] =	ssyncadd.s32 $0xFFFFDC00  }
0x33e: {  	_ =	swait.ge [sflag:s14], $0x2400  }
0x33f: {  	[sflag:s14] =	ssyncset.done $0x0  }
0x340: {  	[sflag:s14] =	ssyncadd.s32 $0xFFFFDC00  }
0x341: {  	_ =	swait.ge [sflag:s14], $0x2400  }
0x342: {  	[sflag:s14] =	ssyncset.done $0x0  }
0x343: {  	[sflag:s14] =	ssyncadd.s32 $0xFFFFDC00  }
0x344: {  	_ =	swait.ge [sflag:s14], $0x2400  }
0x345: {  	[sflag:s14] =	ssyncset.done $0x0  }
0x346: {  	[sflag:s14] =	ssyncadd.s32 $0xFFFFDC00  }
0x347: {  	_ =	swait.ge [sflag:s14], $0x2400  }
0x348: {  	[sflag:s14] =	ssyncset.done $0x0  }
0x349: {  	[sflag:s14] =	ssyncadd.s32 $0xFFFFDC00  }
0x34a: {  	_ =	swait.ge [sflag:s14], $0x2400  }
0x34b: {  	[sflag:s14] =	ssyncset.done $0x0  }
0x34c: {  	[sflag:s14] =	ssyncadd.s32 $0xFFFFDC00  }
0x34d: {  	_ =	swait.ge [sflag:s14], $0x2400  }
0x34e: {  	[sflag:s14] =	ssyncset.done $0x0  }
0x34f: {  	[sflag:s14] =	ssyncadd.s32 $0xFFFFDC00  }
0x350: {  	_ =	swait.ge [sflag:s14], $0x2400  }
0x351: {  	[sflag:s14] =	ssyncset.done $0x0  }
0x352: {  	[sflag:s14] =	ssyncadd.s32 $0xFFFFDC00  }
0x353: {  	_ =	swait.ge [sflag:s14], $0x2400  }
0x354: {  	[sflag:s14] =	ssyncset.done $0x0  }
0x355: {  	[sflag:s14] =	ssyncadd.s32 $0xFFFFDC00  }
0x356: {  	_ =	swait.ge [sflag:s14], $0x2400  }
0x357: {  	[sflag:s14] =	ssyncset.done $0x0  }
0x358: {  	[sflag:s14] =	ssyncadd.s32 $0xFFFFDC00  }
0x359: {  	_ =	swait.ge [sflag:s14], $0x2400  }
0x35a: {  	[sflag:s14] =	ssyncset.done $0x0  }
0x35b: {  	[sflag:s14] =	ssyncadd.s32 $0xFFFFDC00  }
0x35c: {  	_ =	swait.ge [sflag:s14], $0x2400  }
0x35d: {  	[sflag:s14] =	ssyncset.done $0x0  }
0x35e: {  	[sflag:s14] =	ssyncadd.s32 $0xFFFFDC00  }
0x35f: {  	_ =	swait.ge [sflag:s14], $0x2400  }
0x360: {  	[sflag:s14] =	ssyncset.done $0x0  }
0x361: {  	s24 =	simm.s32 $0x0;
	[sflag:s14] =	ssyncadd.s32 $0xFFFFDC00  }
0x362: {  	s23 =	sshrl.u32 s23, $0x3;
	s3 =	smul.u32 $0x3000, s24;
	_ =	swait.ge [sflag:s14], $0x2400  }
0x363: {  	s9 =	simm.s32 $0x0;
	s0 =	smul.u32 $0xC00, s23;
	[sflag:s14] =	ssyncset.done $0x0  }
0x364: {  	s3 =	sshra.s32 s3, $0x2;
	s6 =	smul.u32 $0x3000, s9;
	[sflag:s14] =	ssyncadd.s32 $0xFFFFDC00  }
0x365: {  	s3 =	sadd.s32 $0x2580, s3;
	s0 =	sadd.s32 s0, s8;
	_ =	swait.ge [sflag:s14], $0x2400  }
0x366: {  	s23 =	sadd.s32 s29, s3;
	s0 =	sshrl.u32 s0, $0x3;
	[sflag:s14] =	ssyncset.done $0x0  }
0x367: {  	s25 =	sadd.s32 s2, s0;
	s0 =	simm.s32 $0x0;
	[sflag:s14] =	ssyncadd.s32 $0xFFFFDC00  }
0x368: {  	[hbm4b:s25+s0] =	stream.linear.scatter [tilespmem:s15], [sflag:$0x2], $0x3000, $0x38;
	[tilespmem:$0x5580] =	vst v63  }
0x369: {  	s24 =	sadd.s32 s30, s3;
	s3 =	sadd.s32 s1, s3;
	_ =	swait.ge [sflag:s13], $0x3000  }
0x36a: {  	s9 =	sadd.s32 s26, s23;
	s25 =	sand.u32 $0x380, s0;
	[sflag:s13] =	ssyncset.done $0x0  }
0x36b: {  	s23 =	sadd.s32 s28, s24;
	s9 =	sadd.s32 s25, s9;
	[sflag:s13] =	ssyncadd.s32 $0xFFFFD000  }
0x36c: {  	s3 =	sadd.s32 s31, s3;
	[tilespmem:s9+$0x0] =	vst v0;
	s9 =	sadd.s32 s25, s23  }
0x36d: {  	s24 =	sshra.s32 s6, $0x2;
	s23 =	simm.s32 $0x2;
	[tilespmem:s9+$0x0] =	vst v0;
	s9 =	sadd.s32 s25, s3  }
.LBB2_16:
0x36e: {  	s3 =	sshrl.u32 s23, $0x3;
	s6 =	sadd.s32 $0x2580, s24  }
0x36f: {  	[tilespmem:s9+$0x0] =	vst v0;
	s0 =	sadd.s32 $0x80, s0;
	p1 =	sne.s32 s23, $0x1F;
	s3 =	smul.u32 $0x3000, s3  }
.Ltmp9:
0x370: {  	s9 =	sand.u32 $0x380, s0;
	s24 =	sadd.s32 s29, s6;
	(pc) =	sbr.rel @p1 .LBB2_16-.Ltmp9, $4  }
0x371: {  	s25 =	sadd.s32 s30, s6;
	s6 =	sadd.s32 s1, s6;
	s24 =	sadd.s32 s26, s24  }
0x372: {  	s25 =	sadd.s32 s28, s25;
	s6 =	sadd.s32 s31, s6;
	s24 =	sadd.s32 s9, s24  }
0x373: {  	s23 =	sadd.s32 $0x1, s23;
	s25 =	sadd.s32 s9, s25;
	[tilespmem:s24+$0x0] =	vst v0  }
0x374: {  	s9 =	sadd.s32 s9, s6;
	s24 =	sshra.s32 s3, $0x2;
	[tilespmem:s25+$0x0] =	vst v0  }
0x375: {  	s3 =	sadd.s32 $0x2580, s24;
	s0 =	sadd.s32 $0x80, s0  }
0x376: {  	s6 =	sadd.s32 s29, s3;
	s0 =	sand.u32 $0x380, s0  }
.Ltmp10:
0x377: {  	s23 =	sadd.s32 s30, s3;
	s6 =	sadd.s32 s26, s6;
	(pc) =	sbr.rel @p0 .LBB2_21-.Ltmp10, $4  }
0x378: {  	[tilespmem:s9+$0x0] =	vst v0;
	s1 =	sadd.s32 s1, s3;
	s30 =	sadd.s32 s28, s23;
	s29 =	sadd.s32 s0, s6  }
0x379: {  	s1 =	sadd.s32 s31, s1;
	s31 =	sadd.s32 s0, s30;
	[tilespmem:s29+$0x0] =	vst v0  }
0x37a: {  	s0 =	sadd.s32 s0, s1;
	[tilespmem:s31+$0x0] =	vst v0  }
0x37b: {  	[tilespmem:s0+$0x0] =	vst v0  }
0x37c: {  	s0 =	rddreg [dreg:$0xf]  }
0x37d: {  	s24 =	simm.s32 $0x0;
	s31 =	sld [smem:$0x7EF]  }
0x37e: {  	[hbm4b:s0+s24] =	stream.linear.scatter [tilespmem:s12], [sflag:$0x1], $0x2400, $0x38;
	[tilespmem:$0x5580] =	vst v63  }
0x37f: {  	s1 =	sld [smem:$0x7F0]  }
0x380: {  	[hbm4b:s31+s24] =	stream.linear.scatter [tilespmem:s12], [sflag:$0x1], $0x2400, $0x38;
	[tilespmem:$0x5580] =	vst v63  }
0x381: {  	s3 =	sld [smem:$0x7F1]  }
0x382: {  	[hbm4b:s1+s24] =	stream.linear.scatter [tilespmem:s12], [sflag:$0x1], $0x2400, $0x38;
	[tilespmem:$0x5580] =	vst v63  }
0x383: {  	s6 =	sld [smem:$0x7F2]  }
0x384: {  	[hbm4b:s3+s24] =	stream.linear.scatter [tilespmem:s12], [sflag:$0x1], $0x2400, $0x38;
	[tilespmem:$0x5580] =	vst v63  }
0x385: {  	s9 =	sld [smem:$0x7F3]  }
0x386: {  	[hbm4b:s6+s24] =	stream.linear.scatter [tilespmem:s12], [sflag:$0x1], $0x2400, $0x38;
	[tilespmem:$0x5580] =	vst v63  }
0x387: {  	s23 =	sld [smem:$0x7F4]  }
0x388: {  	[hbm4b:s9+s24] =	stream.linear.scatter [tilespmem:s12], [sflag:$0x1], $0x2400, $0x38;
	[tilespmem:$0x5580] =	vst v63  }
0x389: {  	s25 =	sld [smem:$0x7F5]  }
0x38a: {  	[hbm4b:s23+s24] =	stream.linear.scatter [tilespmem:s12], [sflag:$0x1], $0x2400, $0x38;
	[tilespmem:$0x5580] =	vst v63  }
0x38b: {  	s26 =	sld [smem:$0x7F6]  }
0x38c: {  	[hbm4b:s25+s24] =	stream.linear.scatter [tilespmem:s12], [sflag:$0x1], $0x2400, $0x38;
	[tilespmem:$0x5580] =	vst v63  }
0x38d: {  	s29 =	sld [smem:$0x7F7]  }
0x38e: {  	[hbm4b:s26+s24] =	stream.linear.scatter [tilespmem:s12], [sflag:$0x1], $0x2400, $0x38;
	[tilespmem:$0x5580] =	vst v63  }
0x38f: {  	s30 =	sld [smem:$0x7F8]  }
0x390: {  	[hbm4b:s29+s24] =	stream.linear.scatter [tilespmem:s12], [sflag:$0x1], $0x2400, $0x38;
	[tilespmem:$0x5580] =	vst v63  }
0x391: {  	s31 =	sld [smem:$0x7F9]  }
0x392: {  	[hbm4b:s30+s24] =	stream.linear.scatter [tilespmem:s12], [sflag:$0x1], $0x2400, $0x38;
	[tilespmem:$0x5580] =	vst v63  }
0x393: {  	s1 =	sld [smem:$0x7FA]  }
0x394: {  	[hbm4b:s31+s24] =	stream.linear.scatter [tilespmem:s12], [sflag:$0x1], $0x2400, $0x38;
	[tilespmem:$0x5580] =	vst v63  }
0x395: {  	s3 =	sld [smem:$0x7FB]  }
0x396: {  	[hbm4b:s1+s24] =	stream.linear.scatter [tilespmem:s12], [sflag:$0x1], $0x2400, $0x38;
	[tilespmem:$0x5580] =	vst v63  }
0x397: {  	s6 =	sld [smem:$0x7FC]  }
0x398: {  	[hbm4b:s3+s24] =	stream.linear.scatter [tilespmem:s12], [sflag:$0x1], $0x2400, $0x38;
	[tilespmem:$0x5580] =	vst v63  }
0x399: {  	s9 =	sld [smem:$0x7FD]  }
0x39a: {  	[hbm4b:s6+s24] =	stream.linear.scatter [tilespmem:s12], [sflag:$0x1], $0x2400, $0x38;
	[tilespmem:$0x5580] =	vst v63  }
0x39b: {  	s23 =	rddreg [dreg:$0x13]  }
0x39c: {  	[hbm4b:s9+s24] =	stream.linear.scatter [tilespmem:s12], [sflag:$0x1], $0x2400, $0x38;
	[tilespmem:$0x5580] =	vst v63  }
0x39d: {  	v2 =	vld [tilespmem:s23+$0x0];
	_ =	sdelay $0x4  }
0x39e: {  	(v2sf) =	vpush v2, $0x0;
	_ =	sdelay $0x7  }
0x39f: {  	(v2sf) =	vpush v2, $0x1;
	_ =	sdelay $0x6  }
0x3a0: {  	s0 =	spop (v2sf)  }
0x3a1: {  	s29 =	sadd.s32 $0xFFFFFFF4, s0  }
0x3a2: {  	p1 =	sgt.s32 s29, $0x0;
	s1 =	smov.u32 s29  }
0x3a3: {  	s1 =	simm.s32 @!p1 $0x0  }
0x3a4: {  	s1 =	smin.u32 s1, $0x167  }
0x3a5: {  	s3 =	sand.u32 $0xF, s1  }
0x3a6: {  	p4 =	slt.s32 s29, $0x1;
	p2 =	sne.s32 s3, $0x0  }
0x3a7: {  	p1 =	por !p4, !p2  }
0x3a8: {  	s31 =	spop (v2sf);
	s3 =	simm.s32 $0xFFFFFFFF;
	p1 =	por !p1, !p1  }
0x3a9: {  	s30 =	sadd.s32 $0xFFFFFFF4, s31;
	s3 =	simm.s32 @!p1 $0x0  }
0x3aa: {  	s6 =	smov.u32 s30;
	p1 =	sgt.s32 s30, $0x0;
	s3 =	sshll.u32 s3, $0x4  }
0x3ab: {  	s6 =	simm.s32 @!p1 $0x0;
	s26 =	sadd.s32 s1, s3  }
0x3ac: {  	v3 =	vbroadcast v2, $0x0;
	s25 =	smin.u32 s6, $0x167;
	s1 =	sand.u32 $0xFFFFFFF0, s26  }
0x3ad: {  	s6 =	sand.u32 $0x7, s25;
	v4 =	vor.u32 s1, v1  }
0x3ae: {  	p5 =	slt.s32 s30, $0x1;
	p6 =	sne.s32 s6, $0x0;
	v4 =	vsub.s32 v4, v3  }
0x3af: {  	s28 =	sadd.s32 $0x10, s1;
	p1 =	por !p5, !p6;
	v5 =	vmul.u32 v4, v4  }
0x3b0: {  	v2 =	vsub.s32 $0x0, v2;
	s6 =	simm.s32 $0xFFFFFFFF;
	s1 =	sadd.s32 $0x20, s1;
	v6 =	vor.u32 s28, v1;
	p1 =	por !p1, !p1  }
0x3b1: {  	v7 =	vor.u32 s1, v1;
	v6 =	vsub.s32 v6, v3;
	s6 =	simm.s32 @!p1 $0x0;
	v5 =	vcvt.s32.f32 v5  }
0x3b2: {  	v2 =	vbroadcast v2, $0x1;
	v7 =	vsub.s32 v7, v3;
	v8 =	vmul.u32 v6, v6;
	s6 =	sshll.u32 s6, $0x3  }
0x3b3: {  	s23 =	sadd.s32 s25, s6;
	v3 =	vsub.f32 $0.0e+00, v5;
	v5 =	vmul.u32 v7, v7  }
0x3b4: {  	v2 =	vadd.s32 v1, v2;
	v8 =	vcvt.s32.f32 v8;
	s3 =	sand.u32 $0xFFFFFFF8, s23  }
0x3b5: {  	v10 =	vadd.s32 s3, v2;
	s3 =	sadd.s32 $0x10, s3;
	v9 =	vmul.f32 $5.000000000e-01, v3;
	v5 =	vcvt.s32.f32 v5  }
0x3b6: {  	v8 =	vsub.f32 $0.0e+00, v8;
	v11 =	vmul.u32 v10, v10;
	v12 =	vadd.s32 s3, v2  }
0x3b7: {  	v2 =	vmul.f32 $1.442695020e+00, v9;
	v5 =	vsub.f32 $0.0e+00, v5;
	v9 =	vmul.u32 v12, v12  }
0x3b8: {  	v13 =	vmul.f32 $5.000000000e-01, v8;
	v11 =	vcvt.s32.f32 v11  }
0x3b9: {  	v14 =	vmul.f32 $5.000000000e-01, v5;
	v9 =	vcvt.s32.f32 v9  }
0x3ba: {  	v13 =	vmul.f32 $1.442695020e+00, v13;
	v11 =	vsub.f32 $0.0e+00, v11  }
0x3bb: {  	(erf) = vpow2.f32 v2;
	v2 =	vmul.f32 $1.442695020e+00, v14;
	v9 =	vsub.f32 $0.0e+00, v9  }
0x3bc: {  	(erf) = vpow2.f32 v13;
	v13 =	vmul.f32 $5.000000000e-01, v11  }
0x3bd: {  	(erf) = vpow2.f32 v2;
	v2 =	vmul.f32 $5.000000000e-01, v9  }
0x3be: {  	v14 =	vmul.f32 $1.250000000e-01, v3;
	v13 =	vmul.f32 $1.442695020e+00, v13  }
0x3bf: {  	v15 =	vmul.f32 $1.250000000e-01, v8;
	v2 =	vmul.f32 $1.442695020e+00, v2  }
0x3c0: {  	(erf) = vpow2.f32 v13;
	v13 =	vmul.f32 $1.442695020e+00, v14  }
0x3c1: {  	(erf) = vpow2.f32 v2;
	v2 =	vmul.f32 $1.442695020e+00, v15  }
0x3c2: {  	(erf) = vpow2.f32 v13;
	v13 =	vmul.f32 $1.250000000e-01, v5  }
0x3c3: {  	(erf) = vpow2.f32 v2;
	v2 =	vmul.f32 $1.250000000e-01, v11  }
0x3c4: {  	v3 =	vmul.f32 $3.125000000e-02, v3;
	v13 =	vmul.f32 $1.442695020e+00, v13  }
0x3c5: {  	v14 =	vmul.f32 $1.250000000e-01, v9;
	v2 =	vmul.f32 $1.442695020e+00, v2  }
0x3c6: {  	v9 =	vmul.f32 $3.125000000e-02, v9;
	(erf) = vpow2.f32 v13  }
0x3c7: {  	v13 =	vmul.f32 $1.442695020e+00, v14;
	(erf) = vpow2.f32 v2  }
0x3c8: {  	v2 =	vmul.f32 $1.442695020e+00, v3;
	v3 =	vmul.f32 $3.125000000e-02, v8;
	v8 =	vsub.s32 $0x0, v4  }
0x3c9: {  	(erf) = vpow2.f32 v13;
	v13 =	vmin.u32 v4, v8;
	v4 =	vmul.f32 $3.125000000e-02, v11  }
0x3ca: {  	s9 =	sadd.s32 $0xFFFFFFFD, s0;
	s25 =	sadd.s32 $0xFFFFFFFD, s31;
	(erf) = vpow2.f32 v2;
	v2 =	vmul.f32 $3.125000000e-02, v5  }
0x3cb: {  	p3 =	slt.u32 s9, $0x17A;
	p4 =	slt.u32 s25, $0x17A;
	v11 =	vsub.s32 $0x0, v6;
	v5 =	vpop (erf);
	v3 =	vmul.f32 $1.442695020e+00, v3;
	vm0 =	vlt.s32 v13, $0x4  }
0x3cc: {  	p1 =	por !p3, !p4;
	v17 =	vmin.u32 v6, v11;
	vm6 =	vlt.s32 v13, $0x7;
	v8 =	vpop (erf);
	v2 =	vmul.f32 $1.442695020e+00, v2  }
0x3cd: {  	p1 =	por !p1, !p1;
	s3 =	simm.s32 $0x3F800000;
	vm11 =	vlt.s32 v13, $0xD;
	v14 =	vpop (erf);
	(erf) = vpow2.f32 v3;
	v3 =	vmul.f32 $1.442695020e+00, v4  }
0x3ce: {  	s3 =	simm.s32 @!p1 $0x0;
	vm15 =	vlt.s32 v17, $0x4;
	v4 =	vmul.f32 $1.442695020e+00, v9;
	v6 =	vpop (erf);
	(erf) = vpow2.f32 v2  }
0x3cf: {  	s0 =	sadd.s32 $0xFFFFFFFA, s0;
	s9 =	sadd.s32 $0xFFFFFFFA, s31;
	s3 =	smul.f32 s3, s17;
	vm7 =	vlt.s32 v17, $0x7;
	v9 =	vsub.s32 $0x0, v10;
	v11 =	vpop (erf);
	(erf) = vpow2.f32 v3  }
0x3d0: {  	p5 =	slt.u32 s0, $0x174;
	p6 =	slt.u32 s9, $0x174;
	vm14 =	vlt.s32 v17, $0xD;
	v19 =	vmin.u32 v10, v9;
	v15 =	vpop (erf);
	(erf) = vpow2.f32 v4  }
0x3d1: {  	s0 =	simm.s32 $0x3F800000;
	p1 =	por !p5, !p6;
	v9 =	vmov s3;
	v2 =	vnsel vm0, $0x0, v5;
	v5 =	vsub.s32 $0x0, v7;
	v16 =	vpop (erf)  }
0x3d2: {  	p3 =	slt.u32 s29, $0x168;
	p4 =	slt.u32 s30, $0x168;
	p1 =	por !p1, !p1;
	vm1 =	vlt.s32 v19, $0x4;
	vm9 =	vlt.s32 v19, $0x7;
	v18 =	vmin.u32 v7, v5;
	v7 =	vpop (erf)  }
0x3d3: {  	s0 =	simm.s32 @!p1 $0x0;
	p1 =	por !p3, !p4;
	vm12 =	vlt.s32 v19, $0xD;
	v3 =	vnsel vm15, $0x0, v8;
	v8 =	vsub.s32 $0x0, v12;
	v20 =	vpop (erf)  }
0x3d4: {  	p1 =	por !p1, !p1;
	s3 =	simm.s32 $0x3F800000;
	v5 =	vnsel vm1, $0x0, v6;
	vm4 =	vlt.s32 v18, $0x4;
	v21 =	vmin.u32 v12, v8;
	v12 =	vpop (erf)  }
0x3d5: {  	s0 =	smul.f32 s0, s18;
	s3 =	simm.s32 @!p1 $0x0;
	v6 =	vnsel vm6, $0x0, v15;
	vm8 =	vlt.s32 v18, $0x7;
	vm15 =	vlt.s32 v18, $0xD;
	v22 =	vpop (erf)  }
0x3d6: {  	s22 =	smul.f32 s3, s22;
	v4 =	vnsel vm4, $0x0, v14;
	vm5 =	vlt.s32 v21, $0x4;
	v8 =	vnsel vm7, $0x0, v16;
	v23 =	vpop (erf)  }
0x3d7: {  	vm10 =	vlt.s32 v21, $0x7;
	v14 =	vmov s0;
	vm13 =	vlt.s32 v21, $0xD;
	v24 =	vpop (erf)  }
0x3d8: {  	p5 =	por $0x1, $0x1;
	v18 =	vmov s22;
	v10 =	vnsel vm5, $0x0, v11;
	v7 =	vnsel vm8, $0x0, v7;
	v16 =	vpop (erf)  }
0x3d9: {  	v11 =	vnsel vm9, $0x0, v20;
	v19 =	vpsel p5, v5, v10;
	v15 =	vnsel vm10, $0x0, v12;
	v13 =	vpop (erf)  }
0x3da: {  	v25 =	vmul.f32 v19, v9;
	v16 =	vnsel vm12, $0x0, v16;
	v17 =	vnsel vm13, $0x0, v13  }
0x3db: {  	s25 =	sand.u32 $0xF, s24;
	s29 =	simm.s32 $0x0;
	v12 =	vnsel vm11, $0x0, v22;
	v20 =	vpsel p5, v11, v15;
	v13 =	vpsel p5, v16, v17  }
0x3dc: {  	s9 =	smul.u32 $0x3000, s29;
	p6 =	por $0x1, $0x1;
	v22 =	vmov s25;
	v26 =	vmul.f32 v20, v14;
	v21 =	vmul.f32 v13, v18  }
0x3dd: {  	s31 =	sshll.u32 s26, $0x3;
	s30 =	simm.s32 $0x1;
	v27 =	vpsel p6, v5, v10;
	v19 =	vnsel vm14, $0x0, v23;
	v23 =	vperm.xlane v25, v22  }
0x3de: {  	s6 =	sshll.u32 s28, $0x3;
	s3 =	sand.u32 $0xF, s30;
	s22 =	sshra.s32 s9, $0x2;
	v30 =	vpsel p6, v11, v15;
	v21 =	vperm.xlane v21, v22;
	v22 =	vperm.xlane v26, v22  }
0x3df: {  	s17 =	sand.u32 $0x70, s26;
	s26 =	sand.u32 $0xFFFFFC00, s6;
	s6 =	sadd.s32 $0x2580, s22;
	v20 =	vmov s3;
	v28 =	vmul.f32 v23, v2;
	v31 =	vmul.f32 v23, v3  }
0x3e0: {  	s18 =	sand.u32 $0xFFFFFC00, s31;
	s0 =	sand.u32 $0x70, s28;
	s30 =	sadd.s32 s26, s6;
	v23 =	vmul.f32 v23, v4;
	v13 =	vnsel vm15, $0x0, v24;
	v29 =	vmul.f32 v22, v6  }
0x3e1: {  	s29 =	sadd.s32 s18, s6;
	s9 =	sadd.s32 s0, s30;
	s25 =	sshll.u32 s1, $0x3;
	v24 =	vpsel p6, v16, v17;
	v25 =	vmul.f32 v21, v12;
	v32 =	vmul.f32 v22, v8  }
0x3e2: {  	s22 =	sand.u32 $0xFFFFFC00, s25;
	s25 =	sand.u32 $0x380, s24;
	s3 =	sadd.s32 s17, s29;
	v26 =	vmul.f32 v21, v19;
	v22 =	vmul.f32 v22, v7;
	v28 =	vmax.f32 v28, v29  }
0x3e3: {  	s1 =	sand.u32 $0x70, s1;
	s3 =	sadd.s32 s25, s3;
	s6 =	sadd.s32 s22, s6;
	v63 =	vmul.f32 v21, v13;
	v62 =	vmax.f32 v31, v32;
	v25 =	vmax.f32 v28, v25  }
0x3e4: {  	s31 =	sadd.s32 s25, s9;
	s6 =	sadd.s32 s1, s6;
	v21 =	vmul.f32 v24, v18;
	v22 =	vmax.f32 v23, v22;
	[tilespmem:s3+$0x0] =	vst v25;
	v25 =	vmax.f32 v62, v26  }
0x3e5: {  	s28 =	simm.s32 $0x2;
	s9 =	simm.s32 $0x0;
	s25 =	sadd.s32 s25, s6;
	v24 =	vmul.f32 v30, v14;
	v23 =	vmul.f32 v27, v9;
	v22 =	vmax.f32 v22, v63;
	[tilespmem:s31+$0x0] =	vst v25  }
.LBB2_19:
0x3e6: {  	s3 =	sand.u32 $0xF, s28;
	p1 =	sne.s32 s28, $0x1F;
	v21 =	vperm.xlane v21, v20;
	s6 =	smul.u32 $0x3000, s9;
	[tilespmem:s25+$0x0] =	vst v22  }
0x3e7: {  	p2 =	slt.u32 s28, $0x10;
	v22 =	vperm.xlane v23, v20;
	v23 =	vperm.xlane v24, v20;
	v20 =	vmov s3  }
0x3e8: {  	v24 =	vpsel p2, v16, v17;
	v25 =	vmul.f32 v21, v12;
	s3 =	sshra.s32 s6, $0x2;
	v26 =	vmul.f32 v21, v19  }
0x3e9: {  	v27 =	vpsel p2, v5, v10;
	v28 =	vmul.f32 v22, v2;
	v29 =	vmul.f32 v23, v6;
	s3 =	sadd.s32 $0x2580, s3  }
.Ltmp11:
0x3ea: {  	s24 =	sadd.s32 $0x80, s24;
	v30 =	vpsel p2, v11, v15;
	v31 =	vmul.f32 v22, v3;
	v32 =	vmul.f32 v23, v8;
	s6 =	sadd.s32 s18, s3;
	(pc) =	sbr.rel @p1 .LBB2_19-.Ltmp11, $4  }
0x3eb: {  	s25 =	sand.u32 $0x380, s24;
	v22 =	vmul.f32 v22, v4;
	v23 =	vmul.f32 v23, v7;
	v28 =	vmax.f32 v28, v29;
	s9 =	sadd.s32 s26, s3;
	s6 =	sadd.s32 s17, s6  }
0x3ec: {  	v29 =	vmul.f32 v21, v13;
	s3 =	sadd.s32 s22, s3;
	v25 =	vmax.f32 v28, v25;
	v28 =	vmax.f32 v31, v32;
	s9 =	sadd.s32 s0, s9;
	s6 =	sadd.s32 s25, s6  }
0x3ed: {  	v21 =	vmul.f32 v24, v18;
	v22 =	vmax.f32 v22, v23;
	s3 =	sadd.s32 s1, s3;
	[tilespmem:s6+$0x0] =	vst v25;
	v25 =	vmax.f32 v28, v26;
	s6 =	sadd.s32 s25, s9  }
0x3ee: {  	v23 =	vmul.f32 v27, v9;
	v24 =	vmul.f32 v30, v14;
	v22 =	vmax.f32 v22, v29;
	s9 =	sshrl.u32 s28, $0x3;
	s28 =	sadd.s32 $0x1, s28;
	s25 =	sadd.s32 s25, s3;
	[tilespmem:s6+$0x0] =	vst v25  }
.Ltmp12:
0x3ef: {  	_ = 	snop;
	(pc) =	sbr.rel .LBB2_20-.Ltmp12, $1  }
0x3f0: {  	_ =	sdelay $0x3  }
.LBB2_22:
0x3f1: {  	_ =	sfence.sel $0x180000  }
0x3f2: {  	[bflag:$0x0] =	sbarrier.arrive $0xFFFF  }
0x3f3: {  	_ =	strace $0x90000047  }
0x3f4: {  	s0 =	stileid.u32;
	[bflag:$0x2] =	sbarrier.arrive $0xFFFF  }
0x3f5: {  	p0 =	sne.s32 s0, $0x0;
	s0 =	rddreg [dreg:$0x2]  }
0x3f6: {  	s0 =	sadd.s32 @!p0 $0x100000, s0  }
0x3f7: {  	[sflag:s0] =	ssyncadd.tile.s32 @!p0 $0x1;
	_ =	shalt  }
.Lfunc_end2:
_tile_overlayer_lowered:
.L_overlay_start_2:
0x3f8: {  	(tag) =	ssettag $0x2  }
0x3f9: {  	s0 =	rddreg [dreg:$0x0];
	s2 =	stileid.u32  }
0x3fa: {  	s1 =	rddreg [dreg:$0x1];
	p0 =	sne.s32 s2, $0x0  }
0x3fb: {  	s3 =	rddreg [dreg:$0x2];
	[bflag:$0x3] =	sbarrier.arrive $0xFFFF;
	s2 =	simm.s32 @!p0 $0x1C02  }
0x3fc: {  	[timem:s3], [sflag:s2] =	dma.local @!p0 [hbm:s0], s1  }
0x3fd: {  	s0 =	simm.s32 @!p0 $0x2  }
0x3fe: {  	_ =	swait.ge @!p0 [sflag:s0], s1  }
0x3ff: {  	s1 =	ssub.s32 @!p0 $0x0, s1;
	[sflag:s0] =	ssyncset.done @!p0 $0x0  }
0x400: {  	[sflag:s0] =	ssyncadd.s32 @!p0 s1  }
0x401: {  	[bflag:$0x3] =	sbarrier.arrive $0xFFFF  }
0x402: {  	_ =	shalt  }

</sc_bundles>
